<compile_context>
chip_gen: v7x
topology: tpu7x:2x2x1
jax: 0.10.2.dev20260603
libtpu: 0.0.44.dev20260713+nightly
codegen_flags: <defaults>
</compile_context>

<pallas_src>
import jax
import jax.numpy as jnp
from jax import lax
from jax.experimental import pallas as pl
from jax.experimental.pallas import tpu as pltpu
from jax.experimental.pallas import tpu_sc as plsc

N = 100000
E = 1600000
HEADS = 3
F = 16
DH = 2 * HEADS * F
DW = DH + 16

NSC = 2
NTILES = 16
RPS = 5
RS = 10560
NPAD = NSC * RPS * RS
EPT = E // NTILES
KBLK = 2000
NBLK = EPT // KBLK
GRP = 128
NBUF = 2
DRAIN_T = 2048
CEDG = DRAIN_T + KBLK + 64
NCH = 44
ROWS_PER_TILE = RS // NTILES

BN = 2112
GN = NPAD // BN


def _stage_a(xp, W96, A16, B16):
    def body(x_ref, w_ref, a_ref, b_ref, hs_ref, sd_ref):
        xb = x_ref[...]
        h = jnp.dot(xb, w_ref[...], preferred_element_type=jnp.float32)
        hs_ref[:, 0:DH] = h
        hs_ref[:, DH:DW] = jnp.dot(h, a_ref[...],
                                   preferred_element_type=jnp.float32)
        sd_ref[...] = jnp.dot(h, b_ref[...], preferred_element_type=jnp.float32)

    return pl.pallas_call(
        body,
        grid=(GN,),
        in_specs=[
            pl.BlockSpec((BN, 11), lambda i: (i, 0)),
            pl.BlockSpec((11, DH), lambda i: (0, 0)),
            pl.BlockSpec((DH, 16), lambda i: (0, 0)),
            pl.BlockSpec((DH, 16), lambda i: (0, 0)),
        ],
        out_specs=[
            pl.BlockSpec((BN, DW), lambda i: (i, 0)),
            pl.BlockSpec((BN, 16), lambda i: (i, 0)),
        ],
        out_shape=[
            jax.ShapeDtypeStruct((NPAD, DW), jnp.float32),
            jax.ShapeDtypeStruct((NPAD, 16), jnp.float32),
        ],
    )(xp, W96, A16, B16)


def _sc_body(src_hbm, dst_hbm, hs_hbm, sd_hbm, g_hbm,
             dbuf, sbuf, cdg, cs, didx,
             bufG0, bufG1, bufD0, bufD1,
             nodebuf, zbuf, acc_sp,
             semG0, semG1, semD0, semD1):
    cid = lax.axis_index("c")
    sid = lax.axis_index("s")
    i32 = jnp.int32
    zero16 = jnp.zeros((16,), jnp.float32)
    bufG = [bufG0, bufG1]
    bufD = [bufD0, bufD1]
    semG = [semG0, semG1]
    semD = [semD0, semD1]

    def zrow(i, _):
        for j in range(DW // 16):
            zbuf[i, pl.ds(j * 16, 16)] = zero16
        return 0
    lax.fori_loop(0, NCH, zrow, 0)

    def issue(idx, s):
        gb = idx * GRP
        pltpu.async_copy(hs_hbm.at[cs.at[pl.ds(gb, GRP)]], bufG[s], semG[s])
        pltpu.async_copy(sd_hbm.at[cdg.at[pl.ds(gb, GRP)]], bufD[s], semD[s])

    def wait_slot(s):
        pltpu.make_async_copy(
            hs_hbm.at[cs.at[pl.ds(0, GRP)]], bufG[s], semG[s]).wait()
        pltpu.make_async_copy(
            sd_hbm.at[cdg.at[pl.ds(0, GRP)]], bufD[s], semD[s]).wait()

    def make_drain(lo):
        def compute_group(idx, s, pos):
            gb = idx * GRP
            for k in range(GRP // 16):
                didx[0, pl.ds(k * 16, 16)] = (
                    cdg[pl.ds(gb + k * 16, 16)] - lo)
            bG, bD = bufG[s], bufD[s]

            def row(i, _):
                t = bG[i, pl.ds(DH, 16)] + bD[i, pl.ds(0, 16)]
                t = jnp.where(t >= 0.0, t, t * 0.2)
                w = jnp.exp(t)
                valid = ((gb + i) < pos).astype(jnp.float32)
                w = w * valid
                bG[i, pl.ds(DH, 16)] = w
                fi = jnp.full((16,), i, i32)
                for j in range(2 * HEADS):
                    wj = plsc.load_gather(
                        bG, [fi, jnp.full((16,), DH + j, i32)])
                    hv = bG[i, pl.ds(j * 16, 16)]
                    bG[i, pl.ds(j * 16, 16)] = hv * wj
                return 0
            def row_pl(i):
                row(i, 0)
            plsc.parallel_loop(0, GRP, 1, unroll=4)(row_pl)
            pltpu.sync_copy(bG, acc_sp.at[didx.at[0]], add=True)

        def drain(pos):
            ng = (pos + (GRP - 1)) // GRP
            for s in range(NBUF):
                @pl.when(s < ng)
                def _():
                    issue(jnp.asarray(s, i32), s)

            def mac(m, _):
                for s in range(NBUF):
                    idx = m * NBUF + s

                    @pl.when(idx < ng)
                    def _():
                        wait_slot(s)
                        compute_group(idx, s, pos)

                        @pl.when(idx + NBUF < ng)
                        def _():
                            issue(idx + NBUF, s)
                return 0
            lax.fori_loop(0, (ng + (NBUF - 1)) // NBUF, mac, 0)
        return drain

    def rng_pass(r, _):
        lo = (cid * RPS + r) * RS
        hi = lo + RS
        drain = make_drain(lo)
        tbase = sid * ROWS_PER_TILE

        lov = jnp.full((16,), lo, i32)
        zi = jnp.zeros((16,), i32)

        def san(i, _):
            cdg[pl.ds(i * 16, 16)] = lov
            cs[pl.ds(i * 16, 16)] = zi
            return 0
        lax.fori_loop(0, CEDG // 16, san, 0)

        def zchunk(c, _):
            pltpu.sync_copy(zbuf, acc_sp.at[pl.ds(tbase + c * NCH, NCH)])
            return 0
        lax.fori_loop(0, ROWS_PER_TILE // NCH, zchunk, 0)
        plsc.subcore_barrier()

        def block(b, pos):
            off = sid * EPT + b * KBLK
            cpd = pltpu.async_copy(dst_hbm.at[pl.ds(off, KBLK)], dbuf, semD0)
            cps = pltpu.async_copy(src_hbm.at[pl.ds(off, KBLK)], sbuf, semD1)
            cpd.wait()
            cps.wait()

            def filt(g, p):
                d16 = dbuf[pl.ds(g * 16, 16)]
                s16 = sbuf[pl.ds(g * 16, 16)]
                m = (d16 >= lo) & (d16 < hi)
                plsc.store_compressed(cdg.at[pl.ds(p, 16)], d16, mask=m)
                plsc.store_compressed(cs.at[pl.ds(p, 16)], s16, mask=m)
                return p + jnp.sum(jnp.where(m, 1, 0).astype(i32))
            pos = plsc.parallel_loop(0, KBLK // 16, 1, unroll=4,
                                     carry=pos)(filt)

            full = pos > DRAIN_T

            @pl.when(full)
            def _():
                drain(pos)
            return jnp.where(full, 0, pos)
        posf = lax.fori_loop(0, NBLK, block, jnp.asarray(0, i32))
        drain(posf)
        plsc.subcore_barrier()

        def nchunk(c, _):
            row = tbase + c * NCH
            pltpu.sync_copy(acc_sp.at[pl.ds(row, NCH)], nodebuf)

            def nrow(i, _):
                fi = jnp.full((16,), i, i32)
                for j in range(2 * HEADS):
                    dj = plsc.load_gather(
                        nodebuf, [fi, jnp.full((16,), DH + j, i32)])
                    v = nodebuf[i, pl.ds(j * 16, 16)] / (dj + 1e-16)
                    v = jnp.where(v > 0.0, v, jnp.exp(v) - 1.0)
                    nodebuf[i, pl.ds(j * 16, 16)] = v
                return 0

            def nrow_pl(i):
                nrow(i, 0)
            plsc.parallel_loop(0, NCH, 1, unroll=4)(nrow_pl)
            pltpu.sync_copy(nodebuf, g_hbm.at[pl.ds(lo + row, NCH)])
            return 0
        lax.fori_loop(0, ROWS_PER_TILE // NCH, nchunk, 0)
        plsc.subcore_barrier()
        return 0
    lax.fori_loop(0, RPS, rng_pass, 0)


def _stage_c(src, dst, hs, sdst):
    mesh = plsc.VectorSubcoreMesh(core_axis_name="c", subcore_axis_name="s")
    f32 = jnp.float32
    i32 = jnp.int32
    k = pl.kernel(
        _sc_body,
        out_type=jax.ShapeDtypeStruct((NPAD, DW), f32),
        mesh=mesh,
        compiler_params=pltpu.CompilerParams(
            needs_layout_passes=False, use_tc_tiling_on_sc=False),
        scratch_types=(
            [pltpu.VMEM((KBLK,), i32),
             pltpu.VMEM((KBLK,), i32),
             pltpu.VMEM((CEDG,), i32),
             pltpu.VMEM((CEDG,), i32),
             pltpu.VMEM((1, GRP), i32)]
            + [pltpu.VMEM((GRP, DW), f32) for _ in range(NBUF)]
            + [pltpu.VMEM((GRP, 16), f32) for _ in range(NBUF)]
            + [pltpu.VMEM((NCH, DW), f32),
               pltpu.VMEM((NCH, DW), f32),
               pltpu.VMEM_SHARED((RS, DW), f32)]
            + [pltpu.SemaphoreType.DMA for _ in range(2 * NBUF)]
        ),
    )
    return k(src, dst, hs, sdst)


def _stage_e1(g, w_att, Wd3):
    def body(g_ref, wa_ref, wd_ref, pq_ref, s_ref):
        i = pl.program_id(0)
        gb = g_ref[:, 0:DH]
        sc = jnp.tanh(jnp.dot(gb, wa_ref[...],
                              preferred_element_type=jnp.float32))
        p = jnp.exp(sc)
        rows = i * BN + lax.broadcasted_iota(jnp.int32, (BN, 1), 0)
        p = jnp.where(rows < N, p, 0.0)
        q = jnp.dot(gb, wd_ref[...], preferred_element_type=jnp.float32)
        pq_ref[...] = jnp.concatenate(
            [p, q, jnp.zeros((BN, 2), jnp.float32)], axis=1)

        @pl.when(i == 0)
        def _():
            s_ref[...] = jnp.zeros((1, 8), jnp.float32)
        s_ref[...] += jnp.pad(jnp.sum(p, axis=0, keepdims=True),
                              ((0, 0), (0, 5)))

    return pl.pallas_call(
        body,
        grid=(GN,),
        in_specs=[
            pl.BlockSpec((BN, DW), lambda i: (i, 0)),
            pl.BlockSpec((DH, HEADS), lambda i: (0, 0)),
            pl.BlockSpec((DH, HEADS), lambda i: (0, 0)),
        ],
        out_specs=[
            pl.BlockSpec((BN, 8), lambda i: (i, 0)),
            pl.BlockSpec((1, 8), lambda i: (0, 0)),
        ],
        out_shape=[
            jax.ShapeDtypeStruct((NPAD, 8), jnp.float32),
            jax.ShapeDtypeStruct((1, 8), jnp.float32),
        ],
    )(g, w_att, Wd3)


def _stage_e2(pq, S, bd):
    def body(pq_ref, s_ref, bd_ref, out_ref):
        p = pq_ref[:, 0:HEADS]
        q = pq_ref[:, HEADS:2 * HEADS]
        s = s_ref[0:1, 0:HEADS]
        res = jnp.sum(p * q / s, axis=1) + bd_ref[0, 0]
        out_ref[...] = res[:, None]

    return pl.pallas_call(
        body,
        grid=(GN,),
        in_specs=[
            pl.BlockSpec((BN, 8), lambda i: (i, 0)),
            pl.BlockSpec((1, 8), lambda i: (0, 0)),
            pl.BlockSpec((1, 1), lambda i: (0, 0)),
        ],
        out_specs=pl.BlockSpec((BN, 1), lambda i: (i, 0)),
        out_shape=jax.ShapeDtypeStruct((NPAD, 1), jnp.float32),
    )(pq, S, bd)


def kernel(x, edge_index, W_int, a_src_int, a_dst_int, W_nh, a_src_nh,
           a_dst_nh, w_att, W_d, b_d):
    f32 = jnp.float32
    W96 = jnp.concatenate([W_int, W_nh], axis=1)
    eye3 = jnp.eye(HEADS, dtype=f32)
    blk_si = jnp.einsum("kf,kj->kfj", a_src_int, eye3).reshape(HEADS * F, HEADS)
    blk_sn = jnp.einsum("kf,kj->kfj", a_src_nh, eye3).reshape(HEADS * F, HEADS)
    blk_di = jnp.einsum("kf,kj->kfj", a_dst_int, eye3).reshape(HEADS * F, HEADS)
    blk_dn = jnp.einsum("kf,kj->kfj", a_dst_nh, eye3).reshape(HEADS * F, HEADS)
    z = jnp.zeros((HEADS * F, HEADS), f32)
    A = jnp.concatenate([jnp.concatenate([blk_si, z], 1),
                         jnp.concatenate([z, blk_sn], 1)], 0)
    B = jnp.concatenate([jnp.concatenate([blk_di, z], 1),
                         jnp.concatenate([z, blk_dn], 1)], 0)
    A16 = jnp.pad(A, ((0, 0), (0, 10)))
    B16 = jnp.pad(B, ((0, 0), (0, 10)))
    Wd3 = W_d.reshape(HEADS, DH).T

    xp = jnp.pad(x, ((0, NPAD - N), (0, 0)))
    src = edge_index[0]
    dst = edge_index[1]

    hs, sdst = _stage_a(xp, W96, A16, B16)
    g = _stage_c(src, dst, hs, sdst)
    pq, S = _stage_e1(g, w_att, Wd3)
    out2d = _stage_e2(pq, S, b_d.reshape(1, 1))
    return out2d.reshape(NPAD)[:N]

# --- scband reference (transcript-rebuilt; emitter-appended) ---
"""Pipeline reference for scband-gnn15-27410481283384 (READ-ONLY COPY).

The authoritative reference and input builder live on the scoring server;
editing this copy changes nothing except your own understanding.
"""

import jax, jax.numpy as jnp
import numpy as np

N = 100000
E = 1600000
HEADS = 3
F = 16
D_IN = 11
D_CAT = 2 * HEADS * F  # 96
D_ATT = D_CAT * HEADS  # 288


def setup_inputs(seed: int = 0) -> dict:
    key = jax.random.key(seed)
    ks = jax.random.split(key, 12)
    s = 0.1
    x = jax.random.normal(ks[0], (N, D_IN), dtype=jnp.float32)
    edge_index = jax.random.randint(ks[1], (2, E), 0, N, dtype=jnp.int32)
    W_int = jax.random.normal(ks[2], (D_IN, HEADS * F), dtype=jnp.float32) * s
    a_src_int = jax.random.normal(ks[3], (HEADS, F), dtype=jnp.float32) * s
    a_dst_int = jax.random.normal(ks[4], (HEADS, F), dtype=jnp.float32) * s
    W_nh = jax.random.normal(ks[5], (D_IN, HEADS * F), dtype=jnp.float32) * s
    a_src_nh = jax.random.normal(ks[6], (HEADS, F), dtype=jnp.float32) * s
    a_dst_nh = jax.random.normal(ks[7], (HEADS, F), dtype=jnp.float32) * s
    w_att = jax.random.normal(ks[8], (D_CAT, HEADS), dtype=jnp.float32) * s
    W_d = jax.random.normal(ks[9], (D_ATT, 1), dtype=jnp.float32) * s
    b_d = jnp.zeros((1,), dtype=jnp.float32)
    return {"x": x, "edge_index": edge_index, "W_int": W_int, "a_src_int": a_src_int,
            "a_dst_int": a_dst_int, "W_nh": W_nh, "a_src_nh": a_src_nh,
            "a_dst_nh": a_dst_nh, "w_att": w_att, "W_d": W_d, "b_d": b_d}


def _dgat_branch(x, edge_index, W, a_s, a_d):
    h = (x @ W).reshape(N, HEADS, F)
    src = edge_index[0]
    dst = edge_index[1]
    e = jax.nn.leaky_relu((h[src] * a_s).sum(-1) + (h[dst] * a_d).sum(-1), 0.2)  # [E, HEADS]
    m = jax.ops.segment_max(e, dst, num_segments=N)
    w = jnp.exp(e - m[dst])
    den = jax.ops.segment_sum(w, dst, num_segments=N)
    w = w / (den[dst] + 1e-16)
    out = jax.ops.segment_sum(h[src] * w[:, :, None], dst, num_segments=N)  # [N, HEADS, F]
    return jax.nn.elu(out).reshape(N, HEADS * F)


def reference(x, edge_index, W_int, a_src_int, a_dst_int, W_nh, a_src_nh, a_dst_nh, w_att, W_d, b_d):
    # conv1: dual graph attention -> (x_int, x_nh)
    x_int = _dgat_branch(x, edge_index, W_int, a_src_int, a_dst_int)
    x_nh = _dgat_branch(x, edge_index, W_nh, a_src_nh, a_dst_nh)
    h = jnp.concatenate([x_int, x_nh], axis=1)  # [N, 96]
    # selfAtt1: multi-head additive self-attention over nodes (tanh scoring)
    scores = jnp.tanh(h @ w_att)  # [N, HEADS]
    alpha = jax.nn.softmax(scores, axis=0)
    att = (alpha[:, :, None] * h[:, None, :]).reshape(N, D_ATT)  # [N, 288]
    # dense1: linear
    out = att @ W_d + b_d  # [N, 1]
    return jnp.squeeze(out, 1)

if __name__ == "__main__":
    import jax
    _d = setup_inputs()
    print(jax.jit(kernel)(*tuple(_d.values())))

</pallas_src>

<mosaic_0001>
#map = affine_map<(d0, d1) -> (0)>
#map1 = affine_map<(d0, d1) -> (0, 0)>
module attributes {stable_mosaic.version = 14 : i64} {
  func.func @_sc_body(%arg0: i32, %arg1: i32, %arg2: memref<1600000xi32, #tpu.memory_space<hbm>>, %arg3: memref<1600000xi32, #tpu.memory_space<hbm>>, %arg4: memref<105600x112xf32, #tpu.memory_space<hbm>>, %arg5: memref<105600x16xf32, #tpu.memory_space<hbm>>, %arg6: memref<105600x112xf32, #tpu.memory_space<hbm>>, %arg7: memref<2000xi32, #tpu.memory_space<vmem>>, %arg8: memref<2000xi32, #tpu.memory_space<vmem>>, %arg9: memref<4112xi32, #tpu.memory_space<vmem>>, %arg10: memref<4112xi32, #tpu.memory_space<vmem>>, %arg11: memref<1x128xi32, #tpu.memory_space<vmem>>, %arg12: memref<128x112xf32, #tpu.memory_space<vmem>>, %arg13: memref<128x112xf32, #tpu.memory_space<vmem>>, %arg14: memref<128x16xf32, #tpu.memory_space<vmem>>, %arg15: memref<128x16xf32, #tpu.memory_space<vmem>>, %arg16: memref<44x112xf32, #tpu.memory_space<vmem>>, %arg17: memref<44x112xf32, #tpu.memory_space<vmem>>, %arg18: memref<10560x112xf32, #tpu.memory_space<vmem_shared>>, %arg19: memref<!tpu.dma_semaphore, #tpu.memory_space<semaphore_mem>>, %arg20: memref<!tpu.dma_semaphore, #tpu.memory_space<semaphore_mem>>, %arg21: memref<!tpu.dma_semaphore, #tpu.memory_space<semaphore_mem>>, %arg22: memref<!tpu.dma_semaphore, #tpu.memory_space<semaphore_mem>>) attributes {dimension_semantics = [#tpu.dimension_semantics<core_parallel>, #tpu.dimension_semantics<subcore_parallel>], iteration_bounds = array<i64: 2, 16>, scalar_prefetch = 0 : i64, scratch_operands = 16 : i64, tpu.core_type = #tpu.core_type<sc_vector_subcore>, window_params = [{transform_indices = #map}, {transform_indices = #map}, {transform_indices = #map1}, {transform_indices = #map1}, {transform_indices = #map1}]} {
    %broadcast_in_dim3A = arith.constant 0.000000e+00 : f32
    %broadcast_in_dim3A_0 = vector.broadcast %broadcast_in_dim3A : f32 to vector<16xf32>
    %scan3A = arith.constant 0 : i32
    %scan3A_1 = arith.constant 0 : i32
    %scan3A_2 = arith.constant 44 : i32
    %scan3A_3 = arith.addi %scan3A_1, %scan3A_2 : i32
    %scan3A_4 = arith.constant 1 : i32
    %scan3A_5 = scf.for %scan3A_14 = %scan3A_1 to %scan3A_3 step %scan3A_4 iter_args(%scan3A_15 = %scan3A) -> (i32)  : i32 {
      %swap3A = arith.index_cast %scan3A_14 : i32 to index
      %swap3A_16 = arith.constant 0 : index
      %swap3A_17 = tpu.vector_load %arg17[%swap3A, %swap3A_16] {strides = array<i32>} : memref<44x112xf32, #tpu.memory_space<vmem>>, vector<16xf32>,
      tpu.vector_store %arg17[%swap3A, %swap3A_16], %broadcast_in_dim3A_0 {strides = array<i32>} : memref<44x112xf32, #tpu.memory_space<vmem>>, vector<16xf32>,
      %swap3A_18 = arith.index_cast %scan3A_14 : i32 to index
      %swap3A_19 = arith.constant 16 : index
      %swap3A_20 = tpu.vector_load %arg17[%swap3A_18, %swap3A_19] {strides = array<i32>} : memref<44x112xf32, #tpu.memory_space<vmem>>, vector<16xf32>,
      tpu.vector_store %arg17[%swap3A_18, %swap3A_19], %broadcast_in_dim3A_0 {strides = array<i32>} : memref<44x112xf32, #tpu.memory_space<vmem>>, vector<16xf32>,
      %swap3A_21 = arith.index_cast %scan3A_14 : i32 to index
      %swap3A_22 = arith.constant 32 : index
      %swap3A_23 = tpu.vector_load %arg17[%swap3A_21, %swap3A_22] {strides = array<i32>} : memref<44x112xf32, #tpu.memory_space<vmem>>, vector<16xf32>,
      tpu.vector_store %arg17[%swap3A_21, %swap3A_22], %broadcast_in_dim3A_0 {strides = array<i32>} : memref<44x112xf32, #tpu.memory_space<vmem>>, vector<16xf32>,
      %swap3A_24 = arith.index_cast %scan3A_14 : i32 to index
      %swap3A_25 = arith.constant 48 : index
      %swap3A_26 = tpu.vector_load %arg17[%swap3A_24, %swap3A_25] {strides = array<i32>} : memref<44x112xf32, #tpu.memory_space<vmem>>, vector<16xf32>,
      tpu.vector_store %arg17[%swap3A_24, %swap3A_25], %broadcast_in_dim3A_0 {strides = array<i32>} : memref<44x112xf32, #tpu.memory_space<vmem>>, vector<16xf32>,
      %swap3A_27 = arith.index_cast %scan3A_14 : i32 to index
      %swap3A_28 = arith.constant 64 : index
      %swap3A_29 = tpu.vector_load %arg17[%swap3A_27, %swap3A_28] {strides = array<i32>} : memref<44x112xf32, #tpu.memory_space<vmem>>, vector<16xf32>,
      tpu.vector_store %arg17[%swap3A_27, %swap3A_28], %broadcast_in_dim3A_0 {strides = array<i32>} : memref<44x112xf32, #tpu.memory_space<vmem>>, vector<16xf32>,
      %swap3A_30 = arith.index_cast %scan3A_14 : i32 to index
      %swap3A_31 = arith.constant 80 : index
      %swap3A_32 = tpu.vector_load %arg17[%swap3A_30, %swap3A_31] {strides = array<i32>} : memref<44x112xf32, #tpu.memory_space<vmem>>, vector<16xf32>,
      tpu.vector_store %arg17[%swap3A_30, %swap3A_31], %broadcast_in_dim3A_0 {strides = array<i32>} : memref<44x112xf32, #tpu.memory_space<vmem>>, vector<16xf32>,
      %swap3A_33 = arith.index_cast %scan3A_14 : i32 to index
      %swap3A_34 = arith.constant 96 : index
      %swap3A_35 = tpu.vector_load %arg17[%swap3A_33, %swap3A_34] {strides = array<i32>} : memref<44x112xf32, #tpu.memory_space<vmem>>, vector<16xf32>,
      tpu.vector_store %arg17[%swap3A_33, %swap3A_34], %broadcast_in_dim3A_0 {strides = array<i32>} : memref<44x112xf32, #tpu.memory_space<vmem>>, vector<16xf32>,
      %scan3A_36 = arith.constant 0 : i32
      scf.yield %scan3A_36 : i32
    }
    %scan3A_6 = arith.constant 44 : i32
    %scan3A_7 = arith.constant 0 : i32
    %scan3A_8 = arith.constant 0 : i32
    %scan3A_9 = arith.constant 5 : i32
    %scan3A_10 = arith.addi %scan3A_8, %scan3A_9 : i32
    %scan3A_11 = arith.constant 1 : i32
    %scan3A_12 = scf.for %scan3A_14 = %scan3A_8 to %scan3A_10 step %scan3A_11 iter_args(%scan3A_15 = %scan3A_7) -> (i32)  : i32 {
      %mul3A = arith.constant 5 : i32
      %mul3A_16 = arith.muli %arg0, %mul3A : i32
      %add3A = arith.addi %mul3A_16, %scan3A_14 : i32
      %mul3A_17 = arith.constant 10560 : i32
      %mul3A_18 = arith.muli %add3A, %mul3A_17 : i32
      %add3A_19 = arith.constant 10560 : i32
      %add3A_20 = arith.addi %mul3A_18, %add3A_19 : i32
      %mul3A_21 = arith.constant 660 : i32
      %mul3A_22 = arith.muli %arg1, %mul3A_21 : i32
      %broadcast_in_dim3A_23 = vector.broadcast %mul3A_18 : i32 to vector<16xi32>
      %broadcast_in_dim3A_24 = arith.constant 0 : i32
      %broadcast_in_dim3A_25 = vector.broadcast %broadcast_in_dim3A_24 : i32 to vector<16xi32>
      %scan3A_26 = arith.constant 0 : i32
      %scan3A_27 = arith.constant 0 : i32
      %scan3A_28 = arith.constant 257 : i32
      %scan3A_29 = arith.addi %scan3A_27, %scan3A_28 : i32
      %scan3A_30 = arith.constant 1 : i32
      %scan3A_31 = scf.for %scan3A_119 = %scan3A_27 to %scan3A_29 step %scan3A_30 iter_args(%scan3A_120 = %scan3A_26) -> (i32)  : i32 {
        %mul3A_121 = arith.constant 16 : i32
        %mul3A_122 = arith.muli %scan3A_119, %mul3A_121 : i32
        %swap3A = arith.index_cast %mul3A_122 : i32 to index
        %swap3A_123 = tpu.vector_load %arg9[%swap3A] {strides = array<i32>} : memref<4112xi32, #tpu.memory_space<vmem>>, vector<16xi32>,
        tpu.vector_store %arg9[%swap3A], %broadcast_in_dim3A_23 {strides = array<i32>} : memref<4112xi32, #tpu.memory_space<vmem>>, vector<16xi32>,
        %mul3A_124 = arith.constant 16 : i32
        %mul3A_125 = arith.muli %scan3A_119, %mul3A_124 : i32
        %swap3A_126 = arith.index_cast %mul3A_125 : i32 to index
        %swap3A_127 = tpu.vector_load %arg10[%swap3A_126] {strides = array<i32>} : memref<4112xi32, #tpu.memory_space<vmem>>, vector<16xi32>,
        tpu.vector_store %arg10[%swap3A_126], %broadcast_in_dim3A_25 {strides = array<i32>} : memref<4112xi32, #tpu.memory_space<vmem>>, vector<16xi32>,
        %scan3A_128 = arith.constant 0 : i32
        scf.yield %scan3A_128 : i32
      }
      %scan3A_32 = arith.constant 257 : i32
      %scan3A_33 = arith.constant 0 : i32
      %scan3A_34 = arith.constant 0 : i32
      %scan3A_35 = arith.constant 15 : i32
      %scan3A_36 = arith.addi %scan3A_34, %scan3A_35 : i32
      %scan3A_37 = arith.constant 1 : i32
      %scan3A_38 = scf.for %scan3A_119 = %scan3A_34 to %scan3A_36 step %scan3A_37 iter_args(%scan3A_120 = %scan3A_33) -> (i32)  : i32 {
        %mul3A_121 = arith.constant 44 : i32
        %mul3A_122 = arith.muli %scan3A_119, %mul3A_121 : i32
        %add3A_123 = arith.addi %mul3A_22, %mul3A_122 : i32
        "tpu.region"() ({
          %run_scoped3A = tpu.sem_alloc : memref<!tpu.dma_semaphore, #tpu.memory_space<semaphore_mem>>
          %dma_start3A = arith.constant 0 : i32
          %dma_start3A_125 = tpu.memref_slice %arg18[%add3A_123, %dma_start3A] : memref<10560x112xf32, #tpu.memory_space<vmem_shared>> -> memref<44x112xf32, #tpu.memory_space<vmem_shared>>
          %dma_start3A_126 = arith.constant 0 : i32
          %dma_start3A_127 = tpu.memref_slice %arg18[%add3A_123, %dma_start3A_126] : memref<10560x112xf32, #tpu.memory_space<vmem_shared>> -> memref<44x112xf32, #tpu.memory_space<vmem_shared>>
          tpu.enqueue_dma source(%arg17 : memref<44x112xf32, #tpu.memory_space<vmem>>) target(%dma_start3A_127 : memref<44x112xf32, #tpu.memory_space<vmem_shared>>) target_semaphore(%run_scoped3A : memref<!tpu.dma_semaphore, #tpu.memory_space<semaphore_mem>>)
          %dma_wait3A = arith.constant 0 : i32
          %dma_wait3A_128 = tpu.memref_slice %arg18[%add3A_123, %dma_wait3A] : memref<10560x112xf32, #tpu.memory_space<vmem_shared>> -> memref<44x112xf32, #tpu.memory_space<vmem_shared>>
          %dma_wait3A_129 = arith.constant 0 : i32
          %dma_wait3A_130 = tpu.memref_slice %arg18[%add3A_123, %dma_wait3A_129] : memref<10560x112xf32, #tpu.memory_space<vmem_shared>> -> memref<44x112xf32, #tpu.memory_space<vmem_shared>>
          tpu.wait_dma2 semaphore(%run_scoped3A : memref<!tpu.dma_semaphore, #tpu.memory_space<semaphore_mem>>) src(%arg17 : memref<44x112xf32, #tpu.memory_space<vmem>>) dst(%dma_wait3A_130 : memref<44x112xf32, #tpu.memory_space<vmem_shared>>)
          tpu.yield
        }) : () -> ()
        %scan3A_124 = arith.constant 0 : i32
        scf.yield %scan3A_124 : i32
      }
      %scan3A_39 = arith.constant 15 : i32
      %barrier3A = arith.constant 0 : index
      tpu.barrier barrier_id(%barrier3A)
      %scan3A_40 = arith.constant 0 : i32
      %scan3A_41 = arith.constant 0 : i32
      %scan3A_42 = arith.constant 50 : i32
      %scan3A_43 = arith.addi %scan3A_41, %scan3A_42 : i32
      %scan3A_44 = arith.constant 1 : i32
      %scan3A_45 = scf.for %scan3A_119 = %scan3A_41 to %scan3A_43 step %scan3A_44 iter_args(%scan3A_120 = %scan3A_40) -> (i32)  : i32 {
        %mul3A_121 = arith.constant 100000 : i32
        %mul3A_122 = arith.muli %arg1, %mul3A_121 : i32
        %mul3A_123 = arith.constant 2000 : i32
        %mul3A_124 = arith.muli %scan3A_119, %mul3A_123 : i32
        %add3A_125 = arith.addi %mul3A_122, %mul3A_124 : i32
        %dma_start3A = tpu.memref_slice %arg3[%add3A_125] : memref<1600000xi32, #tpu.memory_space<hbm>> -> memref<2000xi32, #tpu.memory_space<hbm>>
        %dma_start3A_126 = tpu.memref_slice %arg3[%add3A_125] : memref<1600000xi32, #tpu.memory_space<hbm>> -> memref<2000xi32, #tpu.memory_space<hbm>>
        tpu.enqueue_dma source(%dma_start3A_126 : memref<2000xi32, #tpu.memory_space<hbm>>) target(%arg7 : memref<2000xi32, #tpu.memory_space<vmem>>) target_semaphore(%arg21 : memref<!tpu.dma_semaphore, #tpu.memory_space<semaphore_mem>>)
        %dma_start3A_127 = tpu.memref_slice %arg2[%add3A_125] : memref<1600000xi32, #tpu.memory_space<hbm>> -> memref<2000xi32, #tpu.memory_space<hbm>>
        %dma_start3A_128 = tpu.memref_slice %arg2[%add3A_125] : memref<1600000xi32, #tpu.memory_space<hbm>> -> memref<2000xi32, #tpu.memory_space<hbm>>
        tpu.enqueue_dma source(%dma_start3A_128 : memref<2000xi32, #tpu.memory_space<hbm>>) target(%arg8 : memref<2000xi32, #tpu.memory_space<vmem>>) target_semaphore(%arg22 : memref<!tpu.dma_semaphore, #tpu.memory_space<semaphore_mem>>)
        %dma_wait3A = tpu.memref_slice %arg3[%add3A_125] : memref<1600000xi32, #tpu.memory_space<hbm>> -> memref<2000xi32, #tpu.memory_space<hbm>>
        %dma_wait3A_129 = tpu.memref_slice %arg3[%add3A_125] : memref<1600000xi32, #tpu.memory_space<hbm>> -> memref<2000xi32, #tpu.memory_space<hbm>>
        tpu.wait_dma2 semaphore(%arg21 : memref<!tpu.dma_semaphore, #tpu.memory_space<semaphore_mem>>) src(%dma_wait3A_129 : memref<2000xi32, #tpu.memory_space<hbm>>) dst(%arg7 : memref<2000xi32, #tpu.memory_space<vmem>>)
        %dma_wait3A_130 = tpu.memref_slice %arg2[%add3A_125] : memref<1600000xi32, #tpu.memory_space<hbm>> -> memref<2000xi32, #tpu.memory_space<hbm>>
        %dma_wait3A_131 = tpu.memref_slice %arg2[%add3A_125] : memref<1600000xi32, #tpu.memory_space<hbm>> -> memref<2000xi32, #tpu.memory_space<hbm>>
        tpu.wait_dma2 semaphore(%arg22 : memref<!tpu.dma_semaphore, #tpu.memory_space<semaphore_mem>>) src(%dma_wait3A_131 : memref<2000xi32, #tpu.memory_space<hbm>>) dst(%arg8 : memref<2000xi32, #tpu.memory_space<vmem>>)
        %parallel_loop3A = arith.constant 0 : i32
        %parallel_loop3A_132 = arith.constant 125 : i32
        %parallel_loop3A_133 = arith.constant 1 : i32
        %parallel_loop3A_134 = scf.for %parallel_loop3A_142 = %parallel_loop3A to %parallel_loop3A_132 step %parallel_loop3A_133 iter_args(%parallel_loop3A_143 = %scan3A_120) -> (i32)  : i32 {
          %parallel_loop3A_144 = arith.constant 16 : i32
          %parallel_loop3A_145 = arith.muli %parallel_loop3A_142, %parallel_loop3A_144 : i32
          %parallel_loop3A_146 = arith.index_cast %parallel_loop3A_145 : i32 to index
          %parallel_loop3A_147 = tpu.vector_load %arg7[%parallel_loop3A_146] {strides = array<i32>} : memref<2000xi32, #tpu.memory_space<vmem>>, vector<16xi32>,
          %parallel_loop3A_148 = arith.constant 16 : i32
          %parallel_loop3A_149 = arith.muli %parallel_loop3A_142, %parallel_loop3A_148 : i32
          %parallel_loop3A_150 = arith.index_cast %parallel_loop3A_149 : i32 to index
          %parallel_loop3A_151 = tpu.vector_load %arg8[%parallel_loop3A_150] {strides = array<i32>} : memref<2000xi32, #tpu.memory_space<vmem>>, vector<16xi32>,
          %parallel_loop3A_152 = vector.broadcast %mul3A_18 : i32 to vector<16xi32>
          %parallel_loop3A_153 = arith.cmpi sge, %parallel_loop3A_147, %parallel_loop3A_152 : vector<16xi32>
          %parallel_loop3A_154 = vector.broadcast %add3A_20 : i32 to vector<16xi32>
          %parallel_loop3A_155 = arith.cmpi slt, %parallel_loop3A_147, %parallel_loop3A_154 : vector<16xi32>
          %parallel_loop3A_156 = arith.andi %parallel_loop3A_153, %parallel_loop3A_155 : vector<16xi1>
          %parallel_loop3A_157 = arith.index_cast %parallel_loop3A_143 : i32 to index
          %parallel_loop3A_158 = tpu.vector_load %arg9[%parallel_loop3A_157] masked %parallel_loop3A_156 {strides = array<i32>} : memref<4112xi32, #tpu.memory_space<vmem>>, vector<16xi32>, vector<16xi1>
          tpu.vector_store %arg9[%parallel_loop3A_157], %parallel_loop3A_147 masked %parallel_loop3A_156 {strides = array<i32>} : memref<4112xi32, #tpu.memory_space<vmem>>, vector<16xi32>, vector<16xi1>
          %parallel_loop3A_159 = arith.index_cast %parallel_loop3A_143 : i32 to index
          %parallel_loop3A_160 = tpu.vector_load %arg10[%parallel_loop3A_159] masked %parallel_loop3A_156 {strides = array<i32>} : memref<4112xi32, #tpu.memory_space<vmem>>, vector<16xi32>, vector<16xi1>
          tpu.vector_store %arg10[%parallel_loop3A_159], %parallel_loop3A_151 masked %parallel_loop3A_156 {strides = array<i32>} : memref<4112xi32, #tpu.memory_space<vmem>>, vector<16xi32>, vector<16xi1>
          %parallel_loop3A_161 = arith.constant 1 : i32
          %parallel_loop3A_162 = arith.constant 0 : i32
          %parallel_loop3A_163 = vector.broadcast %parallel_loop3A_161 : i32 to vector<16xi32>
          %parallel_loop3A_164 = vector.broadcast %parallel_loop3A_162 : i32 to vector<16xi32>
          %parallel_loop3A_165 = arith.select %parallel_loop3A_156, %parallel_loop3A_163, %parallel_loop3A_164 : vector<16xi1>, vector<16xi32>
          %parallel_loop3A_166 = arith.constant true
          %parallel_loop3A_167 = vector.broadcast %parallel_loop3A_166 : i1 to vector<16xi1>
          %parallel_loop3A_168 = tpu.scan <sum>, %parallel_loop3A_165 masked %parallel_loop3A_167 : vector<16xi32>, vector<16xi1> -> vector<16xi32>
          %parallel_loop3A_169 = vector.extract %parallel_loop3A_168[15] : i32 from vector<16xi32>
          %parallel_loop3A_170 = arith.addi %parallel_loop3A_143, %parallel_loop3A_169 : i32
          scf.yield %parallel_loop3A_170 : i32
        } {sc.loop_unroll_factor = 4 : i64, sc.parallel_access}
        %gt3A_135 = arith.constant 2048 : i32
        %gt3A_136 = arith.cmpi sgt, %parallel_loop3A_134, %gt3A_135 : i32
        %convert_element_type3A_137 = arith.extui %gt3A_136 : i1 to i32
        %cond3A_138 = arith.constant 0 : i32
        %cond3A_139 = arith.cmpi ne, %convert_element_type3A_137, %cond3A_138 : i32
        scf.if %cond3A_139 {
          %add3A_142 = arith.constant 127 : i32
          %add3A_143 = arith.addi %parallel_loop3A_134, %add3A_142 : i32
          %jit3A_144 = arith.constant 128 : i32
          %div3A_145 = arith.divsi %add3A_143, %jit3A_144 : i32
          %sign3A_146 = arith.constant 0 : i32
          %sign3A_147 = arith.cmpi sgt, %add3A_143, %sign3A_146 : i32
          %sign3A_148 = arith.extui %sign3A_147 : i1 to i32
          %sign3A_149 = arith.constant 0 : i32
          %sign3A_150 = arith.cmpi slt, %add3A_143, %sign3A_149 : i32
          %sign3A_151 = arith.extui %sign3A_150 : i1 to i32
          %sign3A_152 = arith.subi %sign3A_148, %sign3A_151 : i32
          %sign3A_153 = arith.constant 0 : i32
          %sign3A_154 = arith.cmpi sgt, %jit3A_144, %sign3A_153 : i32
          %sign3A_155 = arith.extui %sign3A_154 : i1 to i32
          %sign3A_156 = arith.constant 0 : i32
          %sign3A_157 = arith.cmpi slt, %jit3A_144, %sign3A_156 : i32
          %sign3A_158 = arith.extui %sign3A_157 : i1 to i32
          %sign3A_159 = arith.subi %sign3A_155, %sign3A_158 : i32
          %ne3A_160 = arith.cmpi ne, %sign3A_152, %sign3A_159 : i32
          %rem3A_161 = arith.remsi %add3A_143, %jit3A_144 : i32
          %ne3A_162 = arith.constant 0 : i32
          %ne3A_163 = arith.cmpi ne, %rem3A_161, %ne3A_162 : i32
          %and3A_164 = arith.andi %ne3A_160, %ne3A_163 : i1
          %sub3A_165 = arith.constant 1 : i32
          %sub3A_166 = arith.subi %div3A_145, %sub3A_165 : i32
          %select_n3A_167 = arith.select %and3A_164, %sub3A_166, %div3A_145 : i32
          %gt3A_168 = arith.constant 0 : i32
          %gt3A_169 = arith.cmpi sgt, %select_n3A_167, %gt3A_168 : i32
          %convert_element_type3A_170 = arith.extui %gt3A_169 : i1 to i32
          %cond3A_171 = arith.constant 0 : i32
          %cond3A_172 = arith.cmpi ne, %convert_element_type3A_170, %cond3A_171 : i32
          scf.if %cond3A_172 {
            %mul3A_216 = arith.constant 0 : i32
            %mul3A_217 = arith.constant 128 : i32
            %mul3A_218 = arith.muli %mul3A_216, %mul3A_217 : i32
            %dma_start3A_219 = tpu.memref_slice %arg10[%mul3A_218] : memref<4112xi32, #tpu.memory_space<vmem>> -> memref<128xi32, #tpu.memory_space<vmem>>
            %dma_start3A_220 = arith.constant 0 : i32
            %dma_start3A_221 = arith.constant 0 : i32
            %dma_start3A_222 = tpu.memref_slice %arg4[%dma_start3A_220, %dma_start3A_221] : memref<105600x112xf32, #tpu.memory_space<hbm>> -> memref<105600x112xf32, #tpu.memory_space<hbm>>
            tpu.enqueue_indirect_dma source(%dma_start3A_222 : memref<105600x112xf32, #tpu.memory_space<hbm>>) target(%arg12 : memref<128x112xf32, #tpu.memory_space<vmem>>) offsets(%dma_start3A_219 : memref<128xi32, #tpu.memory_space<vmem>>) semaphore(%arg19 : memref<!tpu.dma_semaphore, #tpu.memory_space<semaphore_mem>>)
            %dma_start3A_223 = tpu.memref_slice %arg9[%mul3A_218] : memref<4112xi32, #tpu.memory_space<vmem>> -> memref<128xi32, #tpu.memory_space<vmem>>
            %dma_start3A_224 = arith.constant 0 : i32
            %dma_start3A_225 = arith.constant 0 : i32
            %dma_start3A_226 = tpu.memref_slice %arg5[%dma_start3A_224, %dma_start3A_225] : memref<105600x16xf32, #tpu.memory_space<hbm>> -> memref<105600x16xf32, #tpu.memory_space<hbm>>
            tpu.enqueue_indirect_dma source(%dma_start3A_226 : memref<105600x16xf32, #tpu.memory_space<hbm>>) target(%arg14 : memref<128x16xf32, #tpu.memory_space<vmem>>) offsets(%dma_start3A_223 : memref<128xi32, #tpu.memory_space<vmem>>) semaphore(%arg21 : memref<!tpu.dma_semaphore, #tpu.memory_space<semaphore_mem>>)
          } else {
          }
          %gt3A_173 = arith.constant 1 : i32
          %gt3A_174 = arith.cmpi sgt, %select_n3A_167, %gt3A_173 : i32
          %convert_element_type3A_175 = arith.extui %gt3A_174 : i1 to i32
          %cond3A_176 = arith.constant 0 : i32
          %cond3A_177 = arith.cmpi ne, %convert_element_type3A_175, %cond3A_176 : i32
          scf.if %cond3A_177 {
            %mul3A_216 = arith.constant 1 : i32
            %mul3A_217 = arith.constant 128 : i32
            %mul3A_218 = arith.muli %mul3A_216, %mul3A_217 : i32
            %dma_start3A_219 = tpu.memref_slice %arg10[%mul3A_218] : memref<4112xi32, #tpu.memory_space<vmem>> -> memref<128xi32, #tpu.memory_space<vmem>>
            %dma_start3A_220 = arith.constant 0 : i32
            %dma_start3A_221 = arith.constant 0 : i32
            %dma_start3A_222 = tpu.memref_slice %arg4[%dma_start3A_220, %dma_start3A_221] : memref<105600x112xf32, #tpu.memory_space<hbm>> -> memref<105600x112xf32, #tpu.memory_space<hbm>>
            tpu.enqueue_indirect_dma source(%dma_start3A_222 : memref<105600x112xf32, #tpu.memory_space<hbm>>) target(%arg13 : memref<128x112xf32, #tpu.memory_space<vmem>>) offsets(%dma_start3A_219 : memref<128xi32, #tpu.memory_space<vmem>>) semaphore(%arg20 : memref<!tpu.dma_semaphore, #tpu.memory_space<semaphore_mem>>)
            %dma_start3A_223 = tpu.memref_slice %arg9[%mul3A_218] : memref<4112xi32, #tpu.memory_space<vmem>> -> memref<128xi32, #tpu.memory_space<vmem>>
            %dma_start3A_224 = arith.constant 0 : i32
            %dma_start3A_225 = arith.constant 0 : i32
            %dma_start3A_226 = tpu.memref_slice %arg5[%dma_start3A_224, %dma_start3A_225] : memref<105600x16xf32, #tpu.memory_space<hbm>> -> memref<105600x16xf32, #tpu.memory_space<hbm>>
            tpu.enqueue_indirect_dma source(%dma_start3A_226 : memref<105600x16xf32, #tpu.memory_space<hbm>>) target(%arg15 : memref<128x16xf32, #tpu.memory_space<vmem>>) offsets(%dma_start3A_223 : memref<128xi32, #tpu.memory_space<vmem>>) semaphore(%arg22 : memref<!tpu.dma_semaphore, #tpu.memory_space<semaphore_mem>>)
          } else {
          }
          %add3A_178 = arith.constant 1 : i32
          %add3A_179 = arith.addi %select_n3A_167, %add3A_178 : i32
          %jit3A_180 = arith.constant 2 : i32
          %div3A_181 = arith.divsi %add3A_179, %jit3A_180 : i32
          %sign3A_182 = arith.constant 0 : i32
          %sign3A_183 = arith.cmpi sgt, %add3A_179, %sign3A_182 : i32
          %sign3A_184 = arith.extui %sign3A_183 : i1 to i32
          %sign3A_185 = arith.constant 0 : i32
          %sign3A_186 = arith.cmpi slt, %add3A_179, %sign3A_185 : i32
          %sign3A_187 = arith.extui %sign3A_186 : i1 to i32
          %sign3A_188 = arith.subi %sign3A_184, %sign3A_187 : i32
          %sign3A_189 = arith.constant 0 : i32
          %sign3A_190 = arith.cmpi sgt, %jit3A_180, %sign3A_189 : i32
          %sign3A_191 = arith.extui %sign3A_190 : i1 to i32
          %sign3A_192 = arith.constant 0 : i32
          %sign3A_193 = arith.cmpi slt, %jit3A_180, %sign3A_192 : i32
          %sign3A_194 = arith.extui %sign3A_193 : i1 to i32
          %sign3A_195 = arith.subi %sign3A_191, %sign3A_194 : i32
          %ne3A_196 = arith.cmpi ne, %sign3A_188, %sign3A_195 : i32
          %rem3A_197 = arith.remsi %add3A_179, %jit3A_180 : i32
          %ne3A_198 = arith.constant 0 : i32
          %ne3A_199 = arith.cmpi ne, %rem3A_197, %ne3A_198 : i32
          %and3A_200 = arith.andi %ne3A_196, %ne3A_199 : i1
          %sub3A_201 = arith.constant 1 : i32
          %sub3A_202 = arith.subi %div3A_181, %sub3A_201 : i32
          %select_n3A_203 = arith.select %and3A_200, %sub3A_202, %div3A_181 : i32
          %while3A_204 = arith.constant 0 : i32
          %while3A_205 = arith.constant 0 : i32
          %while3A_206 = arith.subi %select_n3A_203, %while3A_204 : i32
          %while3A_207 = arith.addi %while3A_204, %while3A_206 : i32
          %while3A_208 = arith.constant 1 : i32
          %while3A_209 = arith.divsi %while3A_206, %while3A_208 : i32
          %while3A_210 = arith.muli %while3A_209, %while3A_208 : i32
          %while3A_211 = arith.addi %while3A_204, %while3A_210 : i32
          %while3A_212 = arith.constant 1 : i32
          %while3A_213 = scf.for %while3A_216 = %while3A_204 to %while3A_211 step %while3A_212 iter_args(%while3A_217 = %while3A_205) -> (i32)  : i32 {
            %mul3A_218 = arith.constant 2 : i32
            %mul3A_219 = arith.muli %while3A_216, %mul3A_218 : i32
            %add3A_220 = arith.constant 0 : i32
            %add3A_221 = arith.addi %mul3A_219, %add3A_220 : i32
            %lt3A = arith.cmpi slt, %add3A_221, %select_n3A_167 : i32
            %convert_element_type3A_222 = arith.extui %lt3A : i1 to i32
            %cond3A_223 = arith.constant 0 : i32
            %cond3A_224 = arith.cmpi ne, %convert_element_type3A_222, %cond3A_223 : i32
            scf.if %cond3A_224 {
              %dma_wait3A_234 = arith.constant 0 : i32
              %dma_wait3A_235 = tpu.memref_slice %arg10[%dma_wait3A_234] : memref<4112xi32, #tpu.memory_space<vmem>> -> memref<128xi32, #tpu.memory_space<vmem>>
              %dma_wait3A_236 = arith.constant 0 : i32
              %dma_wait3A_237 = arith.constant 0 : i32
              %dma_wait3A_238 = tpu.memref_slice %arg4[%dma_wait3A_236, %dma_wait3A_237] : memref<105600x112xf32, #tpu.memory_space<hbm>> -> memref<105600x112xf32, #tpu.memory_space<hbm>>
              tpu.wait_indirect_dma semaphore(%arg19 : memref<!tpu.dma_semaphore, #tpu.memory_space<semaphore_mem>>) src(%dma_wait3A_238 : memref<105600x112xf32, #tpu.memory_space<hbm>>) dst(%arg12 : memref<128x112xf32, #tpu.memory_space<vmem>>)
              %dma_wait3A_239 = arith.constant 0 : i32
              %dma_wait3A_240 = tpu.memref_slice %arg9[%dma_wait3A_239] : memref<4112xi32, #tpu.memory_space<vmem>> -> memref<128xi32, #tpu.memory_space<vmem>>
              %dma_wait3A_241 = arith.constant 0 : i32
              %dma_wait3A_242 = arith.constant 0 : i32
              %dma_wait3A_243 = tpu.memref_slice %arg5[%dma_wait3A_241, %dma_wait3A_242] : memref<105600x16xf32, #tpu.memory_space<hbm>> -> memref<105600x16xf32, #tpu.memory_space<hbm>>
              tpu.wait_indirect_dma semaphore(%arg21 : memref<!tpu.dma_semaphore, #tpu.memory_space<semaphore_mem>>) src(%dma_wait3A_243 : memref<105600x16xf32, #tpu.memory_space<hbm>>) dst(%arg14 : memref<128x16xf32, #tpu.memory_space<vmem>>)
              %mul3A_244 = arith.constant 128 : i32
              %mul3A_245 = arith.muli %add3A_221, %mul3A_244 : i32
              %add3A_246 = arith.constant 0 : i32
              %add3A_247 = arith.addi %mul3A_245, %add3A_246 : i32
              %get3A = arith.index_cast %add3A_247 : i32 to index
              %get3A_248 = tpu.vector_load %arg9[%get3A] {strides = array<i32>} : memref<4112xi32, #tpu.memory_space<vmem>>, vector<16xi32>,
              %sub3A_249 = vector.broadcast %mul3A_18 : i32 to vector<16xi32>
              %sub3A_250 = arith.subi %get3A_248, %sub3A_249 : vector<16xi32>
              %swap3A = arith.constant 0 : i32
              %swap3A_251 = arith.index_cast %swap3A : i32 to index
              %swap3A_252 = arith.constant 0 : index
              %swap3A_253 = tpu.vector_load %arg11[%swap3A_251, %swap3A_252] {strides = array<i32>} : memref<1x128xi32, #tpu.memory_space<vmem>>, vector<16xi32>,
              tpu.vector_store %arg11[%swap3A_251, %swap3A_252], %sub3A_250 {strides = array<i32>} : memref<1x128xi32, #tpu.memory_space<vmem>>, vector<16xi32>,
              %add3A_254 = arith.constant 16 : i32
              %add3A_255 = arith.addi %mul3A_245, %add3A_254 : i32
              %get3A_256 = arith.index_cast %add3A_255 : i32 to index
              %get3A_257 = tpu.vector_load %arg9[%get3A_256] {strides = array<i32>} : memref<4112xi32, #tpu.memory_space<vmem>>, vector<16xi32>,
              %sub3A_258 = vector.broadcast %mul3A_18 : i32 to vector<16xi32>
              %sub3A_259 = arith.subi %get3A_257, %sub3A_258 : vector<16xi32>
              %swap3A_260 = arith.constant 0 : i32
              %swap3A_261 = arith.index_cast %swap3A_260 : i32 to index
              %swap3A_262 = arith.constant 16 : index
              %swap3A_263 = tpu.vector_load %arg11[%swap3A_261, %swap3A_262] {strides = array<i32>} : memref<1x128xi32, #tpu.memory_space<vmem>>, vector<16xi32>,
              tpu.vector_store %arg11[%swap3A_261, %swap3A_262], %sub3A_259 {strides = array<i32>} : memref<1x128xi32, #tpu.memory_space<vmem>>, vector<16xi32>,
              %add3A_264 = arith.constant 32 : i32
              %add3A_265 = arith.addi %mul3A_245, %add3A_264 : i32
              %get3A_266 = arith.index_cast %add3A_265 : i32 to index
              %get3A_267 = tpu.vector_load %arg9[%get3A_266] {strides = array<i32>} : memref<4112xi32, #tpu.memory_space<vmem>>, vector<16xi32>,
              %sub3A_268 = vector.broadcast %mul3A_18 : i32 to vector<16xi32>
              %sub3A_269 = arith.subi %get3A_267, %sub3A_268 : vector<16xi32>
              %swap3A_270 = arith.constant 0 : i32
              %swap3A_271 = arith.index_cast %swap3A_270 : i32 to index
              %swap3A_272 = arith.constant 32 : index
              %swap3A_273 = tpu.vector_load %arg11[%swap3A_271, %swap3A_272] {strides = array<i32>} : memref<1x128xi32, #tpu.memory_space<vmem>>, vector<16xi32>,
              tpu.vector_store %arg11[%swap3A_271, %swap3A_272], %sub3A_269 {strides = array<i32>} : memref<1x128xi32, #tpu.memory_space<vmem>>, vector<16xi32>,
              %add3A_274 = arith.constant 48 : i32
              %add3A_275 = arith.addi %mul3A_245, %add3A_274 : i32
              %get3A_276 = arith.index_cast %add3A_275 : i32 to index
              %get3A_277 = tpu.vector_load %arg9[%get3A_276] {strides = array<i32>} : memref<4112xi32, #tpu.memory_space<vmem>>, vector<16xi32>,
              %sub3A_278 = vector.broadcast %mul3A_18 : i32 to vector<16xi32>
              %sub3A_279 = arith.subi %get3A_277, %sub3A_278 : vector<16xi32>
              %swap3A_280 = arith.constant 0 : i32
              %swap3A_281 = arith.index_cast %swap3A_280 : i32 to index
              %swap3A_282 = arith.constant 48 : index
              %swap3A_283 = tpu.vector_load %arg11[%swap3A_281, %swap3A_282] {strides = array<i32>} : memref<1x128xi32, #tpu.memory_space<vmem>>, vector<16xi32>,
              tpu.vector_store %arg11[%swap3A_281, %swap3A_282], %sub3A_279 {strides = array<i32>} : memref<1x128xi32, #tpu.memory_space<vmem>>, vector<16xi32>,
              %add3A_284 = arith.constant 64 : i32
              %add3A_285 = arith.addi %mul3A_245, %add3A_284 : i32
              %get3A_286 = arith.index_cast %add3A_285 : i32 to index
              %get3A_287 = tpu.vector_load %arg9[%get3A_286] {strides = array<i32>} : memref<4112xi32, #tpu.memory_space<vmem>>, vector<16xi32>,
              %sub3A_288 = vector.broadcast %mul3A_18 : i32 to vector<16xi32>
              %sub3A_289 = arith.subi %get3A_287, %sub3A_288 : vector<16xi32>
              %swap3A_290 = arith.constant 0 : i32
              %swap3A_291 = arith.index_cast %swap3A_290 : i32 to index
              %swap3A_292 = arith.constant 64 : index
              %swap3A_293 = tpu.vector_load %arg11[%swap3A_291, %swap3A_292] {strides = array<i32>} : memref<1x128xi32, #tpu.memory_space<vmem>>, vector<16xi32>,
              tpu.vector_store %arg11[%swap3A_291, %swap3A_292], %sub3A_289 {strides = array<i32>} : memref<1x128xi32, #tpu.memory_space<vmem>>, vector<16xi32>,
              %add3A_294 = arith.constant 80 : i32
              %add3A_295 = arith.addi %mul3A_245, %add3A_294 : i32
              %get3A_296 = arith.index_cast %add3A_295 : i32 to index
              %get3A_297 = tpu.vector_load %arg9[%get3A_296] {strides = array<i32>} : memref<4112xi32, #tpu.memory_space<vmem>>, vector<16xi32>,
              %sub3A_298 = vector.broadcast %mul3A_18 : i32 to vector<16xi32>
              %sub3A_299 = arith.subi %get3A_297, %sub3A_298 : vector<16xi32>
              %swap3A_300 = arith.constant 0 : i32
              %swap3A_301 = arith.index_cast %swap3A_300 : i32 to index
              %swap3A_302 = arith.constant 80 : index
              %swap3A_303 = tpu.vector_load %arg11[%swap3A_301, %swap3A_302] {strides = array<i32>} : memref<1x128xi32, #tpu.memory_space<vmem>>, vector<16xi32>,
              tpu.vector_store %arg11[%swap3A_301, %swap3A_302], %sub3A_299 {strides = array<i32>} : memref<1x128xi32, #tpu.memory_space<vmem>>, vector<16xi32>,
              %add3A_304 = arith.constant 96 : i32
              %add3A_305 = arith.addi %mul3A_245, %add3A_304 : i32
              %get3A_306 = arith.index_cast %add3A_305 : i32 to index
              %get3A_307 = tpu.vector_load %arg9[%get3A_306] {strides = array<i32>} : memref<4112xi32, #tpu.memory_space<vmem>>, vector<16xi32>,
              %sub3A_308 = vector.broadcast %mul3A_18 : i32 to vector<16xi32>
              %sub3A_309 = arith.subi %get3A_307, %sub3A_308 : vector<16xi32>
              %swap3A_310 = arith.constant 0 : i32
              %swap3A_311 = arith.index_cast %swap3A_310 : i32 to index
              %swap3A_312 = arith.constant 96 : index
              %swap3A_313 = tpu.vector_load %arg11[%swap3A_311, %swap3A_312] {strides = array<i32>} : memref<1x128xi32, #tpu.memory_space<vmem>>, vector<16xi32>,
              tpu.vector_store %arg11[%swap3A_311, %swap3A_312], %sub3A_309 {strides = array<i32>} : memref<1x128xi32, #tpu.memory_space<vmem>>, vector<16xi32>,
              %add3A_314 = arith.constant 112 : i32
              %add3A_315 = arith.addi %mul3A_245, %add3A_314 : i32
              %get3A_316 = arith.index_cast %add3A_315 : i32 to index
              %get3A_317 = tpu.vector_load %arg9[%get3A_316] {strides = array<i32>} : memref<4112xi32, #tpu.memory_space<vmem>>, vector<16xi32>,
              %sub3A_318 = vector.broadcast %mul3A_18 : i32 to vector<16xi32>
              %sub3A_319 = arith.subi %get3A_317, %sub3A_318 : vector<16xi32>
              %swap3A_320 = arith.constant 0 : i32
              %swap3A_321 = arith.index_cast %swap3A_320 : i32 to index
              %swap3A_322 = arith.constant 112 : index
              %swap3A_323 = tpu.vector_load %arg11[%swap3A_321, %swap3A_322] {strides = array<i32>} : memref<1x128xi32, #tpu.memory_space<vmem>>, vector<16xi32>,
              tpu.vector_store %arg11[%swap3A_321, %swap3A_322], %sub3A_319 {strides = array<i32>} : memref<1x128xi32, #tpu.memory_space<vmem>>, vector<16xi32>,
              %parallel_loop3A_324 = arith.constant 0 : i32
              %parallel_loop3A_325 = arith.constant 128 : i32
              %parallel_loop3A_326 = arith.constant 1 : i32
              scf.for %parallel_loop3A_333 = %parallel_loop3A_324 to %parallel_loop3A_325 step %parallel_loop3A_326  : i32 {
                %parallel_loop3A_334 = arith.index_cast %parallel_loop3A_333 : i32 to index
                %parallel_loop3A_335 = arith.constant 96 : index
                %parallel_loop3A_336 = tpu.vector_load %arg12[%parallel_loop3A_334, %parallel_loop3A_335] {strides = array<i32>} : memref<128x112xf32, #tpu.memory_space<vmem>>, vector<16xf32>,
                %parallel_loop3A_337 = arith.index_cast %parallel_loop3A_333 : i32 to index
                %parallel_loop3A_338 = arith.constant 0 : index
                %parallel_loop3A_339 = tpu.vector_load %arg14[%parallel_loop3A_337, %parallel_loop3A_338] {strides = array<i32>} : memref<128x16xf32, #tpu.memory_space<vmem>>, vector<16xf32>,
                %parallel_loop3A_340 = arith.addf %parallel_loop3A_336, %parallel_loop3A_339 : vector<16xf32>
                %parallel_loop3A_341 = arith.constant 0.000000e+00 : f32
                %parallel_loop3A_342 = vector.broadcast %parallel_loop3A_341 : f32 to vector<16xf32>
                %parallel_loop3A_343 = arith.cmpf oge, %parallel_loop3A_340, %parallel_loop3A_342 : vector<16xf32>
                %parallel_loop3A_344 = arith.constant 2.000000e-01 : f32
                %parallel_loop3A_345 = vector.broadcast %parallel_loop3A_344 : f32 to vector<16xf32>
                %parallel_loop3A_346 = arith.mulf %parallel_loop3A_340, %parallel_loop3A_345 : vector<16xf32>
                %parallel_loop3A_347 = arith.select %parallel_loop3A_343, %parallel_loop3A_340, %parallel_loop3A_346 : vector<16xi1>, vector<16xf32>
                %parallel_loop3A_348 = math.exp %parallel_loop3A_347 : vector<16xf32>
                %parallel_loop3A_349 = arith.addi %mul3A_245, %parallel_loop3A_333 : i32
                %parallel_loop3A_350 = arith.cmpi slt, %parallel_loop3A_349, %parallel_loop3A_134 : i32
                %parallel_loop3A_351 = arith.extui %parallel_loop3A_350 : i1 to i32
                %parallel_loop3A_352 = arith.sitofp %parallel_loop3A_351 : i32 to f32
                %parallel_loop3A_353 = vector.broadcast %parallel_loop3A_352 : f32 to vector<16xf32>
                %parallel_loop3A_354 = arith.mulf %parallel_loop3A_348, %parallel_loop3A_353 : vector<16xf32>
                %parallel_loop3A_355 = arith.index_cast %parallel_loop3A_333 : i32 to index
                %parallel_loop3A_356 = arith.constant 96 : index
                %parallel_loop3A_357 = tpu.vector_load %arg12[%parallel_loop3A_355, %parallel_loop3A_356] {strides = array<i32>} : memref<128x112xf32, #tpu.memory_space<vmem>>, vector<16xf32>,
                tpu.vector_store %arg12[%parallel_loop3A_355, %parallel_loop3A_356], %parallel_loop3A_354 {strides = array<i32>} : memref<128x112xf32, #tpu.memory_space<vmem>>, vector<16xf32>,
                %parallel_loop3A_358 = vector.broadcast %parallel_loop3A_333 : i32 to vector<16xi32>
                %parallel_loop3A_359 = arith.constant 96 : i32
                %parallel_loop3A_360 = vector.broadcast %parallel_loop3A_359 : i32 to vector<16xi32>
                %parallel_loop3A_361 = tpu.vector_load_idx %arg12[%parallel_loop3A_358, %parallel_loop3A_360] : memref<128x112xf32, #tpu.memory_space<vmem>>[vector<16xi32>, vector<16xi32>], vector<16xf32>,
                %parallel_loop3A_362 = arith.index_cast %parallel_loop3A_333 : i32 to index
                %parallel_loop3A_363 = arith.constant 0 : index
                %parallel_loop3A_364 = tpu.vector_load %arg12[%parallel_loop3A_362, %parallel_loop3A_363] {strides = array<i32>} : memref<128x112xf32, #tpu.memory_space<vmem>>, vector<16xf32>,
                %parallel_loop3A_365 = arith.mulf %parallel_loop3A_364, %parallel_loop3A_361 : vector<16xf32>
                %parallel_loop3A_366 = arith.index_cast %parallel_loop3A_333 : i32 to index
                %parallel_loop3A_367 = arith.constant 0 : index
                %parallel_loop3A_368 = tpu.vector_load %arg12[%parallel_loop3A_366, %parallel_loop3A_367] {strides = array<i32>} : memref<128x112xf32, #tpu.memory_space<vmem>>, vector<16xf32>,
                tpu.vector_store %arg12[%parallel_loop3A_366, %parallel_loop3A_367], %parallel_loop3A_365 {strides = array<i32>} : memref<128x112xf32, #tpu.memory_space<vmem>>, vector<16xf32>,
                %parallel_loop3A_369 = arith.constant 97 : i32
                %parallel_loop3A_370 = vector.broadcast %parallel_loop3A_369 : i32 to vector<16xi32>
                %parallel_loop3A_371 = tpu.vector_load_idx %arg12[%parallel_loop3A_358, %parallel_loop3A_370] : memref<128x112xf32, #tpu.memory_space<vmem>>[vector<16xi32>, vector<16xi32>], vector<16xf32>,
                %parallel_loop3A_372 = arith.index_cast %parallel_loop3A_333 : i32 to index
                %parallel_loop3A_373 = arith.constant 16 : index
                %parallel_loop3A_374 = tpu.vector_load %arg12[%parallel_loop3A_372, %parallel_loop3A_373] {strides = array<i32>} : memref<128x112xf32, #tpu.memory_space<vmem>>, vector<16xf32>,
                %parallel_loop3A_375 = arith.mulf %parallel_loop3A_374, %parallel_loop3A_371 : vector<16xf32>
                %parallel_loop3A_376 = arith.index_cast %parallel_loop3A_333 : i32 to index
                %parallel_loop3A_377 = arith.constant 16 : index
                %parallel_loop3A_378 = tpu.vector_load %arg12[%parallel_loop3A_376, %parallel_loop3A_377] {strides = array<i32>} : memref<128x112xf32, #tpu.memory_space<vmem>>, vector<16xf32>,
                tpu.vector_store %arg12[%parallel_loop3A_376, %parallel_loop3A_377], %parallel_loop3A_375 {strides = array<i32>} : memref<128x112xf32, #tpu.memory_space<vmem>>, vector<16xf32>,
                %parallel_loop3A_379 = arith.constant 98 : i32
                %parallel_loop3A_380 = vector.broadcast %parallel_loop3A_379 : i32 to vector<16xi32>
                %parallel_loop3A_381 = tpu.vector_load_idx %arg12[%parallel_loop3A_358, %parallel_loop3A_380] : memref<128x112xf32, #tpu.memory_space<vmem>>[vector<16xi32>, vector<16xi32>], vector<16xf32>,
                %parallel_loop3A_382 = arith.index_cast %parallel_loop3A_333 : i32 to index
                %parallel_loop3A_383 = arith.constant 32 : index
                %parallel_loop3A_384 = tpu.vector_load %arg12[%parallel_loop3A_382, %parallel_loop3A_383] {strides = array<i32>} : memref<128x112xf32, #tpu.memory_space<vmem>>, vector<16xf32>,
                %parallel_loop3A_385 = arith.mulf %parallel_loop3A_384, %parallel_loop3A_381 : vector<16xf32>
                %parallel_loop3A_386 = arith.index_cast %parallel_loop3A_333 : i32 to index
                %parallel_loop3A_387 = arith.constant 32 : index
                %parallel_loop3A_388 = tpu.vector_load %arg12[%parallel_loop3A_386, %parallel_loop3A_387] {strides = array<i32>} : memref<128x112xf32, #tpu.memory_space<vmem>>, vector<16xf32>,
                tpu.vector_store %arg12[%parallel_loop3A_386, %parallel_loop3A_387], %parallel_loop3A_385 {strides = array<i32>} : memref<128x112xf32, #tpu.memory_space<vmem>>, vector<16xf32>,
                %parallel_loop3A_389 = arith.constant 99 : i32
                %parallel_loop3A_390 = vector.broadcast %parallel_loop3A_389 : i32 to vector<16xi32>
                %parallel_loop3A_391 = tpu.vector_load_idx %arg12[%parallel_loop3A_358, %parallel_loop3A_390] : memref<128x112xf32, #tpu.memory_space<vmem>>[vector<16xi32>, vector<16xi32>], vector<16xf32>,
                %parallel_loop3A_392 = arith.index_cast %parallel_loop3A_333 : i32 to index
                %parallel_loop3A_393 = arith.constant 48 : index
                %parallel_loop3A_394 = tpu.vector_load %arg12[%parallel_loop3A_392, %parallel_loop3A_393] {strides = array<i32>} : memref<128x112xf32, #tpu.memory_space<vmem>>, vector<16xf32>,
                %parallel_loop3A_395 = arith.mulf %parallel_loop3A_394, %parallel_loop3A_391 : vector<16xf32>
                %parallel_loop3A_396 = arith.index_cast %parallel_loop3A_333 : i32 to index
                %parallel_loop3A_397 = arith.constant 48 : index
                %parallel_loop3A_398 = tpu.vector_load %arg12[%parallel_loop3A_396, %parallel_loop3A_397] {strides = array<i32>} : memref<128x112xf32, #tpu.memory_space<vmem>>, vector<16xf32>,
                tpu.vector_store %arg12[%parallel_loop3A_396, %parallel_loop3A_397], %parallel_loop3A_395 {strides = array<i32>} : memref<128x112xf32, #tpu.memory_space<vmem>>, vector<16xf32>,
                %parallel_loop3A_399 = arith.constant 100 : i32
                %parallel_loop3A_400 = vector.broadcast %parallel_loop3A_399 : i32 to vector<16xi32>
                %parallel_loop3A_401 = tpu.vector_load_idx %arg12[%parallel_loop3A_358, %parallel_loop3A_400] : memref<128x112xf32, #tpu.memory_space<vmem>>[vector<16xi32>, vector<16xi32>], vector<16xf32>,
                %parallel_loop3A_402 = arith.index_cast %parallel_loop3A_333 : i32 to index
                %parallel_loop3A_403 = arith.constant 64 : index
                %parallel_loop3A_404 = tpu.vector_load %arg12[%parallel_loop3A_402, %parallel_loop3A_403] {strides = array<i32>} : memref<128x112xf32, #tpu.memory_space<vmem>>, vector<16xf32>,
                %parallel_loop3A_405 = arith.mulf %parallel_loop3A_404, %parallel_loop3A_401 : vector<16xf32>
                %parallel_loop3A_406 = arith.index_cast %parallel_loop3A_333 : i32 to index
                %parallel_loop3A_407 = arith.constant 64 : index
                %parallel_loop3A_408 = tpu.vector_load %arg12[%parallel_loop3A_406, %parallel_loop3A_407] {strides = array<i32>} : memref<128x112xf32, #tpu.memory_space<vmem>>, vector<16xf32>,
                tpu.vector_store %arg12[%parallel_loop3A_406, %parallel_loop3A_407], %parallel_loop3A_405 {strides = array<i32>} : memref<128x112xf32, #tpu.memory_space<vmem>>, vector<16xf32>,
                %parallel_loop3A_409 = arith.constant 101 : i32
                %parallel_loop3A_410 = vector.broadcast %parallel_loop3A_409 : i32 to vector<16xi32>
                %parallel_loop3A_411 = tpu.vector_load_idx %arg12[%parallel_loop3A_358, %parallel_loop3A_410] : memref<128x112xf32, #tpu.memory_space<vmem>>[vector<16xi32>, vector<16xi32>], vector<16xf32>,
                %parallel_loop3A_412 = arith.index_cast %parallel_loop3A_333 : i32 to index
                %parallel_loop3A_413 = arith.constant 80 : index
                %parallel_loop3A_414 = tpu.vector_load %arg12[%parallel_loop3A_412, %parallel_loop3A_413] {strides = array<i32>} : memref<128x112xf32, #tpu.memory_space<vmem>>, vector<16xf32>,
                %parallel_loop3A_415 = arith.mulf %parallel_loop3A_414, %parallel_loop3A_411 : vector<16xf32>
                %parallel_loop3A_416 = arith.index_cast %parallel_loop3A_333 : i32 to index
                %parallel_loop3A_417 = arith.constant 80 : index
                %parallel_loop3A_418 = tpu.vector_load %arg12[%parallel_loop3A_416, %parallel_loop3A_417] {strides = array<i32>} : memref<128x112xf32, #tpu.memory_space<vmem>>, vector<16xf32>,
                tpu.vector_store %arg12[%parallel_loop3A_416, %parallel_loop3A_417], %parallel_loop3A_415 {strides = array<i32>} : memref<128x112xf32, #tpu.memory_space<vmem>>, vector<16xf32>,
              } {sc.loop_unroll_factor = 4 : i64, sc.parallel_access}
              %run_scoped3A = arith.constant 0 : i32
              "tpu.region"() ({
                %run_scoped3A_333 = tpu.sem_alloc : memref<!tpu.dma_semaphore, #tpu.memory_space<semaphore_mem>>
                %dma_start3A_334 = arith.constant 0 : i32
                %dma_start3A_335 = tpu.memref_slice %arg11[%run_scoped3A, %dma_start3A_334] : memref<1x128xi32, #tpu.memory_space<vmem>> -> memref<1x128xi32, #tpu.memory_space<vmem>>
                %dma_start3A_336 = tpu.memref_squeeze %dma_start3A_335 : memref<1x128xi32, #tpu.memory_space<vmem>> -> memref<128xi32, #tpu.memory_space<vmem>>
                %dma_start3A_337 = arith.constant 0 : i32
                %dma_start3A_338 = arith.constant 0 : i32
                %dma_start3A_339 = tpu.memref_slice %arg18[%dma_start3A_337, %dma_start3A_338] : memref<10560x112xf32, #tpu.memory_space<vmem_shared>> -> memref<10560x112xf32, #tpu.memory_space<vmem_shared>>
                tpu.enqueue_indirect_dma source(%arg12 : memref<128x112xf32, #tpu.memory_space<vmem>>) target(%dma_start3A_339 : memref<10560x112xf32, #tpu.memory_space<vmem_shared>>) offsets(%dma_start3A_336 : memref<128xi32, #tpu.memory_space<vmem>>) semaphore(%run_scoped3A_333 : memref<!tpu.dma_semaphore, #tpu.memory_space<semaphore_mem>>) {add = true}
                %dma_wait3A_340 = arith.constant 0 : i32
                %dma_wait3A_341 = tpu.memref_slice %arg11[%run_scoped3A, %dma_wait3A_340] : memref<1x128xi32, #tpu.memory_space<vmem>> -> memref<1x128xi32, #tpu.memory_space<vmem>>
                %dma_wait3A_342 = tpu.memref_squeeze %dma_wait3A_341 : memref<1x128xi32, #tpu.memory_space<vmem>> -> memref<128xi32, #tpu.memory_space<vmem>>
                %dma_wait3A_343 = arith.constant 0 : i32
                %dma_wait3A_344 = arith.constant 0 : i32
                %dma_wait3A_345 = tpu.memref_slice %arg18[%dma_wait3A_343, %dma_wait3A_344] : memref<10560x112xf32, #tpu.memory_space<vmem_shared>> -> memref<10560x112xf32, #tpu.memory_space<vmem_shared>>
                tpu.wait_indirect_dma semaphore(%run_scoped3A_333 : memref<!tpu.dma_semaphore, #tpu.memory_space<semaphore_mem>>) src(%arg12 : memref<128x112xf32, #tpu.memory_space<vmem>>) dst(%dma_wait3A_345 : memref<10560x112xf32, #tpu.memory_space<vmem_shared>>)
                tpu.yield
              }) : () -> ()
              %add3A_327 = arith.constant 2 : i32
              %add3A_328 = arith.addi %add3A_221, %add3A_327 : i32
              %lt3A_329 = arith.cmpi slt, %add3A_328, %select_n3A_167 : i32
              %convert_element_type3A_330 = arith.extui %lt3A_329 : i1 to i32
              %cond3A_331 = arith.constant 0 : i32
              %cond3A_332 = arith.cmpi ne, %convert_element_type3A_330, %cond3A_331 : i32
              scf.if %cond3A_332 {
                %add3A_333 = arith.constant 2 : i32
                %add3A_334 = arith.addi %add3A_221, %add3A_333 : i32
                %mul3A_335 = arith.constant 128 : i32
                %mul3A_336 = arith.muli %add3A_334, %mul3A_335 : i32
                %dma_start3A_337 = tpu.memref_slice %arg10[%mul3A_336] : memref<4112xi32, #tpu.memory_space<vmem>> -> memref<128xi32, #tpu.memory_space<vmem>>
                %dma_start3A_338 = arith.constant 0 : i32
                %dma_start3A_339 = arith.constant 0 : i32
                %dma_start3A_340 = tpu.memref_slice %arg4[%dma_start3A_338, %dma_start3A_339] : memref<105600x112xf32, #tpu.memory_space<hbm>> -> memref<105600x112xf32, #tpu.memory_space<hbm>>
                tpu.enqueue_indirect_dma source(%dma_start3A_340 : memref<105600x112xf32, #tpu.memory_space<hbm>>) target(%arg12 : memref<128x112xf32, #tpu.memory_space<vmem>>) offsets(%dma_start3A_337 : memref<128xi32, #tpu.memory_space<vmem>>) semaphore(%arg19 : memref<!tpu.dma_semaphore, #tpu.memory_space<semaphore_mem>>)
                %dma_start3A_341 = tpu.memref_slice %arg9[%mul3A_336] : memref<4112xi32, #tpu.memory_space<vmem>> -> memref<128xi32, #tpu.memory_space<vmem>>
                %dma_start3A_342 = arith.constant 0 : i32
                %dma_start3A_343 = arith.constant 0 : i32
                %dma_start3A_344 = tpu.memref_slice %arg5[%dma_start3A_342, %dma_start3A_343] : memref<105600x16xf32, #tpu.memory_space<hbm>> -> memref<105600x16xf32, #tpu.memory_space<hbm>>
                tpu.enqueue_indirect_dma source(%dma_start3A_344 : memref<105600x16xf32, #tpu.memory_space<hbm>>) target(%arg14 : memref<128x16xf32, #tpu.memory_space<vmem>>) offsets(%dma_start3A_341 : memref<128xi32, #tpu.memory_space<vmem>>) semaphore(%arg21 : memref<!tpu.dma_semaphore, #tpu.memory_space<semaphore_mem>>)
              } else {
              }
            } else {
            }
            %mul3A_225 = arith.constant 2 : i32
            %mul3A_226 = arith.muli %while3A_216, %mul3A_225 : i32
            %add3A_227 = arith.constant 1 : i32
            %add3A_228 = arith.addi %mul3A_226, %add3A_227 : i32
            %lt3A_229 = arith.cmpi slt, %add3A_228, %select_n3A_167 : i32
            %convert_element_type3A_230 = arith.extui %lt3A_229 : i1 to i32
            %cond3A_231 = arith.constant 0 : i32
            %cond3A_232 = arith.cmpi ne, %convert_element_type3A_230, %cond3A_231 : i32
            scf.if %cond3A_232 {
              %dma_wait3A_234 = arith.constant 0 : i32
              %dma_wait3A_235 = tpu.memref_slice %arg10[%dma_wait3A_234] : memref<4112xi32, #tpu.memory_space<vmem>> -> memref<128xi32, #tpu.memory_space<vmem>>
              %dma_wait3A_236 = arith.constant 0 : i32
              %dma_wait3A_237 = arith.constant 0 : i32
              %dma_wait3A_238 = tpu.memref_slice %arg4[%dma_wait3A_236, %dma_wait3A_237] : memref<105600x112xf32, #tpu.memory_space<hbm>> -> memref<105600x112xf32, #tpu.memory_space<hbm>>
              tpu.wait_indirect_dma semaphore(%arg20 : memref<!tpu.dma_semaphore, #tpu.memory_space<semaphore_mem>>) src(%dma_wait3A_238 : memref<105600x112xf32, #tpu.memory_space<hbm>>) dst(%arg13 : memref<128x112xf32, #tpu.memory_space<vmem>>)
              %dma_wait3A_239 = arith.constant 0 : i32
              %dma_wait3A_240 = tpu.memref_slice %arg9[%dma_wait3A_239] : memref<4112xi32, #tpu.memory_space<vmem>> -> memref<128xi32, #tpu.memory_space<vmem>>
              %dma_wait3A_241 = arith.constant 0 : i32
              %dma_wait3A_242 = arith.constant 0 : i32
              %dma_wait3A_243 = tpu.memref_slice %arg5[%dma_wait3A_241, %dma_wait3A_242] : memref<105600x16xf32, #tpu.memory_space<hbm>> -> memref<105600x16xf32, #tpu.memory_space<hbm>>
              tpu.wait_indirect_dma semaphore(%arg22 : memref<!tpu.dma_semaphore, #tpu.memory_space<semaphore_mem>>) src(%dma_wait3A_243 : memref<105600x16xf32, #tpu.memory_space<hbm>>) dst(%arg15 : memref<128x16xf32, #tpu.memory_space<vmem>>)
              %mul3A_244 = arith.constant 128 : i32
              %mul3A_245 = arith.muli %add3A_228, %mul3A_244 : i32
              %add3A_246 = arith.constant 0 : i32
              %add3A_247 = arith.addi %mul3A_245, %add3A_246 : i32
              %get3A = arith.index_cast %add3A_247 : i32 to index
              %get3A_248 = tpu.vector_load %arg9[%get3A] {strides = array<i32>} : memref<4112xi32, #tpu.memory_space<vmem>>, vector<16xi32>,
              %sub3A_249 = vector.broadcast %mul3A_18 : i32 to vector<16xi32>
              %sub3A_250 = arith.subi %get3A_248, %sub3A_249 : vector<16xi32>
              %swap3A = arith.constant 0 : i32
              %swap3A_251 = arith.index_cast %swap3A : i32 to index
              %swap3A_252 = arith.constant 0 : index
              %swap3A_253 = tpu.vector_load %arg11[%swap3A_251, %swap3A_252] {strides = array<i32>} : memref<1x128xi32, #tpu.memory_space<vmem>>, vector<16xi32>,
              tpu.vector_store %arg11[%swap3A_251, %swap3A_252], %sub3A_250 {strides = array<i32>} : memref<1x128xi32, #tpu.memory_space<vmem>>, vector<16xi32>,
              %add3A_254 = arith.constant 16 : i32
              %add3A_255 = arith.addi %mul3A_245, %add3A_254 : i32
              %get3A_256 = arith.index_cast %add3A_255 : i32 to index
              %get3A_257 = tpu.vector_load %arg9[%get3A_256] {strides = array<i32>} : memref<4112xi32, #tpu.memory_space<vmem>>, vector<16xi32>,
              %sub3A_258 = vector.broadcast %mul3A_18 : i32 to vector<16xi32>
              %sub3A_259 = arith.subi %get3A_257, %sub3A_258 : vector<16xi32>
              %swap3A_260 = arith.constant 0 : i32
              %swap3A_261 = arith.index_cast %swap3A_260 : i32 to index
              %swap3A_262 = arith.constant 16 : index
              %swap3A_263 = tpu.vector_load %arg11[%swap3A_261, %swap3A_262] {strides = array<i32>} : memref<1x128xi32, #tpu.memory_space<vmem>>, vector<16xi32>,
              tpu.vector_store %arg11[%swap3A_261, %swap3A_262], %sub3A_259 {strides = array<i32>} : memref<1x128xi32, #tpu.memory_space<vmem>>, vector<16xi32>,
              %add3A_264 = arith.constant 32 : i32
              %add3A_265 = arith.addi %mul3A_245, %add3A_264 : i32
              %get3A_266 = arith.index_cast %add3A_265 : i32 to index
              %get3A_267 = tpu.vector_load %arg9[%get3A_266] {strides = array<i32>} : memref<4112xi32, #tpu.memory_space<vmem>>, vector<16xi32>,
              %sub3A_268 = vector.broadcast %mul3A_18 : i32 to vector<16xi32>
              %sub3A_269 = arith.subi %get3A_267, %sub3A_268 : vector<16xi32>
              %swap3A_270 = arith.constant 0 : i32
              %swap3A_271 = arith.index_cast %swap3A_270 : i32 to index
              %swap3A_272 = arith.constant 32 : index
              %swap3A_273 = tpu.vector_load %arg11[%swap3A_271, %swap3A_272] {strides = array<i32>} : memref<1x128xi32, #tpu.memory_space<vmem>>, vector<16xi32>,
              tpu.vector_store %arg11[%swap3A_271, %swap3A_272], %sub3A_269 {strides = array<i32>} : memref<1x128xi32, #tpu.memory_space<vmem>>, vector<16xi32>,
              %add3A_274 = arith.constant 48 : i32
              %add3A_275 = arith.addi %mul3A_245, %add3A_274 : i32
              %get3A_276 = arith.index_cast %add3A_275 : i32 to index
              %get3A_277 = tpu.vector_load %arg9[%get3A_276] {strides = array<i32>} : memref<4112xi32, #tpu.memory_space<vmem>>, vector<16xi32>,
              %sub3A_278 = vector.broadcast %mul3A_18 : i32 to vector<16xi32>
              %sub3A_279 = arith.subi %get3A_277, %sub3A_278 : vector<16xi32>
              %swap3A_280 = arith.constant 0 : i32
              %swap3A_281 = arith.index_cast %swap3A_280 : i32 to index
              %swap3A_282 = arith.constant 48 : index
              %swap3A_283 = tpu.vector_load %arg11[%swap3A_281, %swap3A_282] {strides = array<i32>} : memref<1x128xi32, #tpu.memory_space<vmem>>, vector<16xi32>,
              tpu.vector_store %arg11[%swap3A_281, %swap3A_282], %sub3A_279 {strides = array<i32>} : memref<1x128xi32, #tpu.memory_space<vmem>>, vector<16xi32>,
              %add3A_284 = arith.constant 64 : i32
              %add3A_285 = arith.addi %mul3A_245, %add3A_284 : i32
              %get3A_286 = arith.index_cast %add3A_285 : i32 to index
              %get3A_287 = tpu.vector_load %arg9[%get3A_286] {strides = array<i32>} : memref<4112xi32, #tpu.memory_space<vmem>>, vector<16xi32>,
              %sub3A_288 = vector.broadcast %mul3A_18 : i32 to vector<16xi32>
              %sub3A_289 = arith.subi %get3A_287, %sub3A_288 : vector<16xi32>
              %swap3A_290 = arith.constant 0 : i32
              %swap3A_291 = arith.index_cast %swap3A_290 : i32 to index
              %swap3A_292 = arith.constant 64 : index
              %swap3A_293 = tpu.vector_load %arg11[%swap3A_291, %swap3A_292] {strides = array<i32>} : memref<1x128xi32, #tpu.memory_space<vmem>>, vector<16xi32>,
              tpu.vector_store %arg11[%swap3A_291, %swap3A_292], %sub3A_289 {strides = array<i32>} : memref<1x128xi32, #tpu.memory_space<vmem>>, vector<16xi32>,
              %add3A_294 = arith.constant 80 : i32
              %add3A_295 = arith.addi %mul3A_245, %add3A_294 : i32
              %get3A_296 = arith.index_cast %add3A_295 : i32 to index
              %get3A_297 = tpu.vector_load %arg9[%get3A_296] {strides = array<i32>} : memref<4112xi32, #tpu.memory_space<vmem>>, vector<16xi32>,
              %sub3A_298 = vector.broadcast %mul3A_18 : i32 to vector<16xi32>
              %sub3A_299 = arith.subi %get3A_297, %sub3A_298 : vector<16xi32>
              %swap3A_300 = arith.constant 0 : i32
              %swap3A_301 = arith.index_cast %swap3A_300 : i32 to index
              %swap3A_302 = arith.constant 80 : index
              %swap3A_303 = tpu.vector_load %arg11[%swap3A_301, %swap3A_302] {strides = array<i32>} : memref<1x128xi32, #tpu.memory_space<vmem>>, vector<16xi32>,
              tpu.vector_store %arg11[%swap3A_301, %swap3A_302], %sub3A_299 {strides = array<i32>} : memref<1x128xi32, #tpu.memory_space<vmem>>, vector<16xi32>,
              %add3A_304 = arith.constant 96 : i32
              %add3A_305 = arith.addi %mul3A_245, %add3A_304 : i32
              %get3A_306 = arith.index_cast %add3A_305 : i32 to index
              %get3A_307 = tpu.vector_load %arg9[%get3A_306] {strides = array<i32>} : memref<4112xi32, #tpu.memory_space<vmem>>, vector<16xi32>,
              %sub3A_308 = vector.broadcast %mul3A_18 : i32 to vector<16xi32>
              %sub3A_309 = arith.subi %get3A_307, %sub3A_308 : vector<16xi32>
              %swap3A_310 = arith.constant 0 : i32
              %swap3A_311 = arith.index_cast %swap3A_310 : i32 to index
              %swap3A_312 = arith.constant 96 : index
              %swap3A_313 = tpu.vector_load %arg11[%swap3A_311, %swap3A_312] {strides = array<i32>} : memref<1x128xi32, #tpu.memory_space<vmem>>, vector<16xi32>,
              tpu.vector_store %arg11[%swap3A_311, %swap3A_312], %sub3A_309 {strides = array<i32>} : memref<1x128xi32, #tpu.memory_space<vmem>>, vector<16xi32>,
              %add3A_314 = arith.constant 112 : i32
              %add3A_315 = arith.addi %mul3A_245, %add3A_314 : i32
              %get3A_316 = arith.index_cast %add3A_315 : i32 to index
              %get3A_317 = tpu.vector_load %arg9[%get3A_316] {strides = array<i32>} : memref<4112xi32, #tpu.memory_space<vmem>>, vector<16xi32>,
              %sub3A_318 = vector.broadcast %mul3A_18 : i32 to vector<16xi32>
              %sub3A_319 = arith.subi %get3A_317, %sub3A_318 : vector<16xi32>
              %swap3A_320 = arith.constant 0 : i32
              %swap3A_321 = arith.index_cast %swap3A_320 : i32 to index
              %swap3A_322 = arith.constant 112 : index
              %swap3A_323 = tpu.vector_load %arg11[%swap3A_321, %swap3A_322] {strides = array<i32>} : memref<1x128xi32, #tpu.memory_space<vmem>>, vector<16xi32>,
              tpu.vector_store %arg11[%swap3A_321, %swap3A_322], %sub3A_319 {strides = array<i32>} : memref<1x128xi32, #tpu.memory_space<vmem>>, vector<16xi32>,
              %parallel_loop3A_324 = arith.constant 0 : i32
              %parallel_loop3A_325 = arith.constant 128 : i32
              %parallel_loop3A_326 = arith.constant 1 : i32
              scf.for %parallel_loop3A_333 = %parallel_loop3A_324 to %parallel_loop3A_325 step %parallel_loop3A_326  : i32 {
                %parallel_loop3A_334 = arith.index_cast %parallel_loop3A_333 : i32 to index
                %parallel_loop3A_335 = arith.constant 96 : index
                %parallel_loop3A_336 = tpu.vector_load %arg13[%parallel_loop3A_334, %parallel_loop3A_335] {strides = array<i32>} : memref<128x112xf32, #tpu.memory_space<vmem>>, vector<16xf32>,
                %parallel_loop3A_337 = arith.index_cast %parallel_loop3A_333 : i32 to index
                %parallel_loop3A_338 = arith.constant 0 : index
                %parallel_loop3A_339 = tpu.vector_load %arg15[%parallel_loop3A_337, %parallel_loop3A_338] {strides = array<i32>} : memref<128x16xf32, #tpu.memory_space<vmem>>, vector<16xf32>,
                %parallel_loop3A_340 = arith.addf %parallel_loop3A_336, %parallel_loop3A_339 : vector<16xf32>
                %parallel_loop3A_341 = arith.constant 0.000000e+00 : f32
                %parallel_loop3A_342 = vector.broadcast %parallel_loop3A_341 : f32 to vector<16xf32>
                %parallel_loop3A_343 = arith.cmpf oge, %parallel_loop3A_340, %parallel_loop3A_342 : vector<16xf32>
                %parallel_loop3A_344 = arith.constant 2.000000e-01 : f32
                %parallel_loop3A_345 = vector.broadcast %parallel_loop3A_344 : f32 to vector<16xf32>
                %parallel_loop3A_346 = arith.mulf %parallel_loop3A_340, %parallel_loop3A_345 : vector<16xf32>
                %parallel_loop3A_347 = arith.select %parallel_loop3A_343, %parallel_loop3A_340, %parallel_loop3A_346 : vector<16xi1>, vector<16xf32>
                %parallel_loop3A_348 = math.exp %parallel_loop3A_347 : vector<16xf32>
                %parallel_loop3A_349 = arith.addi %mul3A_245, %parallel_loop3A_333 : i32
                %parallel_loop3A_350 = arith.cmpi slt, %parallel_loop3A_349, %parallel_loop3A_134 : i32
                %parallel_loop3A_351 = arith.extui %parallel_loop3A_350 : i1 to i32
                %parallel_loop3A_352 = arith.sitofp %parallel_loop3A_351 : i32 to f32
                %parallel_loop3A_353 = vector.broadcast %parallel_loop3A_352 : f32 to vector<16xf32>
                %parallel_loop3A_354 = arith.mulf %parallel_loop3A_348, %parallel_loop3A_353 : vector<16xf32>
                %parallel_loop3A_355 = arith.index_cast %parallel_loop3A_333 : i32 to index
                %parallel_loop3A_356 = arith.constant 96 : index
                %parallel_loop3A_357 = tpu.vector_load %arg13[%parallel_loop3A_355, %parallel_loop3A_356] {strides = array<i32>} : memref<128x112xf32, #tpu.memory_space<vmem>>, vector<16xf32>,
                tpu.vector_store %arg13[%parallel_loop3A_355, %parallel_loop3A_356], %parallel_loop3A_354 {strides = array<i32>} : memref<128x112xf32, #tpu.memory_space<vmem>>, vector<16xf32>,
                %parallel_loop3A_358 = vector.broadcast %parallel_loop3A_333 : i32 to vector<16xi32>
                %parallel_loop3A_359 = arith.constant 96 : i32
                %parallel_loop3A_360 = vector.broadcast %parallel_loop3A_359 : i32 to vector<16xi32>
                %parallel_loop3A_361 = tpu.vector_load_idx %arg13[%parallel_loop3A_358, %parallel_loop3A_360] : memref<128x112xf32, #tpu.memory_space<vmem>>[vector<16xi32>, vector<16xi32>], vector<16xf32>,
                %parallel_loop3A_362 = arith.index_cast %parallel_loop3A_333 : i32 to index
                %parallel_loop3A_363 = arith.constant 0 : index
                %parallel_loop3A_364 = tpu.vector_load %arg13[%parallel_loop3A_362, %parallel_loop3A_363] {strides = array<i32>} : memref<128x112xf32, #tpu.memory_space<vmem>>, vector<16xf32>,
                %parallel_loop3A_365 = arith.mulf %parallel_loop3A_364, %parallel_loop3A_361 : vector<16xf32>
                %parallel_loop3A_366 = arith.index_cast %parallel_loop3A_333 : i32 to index
                %parallel_loop3A_367 = arith.constant 0 : index
                %parallel_loop3A_368 = tpu.vector_load %arg13[%parallel_loop3A_366, %parallel_loop3A_367] {strides = array<i32>} : memref<128x112xf32, #tpu.memory_space<vmem>>, vector<16xf32>,
                tpu.vector_store %arg13[%parallel_loop3A_366, %parallel_loop3A_367], %parallel_loop3A_365 {strides = array<i32>} : memref<128x112xf32, #tpu.memory_space<vmem>>, vector<16xf32>,
                %parallel_loop3A_369 = arith.constant 97 : i32
                %parallel_loop3A_370 = vector.broadcast %parallel_loop3A_369 : i32 to vector<16xi32>
                %parallel_loop3A_371 = tpu.vector_load_idx %arg13[%parallel_loop3A_358, %parallel_loop3A_370] : memref<128x112xf32, #tpu.memory_space<vmem>>[vector<16xi32>, vector<16xi32>], vector<16xf32>,
                %parallel_loop3A_372 = arith.index_cast %parallel_loop3A_333 : i32 to index
                %parallel_loop3A_373 = arith.constant 16 : index
                %parallel_loop3A_374 = tpu.vector_load %arg13[%parallel_loop3A_372, %parallel_loop3A_373] {strides = array<i32>} : memref<128x112xf32, #tpu.memory_space<vmem>>, vector<16xf32>,
                %parallel_loop3A_375 = arith.mulf %parallel_loop3A_374, %parallel_loop3A_371 : vector<16xf32>
                %parallel_loop3A_376 = arith.index_cast %parallel_loop3A_333 : i32 to index
                %parallel_loop3A_377 = arith.constant 16 : index
                %parallel_loop3A_378 = tpu.vector_load %arg13[%parallel_loop3A_376, %parallel_loop3A_377] {strides = array<i32>} : memref<128x112xf32, #tpu.memory_space<vmem>>, vector<16xf32>,
                tpu.vector_store %arg13[%parallel_loop3A_376, %parallel_loop3A_377], %parallel_loop3A_375 {strides = array<i32>} : memref<128x112xf32, #tpu.memory_space<vmem>>, vector<16xf32>,
                %parallel_loop3A_379 = arith.constant 98 : i32
                %parallel_loop3A_380 = vector.broadcast %parallel_loop3A_379 : i32 to vector<16xi32>
                %parallel_loop3A_381 = tpu.vector_load_idx %arg13[%parallel_loop3A_358, %parallel_loop3A_380] : memref<128x112xf32, #tpu.memory_space<vmem>>[vector<16xi32>, vector<16xi32>], vector<16xf32>,
                %parallel_loop3A_382 = arith.index_cast %parallel_loop3A_333 : i32 to index
                %parallel_loop3A_383 = arith.constant 32 : index
                %parallel_loop3A_384 = tpu.vector_load %arg13[%parallel_loop3A_382, %parallel_loop3A_383] {strides = array<i32>} : memref<128x112xf32, #tpu.memory_space<vmem>>, vector<16xf32>,
                %parallel_loop3A_385 = arith.mulf %parallel_loop3A_384, %parallel_loop3A_381 : vector<16xf32>
                %parallel_loop3A_386 = arith.index_cast %parallel_loop3A_333 : i32 to index
                %parallel_loop3A_387 = arith.constant 32 : index
                %parallel_loop3A_388 = tpu.vector_load %arg13[%parallel_loop3A_386, %parallel_loop3A_387] {strides = array<i32>} : memref<128x112xf32, #tpu.memory_space<vmem>>, vector<16xf32>,
                tpu.vector_store %arg13[%parallel_loop3A_386, %parallel_loop3A_387], %parallel_loop3A_385 {strides = array<i32>} : memref<128x112xf32, #tpu.memory_space<vmem>>, vector<16xf32>,
                %parallel_loop3A_389 = arith.constant 99 : i32
                %parallel_loop3A_390 = vector.broadcast %parallel_loop3A_389 : i32 to vector<16xi32>
                %parallel_loop3A_391 = tpu.vector_load_idx %arg13[%parallel_loop3A_358, %parallel_loop3A_390] : memref<128x112xf32, #tpu.memory_space<vmem>>[vector<16xi32>, vector<16xi32>], vector<16xf32>,
                %parallel_loop3A_392 = arith.index_cast %parallel_loop3A_333 : i32 to index
                %parallel_loop3A_393 = arith.constant 48 : index
                %parallel_loop3A_394 = tpu.vector_load %arg13[%parallel_loop3A_392, %parallel_loop3A_393] {strides = array<i32>} : memref<128x112xf32, #tpu.memory_space<vmem>>, vector<16xf32>,
                %parallel_loop3A_395 = arith.mulf %parallel_loop3A_394, %parallel_loop3A_391 : vector<16xf32>
                %parallel_loop3A_396 = arith.index_cast %parallel_loop3A_333 : i32 to index
                %parallel_loop3A_397 = arith.constant 48 : index
                %parallel_loop3A_398 = tpu.vector_load %arg13[%parallel_loop3A_396, %parallel_loop3A_397] {strides = array<i32>} : memref<128x112xf32, #tpu.memory_space<vmem>>, vector<16xf32>,
                tpu.vector_store %arg13[%parallel_loop3A_396, %parallel_loop3A_397], %parallel_loop3A_395 {strides = array<i32>} : memref<128x112xf32, #tpu.memory_space<vmem>>, vector<16xf32>,
                %parallel_loop3A_399 = arith.constant 100 : i32
                %parallel_loop3A_400 = vector.broadcast %parallel_loop3A_399 : i32 to vector<16xi32>
                %parallel_loop3A_401 = tpu.vector_load_idx %arg13[%parallel_loop3A_358, %parallel_loop3A_400] : memref<128x112xf32, #tpu.memory_space<vmem>>[vector<16xi32>, vector<16xi32>], vector<16xf32>,
                %parallel_loop3A_402 = arith.index_cast %parallel_loop3A_333 : i32 to index
                %parallel_loop3A_403 = arith.constant 64 : index
                %parallel_loop3A_404 = tpu.vector_load %arg13[%parallel_loop3A_402, %parallel_loop3A_403] {strides = array<i32>} : memref<128x112xf32, #tpu.memory_space<vmem>>, vector<16xf32>,
                %parallel_loop3A_405 = arith.mulf %parallel_loop3A_404, %parallel_loop3A_401 : vector<16xf32>
                %parallel_loop3A_406 = arith.index_cast %parallel_loop3A_333 : i32 to index
                %parallel_loop3A_407 = arith.constant 64 : index
                %parallel_loop3A_408 = tpu.vector_load %arg13[%parallel_loop3A_406, %parallel_loop3A_407] {strides = array<i32>} : memref<128x112xf32, #tpu.memory_space<vmem>>, vector<16xf32>,
                tpu.vector_store %arg13[%parallel_loop3A_406, %parallel_loop3A_407], %parallel_loop3A_405 {strides = array<i32>} : memref<128x112xf32, #tpu.memory_space<vmem>>, vector<16xf32>,
                %parallel_loop3A_409 = arith.constant 101 : i32
                %parallel_loop3A_410 = vector.broadcast %parallel_loop3A_409 : i32 to vector<16xi32>
                %parallel_loop3A_411 = tpu.vector_load_idx %arg13[%parallel_loop3A_358, %parallel_loop3A_410] : memref<128x112xf32, #tpu.memory_space<vmem>>[vector<16xi32>, vector<16xi32>], vector<16xf32>,
                %parallel_loop3A_412 = arith.index_cast %parallel_loop3A_333 : i32 to index
                %parallel_loop3A_413 = arith.constant 80 : index
                %parallel_loop3A_414 = tpu.vector_load %arg13[%parallel_loop3A_412, %parallel_loop3A_413] {strides = array<i32>} : memref<128x112xf32, #tpu.memory_space<vmem>>, vector<16xf32>,
                %parallel_loop3A_415 = arith.mulf %parallel_loop3A_414, %parallel_loop3A_411 : vector<16xf32>
                %parallel_loop3A_416 = arith.index_cast %parallel_loop3A_333 : i32 to index
                %parallel_loop3A_417 = arith.constant 80 : index
                %parallel_loop3A_418 = tpu.vector_load %arg13[%parallel_loop3A_416, %parallel_loop3A_417] {strides = array<i32>} : memref<128x112xf32, #tpu.memory_space<vmem>>, vector<16xf32>,
                tpu.vector_store %arg13[%parallel_loop3A_416, %parallel_loop3A_417], %parallel_loop3A_415 {strides = array<i32>} : memref<128x112xf32, #tpu.memory_space<vmem>>, vector<16xf32>,
              } {sc.loop_unroll_factor = 4 : i64, sc.parallel_access}
              %run_scoped3A = arith.constant 0 : i32
              "tpu.region"() ({
                %run_scoped3A_333 = tpu.sem_alloc : memref<!tpu.dma_semaphore, #tpu.memory_space<semaphore_mem>>
                %dma_start3A_334 = arith.constant 0 : i32
                %dma_start3A_335 = tpu.memref_slice %arg11[%run_scoped3A, %dma_start3A_334] : memref<1x128xi32, #tpu.memory_space<vmem>> -> memref<1x128xi32, #tpu.memory_space<vmem>>
                %dma_start3A_336 = tpu.memref_squeeze %dma_start3A_335 : memref<1x128xi32, #tpu.memory_space<vmem>> -> memref<128xi32, #tpu.memory_space<vmem>>
                %dma_start3A_337 = arith.constant 0 : i32
                %dma_start3A_338 = arith.constant 0 : i32
                %dma_start3A_339 = tpu.memref_slice %arg18[%dma_start3A_337, %dma_start3A_338] : memref<10560x112xf32, #tpu.memory_space<vmem_shared>> -> memref<10560x112xf32, #tpu.memory_space<vmem_shared>>
                tpu.enqueue_indirect_dma source(%arg13 : memref<128x112xf32, #tpu.memory_space<vmem>>) target(%dma_start3A_339 : memref<10560x112xf32, #tpu.memory_space<vmem_shared>>) offsets(%dma_start3A_336 : memref<128xi32, #tpu.memory_space<vmem>>) semaphore(%run_scoped3A_333 : memref<!tpu.dma_semaphore, #tpu.memory_space<semaphore_mem>>) {add = true}
                %dma_wait3A_340 = arith.constant 0 : i32
                %dma_wait3A_341 = tpu.memref_slice %arg11[%run_scoped3A, %dma_wait3A_340] : memref<1x128xi32, #tpu.memory_space<vmem>> -> memref<1x128xi32, #tpu.memory_space<vmem>>
                %dma_wait3A_342 = tpu.memref_squeeze %dma_wait3A_341 : memref<1x128xi32, #tpu.memory_space<vmem>> -> memref<128xi32, #tpu.memory_space<vmem>>
                %dma_wait3A_343 = arith.constant 0 : i32
                %dma_wait3A_344 = arith.constant 0 : i32
                %dma_wait3A_345 = tpu.memref_slice %arg18[%dma_wait3A_343, %dma_wait3A_344] : memref<10560x112xf32, #tpu.memory_space<vmem_shared>> -> memref<10560x112xf32, #tpu.memory_space<vmem_shared>>
                tpu.wait_indirect_dma semaphore(%run_scoped3A_333 : memref<!tpu.dma_semaphore, #tpu.memory_space<semaphore_mem>>) src(%arg13 : memref<128x112xf32, #tpu.memory_space<vmem>>) dst(%dma_wait3A_345 : memref<10560x112xf32, #tpu.memory_space<vmem_shared>>)
                tpu.yield
              }) : () -> ()
              %add3A_327 = arith.constant 2 : i32
              %add3A_328 = arith.addi %add3A_228, %add3A_327 : i32
              %lt3A_329 = arith.cmpi slt, %add3A_328, %select_n3A_167 : i32
              %convert_element_type3A_330 = arith.extui %lt3A_329 : i1 to i32
              %cond3A_331 = arith.constant 0 : i32
              %cond3A_332 = arith.cmpi ne, %convert_element_type3A_330, %cond3A_331 : i32
              scf.if %cond3A_332 {
                %add3A_333 = arith.constant 2 : i32
                %add3A_334 = arith.addi %add3A_228, %add3A_333 : i32
                %mul3A_335 = arith.constant 128 : i32
                %mul3A_336 = arith.muli %add3A_334, %mul3A_335 : i32
                %dma_start3A_337 = tpu.memref_slice %arg10[%mul3A_336] : memref<4112xi32, #tpu.memory_space<vmem>> -> memref<128xi32, #tpu.memory_space<vmem>>
                %dma_start3A_338 = arith.constant 0 : i32
                %dma_start3A_339 = arith.constant 0 : i32
                %dma_start3A_340 = tpu.memref_slice %arg4[%dma_start3A_338, %dma_start3A_339] : memref<105600x112xf32, #tpu.memory_space<hbm>> -> memref<105600x112xf32, #tpu.memory_space<hbm>>
                tpu.enqueue_indirect_dma source(%dma_start3A_340 : memref<105600x112xf32, #tpu.memory_space<hbm>>) target(%arg13 : memref<128x112xf32, #tpu.memory_space<vmem>>) offsets(%dma_start3A_337 : memref<128xi32, #tpu.memory_space<vmem>>) semaphore(%arg20 : memref<!tpu.dma_semaphore, #tpu.memory_space<semaphore_mem>>)
                %dma_start3A_341 = tpu.memref_slice %arg9[%mul3A_336] : memref<4112xi32, #tpu.memory_space<vmem>> -> memref<128xi32, #tpu.memory_space<vmem>>
                %dma_start3A_342 = arith.constant 0 : i32
                %dma_start3A_343 = arith.constant 0 : i32
                %dma_start3A_344 = tpu.memref_slice %arg5[%dma_start3A_342, %dma_start3A_343] : memref<105600x16xf32, #tpu.memory_space<hbm>> -> memref<105600x16xf32, #tpu.memory_space<hbm>>
                tpu.enqueue_indirect_dma source(%dma_start3A_344 : memref<105600x16xf32, #tpu.memory_space<hbm>>) target(%arg15 : memref<128x16xf32, #tpu.memory_space<vmem>>) offsets(%dma_start3A_341 : memref<128xi32, #tpu.memory_space<vmem>>) semaphore(%arg22 : memref<!tpu.dma_semaphore, #tpu.memory_space<semaphore_mem>>)
              } else {
              }
            } else {
            }
            %while3A_233 = arith.constant 0 : i32
            scf.yield %while3A_233 : i32
          }
          %while3A_214 = arith.constant 1 : i32
          %while3A_215 = scf.for %while3A_216 = %while3A_211 to %while3A_207 step %while3A_214 iter_args(%while3A_217 = %while3A_213) -> (i32)  : i32 {
            %mul3A_218 = arith.constant 2 : i32
            %mul3A_219 = arith.muli %while3A_216, %mul3A_218 : i32
            %add3A_220 = arith.constant 0 : i32
            %add3A_221 = arith.addi %mul3A_219, %add3A_220 : i32
            %lt3A = arith.cmpi slt, %add3A_221, %select_n3A_167 : i32
            %convert_element_type3A_222 = arith.extui %lt3A : i1 to i32
            %cond3A_223 = arith.constant 0 : i32
            %cond3A_224 = arith.cmpi ne, %convert_element_type3A_222, %cond3A_223 : i32
            scf.if %cond3A_224 {
              %dma_wait3A_234 = arith.constant 0 : i32
              %dma_wait3A_235 = tpu.memref_slice %arg10[%dma_wait3A_234] : memref<4112xi32, #tpu.memory_space<vmem>> -> memref<128xi32, #tpu.memory_space<vmem>>
              %dma_wait3A_236 = arith.constant 0 : i32
              %dma_wait3A_237 = arith.constant 0 : i32
              %dma_wait3A_238 = tpu.memref_slice %arg4[%dma_wait3A_236, %dma_wait3A_237] : memref<105600x112xf32, #tpu.memory_space<hbm>> -> memref<105600x112xf32, #tpu.memory_space<hbm>>
              tpu.wait_indirect_dma semaphore(%arg19 : memref<!tpu.dma_semaphore, #tpu.memory_space<semaphore_mem>>) src(%dma_wait3A_238 : memref<105600x112xf32, #tpu.memory_space<hbm>>) dst(%arg12 : memref<128x112xf32, #tpu.memory_space<vmem>>)
              %dma_wait3A_239 = arith.constant 0 : i32
              %dma_wait3A_240 = tpu.memref_slice %arg9[%dma_wait3A_239] : memref<4112xi32, #tpu.memory_space<vmem>> -> memref<128xi32, #tpu.memory_space<vmem>>
              %dma_wait3A_241 = arith.constant 0 : i32
              %dma_wait3A_242 = arith.constant 0 : i32
              %dma_wait3A_243 = tpu.memref_slice %arg5[%dma_wait3A_241, %dma_wait3A_242] : memref<105600x16xf32, #tpu.memory_space<hbm>> -> memref<105600x16xf32, #tpu.memory_space<hbm>>
              tpu.wait_indirect_dma semaphore(%arg21 : memref<!tpu.dma_semaphore, #tpu.memory_space<semaphore_mem>>) src(%dma_wait3A_243 : memref<105600x16xf32, #tpu.memory_space<hbm>>) dst(%arg14 : memref<128x16xf32, #tpu.memory_space<vmem>>)
              %mul3A_244 = arith.constant 128 : i32
              %mul3A_245 = arith.muli %add3A_221, %mul3A_244 : i32
              %add3A_246 = arith.constant 0 : i32
              %add3A_247 = arith.addi %mul3A_245, %add3A_246 : i32
              %get3A = arith.index_cast %add3A_247 : i32 to index
              %get3A_248 = tpu.vector_load %arg9[%get3A] {strides = array<i32>} : memref<4112xi32, #tpu.memory_space<vmem>>, vector<16xi32>,
              %sub3A_249 = vector.broadcast %mul3A_18 : i32 to vector<16xi32>
              %sub3A_250 = arith.subi %get3A_248, %sub3A_249 : vector<16xi32>
              %swap3A = arith.constant 0 : i32
              %swap3A_251 = arith.index_cast %swap3A : i32 to index
              %swap3A_252 = arith.constant 0 : index
              %swap3A_253 = tpu.vector_load %arg11[%swap3A_251, %swap3A_252] {strides = array<i32>} : memref<1x128xi32, #tpu.memory_space<vmem>>, vector<16xi32>,
              tpu.vector_store %arg11[%swap3A_251, %swap3A_252], %sub3A_250 {strides = array<i32>} : memref<1x128xi32, #tpu.memory_space<vmem>>, vector<16xi32>,
              %add3A_254 = arith.constant 16 : i32
              %add3A_255 = arith.addi %mul3A_245, %add3A_254 : i32
              %get3A_256 = arith.index_cast %add3A_255 : i32 to index
              %get3A_257 = tpu.vector_load %arg9[%get3A_256] {strides = array<i32>} : memref<4112xi32, #tpu.memory_space<vmem>>, vector<16xi32>,
              %sub3A_258 = vector.broadcast %mul3A_18 : i32 to vector<16xi32>
              %sub3A_259 = arith.subi %get3A_257, %sub3A_258 : vector<16xi32>
              %swap3A_260 = arith.constant 0 : i32
              %swap3A_261 = arith.index_cast %swap3A_260 : i32 to index
              %swap3A_262 = arith.constant 16 : index
              %swap3A_263 = tpu.vector_load %arg11[%swap3A_261, %swap3A_262] {strides = array<i32>} : memref<1x128xi32, #tpu.memory_space<vmem>>, vector<16xi32>,
              tpu.vector_store %arg11[%swap3A_261, %swap3A_262], %sub3A_259 {strides = array<i32>} : memref<1x128xi32, #tpu.memory_space<vmem>>, vector<16xi32>,
              %add3A_264 = arith.constant 32 : i32
              %add3A_265 = arith.addi %mul3A_245, %add3A_264 : i32
              %get3A_266 = arith.index_cast %add3A_265 : i32 to index
              %get3A_267 = tpu.vector_load %arg9[%get3A_266] {strides = array<i32>} : memref<4112xi32, #tpu.memory_space<vmem>>, vector<16xi32>,
              %sub3A_268 = vector.broadcast %mul3A_18 : i32 to vector<16xi32>
              %sub3A_269 = arith.subi %get3A_267, %sub3A_268 : vector<16xi32>
              %swap3A_270 = arith.constant 0 : i32
              %swap3A_271 = arith.index_cast %swap3A_270 : i32 to index
              %swap3A_272 = arith.constant 32 : index
              %swap3A_273 = tpu.vector_load %arg11[%swap3A_271, %swap3A_272] {strides = array<i32>} : memref<1x128xi32, #tpu.memory_space<vmem>>, vector<16xi32>,
              tpu.vector_store %arg11[%swap3A_271, %swap3A_272], %sub3A_269 {strides = array<i32>} : memref<1x128xi32, #tpu.memory_space<vmem>>, vector<16xi32>,
              %add3A_274 = arith.constant 48 : i32
              %add3A_275 = arith.addi %mul3A_245, %add3A_274 : i32
              %get3A_276 = arith.index_cast %add3A_275 : i32 to index
              %get3A_277 = tpu.vector_load %arg9[%get3A_276] {strides = array<i32>} : memref<4112xi32, #tpu.memory_space<vmem>>, vector<16xi32>,
              %sub3A_278 = vector.broadcast %mul3A_18 : i32 to vector<16xi32>
              %sub3A_279 = arith.subi %get3A_277, %sub3A_278 : vector<16xi32>
              %swap3A_280 = arith.constant 0 : i32
              %swap3A_281 = arith.index_cast %swap3A_280 : i32 to index
              %swap3A_282 = arith.constant 48 : index
              %swap3A_283 = tpu.vector_load %arg11[%swap3A_281, %swap3A_282] {strides = array<i32>} : memref<1x128xi32, #tpu.memory_space<vmem>>, vector<16xi32>,
              tpu.vector_store %arg11[%swap3A_281, %swap3A_282], %sub3A_279 {strides = array<i32>} : memref<1x128xi32, #tpu.memory_space<vmem>>, vector<16xi32>,
              %add3A_284 = arith.constant 64 : i32
              %add3A_285 = arith.addi %mul3A_245, %add3A_284 : i32
              %get3A_286 = arith.index_cast %add3A_285 : i32 to index
              %get3A_287 = tpu.vector_load %arg9[%get3A_286] {strides = array<i32>} : memref<4112xi32, #tpu.memory_space<vmem>>, vector<16xi32>,
              %sub3A_288 = vector.broadcast %mul3A_18 : i32 to vector<16xi32>
              %sub3A_289 = arith.subi %get3A_287, %sub3A_288 : vector<16xi32>
              %swap3A_290 = arith.constant 0 : i32
              %swap3A_291 = arith.index_cast %swap3A_290 : i32 to index
              %swap3A_292 = arith.constant 64 : index
              %swap3A_293 = tpu.vector_load %arg11[%swap3A_291, %swap3A_292] {strides = array<i32>} : memref<1x128xi32, #tpu.memory_space<vmem>>, vector<16xi32>,
              tpu.vector_store %arg11[%swap3A_291, %swap3A_292], %sub3A_289 {strides = array<i32>} : memref<1x128xi32, #tpu.memory_space<vmem>>, vector<16xi32>,
              %add3A_294 = arith.constant 80 : i32
              %add3A_295 = arith.addi %mul3A_245, %add3A_294 : i32
              %get3A_296 = arith.index_cast %add3A_295 : i32 to index
              %get3A_297 = tpu.vector_load %arg9[%get3A_296] {strides = array<i32>} : memref<4112xi32, #tpu.memory_space<vmem>>, vector<16xi32>,
              %sub3A_298 = vector.broadcast %mul3A_18 : i32 to vector<16xi32>
              %sub3A_299 = arith.subi %get3A_297, %sub3A_298 : vector<16xi32>
              %swap3A_300 = arith.constant 0 : i32
              %swap3A_301 = arith.index_cast %swap3A_300 : i32 to index
              %swap3A_302 = arith.constant 80 : index
              %swap3A_303 = tpu.vector_load %arg11[%swap3A_301, %swap3A_302] {strides = array<i32>} : memref<1x128xi32, #tpu.memory_space<vmem>>, vector<16xi32>,
              tpu.vector_store %arg11[%swap3A_301, %swap3A_302], %sub3A_299 {strides = array<i32>} : memref<1x128xi32, #tpu.memory_space<vmem>>, vector<16xi32>,
              %add3A_304 = arith.constant 96 : i32
              %add3A_305 = arith.addi %mul3A_245, %add3A_304 : i32
              %get3A_306 = arith.index_cast %add3A_305 : i32 to index
              %get3A_307 = tpu.vector_load %arg9[%get3A_306] {strides = array<i32>} : memref<4112xi32, #tpu.memory_space<vmem>>, vector<16xi32>,
              %sub3A_308 = vector.broadcast %mul3A_18 : i32 to vector<16xi32>
              %sub3A_309 = arith.subi %get3A_307, %sub3A_308 : vector<16xi32>
              %swap3A_310 = arith.constant 0 : i32
              %swap3A_311 = arith.index_cast %swap3A_310 : i32 to index
              %swap3A_312 = arith.constant 96 : index
              %swap3A_313 = tpu.vector_load %arg11[%swap3A_311, %swap3A_312] {strides = array<i32>} : memref<1x128xi32, #tpu.memory_space<vmem>>, vector<16xi32>,
              tpu.vector_store %arg11[%swap3A_311, %swap3A_312], %sub3A_309 {strides = array<i32>} : memref<1x128xi32, #tpu.memory_space<vmem>>, vector<16xi32>,
              %add3A_314 = arith.constant 112 : i32
              %add3A_315 = arith.addi %mul3A_245, %add3A_314 : i32
              %get3A_316 = arith.index_cast %add3A_315 : i32 to index
              %get3A_317 = tpu.vector_load %arg9[%get3A_316] {strides = array<i32>} : memref<4112xi32, #tpu.memory_space<vmem>>, vector<16xi32>,
              %sub3A_318 = vector.broadcast %mul3A_18 : i32 to vector<16xi32>
              %sub3A_319 = arith.subi %get3A_317, %sub3A_318 : vector<16xi32>
              %swap3A_320 = arith.constant 0 : i32
              %swap3A_321 = arith.index_cast %swap3A_320 : i32 to index
              %swap3A_322 = arith.constant 112 : index
              %swap3A_323 = tpu.vector_load %arg11[%swap3A_321, %swap3A_322] {strides = array<i32>} : memref<1x128xi32, #tpu.memory_space<vmem>>, vector<16xi32>,
              tpu.vector_store %arg11[%swap3A_321, %swap3A_322], %sub3A_319 {strides = array<i32>} : memref<1x128xi32, #tpu.memory_space<vmem>>, vector<16xi32>,
              %parallel_loop3A_324 = arith.constant 0 : i32
              %parallel_loop3A_325 = arith.constant 128 : i32
              %parallel_loop3A_326 = arith.constant 1 : i32
              scf.for %parallel_loop3A_333 = %parallel_loop3A_324 to %parallel_loop3A_325 step %parallel_loop3A_326  : i32 {
                %parallel_loop3A_334 = arith.index_cast %parallel_loop3A_333 : i32 to index
                %parallel_loop3A_335 = arith.constant 96 : index
                %parallel_loop3A_336 = tpu.vector_load %arg12[%parallel_loop3A_334, %parallel_loop3A_335] {strides = array<i32>} : memref<128x112xf32, #tpu.memory_space<vmem>>, vector<16xf32>,
                %parallel_loop3A_337 = arith.index_cast %parallel_loop3A_333 : i32 to index
                %parallel_loop3A_338 = arith.constant 0 : index
                %parallel_loop3A_339 = tpu.vector_load %arg14[%parallel_loop3A_337, %parallel_loop3A_338] {strides = array<i32>} : memref<128x16xf32, #tpu.memory_space<vmem>>, vector<16xf32>,
                %parallel_loop3A_340 = arith.addf %parallel_loop3A_336, %parallel_loop3A_339 : vector<16xf32>
                %parallel_loop3A_341 = arith.constant 0.000000e+00 : f32
                %parallel_loop3A_342 = vector.broadcast %parallel_loop3A_341 : f32 to vector<16xf32>
                %parallel_loop3A_343 = arith.cmpf oge, %parallel_loop3A_340, %parallel_loop3A_342 : vector<16xf32>
                %parallel_loop3A_344 = arith.constant 2.000000e-01 : f32
                %parallel_loop3A_345 = vector.broadcast %parallel_loop3A_344 : f32 to vector<16xf32>
                %parallel_loop3A_346 = arith.mulf %parallel_loop3A_340, %parallel_loop3A_345 : vector<16xf32>
                %parallel_loop3A_347 = arith.select %parallel_loop3A_343, %parallel_loop3A_340, %parallel_loop3A_346 : vector<16xi1>, vector<16xf32>
                %parallel_loop3A_348 = math.exp %parallel_loop3A_347 : vector<16xf32>
                %parallel_loop3A_349 = arith.addi %mul3A_245, %parallel_loop3A_333 : i32
                %parallel_loop3A_350 = arith.cmpi slt, %parallel_loop3A_349, %parallel_loop3A_134 : i32
                %parallel_loop3A_351 = arith.extui %parallel_loop3A_350 : i1 to i32
                %parallel_loop3A_352 = arith.sitofp %parallel_loop3A_351 : i32 to f32
                %parallel_loop3A_353 = vector.broadcast %parallel_loop3A_352 : f32 to vector<16xf32>
                %parallel_loop3A_354 = arith.mulf %parallel_loop3A_348, %parallel_loop3A_353 : vector<16xf32>
                %parallel_loop3A_355 = arith.index_cast %parallel_loop3A_333 : i32 to index
                %parallel_loop3A_356 = arith.constant 96 : index
                %parallel_loop3A_357 = tpu.vector_load %arg12[%parallel_loop3A_355, %parallel_loop3A_356] {strides = array<i32>} : memref<128x112xf32, #tpu.memory_space<vmem>>, vector<16xf32>,
                tpu.vector_store %arg12[%parallel_loop3A_355, %parallel_loop3A_356], %parallel_loop3A_354 {strides = array<i32>} : memref<128x112xf32, #tpu.memory_space<vmem>>, vector<16xf32>,
                %parallel_loop3A_358 = vector.broadcast %parallel_loop3A_333 : i32 to vector<16xi32>
                %parallel_loop3A_359 = arith.constant 96 : i32
                %parallel_loop3A_360 = vector.broadcast %parallel_loop3A_359 : i32 to vector<16xi32>
                %parallel_loop3A_361 = tpu.vector_load_idx %arg12[%parallel_loop3A_358, %parallel_loop3A_360] : memref<128x112xf32, #tpu.memory_space<vmem>>[vector<16xi32>, vector<16xi32>], vector<16xf32>,
                %parallel_loop3A_362 = arith.index_cast %parallel_loop3A_333 : i32 to index
                %parallel_loop3A_363 = arith.constant 0 : index
                %parallel_loop3A_364 = tpu.vector_load %arg12[%parallel_loop3A_362, %parallel_loop3A_363] {strides = array<i32>} : memref<128x112xf32, #tpu.memory_space<vmem>>, vector<16xf32>,
                %parallel_loop3A_365 = arith.mulf %parallel_loop3A_364, %parallel_loop3A_361 : vector<16xf32>
                %parallel_loop3A_366 = arith.index_cast %parallel_loop3A_333 : i32 to index
                %parallel_loop3A_367 = arith.constant 0 : index
                %parallel_loop3A_368 = tpu.vector_load %arg12[%parallel_loop3A_366, %parallel_loop3A_367] {strides = array<i32>} : memref<128x112xf32, #tpu.memory_space<vmem>>, vector<16xf32>,
                tpu.vector_store %arg12[%parallel_loop3A_366, %parallel_loop3A_367], %parallel_loop3A_365 {strides = array<i32>} : memref<128x112xf32, #tpu.memory_space<vmem>>, vector<16xf32>,
                %parallel_loop3A_369 = arith.constant 97 : i32
                %parallel_loop3A_370 = vector.broadcast %parallel_loop3A_369 : i32 to vector<16xi32>
                %parallel_loop3A_371 = tpu.vector_load_idx %arg12[%parallel_loop3A_358, %parallel_loop3A_370] : memref<128x112xf32, #tpu.memory_space<vmem>>[vector<16xi32>, vector<16xi32>], vector<16xf32>,
                %parallel_loop3A_372 = arith.index_cast %parallel_loop3A_333 : i32 to index
                %parallel_loop3A_373 = arith.constant 16 : index
                %parallel_loop3A_374 = tpu.vector_load %arg12[%parallel_loop3A_372, %parallel_loop3A_373] {strides = array<i32>} : memref<128x112xf32, #tpu.memory_space<vmem>>, vector<16xf32>,
                %parallel_loop3A_375 = arith.mulf %parallel_loop3A_374, %parallel_loop3A_371 : vector<16xf32>
                %parallel_loop3A_376 = arith.index_cast %parallel_loop3A_333 : i32 to index
                %parallel_loop3A_377 = arith.constant 16 : index
                %parallel_loop3A_378 = tpu.vector_load %arg12[%parallel_loop3A_376, %parallel_loop3A_377] {strides = array<i32>} : memref<128x112xf32, #tpu.memory_space<vmem>>, vector<16xf32>,
                tpu.vector_store %arg12[%parallel_loop3A_376, %parallel_loop3A_377], %parallel_loop3A_375 {strides = array<i32>} : memref<128x112xf32, #tpu.memory_space<vmem>>, vector<16xf32>,
                %parallel_loop3A_379 = arith.constant 98 : i32
                %parallel_loop3A_380 = vector.broadcast %parallel_loop3A_379 : i32 to vector<16xi32>
                %parallel_loop3A_381 = tpu.vector_load_idx %arg12[%parallel_loop3A_358, %parallel_loop3A_380] : memref<128x112xf32, #tpu.memory_space<vmem>>[vector<16xi32>, vector<16xi32>], vector<16xf32>,
                %parallel_loop3A_382 = arith.index_cast %parallel_loop3A_333 : i32 to index
                %parallel_loop3A_383 = arith.constant 32 : index
                %parallel_loop3A_384 = tpu.vector_load %arg12[%parallel_loop3A_382, %parallel_loop3A_383] {strides = array<i32>} : memref<128x112xf32, #tpu.memory_space<vmem>>, vector<16xf32>,
                %parallel_loop3A_385 = arith.mulf %parallel_loop3A_384, %parallel_loop3A_381 : vector<16xf32>
                %parallel_loop3A_386 = arith.index_cast %parallel_loop3A_333 : i32 to index
                %parallel_loop3A_387 = arith.constant 32 : index
                %parallel_loop3A_388 = tpu.vector_load %arg12[%parallel_loop3A_386, %parallel_loop3A_387] {strides = array<i32>} : memref<128x112xf32, #tpu.memory_space<vmem>>, vector<16xf32>,
                tpu.vector_store %arg12[%parallel_loop3A_386, %parallel_loop3A_387], %parallel_loop3A_385 {strides = array<i32>} : memref<128x112xf32, #tpu.memory_space<vmem>>, vector<16xf32>,
                %parallel_loop3A_389 = arith.constant 99 : i32
                %parallel_loop3A_390 = vector.broadcast %parallel_loop3A_389 : i32 to vector<16xi32>
                %parallel_loop3A_391 = tpu.vector_load_idx %arg12[%parallel_loop3A_358, %parallel_loop3A_390] : memref<128x112xf32, #tpu.memory_space<vmem>>[vector<16xi32>, vector<16xi32>], vector<16xf32>,
                %parallel_loop3A_392 = arith.index_cast %parallel_loop3A_333 : i32 to index
                %parallel_loop3A_393 = arith.constant 48 : index
                %parallel_loop3A_394 = tpu.vector_load %arg12[%parallel_loop3A_392, %parallel_loop3A_393] {strides = array<i32>} : memref<128x112xf32, #tpu.memory_space<vmem>>, vector<16xf32>,
                %parallel_loop3A_395 = arith.mulf %parallel_loop3A_394, %parallel_loop3A_391 : vector<16xf32>
                %parallel_loop3A_396 = arith.index_cast %parallel_loop3A_333 : i32 to index
                %parallel_loop3A_397 = arith.constant 48 : index
                %parallel_loop3A_398 = tpu.vector_load %arg12[%parallel_loop3A_396, %parallel_loop3A_397] {strides = array<i32>} : memref<128x112xf32, #tpu.memory_space<vmem>>, vector<16xf32>,
                tpu.vector_store %arg12[%parallel_loop3A_396, %parallel_loop3A_397], %parallel_loop3A_395 {strides = array<i32>} : memref<128x112xf32, #tpu.memory_space<vmem>>, vector<16xf32>,
                %parallel_loop3A_399 = arith.constant 100 : i32
                %parallel_loop3A_400 = vector.broadcast %parallel_loop3A_399 : i32 to vector<16xi32>
                %parallel_loop3A_401 = tpu.vector_load_idx %arg12[%parallel_loop3A_358, %parallel_loop3A_400] : memref<128x112xf32, #tpu.memory_space<vmem>>[vector<16xi32>, vector<16xi32>], vector<16xf32>,
                %parallel_loop3A_402 = arith.index_cast %parallel_loop3A_333 : i32 to index
                %parallel_loop3A_403 = arith.constant 64 : index
                %parallel_loop3A_404 = tpu.vector_load %arg12[%parallel_loop3A_402, %parallel_loop3A_403] {strides = array<i32>} : memref<128x112xf32, #tpu.memory_space<vmem>>, vector<16xf32>,
                %parallel_loop3A_405 = arith.mulf %parallel_loop3A_404, %parallel_loop3A_401 : vector<16xf32>
                %parallel_loop3A_406 = arith.index_cast %parallel_loop3A_333 : i32 to index
                %parallel_loop3A_407 = arith.constant 64 : index
                %parallel_loop3A_408 = tpu.vector_load %arg12[%parallel_loop3A_406, %parallel_loop3A_407] {strides = array<i32>} : memref<128x112xf32, #tpu.memory_space<vmem>>, vector<16xf32>,
                tpu.vector_store %arg12[%parallel_loop3A_406, %parallel_loop3A_407], %parallel_loop3A_405 {strides = array<i32>} : memref<128x112xf32, #tpu.memory_space<vmem>>, vector<16xf32>,
                %parallel_loop3A_409 = arith.constant 101 : i32
                %parallel_loop3A_410 = vector.broadcast %parallel_loop3A_409 : i32 to vector<16xi32>
                %parallel_loop3A_411 = tpu.vector_load_idx %arg12[%parallel_loop3A_358, %parallel_loop3A_410] : memref<128x112xf32, #tpu.memory_space<vmem>>[vector<16xi32>, vector<16xi32>], vector<16xf32>,
                %parallel_loop3A_412 = arith.index_cast %parallel_loop3A_333 : i32 to index
                %parallel_loop3A_413 = arith.constant 80 : index
                %parallel_loop3A_414 = tpu.vector_load %arg12[%parallel_loop3A_412, %parallel_loop3A_413] {strides = array<i32>} : memref<128x112xf32, #tpu.memory_space<vmem>>, vector<16xf32>,
                %parallel_loop3A_415 = arith.mulf %parallel_loop3A_414, %parallel_loop3A_411 : vector<16xf32>
                %parallel_loop3A_416 = arith.index_cast %parallel_loop3A_333 : i32 to index
                %parallel_loop3A_417 = arith.constant 80 : index
                %parallel_loop3A_418 = tpu.vector_load %arg12[%parallel_loop3A_416, %parallel_loop3A_417] {strides = array<i32>} : memref<128x112xf32, #tpu.memory_space<vmem>>, vector<16xf32>,
                tpu.vector_store %arg12[%parallel_loop3A_416, %parallel_loop3A_417], %parallel_loop3A_415 {strides = array<i32>} : memref<128x112xf32, #tpu.memory_space<vmem>>, vector<16xf32>,
              } {sc.loop_unroll_factor = 4 : i64, sc.parallel_access}
              %run_scoped3A = arith.constant 0 : i32
              "tpu.region"() ({
                %run_scoped3A_333 = tpu.sem_alloc : memref<!tpu.dma_semaphore, #tpu.memory_space<semaphore_mem>>
                %dma_start3A_334 = arith.constant 0 : i32
                %dma_start3A_335 = tpu.memref_slice %arg11[%run_scoped3A, %dma_start3A_334] : memref<1x128xi32, #tpu.memory_space<vmem>> -> memref<1x128xi32, #tpu.memory_space<vmem>>
                %dma_start3A_336 = tpu.memref_squeeze %dma_start3A_335 : memref<1x128xi32, #tpu.memory_space<vmem>> -> memref<128xi32, #tpu.memory_space<vmem>>
                %dma_start3A_337 = arith.constant 0 : i32
                %dma_start3A_338 = arith.constant 0 : i32
                %dma_start3A_339 = tpu.memref_slice %arg18[%dma_start3A_337, %dma_start3A_338] : memref<10560x112xf32, #tpu.memory_space<vmem_shared>> -> memref<10560x112xf32, #tpu.memory_space<vmem_shared>>
                tpu.enqueue_indirect_dma source(%arg12 : memref<128x112xf32, #tpu.memory_space<vmem>>) target(%dma_start3A_339 : memref<10560x112xf32, #tpu.memory_space<vmem_shared>>) offsets(%dma_start3A_336 : memref<128xi32, #tpu.memory_space<vmem>>) semaphore(%run_scoped3A_333 : memref<!tpu.dma_semaphore, #tpu.memory_space<semaphore_mem>>) {add = true}
                %dma_wait3A_340 = arith.constant 0 : i32
                %dma_wait3A_341 = tpu.memref_slice %arg11[%run_scoped3A, %dma_wait3A_340] : memref<1x128xi32, #tpu.memory_space<vmem>> -> memref<1x128xi32, #tpu.memory_space<vmem>>
                %dma_wait3A_342 = tpu.memref_squeeze %dma_wait3A_341 : memref<1x128xi32, #tpu.memory_space<vmem>> -> memref<128xi32, #tpu.memory_space<vmem>>
                %dma_wait3A_343 = arith.constant 0 : i32
                %dma_wait3A_344 = arith.constant 0 : i32
                %dma_wait3A_345 = tpu.memref_slice %arg18[%dma_wait3A_343, %dma_wait3A_344] : memref<10560x112xf32, #tpu.memory_space<vmem_shared>> -> memref<10560x112xf32, #tpu.memory_space<vmem_shared>>
                tpu.wait_indirect_dma semaphore(%run_scoped3A_333 : memref<!tpu.dma_semaphore, #tpu.memory_space<semaphore_mem>>) src(%arg12 : memref<128x112xf32, #tpu.memory_space<vmem>>) dst(%dma_wait3A_345 : memref<10560x112xf32, #tpu.memory_space<vmem_shared>>)
                tpu.yield
              }) : () -> ()
              %add3A_327 = arith.constant 2 : i32
              %add3A_328 = arith.addi %add3A_221, %add3A_327 : i32
              %lt3A_329 = arith.cmpi slt, %add3A_328, %select_n3A_167 : i32
              %convert_element_type3A_330 = arith.extui %lt3A_329 : i1 to i32
              %cond3A_331 = arith.constant 0 : i32
              %cond3A_332 = arith.cmpi ne, %convert_element_type3A_330, %cond3A_331 : i32
              scf.if %cond3A_332 {
                %add3A_333 = arith.constant 2 : i32
                %add3A_334 = arith.addi %add3A_221, %add3A_333 : i32
                %mul3A_335 = arith.constant 128 : i32
                %mul3A_336 = arith.muli %add3A_334, %mul3A_335 : i32
                %dma_start3A_337 = tpu.memref_slice %arg10[%mul3A_336] : memref<4112xi32, #tpu.memory_space<vmem>> -> memref<128xi32, #tpu.memory_space<vmem>>
                %dma_start3A_338 = arith.constant 0 : i32
                %dma_start3A_339 = arith.constant 0 : i32
                %dma_start3A_340 = tpu.memref_slice %arg4[%dma_start3A_338, %dma_start3A_339] : memref<105600x112xf32, #tpu.memory_space<hbm>> -> memref<105600x112xf32, #tpu.memory_space<hbm>>
                tpu.enqueue_indirect_dma source(%dma_start3A_340 : memref<105600x112xf32, #tpu.memory_space<hbm>>) target(%arg12 : memref<128x112xf32, #tpu.memory_space<vmem>>) offsets(%dma_start3A_337 : memref<128xi32, #tpu.memory_space<vmem>>) semaphore(%arg19 : memref<!tpu.dma_semaphore, #tpu.memory_space<semaphore_mem>>)
                %dma_start3A_341 = tpu.memref_slice %arg9[%mul3A_336] : memref<4112xi32, #tpu.memory_space<vmem>> -> memref<128xi32, #tpu.memory_space<vmem>>
                %dma_start3A_342 = arith.constant 0 : i32
                %dma_start3A_343 = arith.constant 0 : i32
                %dma_start3A_344 = tpu.memref_slice %arg5[%dma_start3A_342, %dma_start3A_343] : memref<105600x16xf32, #tpu.memory_space<hbm>> -> memref<105600x16xf32, #tpu.memory_space<hbm>>
                tpu.enqueue_indirect_dma source(%dma_start3A_344 : memref<105600x16xf32, #tpu.memory_space<hbm>>) target(%arg14 : memref<128x16xf32, #tpu.memory_space<vmem>>) offsets(%dma_start3A_341 : memref<128xi32, #tpu.memory_space<vmem>>) semaphore(%arg21 : memref<!tpu.dma_semaphore, #tpu.memory_space<semaphore_mem>>)
              } else {
              }
            } else {
            }
            %mul3A_225 = arith.constant 2 : i32
            %mul3A_226 = arith.muli %while3A_216, %mul3A_225 : i32
            %add3A_227 = arith.constant 1 : i32
            %add3A_228 = arith.addi %mul3A_226, %add3A_227 : i32
            %lt3A_229 = arith.cmpi slt, %add3A_228, %select_n3A_167 : i32
            %convert_element_type3A_230 = arith.extui %lt3A_229 : i1 to i32
            %cond3A_231 = arith.constant 0 : i32
            %cond3A_232 = arith.cmpi ne, %convert_element_type3A_230, %cond3A_231 : i32
            scf.if %cond3A_232 {
              %dma_wait3A_234 = arith.constant 0 : i32
              %dma_wait3A_235 = tpu.memref_slice %arg10[%dma_wait3A_234] : memref<4112xi32, #tpu.memory_space<vmem>> -> memref<128xi32, #tpu.memory_space<vmem>>
              %dma_wait3A_236 = arith.constant 0 : i32
              %dma_wait3A_237 = arith.constant 0 : i32
              %dma_wait3A_238 = tpu.memref_slice %arg4[%dma_wait3A_236, %dma_wait3A_237] : memref<105600x112xf32, #tpu.memory_space<hbm>> -> memref<105600x112xf32, #tpu.memory_space<hbm>>
              tpu.wait_indirect_dma semaphore(%arg20 : memref<!tpu.dma_semaphore, #tpu.memory_space<semaphore_mem>>) src(%dma_wait3A_238 : memref<105600x112xf32, #tpu.memory_space<hbm>>) dst(%arg13 : memref<128x112xf32, #tpu.memory_space<vmem>>)
              %dma_wait3A_239 = arith.constant 0 : i32
              %dma_wait3A_240 = tpu.memref_slice %arg9[%dma_wait3A_239] : memref<4112xi32, #tpu.memory_space<vmem>> -> memref<128xi32, #tpu.memory_space<vmem>>
              %dma_wait3A_241 = arith.constant 0 : i32
              %dma_wait3A_242 = arith.constant 0 : i32
              %dma_wait3A_243 = tpu.memref_slice %arg5[%dma_wait3A_241, %dma_wait3A_242] : memref<105600x16xf32, #tpu.memory_space<hbm>> -> memref<105600x16xf32, #tpu.memory_space<hbm>>
              tpu.wait_indirect_dma semaphore(%arg22 : memref<!tpu.dma_semaphore, #tpu.memory_space<semaphore_mem>>) src(%dma_wait3A_243 : memref<105600x16xf32, #tpu.memory_space<hbm>>) dst(%arg15 : memref<128x16xf32, #tpu.memory_space<vmem>>)
              %mul3A_244 = arith.constant 128 : i32
              %mul3A_245 = arith.muli %add3A_228, %mul3A_244 : i32
              %add3A_246 = arith.constant 0 : i32
              %add3A_247 = arith.addi %mul3A_245, %add3A_246 : i32
              %get3A = arith.index_cast %add3A_247 : i32 to index
              %get3A_248 = tpu.vector_load %arg9[%get3A] {strides = array<i32>} : memref<4112xi32, #tpu.memory_space<vmem>>, vector<16xi32>,
              %sub3A_249 = vector.broadcast %mul3A_18 : i32 to vector<16xi32>
              %sub3A_250 = arith.subi %get3A_248, %sub3A_249 : vector<16xi32>
              %swap3A = arith.constant 0 : i32
              %swap3A_251 = arith.index_cast %swap3A : i32 to index
              %swap3A_252 = arith.constant 0 : index
              %swap3A_253 = tpu.vector_load %arg11[%swap3A_251, %swap3A_252] {strides = array<i32>} : memref<1x128xi32, #tpu.memory_space<vmem>>, vector<16xi32>,
              tpu.vector_store %arg11[%swap3A_251, %swap3A_252], %sub3A_250 {strides = array<i32>} : memref<1x128xi32, #tpu.memory_space<vmem>>, vector<16xi32>,
              %add3A_254 = arith.constant 16 : i32
              %add3A_255 = arith.addi %mul3A_245, %add3A_254 : i32
              %get3A_256 = arith.index_cast %add3A_255 : i32 to index
              %get3A_257 = tpu.vector_load %arg9[%get3A_256] {strides = array<i32>} : memref<4112xi32, #tpu.memory_space<vmem>>, vector<16xi32>,
              %sub3A_258 = vector.broadcast %mul3A_18 : i32 to vector<16xi32>
              %sub3A_259 = arith.subi %get3A_257, %sub3A_258 : vector<16xi32>
              %swap3A_260 = arith.constant 0 : i32
              %swap3A_261 = arith.index_cast %swap3A_260 : i32 to index
              %swap3A_262 = arith.constant 16 : index
              %swap3A_263 = tpu.vector_load %arg11[%swap3A_261, %swap3A_262] {strides = array<i32>} : memref<1x128xi32, #tpu.memory_space<vmem>>, vector<16xi32>,
              tpu.vector_store %arg11[%swap3A_261, %swap3A_262], %sub3A_259 {strides = array<i32>} : memref<1x128xi32, #tpu.memory_space<vmem>>, vector<16xi32>,
              %add3A_264 = arith.constant 32 : i32
              %add3A_265 = arith.addi %mul3A_245, %add3A_264 : i32
              %get3A_266 = arith.index_cast %add3A_265 : i32 to index
              %get3A_267 = tpu.vector_load %arg9[%get3A_266] {strides = array<i32>} : memref<4112xi32, #tpu.memory_space<vmem>>, vector<16xi32>,
              %sub3A_268 = vector.broadcast %mul3A_18 : i32 to vector<16xi32>
              %sub3A_269 = arith.subi %get3A_267, %sub3A_268 : vector<16xi32>
              %swap3A_270 = arith.constant 0 : i32
              %swap3A_271 = arith.index_cast %swap3A_270 : i32 to index
              %swap3A_272 = arith.constant 32 : index
              %swap3A_273 = tpu.vector_load %arg11[%swap3A_271, %swap3A_272] {strides = array<i32>} : memref<1x128xi32, #tpu.memory_space<vmem>>, vector<16xi32>,
              tpu.vector_store %arg11[%swap3A_271, %swap3A_272], %sub3A_269 {strides = array<i32>} : memref<1x128xi32, #tpu.memory_space<vmem>>, vector<16xi32>,
              %add3A_274 = arith.constant 48 : i32
              %add3A_275 = arith.addi %mul3A_245, %add3A_274 : i32
              %get3A_276 = arith.index_cast %add3A_275 : i32 to index
              %get3A_277 = tpu.vector_load %arg9[%get3A_276] {strides = array<i32>} : memref<4112xi32, #tpu.memory_space<vmem>>, vector<16xi32>,
              %sub3A_278 = vector.broadcast %mul3A_18 : i32 to vector<16xi32>
              %sub3A_279 = arith.subi %get3A_277, %sub3A_278 : vector<16xi32>
              %swap3A_280 = arith.constant 0 : i32
              %swap3A_281 = arith.index_cast %swap3A_280 : i32 to index
              %swap3A_282 = arith.constant 48 : index
              %swap3A_283 = tpu.vector_load %arg11[%swap3A_281, %swap3A_282] {strides = array<i32>} : memref<1x128xi32, #tpu.memory_space<vmem>>, vector<16xi32>,
              tpu.vector_store %arg11[%swap3A_281, %swap3A_282], %sub3A_279 {strides = array<i32>} : memref<1x128xi32, #tpu.memory_space<vmem>>, vector<16xi32>,
              %add3A_284 = arith.constant 64 : i32
              %add3A_285 = arith.addi %mul3A_245, %add3A_284 : i32
              %get3A_286 = arith.index_cast %add3A_285 : i32 to index
              %get3A_287 = tpu.vector_load %arg9[%get3A_286] {strides = array<i32>} : memref<4112xi32, #tpu.memory_space<vmem>>, vector<16xi32>,
              %sub3A_288 = vector.broadcast %mul3A_18 : i32 to vector<16xi32>
              %sub3A_289 = arith.subi %get3A_287, %sub3A_288 : vector<16xi32>
              %swap3A_290 = arith.constant 0 : i32
              %swap3A_291 = arith.index_cast %swap3A_290 : i32 to index
              %swap3A_292 = arith.constant 64 : index
              %swap3A_293 = tpu.vector_load %arg11[%swap3A_291, %swap3A_292] {strides = array<i32>} : memref<1x128xi32, #tpu.memory_space<vmem>>, vector<16xi32>,
              tpu.vector_store %arg11[%swap3A_291, %swap3A_292], %sub3A_289 {strides = array<i32>} : memref<1x128xi32, #tpu.memory_space<vmem>>, vector<16xi32>,
              %add3A_294 = arith.constant 80 : i32
              %add3A_295 = arith.addi %mul3A_245, %add3A_294 : i32
              %get3A_296 = arith.index_cast %add3A_295 : i32 to index
              %get3A_297 = tpu.vector_load %arg9[%get3A_296] {strides = array<i32>} : memref<4112xi32, #tpu.memory_space<vmem>>, vector<16xi32>,
              %sub3A_298 = vector.broadcast %mul3A_18 : i32 to vector<16xi32>
              %sub3A_299 = arith.subi %get3A_297, %sub3A_298 : vector<16xi32>
              %swap3A_300 = arith.constant 0 : i32
              %swap3A_301 = arith.index_cast %swap3A_300 : i32 to index
              %swap3A_302 = arith.constant 80 : index
              %swap3A_303 = tpu.vector_load %arg11[%swap3A_301, %swap3A_302] {strides = array<i32>} : memref<1x128xi32, #tpu.memory_space<vmem>>, vector<16xi32>,
              tpu.vector_store %arg11[%swap3A_301, %swap3A_302], %sub3A_299 {strides = array<i32>} : memref<1x128xi32, #tpu.memory_space<vmem>>, vector<16xi32>,
              %add3A_304 = arith.constant 96 : i32
              %add3A_305 = arith.addi %mul3A_245, %add3A_304 : i32
              %get3A_306 = arith.index_cast %add3A_305 : i32 to index
              %get3A_307 = tpu.vector_load %arg9[%get3A_306] {strides = array<i32>} : memref<4112xi32, #tpu.memory_space<vmem>>, vector<16xi32>,
              %sub3A_308 = vector.broadcast %mul3A_18 : i32 to vector<16xi32>
              %sub3A_309 = arith.subi %get3A_307, %sub3A_308 : vector<16xi32>
              %swap3A_310 = arith.constant 0 : i32
              %swap3A_311 = arith.index_cast %swap3A_310 : i32 to index
              %swap3A_312 = arith.constant 96 : index
              %swap3A_313 = tpu.vector_load %arg11[%swap3A_311, %swap3A_312] {strides = array<i32>} : memref<1x128xi32, #tpu.memory_space<vmem>>, vector<16xi32>,
              tpu.vector_store %arg11[%swap3A_311, %swap3A_312], %sub3A_309 {strides = array<i32>} : memref<1x128xi32, #tpu.memory_space<vmem>>, vector<16xi32>,
              %add3A_314 = arith.constant 112 : i32
              %add3A_315 = arith.addi %mul3A_245, %add3A_314 : i32
              %get3A_316 = arith.index_cast %add3A_315 : i32 to index
              %get3A_317 = tpu.vector_load %arg9[%get3A_316] {strides = array<i32>} : memref<4112xi32, #tpu.memory_space<vmem>>, vector<16xi32>,
              %sub3A_318 = vector.broadcast %mul3A_18 : i32 to vector<16xi32>
              %sub3A_319 = arith.subi %get3A_317, %sub3A_318 : vector<16xi32>
              %swap3A_320 = arith.constant 0 : i32
              %swap3A_321 = arith.index_cast %swap3A_320 : i32 to index
              %swap3A_322 = arith.constant 112 : index
              %swap3A_323 = tpu.vector_load %arg11[%swap3A_321, %swap3A_322] {strides = array<i32>} : memref<1x128xi32, #tpu.memory_space<vmem>>, vector<16xi32>,
              tpu.vector_store %arg11[%swap3A_321, %swap3A_322], %sub3A_319 {strides = array<i32>} : memref<1x128xi32, #tpu.memory_space<vmem>>, vector<16xi32>,
              %parallel_loop3A_324 = arith.constant 0 : i32
              %parallel_loop3A_325 = arith.constant 128 : i32
              %parallel_loop3A_326 = arith.constant 1 : i32
              scf.for %parallel_loop3A_333 = %parallel_loop3A_324 to %parallel_loop3A_325 step %parallel_loop3A_326  : i32 {
                %parallel_loop3A_334 = arith.index_cast %parallel_loop3A_333 : i32 to index
                %parallel_loop3A_335 = arith.constant 96 : index
                %parallel_loop3A_336 = tpu.vector_load %arg13[%parallel_loop3A_334, %parallel_loop3A_335] {strides = array<i32>} : memref<128x112xf32, #tpu.memory_space<vmem>>, vector<16xf32>,
                %parallel_loop3A_337 = arith.index_cast %parallel_loop3A_333 : i32 to index
                %parallel_loop3A_338 = arith.constant 0 : index
                %parallel_loop3A_339 = tpu.vector_load %arg15[%parallel_loop3A_337, %parallel_loop3A_338] {strides = array<i32>} : memref<128x16xf32, #tpu.memory_space<vmem>>, vector<16xf32>,
                %parallel_loop3A_340 = arith.addf %parallel_loop3A_336, %parallel_loop3A_339 : vector<16xf32>
                %parallel_loop3A_341 = arith.constant 0.000000e+00 : f32
                %parallel_loop3A_342 = vector.broadcast %parallel_loop3A_341 : f32 to vector<16xf32>
                %parallel_loop3A_343 = arith.cmpf oge, %parallel_loop3A_340, %parallel_loop3A_342 : vector<16xf32>
                %parallel_loop3A_344 = arith.constant 2.000000e-01 : f32
                %parallel_loop3A_345 = vector.broadcast %parallel_loop3A_344 : f32 to vector<16xf32>
                %parallel_loop3A_346 = arith.mulf %parallel_loop3A_340, %parallel_loop3A_345 : vector<16xf32>
                %parallel_loop3A_347 = arith.select %parallel_loop3A_343, %parallel_loop3A_340, %parallel_loop3A_346 : vector<16xi1>, vector<16xf32>
                %parallel_loop3A_348 = math.exp %parallel_loop3A_347 : vector<16xf32>
                %parallel_loop3A_349 = arith.addi %mul3A_245, %parallel_loop3A_333 : i32
                %parallel_loop3A_350 = arith.cmpi slt, %parallel_loop3A_349, %parallel_loop3A_134 : i32
                %parallel_loop3A_351 = arith.extui %parallel_loop3A_350 : i1 to i32
                %parallel_loop3A_352 = arith.sitofp %parallel_loop3A_351 : i32 to f32
                %parallel_loop3A_353 = vector.broadcast %parallel_loop3A_352 : f32 to vector<16xf32>
                %parallel_loop3A_354 = arith.mulf %parallel_loop3A_348, %parallel_loop3A_353 : vector<16xf32>
                %parallel_loop3A_355 = arith.index_cast %parallel_loop3A_333 : i32 to index
                %parallel_loop3A_356 = arith.constant 96 : index
                %parallel_loop3A_357 = tpu.vector_load %arg13[%parallel_loop3A_355, %parallel_loop3A_356] {strides = array<i32>} : memref<128x112xf32, #tpu.memory_space<vmem>>, vector<16xf32>,
                tpu.vector_store %arg13[%parallel_loop3A_355, %parallel_loop3A_356], %parallel_loop3A_354 {strides = array<i32>} : memref<128x112xf32, #tpu.memory_space<vmem>>, vector<16xf32>,
                %parallel_loop3A_358 = vector.broadcast %parallel_loop3A_333 : i32 to vector<16xi32>
                %parallel_loop3A_359 = arith.constant 96 : i32
                %parallel_loop3A_360 = vector.broadcast %parallel_loop3A_359 : i32 to vector<16xi32>
                %parallel_loop3A_361 = tpu.vector_load_idx %arg13[%parallel_loop3A_358, %parallel_loop3A_360] : memref<128x112xf32, #tpu.memory_space<vmem>>[vector<16xi32>, vector<16xi32>], vector<16xf32>,
                %parallel_loop3A_362 = arith.index_cast %parallel_loop3A_333 : i32 to index
                %parallel_loop3A_363 = arith.constant 0 : index
                %parallel_loop3A_364 = tpu.vector_load %arg13[%parallel_loop3A_362, %parallel_loop3A_363] {strides = array<i32>} : memref<128x112xf32, #tpu.memory_space<vmem>>, vector<16xf32>,
                %parallel_loop3A_365 = arith.mulf %parallel_loop3A_364, %parallel_loop3A_361 : vector<16xf32>
                %parallel_loop3A_366 = arith.index_cast %parallel_loop3A_333 : i32 to index
                %parallel_loop3A_367 = arith.constant 0 : index
                %parallel_loop3A_368 = tpu.vector_load %arg13[%parallel_loop3A_366, %parallel_loop3A_367] {strides = array<i32>} : memref<128x112xf32, #tpu.memory_space<vmem>>, vector<16xf32>,
                tpu.vector_store %arg13[%parallel_loop3A_366, %parallel_loop3A_367], %parallel_loop3A_365 {strides = array<i32>} : memref<128x112xf32, #tpu.memory_space<vmem>>, vector<16xf32>,
                %parallel_loop3A_369 = arith.constant 97 : i32
                %parallel_loop3A_370 = vector.broadcast %parallel_loop3A_369 : i32 to vector<16xi32>
                %parallel_loop3A_371 = tpu.vector_load_idx %arg13[%parallel_loop3A_358, %parallel_loop3A_370] : memref<128x112xf32, #tpu.memory_space<vmem>>[vector<16xi32>, vector<16xi32>], vector<16xf32>,
                %parallel_loop3A_372 = arith.index_cast %parallel_loop3A_333 : i32 to index
                %parallel_loop3A_373 = arith.constant 16 : index
                %parallel_loop3A_374 = tpu.vector_load %arg13[%parallel_loop3A_372, %parallel_loop3A_373] {strides = array<i32>} : memref<128x112xf32, #tpu.memory_space<vmem>>, vector<16xf32>,
                %parallel_loop3A_375 = arith.mulf %parallel_loop3A_374, %parallel_loop3A_371 : vector<16xf32>
                %parallel_loop3A_376 = arith.index_cast %parallel_loop3A_333 : i32 to index
                %parallel_loop3A_377 = arith.constant 16 : index
                %parallel_loop3A_378 = tpu.vector_load %arg13[%parallel_loop3A_376, %parallel_loop3A_377] {strides = array<i32>} : memref<128x112xf32, #tpu.memory_space<vmem>>, vector<16xf32>,
                tpu.vector_store %arg13[%parallel_loop3A_376, %parallel_loop3A_377], %parallel_loop3A_375 {strides = array<i32>} : memref<128x112xf32, #tpu.memory_space<vmem>>, vector<16xf32>,
                %parallel_loop3A_379 = arith.constant 98 : i32
                %parallel_loop3A_380 = vector.broadcast %parallel_loop3A_379 : i32 to vector<16xi32>
                %parallel_loop3A_381 = tpu.vector_load_idx %arg13[%parallel_loop3A_358, %parallel_loop3A_380] : memref<128x112xf32, #tpu.memory_space<vmem>>[vector<16xi32>, vector<16xi32>], vector<16xf32>,
                %parallel_loop3A_382 = arith.index_cast %parallel_loop3A_333 : i32 to index
                %parallel_loop3A_383 = arith.constant 32 : index
                %parallel_loop3A_384 = tpu.vector_load %arg13[%parallel_loop3A_382, %parallel_loop3A_383] {strides = array<i32>} : memref<128x112xf32, #tpu.memory_space<vmem>>, vector<16xf32>,
                %parallel_loop3A_385 = arith.mulf %parallel_loop3A_384, %parallel_loop3A_381 : vector<16xf32>
                %parallel_loop3A_386 = arith.index_cast %parallel_loop3A_333 : i32 to index
                %parallel_loop3A_387 = arith.constant 32 : index
                %parallel_loop3A_388 = tpu.vector_load %arg13[%parallel_loop3A_386, %parallel_loop3A_387] {strides = array<i32>} : memref<128x112xf32, #tpu.memory_space<vmem>>, vector<16xf32>,
                tpu.vector_store %arg13[%parallel_loop3A_386, %parallel_loop3A_387], %parallel_loop3A_385 {strides = array<i32>} : memref<128x112xf32, #tpu.memory_space<vmem>>, vector<16xf32>,
                %parallel_loop3A_389 = arith.constant 99 : i32
                %parallel_loop3A_390 = vector.broadcast %parallel_loop3A_389 : i32 to vector<16xi32>
                %parallel_loop3A_391 = tpu.vector_load_idx %arg13[%parallel_loop3A_358, %parallel_loop3A_390] : memref<128x112xf32, #tpu.memory_space<vmem>>[vector<16xi32>, vector<16xi32>], vector<16xf32>,
                %parallel_loop3A_392 = arith.index_cast %parallel_loop3A_333 : i32 to index
                %parallel_loop3A_393 = arith.constant 48 : index
                %parallel_loop3A_394 = tpu.vector_load %arg13[%parallel_loop3A_392, %parallel_loop3A_393] {strides = array<i32>} : memref<128x112xf32, #tpu.memory_space<vmem>>, vector<16xf32>,
                %parallel_loop3A_395 = arith.mulf %parallel_loop3A_394, %parallel_loop3A_391 : vector<16xf32>
                %parallel_loop3A_396 = arith.index_cast %parallel_loop3A_333 : i32 to index
                %parallel_loop3A_397 = arith.constant 48 : index
                %parallel_loop3A_398 = tpu.vector_load %arg13[%parallel_loop3A_396, %parallel_loop3A_397] {strides = array<i32>} : memref<128x112xf32, #tpu.memory_space<vmem>>, vector<16xf32>,
                tpu.vector_store %arg13[%parallel_loop3A_396, %parallel_loop3A_397], %parallel_loop3A_395 {strides = array<i32>} : memref<128x112xf32, #tpu.memory_space<vmem>>, vector<16xf32>,
                %parallel_loop3A_399 = arith.constant 100 : i32
                %parallel_loop3A_400 = vector.broadcast %parallel_loop3A_399 : i32 to vector<16xi32>
                %parallel_loop3A_401 = tpu.vector_load_idx %arg13[%parallel_loop3A_358, %parallel_loop3A_400] : memref<128x112xf32, #tpu.memory_space<vmem>>[vector<16xi32>, vector<16xi32>], vector<16xf32>,
                %parallel_loop3A_402 = arith.index_cast %parallel_loop3A_333 : i32 to index
                %parallel_loop3A_403 = arith.constant 64 : index
                %parallel_loop3A_404 = tpu.vector_load %arg13[%parallel_loop3A_402, %parallel_loop3A_403] {strides = array<i32>} : memref<128x112xf32, #tpu.memory_space<vmem>>, vector<16xf32>,
                %parallel_loop3A_405 = arith.mulf %parallel_loop3A_404, %parallel_loop3A_401 : vector<16xf32>
                %parallel_loop3A_406 = arith.index_cast %parallel_loop3A_333 : i32 to index
                %parallel_loop3A_407 = arith.constant 64 : index
                %parallel_loop3A_408 = tpu.vector_load %arg13[%parallel_loop3A_406, %parallel_loop3A_407] {strides = array<i32>} : memref<128x112xf32, #tpu.memory_space<vmem>>, vector<16xf32>,
                tpu.vector_store %arg13[%parallel_loop3A_406, %parallel_loop3A_407], %parallel_loop3A_405 {strides = array<i32>} : memref<128x112xf32, #tpu.memory_space<vmem>>, vector<16xf32>,
                %parallel_loop3A_409 = arith.constant 101 : i32
                %parallel_loop3A_410 = vector.broadcast %parallel_loop3A_409 : i32 to vector<16xi32>
                %parallel_loop3A_411 = tpu.vector_load_idx %arg13[%parallel_loop3A_358, %parallel_loop3A_410] : memref<128x112xf32, #tpu.memory_space<vmem>>[vector<16xi32>, vector<16xi32>], vector<16xf32>,
                %parallel_loop3A_412 = arith.index_cast %parallel_loop3A_333 : i32 to index
                %parallel_loop3A_413 = arith.constant 80 : index
                %parallel_loop3A_414 = tpu.vector_load %arg13[%parallel_loop3A_412, %parallel_loop3A_413] {strides = array<i32>} : memref<128x112xf32, #tpu.memory_space<vmem>>, vector<16xf32>,
                %parallel_loop3A_415 = arith.mulf %parallel_loop3A_414, %parallel_loop3A_411 : vector<16xf32>
                %parallel_loop3A_416 = arith.index_cast %parallel_loop3A_333 : i32 to index
                %parallel_loop3A_417 = arith.constant 80 : index
                %parallel_loop3A_418 = tpu.vector_load %arg13[%parallel_loop3A_416, %parallel_loop3A_417] {strides = array<i32>} : memref<128x112xf32, #tpu.memory_space<vmem>>, vector<16xf32>,
                tpu.vector_store %arg13[%parallel_loop3A_416, %parallel_loop3A_417], %parallel_loop3A_415 {strides = array<i32>} : memref<128x112xf32, #tpu.memory_space<vmem>>, vector<16xf32>,
              } {sc.loop_unroll_factor = 4 : i64, sc.parallel_access}
              %run_scoped3A = arith.constant 0 : i32
              "tpu.region"() ({
                %run_scoped3A_333 = tpu.sem_alloc : memref<!tpu.dma_semaphore, #tpu.memory_space<semaphore_mem>>
                %dma_start3A_334 = arith.constant 0 : i32
                %dma_start3A_335 = tpu.memref_slice %arg11[%run_scoped3A, %dma_start3A_334] : memref<1x128xi32, #tpu.memory_space<vmem>> -> memref<1x128xi32, #tpu.memory_space<vmem>>
                %dma_start3A_336 = tpu.memref_squeeze %dma_start3A_335 : memref<1x128xi32, #tpu.memory_space<vmem>> -> memref<128xi32, #tpu.memory_space<vmem>>
                %dma_start3A_337 = arith.constant 0 : i32
                %dma_start3A_338 = arith.constant 0 : i32
                %dma_start3A_339 = tpu.memref_slice %arg18[%dma_start3A_337, %dma_start3A_338] : memref<10560x112xf32, #tpu.memory_space<vmem_shared>> -> memref<10560x112xf32, #tpu.memory_space<vmem_shared>>
                tpu.enqueue_indirect_dma source(%arg13 : memref<128x112xf32, #tpu.memory_space<vmem>>) target(%dma_start3A_339 : memref<10560x112xf32, #tpu.memory_space<vmem_shared>>) offsets(%dma_start3A_336 : memref<128xi32, #tpu.memory_space<vmem>>) semaphore(%run_scoped3A_333 : memref<!tpu.dma_semaphore, #tpu.memory_space<semaphore_mem>>) {add = true}
                %dma_wait3A_340 = arith.constant 0 : i32
                %dma_wait3A_341 = tpu.memref_slice %arg11[%run_scoped3A, %dma_wait3A_340] : memref<1x128xi32, #tpu.memory_space<vmem>> -> memref<1x128xi32, #tpu.memory_space<vmem>>
                %dma_wait3A_342 = tpu.memref_squeeze %dma_wait3A_341 : memref<1x128xi32, #tpu.memory_space<vmem>> -> memref<128xi32, #tpu.memory_space<vmem>>
                %dma_wait3A_343 = arith.constant 0 : i32
                %dma_wait3A_344 = arith.constant 0 : i32
                %dma_wait3A_345 = tpu.memref_slice %arg18[%dma_wait3A_343, %dma_wait3A_344] : memref<10560x112xf32, #tpu.memory_space<vmem_shared>> -> memref<10560x112xf32, #tpu.memory_space<vmem_shared>>
                tpu.wait_indirect_dma semaphore(%run_scoped3A_333 : memref<!tpu.dma_semaphore, #tpu.memory_space<semaphore_mem>>) src(%arg13 : memref<128x112xf32, #tpu.memory_space<vmem>>) dst(%dma_wait3A_345 : memref<10560x112xf32, #tpu.memory_space<vmem_shared>>)
                tpu.yield
              }) : () -> ()
              %add3A_327 = arith.constant 2 : i32
              %add3A_328 = arith.addi %add3A_228, %add3A_327 : i32
              %lt3A_329 = arith.cmpi slt, %add3A_328, %select_n3A_167 : i32
              %convert_element_type3A_330 = arith.extui %lt3A_329 : i1 to i32
              %cond3A_331 = arith.constant 0 : i32
              %cond3A_332 = arith.cmpi ne, %convert_element_type3A_330, %cond3A_331 : i32
              scf.if %cond3A_332 {
                %add3A_333 = arith.constant 2 : i32
                %add3A_334 = arith.addi %add3A_228, %add3A_333 : i32
                %mul3A_335 = arith.constant 128 : i32
                %mul3A_336 = arith.muli %add3A_334, %mul3A_335 : i32
                %dma_start3A_337 = tpu.memref_slice %arg10[%mul3A_336] : memref<4112xi32, #tpu.memory_space<vmem>> -> memref<128xi32, #tpu.memory_space<vmem>>
                %dma_start3A_338 = arith.constant 0 : i32
                %dma_start3A_339 = arith.constant 0 : i32
                %dma_start3A_340 = tpu.memref_slice %arg4[%dma_start3A_338, %dma_start3A_339] : memref<105600x112xf32, #tpu.memory_space<hbm>> -> memref<105600x112xf32, #tpu.memory_space<hbm>>
                tpu.enqueue_indirect_dma source(%dma_start3A_340 : memref<105600x112xf32, #tpu.memory_space<hbm>>) target(%arg13 : memref<128x112xf32, #tpu.memory_space<vmem>>) offsets(%dma_start3A_337 : memref<128xi32, #tpu.memory_space<vmem>>) semaphore(%arg20 : memref<!tpu.dma_semaphore, #tpu.memory_space<semaphore_mem>>)
                %dma_start3A_341 = tpu.memref_slice %arg9[%mul3A_336] : memref<4112xi32, #tpu.memory_space<vmem>> -> memref<128xi32, #tpu.memory_space<vmem>>
                %dma_start3A_342 = arith.constant 0 : i32
                %dma_start3A_343 = arith.constant 0 : i32
                %dma_start3A_344 = tpu.memref_slice %arg5[%dma_start3A_342, %dma_start3A_343] : memref<105600x16xf32, #tpu.memory_space<hbm>> -> memref<105600x16xf32, #tpu.memory_space<hbm>>
                tpu.enqueue_indirect_dma source(%dma_start3A_344 : memref<105600x16xf32, #tpu.memory_space<hbm>>) target(%arg15 : memref<128x16xf32, #tpu.memory_space<vmem>>) offsets(%dma_start3A_341 : memref<128xi32, #tpu.memory_space<vmem>>) semaphore(%arg22 : memref<!tpu.dma_semaphore, #tpu.memory_space<semaphore_mem>>)
              } else {
              }
            } else {
            }
            %while3A_233 = arith.constant 0 : i32
            scf.yield %while3A_233 : i32
          }
        } else {
        }
        %jit3A_140 = arith.constant 0 : i32
        %select_n3A_141 = arith.select %gt3A_136, %jit3A_140, %parallel_loop3A_134 : i32
        scf.yield %select_n3A_141 : i32
      }
      %scan3A_46 = arith.constant 50 : i32
      %add3A_47 = arith.constant 127 : i32
      %add3A_48 = arith.addi %scan3A_45, %add3A_47 : i32
      %jit3A = arith.constant 128 : i32
      %div3A = arith.divsi %add3A_48, %jit3A : i32
      %sign3A = arith.constant 0 : i32
      %sign3A_49 = arith.cmpi sgt, %add3A_48, %sign3A : i32
      %sign3A_50 = arith.extui %sign3A_49 : i1 to i32
      %sign3A_51 = arith.constant 0 : i32
      %sign3A_52 = arith.cmpi slt, %add3A_48, %sign3A_51 : i32
      %sign3A_53 = arith.extui %sign3A_52 : i1 to i32
      %sign3A_54 = arith.subi %sign3A_50, %sign3A_53 : i32
      %sign3A_55 = arith.constant 0 : i32
      %sign3A_56 = arith.cmpi sgt, %jit3A, %sign3A_55 : i32
      %sign3A_57 = arith.extui %sign3A_56 : i1 to i32
      %sign3A_58 = arith.constant 0 : i32
      %sign3A_59 = arith.cmpi slt, %jit3A, %sign3A_58 : i32
      %sign3A_60 = arith.extui %sign3A_59 : i1 to i32
      %sign3A_61 = arith.subi %sign3A_57, %sign3A_60 : i32
      %ne3A = arith.cmpi ne, %sign3A_54, %sign3A_61 : i32
      %rem3A = arith.remsi %add3A_48, %jit3A : i32
      %ne3A_62 = arith.constant 0 : i32
      %ne3A_63 = arith.cmpi ne, %rem3A, %ne3A_62 : i32
      %and3A = arith.andi %ne3A, %ne3A_63 : i1
      %sub3A = arith.constant 1 : i32
      %sub3A_64 = arith.subi %div3A, %sub3A : i32
      %select_n3A = arith.select %and3A, %sub3A_64, %div3A : i32
      %gt3A = arith.constant 0 : i32
      %gt3A_65 = arith.cmpi sgt, %select_n3A, %gt3A : i32
      %convert_element_type3A = arith.extui %gt3A_65 : i1 to i32
      %cond3A = arith.constant 0 : i32
      %cond3A_66 = arith.cmpi ne, %convert_element_type3A, %cond3A : i32
      scf.if %cond3A_66 {
        %mul3A_119 = arith.constant 0 : i32
        %mul3A_120 = arith.constant 128 : i32
        %mul3A_121 = arith.muli %mul3A_119, %mul3A_120 : i32
        %dma_start3A = tpu.memref_slice %arg10[%mul3A_121] : memref<4112xi32, #tpu.memory_space<vmem>> -> memref<128xi32, #tpu.memory_space<vmem>>
        %dma_start3A_122 = arith.constant 0 : i32
        %dma_start3A_123 = arith.constant 0 : i32
        %dma_start3A_124 = tpu.memref_slice %arg4[%dma_start3A_122, %dma_start3A_123] : memref<105600x112xf32, #tpu.memory_space<hbm>> -> memref<105600x112xf32, #tpu.memory_space<hbm>>
        tpu.enqueue_indirect_dma source(%dma_start3A_124 : memref<105600x112xf32, #tpu.memory_space<hbm>>) target(%arg12 : memref<128x112xf32, #tpu.memory_space<vmem>>) offsets(%dma_start3A : memref<128xi32, #tpu.memory_space<vmem>>) semaphore(%arg19 : memref<!tpu.dma_semaphore, #tpu.memory_space<semaphore_mem>>)
        %dma_start3A_125 = tpu.memref_slice %arg9[%mul3A_121] : memref<4112xi32, #tpu.memory_space<vmem>> -> memref<128xi32, #tpu.memory_space<vmem>>
        %dma_start3A_126 = arith.constant 0 : i32
        %dma_start3A_127 = arith.constant 0 : i32
        %dma_start3A_128 = tpu.memref_slice %arg5[%dma_start3A_126, %dma_start3A_127] : memref<105600x16xf32, #tpu.memory_space<hbm>> -> memref<105600x16xf32, #tpu.memory_space<hbm>>
        tpu.enqueue_indirect_dma source(%dma_start3A_128 : memref<105600x16xf32, #tpu.memory_space<hbm>>) target(%arg14 : memref<128x16xf32, #tpu.memory_space<vmem>>) offsets(%dma_start3A_125 : memref<128xi32, #tpu.memory_space<vmem>>) semaphore(%arg21 : memref<!tpu.dma_semaphore, #tpu.memory_space<semaphore_mem>>)
      } else {
      }
      %gt3A_67 = arith.constant 1 : i32
      %gt3A_68 = arith.cmpi sgt, %select_n3A, %gt3A_67 : i32
      %convert_element_type3A_69 = arith.extui %gt3A_68 : i1 to i32
      %cond3A_70 = arith.constant 0 : i32
      %cond3A_71 = arith.cmpi ne, %convert_element_type3A_69, %cond3A_70 : i32
      scf.if %cond3A_71 {
        %mul3A_119 = arith.constant 1 : i32
        %mul3A_120 = arith.constant 128 : i32
        %mul3A_121 = arith.muli %mul3A_119, %mul3A_120 : i32
        %dma_start3A = tpu.memref_slice %arg10[%mul3A_121] : memref<4112xi32, #tpu.memory_space<vmem>> -> memref<128xi32, #tpu.memory_space<vmem>>
        %dma_start3A_122 = arith.constant 0 : i32
        %dma_start3A_123 = arith.constant 0 : i32
        %dma_start3A_124 = tpu.memref_slice %arg4[%dma_start3A_122, %dma_start3A_123] : memref<105600x112xf32, #tpu.memory_space<hbm>> -> memref<105600x112xf32, #tpu.memory_space<hbm>>
        tpu.enqueue_indirect_dma source(%dma_start3A_124 : memref<105600x112xf32, #tpu.memory_space<hbm>>) target(%arg13 : memref<128x112xf32, #tpu.memory_space<vmem>>) offsets(%dma_start3A : memref<128xi32, #tpu.memory_space<vmem>>) semaphore(%arg20 : memref<!tpu.dma_semaphore, #tpu.memory_space<semaphore_mem>>)
        %dma_start3A_125 = tpu.memref_slice %arg9[%mul3A_121] : memref<4112xi32, #tpu.memory_space<vmem>> -> memref<128xi32, #tpu.memory_space<vmem>>
        %dma_start3A_126 = arith.constant 0 : i32
        %dma_start3A_127 = arith.constant 0 : i32
        %dma_start3A_128 = tpu.memref_slice %arg5[%dma_start3A_126, %dma_start3A_127] : memref<105600x16xf32, #tpu.memory_space<hbm>> -> memref<105600x16xf32, #tpu.memory_space<hbm>>
        tpu.enqueue_indirect_dma source(%dma_start3A_128 : memref<105600x16xf32, #tpu.memory_space<hbm>>) target(%arg15 : memref<128x16xf32, #tpu.memory_space<vmem>>) offsets(%dma_start3A_125 : memref<128xi32, #tpu.memory_space<vmem>>) semaphore(%arg22 : memref<!tpu.dma_semaphore, #tpu.memory_space<semaphore_mem>>)
      } else {
      }
      %add3A_72 = arith.constant 1 : i32
      %add3A_73 = arith.addi %select_n3A, %add3A_72 : i32
      %jit3A_74 = arith.constant 2 : i32
      %div3A_75 = arith.divsi %add3A_73, %jit3A_74 : i32
      %sign3A_76 = arith.constant 0 : i32
      %sign3A_77 = arith.cmpi sgt, %add3A_73, %sign3A_76 : i32
      %sign3A_78 = arith.extui %sign3A_77 : i1 to i32
      %sign3A_79 = arith.constant 0 : i32
      %sign3A_80 = arith.cmpi slt, %add3A_73, %sign3A_79 : i32
      %sign3A_81 = arith.extui %sign3A_80 : i1 to i32
      %sign3A_82 = arith.subi %sign3A_78, %sign3A_81 : i32
      %sign3A_83 = arith.constant 0 : i32
      %sign3A_84 = arith.cmpi sgt, %jit3A_74, %sign3A_83 : i32
      %sign3A_85 = arith.extui %sign3A_84 : i1 to i32
      %sign3A_86 = arith.constant 0 : i32
      %sign3A_87 = arith.cmpi slt, %jit3A_74, %sign3A_86 : i32
      %sign3A_88 = arith.extui %sign3A_87 : i1 to i32
      %sign3A_89 = arith.subi %sign3A_85, %sign3A_88 : i32
      %ne3A_90 = arith.cmpi ne, %sign3A_82, %sign3A_89 : i32
      %rem3A_91 = arith.remsi %add3A_73, %jit3A_74 : i32
      %ne3A_92 = arith.constant 0 : i32
      %ne3A_93 = arith.cmpi ne, %rem3A_91, %ne3A_92 : i32
      %and3A_94 = arith.andi %ne3A_90, %ne3A_93 : i1
      %sub3A_95 = arith.constant 1 : i32
      %sub3A_96 = arith.subi %div3A_75, %sub3A_95 : i32
      %select_n3A_97 = arith.select %and3A_94, %sub3A_96, %div3A_75 : i32
      %while3A = arith.constant 0 : i32
      %while3A_98 = arith.constant 0 : i32
      %while3A_99 = arith.subi %select_n3A_97, %while3A : i32
      %while3A_100 = arith.addi %while3A, %while3A_99 : i32
      %while3A_101 = arith.constant 1 : i32
      %while3A_102 = arith.divsi %while3A_99, %while3A_101 : i32
      %while3A_103 = arith.muli %while3A_102, %while3A_101 : i32
      %while3A_104 = arith.addi %while3A, %while3A_103 : i32
      %while3A_105 = arith.constant 1 : i32
      %while3A_106 = scf.for %while3A_119 = %while3A to %while3A_104 step %while3A_105 iter_args(%while3A_120 = %while3A_98) -> (i32)  : i32 {
        %mul3A_121 = arith.constant 2 : i32
        %mul3A_122 = arith.muli %while3A_119, %mul3A_121 : i32
        %add3A_123 = arith.constant 0 : i32
        %add3A_124 = arith.addi %mul3A_122, %add3A_123 : i32
        %lt3A = arith.cmpi slt, %add3A_124, %select_n3A : i32
        %convert_element_type3A_125 = arith.extui %lt3A : i1 to i32
        %cond3A_126 = arith.constant 0 : i32
        %cond3A_127 = arith.cmpi ne, %convert_element_type3A_125, %cond3A_126 : i32
        scf.if %cond3A_127 {
          %dma_wait3A = arith.constant 0 : i32
          %dma_wait3A_137 = tpu.memref_slice %arg10[%dma_wait3A] : memref<4112xi32, #tpu.memory_space<vmem>> -> memref<128xi32, #tpu.memory_space<vmem>>
          %dma_wait3A_138 = arith.constant 0 : i32
          %dma_wait3A_139 = arith.constant 0 : i32
          %dma_wait3A_140 = tpu.memref_slice %arg4[%dma_wait3A_138, %dma_wait3A_139] : memref<105600x112xf32, #tpu.memory_space<hbm>> -> memref<105600x112xf32, #tpu.memory_space<hbm>>
          tpu.wait_indirect_dma semaphore(%arg19 : memref<!tpu.dma_semaphore, #tpu.memory_space<semaphore_mem>>) src(%dma_wait3A_140 : memref<105600x112xf32, #tpu.memory_space<hbm>>) dst(%arg12 : memref<128x112xf32, #tpu.memory_space<vmem>>)
          %dma_wait3A_141 = arith.constant 0 : i32
          %dma_wait3A_142 = tpu.memref_slice %arg9[%dma_wait3A_141] : memref<4112xi32, #tpu.memory_space<vmem>> -> memref<128xi32, #tpu.memory_space<vmem>>
          %dma_wait3A_143 = arith.constant 0 : i32
          %dma_wait3A_144 = arith.constant 0 : i32
          %dma_wait3A_145 = tpu.memref_slice %arg5[%dma_wait3A_143, %dma_wait3A_144] : memref<105600x16xf32, #tpu.memory_space<hbm>> -> memref<105600x16xf32, #tpu.memory_space<hbm>>
          tpu.wait_indirect_dma semaphore(%arg21 : memref<!tpu.dma_semaphore, #tpu.memory_space<semaphore_mem>>) src(%dma_wait3A_145 : memref<105600x16xf32, #tpu.memory_space<hbm>>) dst(%arg14 : memref<128x16xf32, #tpu.memory_space<vmem>>)
          %mul3A_146 = arith.constant 128 : i32
          %mul3A_147 = arith.muli %add3A_124, %mul3A_146 : i32
          %add3A_148 = arith.constant 0 : i32
          %add3A_149 = arith.addi %mul3A_147, %add3A_148 : i32
          %get3A = arith.index_cast %add3A_149 : i32 to index
          %get3A_150 = tpu.vector_load %arg9[%get3A] {strides = array<i32>} : memref<4112xi32, #tpu.memory_space<vmem>>, vector<16xi32>,
          %sub3A_151 = vector.broadcast %mul3A_18 : i32 to vector<16xi32>
          %sub3A_152 = arith.subi %get3A_150, %sub3A_151 : vector<16xi32>
          %swap3A = arith.constant 0 : i32
          %swap3A_153 = arith.index_cast %swap3A : i32 to index
          %swap3A_154 = arith.constant 0 : index
          %swap3A_155 = tpu.vector_load %arg11[%swap3A_153, %swap3A_154] {strides = array<i32>} : memref<1x128xi32, #tpu.memory_space<vmem>>, vector<16xi32>,
          tpu.vector_store %arg11[%swap3A_153, %swap3A_154], %sub3A_152 {strides = array<i32>} : memref<1x128xi32, #tpu.memory_space<vmem>>, vector<16xi32>,
          %add3A_156 = arith.constant 16 : i32
          %add3A_157 = arith.addi %mul3A_147, %add3A_156 : i32
          %get3A_158 = arith.index_cast %add3A_157 : i32 to index
          %get3A_159 = tpu.vector_load %arg9[%get3A_158] {strides = array<i32>} : memref<4112xi32, #tpu.memory_space<vmem>>, vector<16xi32>,
          %sub3A_160 = vector.broadcast %mul3A_18 : i32 to vector<16xi32>
          %sub3A_161 = arith.subi %get3A_159, %sub3A_160 : vector<16xi32>
          %swap3A_162 = arith.constant 0 : i32
          %swap3A_163 = arith.index_cast %swap3A_162 : i32 to index
          %swap3A_164 = arith.constant 16 : index
          %swap3A_165 = tpu.vector_load %arg11[%swap3A_163, %swap3A_164] {strides = array<i32>} : memref<1x128xi32, #tpu.memory_space<vmem>>, vector<16xi32>,
          tpu.vector_store %arg11[%swap3A_163, %swap3A_164], %sub3A_161 {strides = array<i32>} : memref<1x128xi32, #tpu.memory_space<vmem>>, vector<16xi32>,
          %add3A_166 = arith.constant 32 : i32
          %add3A_167 = arith.addi %mul3A_147, %add3A_166 : i32
          %get3A_168 = arith.index_cast %add3A_167 : i32 to index
          %get3A_169 = tpu.vector_load %arg9[%get3A_168] {strides = array<i32>} : memref<4112xi32, #tpu.memory_space<vmem>>, vector<16xi32>,
          %sub3A_170 = vector.broadcast %mul3A_18 : i32 to vector<16xi32>
          %sub3A_171 = arith.subi %get3A_169, %sub3A_170 : vector<16xi32>
          %swap3A_172 = arith.constant 0 : i32
          %swap3A_173 = arith.index_cast %swap3A_172 : i32 to index
          %swap3A_174 = arith.constant 32 : index
          %swap3A_175 = tpu.vector_load %arg11[%swap3A_173, %swap3A_174] {strides = array<i32>} : memref<1x128xi32, #tpu.memory_space<vmem>>, vector<16xi32>,
          tpu.vector_store %arg11[%swap3A_173, %swap3A_174], %sub3A_171 {strides = array<i32>} : memref<1x128xi32, #tpu.memory_space<vmem>>, vector<16xi32>,
          %add3A_176 = arith.constant 48 : i32
          %add3A_177 = arith.addi %mul3A_147, %add3A_176 : i32
          %get3A_178 = arith.index_cast %add3A_177 : i32 to index
          %get3A_179 = tpu.vector_load %arg9[%get3A_178] {strides = array<i32>} : memref<4112xi32, #tpu.memory_space<vmem>>, vector<16xi32>,
          %sub3A_180 = vector.broadcast %mul3A_18 : i32 to vector<16xi32>
          %sub3A_181 = arith.subi %get3A_179, %sub3A_180 : vector<16xi32>
          %swap3A_182 = arith.constant 0 : i32
          %swap3A_183 = arith.index_cast %swap3A_182 : i32 to index
          %swap3A_184 = arith.constant 48 : index
          %swap3A_185 = tpu.vector_load %arg11[%swap3A_183, %swap3A_184] {strides = array<i32>} : memref<1x128xi32, #tpu.memory_space<vmem>>, vector<16xi32>,
          tpu.vector_store %arg11[%swap3A_183, %swap3A_184], %sub3A_181 {strides = array<i32>} : memref<1x128xi32, #tpu.memory_space<vmem>>, vector<16xi32>,
          %add3A_186 = arith.constant 64 : i32
          %add3A_187 = arith.addi %mul3A_147, %add3A_186 : i32
          %get3A_188 = arith.index_cast %add3A_187 : i32 to index
          %get3A_189 = tpu.vector_load %arg9[%get3A_188] {strides = array<i32>} : memref<4112xi32, #tpu.memory_space<vmem>>, vector<16xi32>,
          %sub3A_190 = vector.broadcast %mul3A_18 : i32 to vector<16xi32>
          %sub3A_191 = arith.subi %get3A_189, %sub3A_190 : vector<16xi32>
          %swap3A_192 = arith.constant 0 : i32
          %swap3A_193 = arith.index_cast %swap3A_192 : i32 to index
          %swap3A_194 = arith.constant 64 : index
          %swap3A_195 = tpu.vector_load %arg11[%swap3A_193, %swap3A_194] {strides = array<i32>} : memref<1x128xi32, #tpu.memory_space<vmem>>, vector<16xi32>,
          tpu.vector_store %arg11[%swap3A_193, %swap3A_194], %sub3A_191 {strides = array<i32>} : memref<1x128xi32, #tpu.memory_space<vmem>>, vector<16xi32>,
          %add3A_196 = arith.constant 80 : i32
          %add3A_197 = arith.addi %mul3A_147, %add3A_196 : i32
          %get3A_198 = arith.index_cast %add3A_197 : i32 to index
          %get3A_199 = tpu.vector_load %arg9[%get3A_198] {strides = array<i32>} : memref<4112xi32, #tpu.memory_space<vmem>>, vector<16xi32>,
          %sub3A_200 = vector.broadcast %mul3A_18 : i32 to vector<16xi32>
          %sub3A_201 = arith.subi %get3A_199, %sub3A_200 : vector<16xi32>
          %swap3A_202 = arith.constant 0 : i32
          %swap3A_203 = arith.index_cast %swap3A_202 : i32 to index
          %swap3A_204 = arith.constant 80 : index
          %swap3A_205 = tpu.vector_load %arg11[%swap3A_203, %swap3A_204] {strides = array<i32>} : memref<1x128xi32, #tpu.memory_space<vmem>>, vector<16xi32>,
          tpu.vector_store %arg11[%swap3A_203, %swap3A_204], %sub3A_201 {strides = array<i32>} : memref<1x128xi32, #tpu.memory_space<vmem>>, vector<16xi32>,
          %add3A_206 = arith.constant 96 : i32
          %add3A_207 = arith.addi %mul3A_147, %add3A_206 : i32
          %get3A_208 = arith.index_cast %add3A_207 : i32 to index
          %get3A_209 = tpu.vector_load %arg9[%get3A_208] {strides = array<i32>} : memref<4112xi32, #tpu.memory_space<vmem>>, vector<16xi32>,
          %sub3A_210 = vector.broadcast %mul3A_18 : i32 to vector<16xi32>
          %sub3A_211 = arith.subi %get3A_209, %sub3A_210 : vector<16xi32>
          %swap3A_212 = arith.constant 0 : i32
          %swap3A_213 = arith.index_cast %swap3A_212 : i32 to index
          %swap3A_214 = arith.constant 96 : index
          %swap3A_215 = tpu.vector_load %arg11[%swap3A_213, %swap3A_214] {strides = array<i32>} : memref<1x128xi32, #tpu.memory_space<vmem>>, vector<16xi32>,
          tpu.vector_store %arg11[%swap3A_213, %swap3A_214], %sub3A_211 {strides = array<i32>} : memref<1x128xi32, #tpu.memory_space<vmem>>, vector<16xi32>,
          %add3A_216 = arith.constant 112 : i32
          %add3A_217 = arith.addi %mul3A_147, %add3A_216 : i32
          %get3A_218 = arith.index_cast %add3A_217 : i32 to index
          %get3A_219 = tpu.vector_load %arg9[%get3A_218] {strides = array<i32>} : memref<4112xi32, #tpu.memory_space<vmem>>, vector<16xi32>,
          %sub3A_220 = vector.broadcast %mul3A_18 : i32 to vector<16xi32>
          %sub3A_221 = arith.subi %get3A_219, %sub3A_220 : vector<16xi32>
          %swap3A_222 = arith.constant 0 : i32
          %swap3A_223 = arith.index_cast %swap3A_222 : i32 to index
          %swap3A_224 = arith.constant 112 : index
          %swap3A_225 = tpu.vector_load %arg11[%swap3A_223, %swap3A_224] {strides = array<i32>} : memref<1x128xi32, #tpu.memory_space<vmem>>, vector<16xi32>,
          tpu.vector_store %arg11[%swap3A_223, %swap3A_224], %sub3A_221 {strides = array<i32>} : memref<1x128xi32, #tpu.memory_space<vmem>>, vector<16xi32>,
          %parallel_loop3A = arith.constant 0 : i32
          %parallel_loop3A_226 = arith.constant 128 : i32
          %parallel_loop3A_227 = arith.constant 1 : i32
          scf.for %parallel_loop3A_234 = %parallel_loop3A to %parallel_loop3A_226 step %parallel_loop3A_227  : i32 {
            %parallel_loop3A_235 = arith.index_cast %parallel_loop3A_234 : i32 to index
            %parallel_loop3A_236 = arith.constant 96 : index
            %parallel_loop3A_237 = tpu.vector_load %arg12[%parallel_loop3A_235, %parallel_loop3A_236] {strides = array<i32>} : memref<128x112xf32, #tpu.memory_space<vmem>>, vector<16xf32>,
            %parallel_loop3A_238 = arith.index_cast %parallel_loop3A_234 : i32 to index
            %parallel_loop3A_239 = arith.constant 0 : index
            %parallel_loop3A_240 = tpu.vector_load %arg14[%parallel_loop3A_238, %parallel_loop3A_239] {strides = array<i32>} : memref<128x16xf32, #tpu.memory_space<vmem>>, vector<16xf32>,
            %parallel_loop3A_241 = arith.addf %parallel_loop3A_237, %parallel_loop3A_240 : vector<16xf32>
            %parallel_loop3A_242 = arith.constant 0.000000e+00 : f32
            %parallel_loop3A_243 = vector.broadcast %parallel_loop3A_242 : f32 to vector<16xf32>
            %parallel_loop3A_244 = arith.cmpf oge, %parallel_loop3A_241, %parallel_loop3A_243 : vector<16xf32>
            %parallel_loop3A_245 = arith.constant 2.000000e-01 : f32
            %parallel_loop3A_246 = vector.broadcast %parallel_loop3A_245 : f32 to vector<16xf32>
            %parallel_loop3A_247 = arith.mulf %parallel_loop3A_241, %parallel_loop3A_246 : vector<16xf32>
            %parallel_loop3A_248 = arith.select %parallel_loop3A_244, %parallel_loop3A_241, %parallel_loop3A_247 : vector<16xi1>, vector<16xf32>
            %parallel_loop3A_249 = math.exp %parallel_loop3A_248 : vector<16xf32>
            %parallel_loop3A_250 = arith.addi %mul3A_147, %parallel_loop3A_234 : i32
            %parallel_loop3A_251 = arith.cmpi slt, %parallel_loop3A_250, %scan3A_45 : i32
            %parallel_loop3A_252 = arith.extui %parallel_loop3A_251 : i1 to i32
            %parallel_loop3A_253 = arith.sitofp %parallel_loop3A_252 : i32 to f32
            %parallel_loop3A_254 = vector.broadcast %parallel_loop3A_253 : f32 to vector<16xf32>
            %parallel_loop3A_255 = arith.mulf %parallel_loop3A_249, %parallel_loop3A_254 : vector<16xf32>
            %parallel_loop3A_256 = arith.index_cast %parallel_loop3A_234 : i32 to index
            %parallel_loop3A_257 = arith.constant 96 : index
            %parallel_loop3A_258 = tpu.vector_load %arg12[%parallel_loop3A_256, %parallel_loop3A_257] {strides = array<i32>} : memref<128x112xf32, #tpu.memory_space<vmem>>, vector<16xf32>,
            tpu.vector_store %arg12[%parallel_loop3A_256, %parallel_loop3A_257], %parallel_loop3A_255 {strides = array<i32>} : memref<128x112xf32, #tpu.memory_space<vmem>>, vector<16xf32>,
            %parallel_loop3A_259 = vector.broadcast %parallel_loop3A_234 : i32 to vector<16xi32>
            %parallel_loop3A_260 = arith.constant 96 : i32
            %parallel_loop3A_261 = vector.broadcast %parallel_loop3A_260 : i32 to vector<16xi32>
            %parallel_loop3A_262 = tpu.vector_load_idx %arg12[%parallel_loop3A_259, %parallel_loop3A_261] : memref<128x112xf32, #tpu.memory_space<vmem>>[vector<16xi32>, vector<16xi32>], vector<16xf32>,
            %parallel_loop3A_263 = arith.index_cast %parallel_loop3A_234 : i32 to index
            %parallel_loop3A_264 = arith.constant 0 : index
            %parallel_loop3A_265 = tpu.vector_load %arg12[%parallel_loop3A_263, %parallel_loop3A_264] {strides = array<i32>} : memref<128x112xf32, #tpu.memory_space<vmem>>, vector<16xf32>,
            %parallel_loop3A_266 = arith.mulf %parallel_loop3A_265, %parallel_loop3A_262 : vector<16xf32>
            %parallel_loop3A_267 = arith.index_cast %parallel_loop3A_234 : i32 to index
            %parallel_loop3A_268 = arith.constant 0 : index
            %parallel_loop3A_269 = tpu.vector_load %arg12[%parallel_loop3A_267, %parallel_loop3A_268] {strides = array<i32>} : memref<128x112xf32, #tpu.memory_space<vmem>>, vector<16xf32>,
            tpu.vector_store %arg12[%parallel_loop3A_267, %parallel_loop3A_268], %parallel_loop3A_266 {strides = array<i32>} : memref<128x112xf32, #tpu.memory_space<vmem>>, vector<16xf32>,
            %parallel_loop3A_270 = arith.constant 97 : i32
            %parallel_loop3A_271 = vector.broadcast %parallel_loop3A_270 : i32 to vector<16xi32>
            %parallel_loop3A_272 = tpu.vector_load_idx %arg12[%parallel_loop3A_259, %parallel_loop3A_271] : memref<128x112xf32, #tpu.memory_space<vmem>>[vector<16xi32>, vector<16xi32>], vector<16xf32>,
            %parallel_loop3A_273 = arith.index_cast %parallel_loop3A_234 : i32 to index
            %parallel_loop3A_274 = arith.constant 16 : index
            %parallel_loop3A_275 = tpu.vector_load %arg12[%parallel_loop3A_273, %parallel_loop3A_274] {strides = array<i32>} : memref<128x112xf32, #tpu.memory_space<vmem>>, vector<16xf32>,
            %parallel_loop3A_276 = arith.mulf %parallel_loop3A_275, %parallel_loop3A_272 : vector<16xf32>
            %parallel_loop3A_277 = arith.index_cast %parallel_loop3A_234 : i32 to index
            %parallel_loop3A_278 = arith.constant 16 : index
            %parallel_loop3A_279 = tpu.vector_load %arg12[%parallel_loop3A_277, %parallel_loop3A_278] {strides = array<i32>} : memref<128x112xf32, #tpu.memory_space<vmem>>, vector<16xf32>,
            tpu.vector_store %arg12[%parallel_loop3A_277, %parallel_loop3A_278], %parallel_loop3A_276 {strides = array<i32>} : memref<128x112xf32, #tpu.memory_space<vmem>>, vector<16xf32>,
            %parallel_loop3A_280 = arith.constant 98 : i32
            %parallel_loop3A_281 = vector.broadcast %parallel_loop3A_280 : i32 to vector<16xi32>
            %parallel_loop3A_282 = tpu.vector_load_idx %arg12[%parallel_loop3A_259, %parallel_loop3A_281] : memref<128x112xf32, #tpu.memory_space<vmem>>[vector<16xi32>, vector<16xi32>], vector<16xf32>,
            %parallel_loop3A_283 = arith.index_cast %parallel_loop3A_234 : i32 to index
            %parallel_loop3A_284 = arith.constant 32 : index
            %parallel_loop3A_285 = tpu.vector_load %arg12[%parallel_loop3A_283, %parallel_loop3A_284] {strides = array<i32>} : memref<128x112xf32, #tpu.memory_space<vmem>>, vector<16xf32>,
            %parallel_loop3A_286 = arith.mulf %parallel_loop3A_285, %parallel_loop3A_282 : vector<16xf32>
            %parallel_loop3A_287 = arith.index_cast %parallel_loop3A_234 : i32 to index
            %parallel_loop3A_288 = arith.constant 32 : index
            %parallel_loop3A_289 = tpu.vector_load %arg12[%parallel_loop3A_287, %parallel_loop3A_288] {strides = array<i32>} : memref<128x112xf32, #tpu.memory_space<vmem>>, vector<16xf32>,
            tpu.vector_store %arg12[%parallel_loop3A_287, %parallel_loop3A_288], %parallel_loop3A_286 {strides = array<i32>} : memref<128x112xf32, #tpu.memory_space<vmem>>, vector<16xf32>,
            %parallel_loop3A_290 = arith.constant 99 : i32
            %parallel_loop3A_291 = vector.broadcast %parallel_loop3A_290 : i32 to vector<16xi32>
            %parallel_loop3A_292 = tpu.vector_load_idx %arg12[%parallel_loop3A_259, %parallel_loop3A_291] : memref<128x112xf32, #tpu.memory_space<vmem>>[vector<16xi32>, vector<16xi32>], vector<16xf32>,
            %parallel_loop3A_293 = arith.index_cast %parallel_loop3A_234 : i32 to index
            %parallel_loop3A_294 = arith.constant 48 : index
            %parallel_loop3A_295 = tpu.vector_load %arg12[%parallel_loop3A_293, %parallel_loop3A_294] {strides = array<i32>} : memref<128x112xf32, #tpu.memory_space<vmem>>, vector<16xf32>,
            %parallel_loop3A_296 = arith.mulf %parallel_loop3A_295, %parallel_loop3A_292 : vector<16xf32>
            %parallel_loop3A_297 = arith.index_cast %parallel_loop3A_234 : i32 to index
            %parallel_loop3A_298 = arith.constant 48 : index
            %parallel_loop3A_299 = tpu.vector_load %arg12[%parallel_loop3A_297, %parallel_loop3A_298] {strides = array<i32>} : memref<128x112xf32, #tpu.memory_space<vmem>>, vector<16xf32>,
            tpu.vector_store %arg12[%parallel_loop3A_297, %parallel_loop3A_298], %parallel_loop3A_296 {strides = array<i32>} : memref<128x112xf32, #tpu.memory_space<vmem>>, vector<16xf32>,
            %parallel_loop3A_300 = arith.constant 100 : i32
            %parallel_loop3A_301 = vector.broadcast %parallel_loop3A_300 : i32 to vector<16xi32>
            %parallel_loop3A_302 = tpu.vector_load_idx %arg12[%parallel_loop3A_259, %parallel_loop3A_301] : memref<128x112xf32, #tpu.memory_space<vmem>>[vector<16xi32>, vector<16xi32>], vector<16xf32>,
            %parallel_loop3A_303 = arith.index_cast %parallel_loop3A_234 : i32 to index
            %parallel_loop3A_304 = arith.constant 64 : index
            %parallel_loop3A_305 = tpu.vector_load %arg12[%parallel_loop3A_303, %parallel_loop3A_304] {strides = array<i32>} : memref<128x112xf32, #tpu.memory_space<vmem>>, vector<16xf32>,
            %parallel_loop3A_306 = arith.mulf %parallel_loop3A_305, %parallel_loop3A_302 : vector<16xf32>
            %parallel_loop3A_307 = arith.index_cast %parallel_loop3A_234 : i32 to index
            %parallel_loop3A_308 = arith.constant 64 : index
            %parallel_loop3A_309 = tpu.vector_load %arg12[%parallel_loop3A_307, %parallel_loop3A_308] {strides = array<i32>} : memref<128x112xf32, #tpu.memory_space<vmem>>, vector<16xf32>,
            tpu.vector_store %arg12[%parallel_loop3A_307, %parallel_loop3A_308], %parallel_loop3A_306 {strides = array<i32>} : memref<128x112xf32, #tpu.memory_space<vmem>>, vector<16xf32>,
            %parallel_loop3A_310 = arith.constant 101 : i32
            %parallel_loop3A_311 = vector.broadcast %parallel_loop3A_310 : i32 to vector<16xi32>
            %parallel_loop3A_312 = tpu.vector_load_idx %arg12[%parallel_loop3A_259, %parallel_loop3A_311] : memref<128x112xf32, #tpu.memory_space<vmem>>[vector<16xi32>, vector<16xi32>], vector<16xf32>,
            %parallel_loop3A_313 = arith.index_cast %parallel_loop3A_234 : i32 to index
            %parallel_loop3A_314 = arith.constant 80 : index
            %parallel_loop3A_315 = tpu.vector_load %arg12[%parallel_loop3A_313, %parallel_loop3A_314] {strides = array<i32>} : memref<128x112xf32, #tpu.memory_space<vmem>>, vector<16xf32>,
            %parallel_loop3A_316 = arith.mulf %parallel_loop3A_315, %parallel_loop3A_312 : vector<16xf32>
            %parallel_loop3A_317 = arith.index_cast %parallel_loop3A_234 : i32 to index
            %parallel_loop3A_318 = arith.constant 80 : index
            %parallel_loop3A_319 = tpu.vector_load %arg12[%parallel_loop3A_317, %parallel_loop3A_318] {strides = array<i32>} : memref<128x112xf32, #tpu.memory_space<vmem>>, vector<16xf32>,
            tpu.vector_store %arg12[%parallel_loop3A_317, %parallel_loop3A_318], %parallel_loop3A_316 {strides = array<i32>} : memref<128x112xf32, #tpu.memory_space<vmem>>, vector<16xf32>,
          } {sc.loop_unroll_factor = 4 : i64, sc.parallel_access}
          %run_scoped3A = arith.constant 0 : i32
          "tpu.region"() ({
            %run_scoped3A_234 = tpu.sem_alloc : memref<!tpu.dma_semaphore, #tpu.memory_space<semaphore_mem>>
            %dma_start3A = arith.constant 0 : i32
            %dma_start3A_235 = tpu.memref_slice %arg11[%run_scoped3A, %dma_start3A] : memref<1x128xi32, #tpu.memory_space<vmem>> -> memref<1x128xi32, #tpu.memory_space<vmem>>
            %dma_start3A_236 = tpu.memref_squeeze %dma_start3A_235 : memref<1x128xi32, #tpu.memory_space<vmem>> -> memref<128xi32, #tpu.memory_space<vmem>>
            %dma_start3A_237 = arith.constant 0 : i32
            %dma_start3A_238 = arith.constant 0 : i32
            %dma_start3A_239 = tpu.memref_slice %arg18[%dma_start3A_237, %dma_start3A_238] : memref<10560x112xf32, #tpu.memory_space<vmem_shared>> -> memref<10560x112xf32, #tpu.memory_space<vmem_shared>>
            tpu.enqueue_indirect_dma source(%arg12 : memref<128x112xf32, #tpu.memory_space<vmem>>) target(%dma_start3A_239 : memref<10560x112xf32, #tpu.memory_space<vmem_shared>>) offsets(%dma_start3A_236 : memref<128xi32, #tpu.memory_space<vmem>>) semaphore(%run_scoped3A_234 : memref<!tpu.dma_semaphore, #tpu.memory_space<semaphore_mem>>) {add = true}
            %dma_wait3A_240 = arith.constant 0 : i32
            %dma_wait3A_241 = tpu.memref_slice %arg11[%run_scoped3A, %dma_wait3A_240] : memref<1x128xi32, #tpu.memory_space<vmem>> -> memref<1x128xi32, #tpu.memory_space<vmem>>
            %dma_wait3A_242 = tpu.memref_squeeze %dma_wait3A_241 : memref<1x128xi32, #tpu.memory_space<vmem>> -> memref<128xi32, #tpu.memory_space<vmem>>
            %dma_wait3A_243 = arith.constant 0 : i32
            %dma_wait3A_244 = arith.constant 0 : i32
            %dma_wait3A_245 = tpu.memref_slice %arg18[%dma_wait3A_243, %dma_wait3A_244] : memref<10560x112xf32, #tpu.memory_space<vmem_shared>> -> memref<10560x112xf32, #tpu.memory_space<vmem_shared>>
            tpu.wait_indirect_dma semaphore(%run_scoped3A_234 : memref<!tpu.dma_semaphore, #tpu.memory_space<semaphore_mem>>) src(%arg12 : memref<128x112xf32, #tpu.memory_space<vmem>>) dst(%dma_wait3A_245 : memref<10560x112xf32, #tpu.memory_space<vmem_shared>>)
            tpu.yield
          }) : () -> ()
          %add3A_228 = arith.constant 2 : i32
          %add3A_229 = arith.addi %add3A_124, %add3A_228 : i32
          %lt3A_230 = arith.cmpi slt, %add3A_229, %select_n3A : i32
          %convert_element_type3A_231 = arith.extui %lt3A_230 : i1 to i32
          %cond3A_232 = arith.constant 0 : i32
          %cond3A_233 = arith.cmpi ne, %convert_element_type3A_231, %cond3A_232 : i32
          scf.if %cond3A_233 {
            %add3A_234 = arith.constant 2 : i32
            %add3A_235 = arith.addi %add3A_124, %add3A_234 : i32
            %mul3A_236 = arith.constant 128 : i32
            %mul3A_237 = arith.muli %add3A_235, %mul3A_236 : i32
            %dma_start3A = tpu.memref_slice %arg10[%mul3A_237] : memref<4112xi32, #tpu.memory_space<vmem>> -> memref<128xi32, #tpu.memory_space<vmem>>
            %dma_start3A_238 = arith.constant 0 : i32
            %dma_start3A_239 = arith.constant 0 : i32
            %dma_start3A_240 = tpu.memref_slice %arg4[%dma_start3A_238, %dma_start3A_239] : memref<105600x112xf32, #tpu.memory_space<hbm>> -> memref<105600x112xf32, #tpu.memory_space<hbm>>
            tpu.enqueue_indirect_dma source(%dma_start3A_240 : memref<105600x112xf32, #tpu.memory_space<hbm>>) target(%arg12 : memref<128x112xf32, #tpu.memory_space<vmem>>) offsets(%dma_start3A : memref<128xi32, #tpu.memory_space<vmem>>) semaphore(%arg19 : memref<!tpu.dma_semaphore, #tpu.memory_space<semaphore_mem>>)
            %dma_start3A_241 = tpu.memref_slice %arg9[%mul3A_237] : memref<4112xi32, #tpu.memory_space<vmem>> -> memref<128xi32, #tpu.memory_space<vmem>>
            %dma_start3A_242 = arith.constant 0 : i32
            %dma_start3A_243 = arith.constant 0 : i32
            %dma_start3A_244 = tpu.memref_slice %arg5[%dma_start3A_242, %dma_start3A_243] : memref<105600x16xf32, #tpu.memory_space<hbm>> -> memref<105600x16xf32, #tpu.memory_space<hbm>>
            tpu.enqueue_indirect_dma source(%dma_start3A_244 : memref<105600x16xf32, #tpu.memory_space<hbm>>) target(%arg14 : memref<128x16xf32, #tpu.memory_space<vmem>>) offsets(%dma_start3A_241 : memref<128xi32, #tpu.memory_space<vmem>>) semaphore(%arg21 : memref<!tpu.dma_semaphore, #tpu.memory_space<semaphore_mem>>)
          } else {
          }
        } else {
        }
        %mul3A_128 = arith.constant 2 : i32
        %mul3A_129 = arith.muli %while3A_119, %mul3A_128 : i32
        %add3A_130 = arith.constant 1 : i32
        %add3A_131 = arith.addi %mul3A_129, %add3A_130 : i32
        %lt3A_132 = arith.cmpi slt, %add3A_131, %select_n3A : i32
        %convert_element_type3A_133 = arith.extui %lt3A_132 : i1 to i32
        %cond3A_134 = arith.constant 0 : i32
        %cond3A_135 = arith.cmpi ne, %convert_element_type3A_133, %cond3A_134 : i32
        scf.if %cond3A_135 {
          %dma_wait3A = arith.constant 0 : i32
          %dma_wait3A_137 = tpu.memref_slice %arg10[%dma_wait3A] : memref<4112xi32, #tpu.memory_space<vmem>> -> memref<128xi32, #tpu.memory_space<vmem>>
          %dma_wait3A_138 = arith.constant 0 : i32
          %dma_wait3A_139 = arith.constant 0 : i32
          %dma_wait3A_140 = tpu.memref_slice %arg4[%dma_wait3A_138, %dma_wait3A_139] : memref<105600x112xf32, #tpu.memory_space<hbm>> -> memref<105600x112xf32, #tpu.memory_space<hbm>>
          tpu.wait_indirect_dma semaphore(%arg20 : memref<!tpu.dma_semaphore, #tpu.memory_space<semaphore_mem>>) src(%dma_wait3A_140 : memref<105600x112xf32, #tpu.memory_space<hbm>>) dst(%arg13 : memref<128x112xf32, #tpu.memory_space<vmem>>)
          %dma_wait3A_141 = arith.constant 0 : i32
          %dma_wait3A_142 = tpu.memref_slice %arg9[%dma_wait3A_141] : memref<4112xi32, #tpu.memory_space<vmem>> -> memref<128xi32, #tpu.memory_space<vmem>>
          %dma_wait3A_143 = arith.constant 0 : i32
          %dma_wait3A_144 = arith.constant 0 : i32
          %dma_wait3A_145 = tpu.memref_slice %arg5[%dma_wait3A_143, %dma_wait3A_144] : memref<105600x16xf32, #tpu.memory_space<hbm>> -> memref<105600x16xf32, #tpu.memory_space<hbm>>
          tpu.wait_indirect_dma semaphore(%arg22 : memref<!tpu.dma_semaphore, #tpu.memory_space<semaphore_mem>>) src(%dma_wait3A_145 : memref<105600x16xf32, #tpu.memory_space<hbm>>) dst(%arg15 : memref<128x16xf32, #tpu.memory_space<vmem>>)
          %mul3A_146 = arith.constant 128 : i32
          %mul3A_147 = arith.muli %add3A_131, %mul3A_146 : i32
          %add3A_148 = arith.constant 0 : i32
          %add3A_149 = arith.addi %mul3A_147, %add3A_148 : i32
          %get3A = arith.index_cast %add3A_149 : i32 to index
          %get3A_150 = tpu.vector_load %arg9[%get3A] {strides = array<i32>} : memref<4112xi32, #tpu.memory_space<vmem>>, vector<16xi32>,
          %sub3A_151 = vector.broadcast %mul3A_18 : i32 to vector<16xi32>
          %sub3A_152 = arith.subi %get3A_150, %sub3A_151 : vector<16xi32>
          %swap3A = arith.constant 0 : i32
          %swap3A_153 = arith.index_cast %swap3A : i32 to index
          %swap3A_154 = arith.constant 0 : index
          %swap3A_155 = tpu.vector_load %arg11[%swap3A_153, %swap3A_154] {strides = array<i32>} : memref<1x128xi32, #tpu.memory_space<vmem>>, vector<16xi32>,
          tpu.vector_store %arg11[%swap3A_153, %swap3A_154], %sub3A_152 {strides = array<i32>} : memref<1x128xi32, #tpu.memory_space<vmem>>, vector<16xi32>,
          %add3A_156 = arith.constant 16 : i32
          %add3A_157 = arith.addi %mul3A_147, %add3A_156 : i32
          %get3A_158 = arith.index_cast %add3A_157 : i32 to index
          %get3A_159 = tpu.vector_load %arg9[%get3A_158] {strides = array<i32>} : memref<4112xi32, #tpu.memory_space<vmem>>, vector<16xi32>,
          %sub3A_160 = vector.broadcast %mul3A_18 : i32 to vector<16xi32>
          %sub3A_161 = arith.subi %get3A_159, %sub3A_160 : vector<16xi32>
          %swap3A_162 = arith.constant 0 : i32
          %swap3A_163 = arith.index_cast %swap3A_162 : i32 to index
          %swap3A_164 = arith.constant 16 : index
          %swap3A_165 = tpu.vector_load %arg11[%swap3A_163, %swap3A_164] {strides = array<i32>} : memref<1x128xi32, #tpu.memory_space<vmem>>, vector<16xi32>,
          tpu.vector_store %arg11[%swap3A_163, %swap3A_164], %sub3A_161 {strides = array<i32>} : memref<1x128xi32, #tpu.memory_space<vmem>>, vector<16xi32>,
          %add3A_166 = arith.constant 32 : i32
          %add3A_167 = arith.addi %mul3A_147, %add3A_166 : i32
          %get3A_168 = arith.index_cast %add3A_167 : i32 to index
          %get3A_169 = tpu.vector_load %arg9[%get3A_168] {strides = array<i32>} : memref<4112xi32, #tpu.memory_space<vmem>>, vector<16xi32>,
          %sub3A_170 = vector.broadcast %mul3A_18 : i32 to vector<16xi32>
          %sub3A_171 = arith.subi %get3A_169, %sub3A_170 : vector<16xi32>
          %swap3A_172 = arith.constant 0 : i32
          %swap3A_173 = arith.index_cast %swap3A_172 : i32 to index
          %swap3A_174 = arith.constant 32 : index
          %swap3A_175 = tpu.vector_load %arg11[%swap3A_173, %swap3A_174] {strides = array<i32>} : memref<1x128xi32, #tpu.memory_space<vmem>>, vector<16xi32>,
          tpu.vector_store %arg11[%swap3A_173, %swap3A_174], %sub3A_171 {strides = array<i32>} : memref<1x128xi32, #tpu.memory_space<vmem>>, vector<16xi32>,
          %add3A_176 = arith.constant 48 : i32
          %add3A_177 = arith.addi %mul3A_147, %add3A_176 : i32
          %get3A_178 = arith.index_cast %add3A_177 : i32 to index
          %get3A_179 = tpu.vector_load %arg9[%get3A_178] {strides = array<i32>} : memref<4112xi32, #tpu.memory_space<vmem>>, vector<16xi32>,
          %sub3A_180 = vector.broadcast %mul3A_18 : i32 to vector<16xi32>
          %sub3A_181 = arith.subi %get3A_179, %sub3A_180 : vector<16xi32>
          %swap3A_182 = arith.constant 0 : i32
          %swap3A_183 = arith.index_cast %swap3A_182 : i32 to index
          %swap3A_184 = arith.constant 48 : index
          %swap3A_185 = tpu.vector_load %arg11[%swap3A_183, %swap3A_184] {strides = array<i32>} : memref<1x128xi32, #tpu.memory_space<vmem>>, vector<16xi32>,
          tpu.vector_store %arg11[%swap3A_183, %swap3A_184], %sub3A_181 {strides = array<i32>} : memref<1x128xi32, #tpu.memory_space<vmem>>, vector<16xi32>,
          %add3A_186 = arith.constant 64 : i32
          %add3A_187 = arith.addi %mul3A_147, %add3A_186 : i32
          %get3A_188 = arith.index_cast %add3A_187 : i32 to index
          %get3A_189 = tpu.vector_load %arg9[%get3A_188] {strides = array<i32>} : memref<4112xi32, #tpu.memory_space<vmem>>, vector<16xi32>,
          %sub3A_190 = vector.broadcast %mul3A_18 : i32 to vector<16xi32>
          %sub3A_191 = arith.subi %get3A_189, %sub3A_190 : vector<16xi32>
          %swap3A_192 = arith.constant 0 : i32
          %swap3A_193 = arith.index_cast %swap3A_192 : i32 to index
          %swap3A_194 = arith.constant 64 : index
          %swap3A_195 = tpu.vector_load %arg11[%swap3A_193, %swap3A_194] {strides = array<i32>} : memref<1x128xi32, #tpu.memory_space<vmem>>, vector<16xi32>,
          tpu.vector_store %arg11[%swap3A_193, %swap3A_194], %sub3A_191 {strides = array<i32>} : memref<1x128xi32, #tpu.memory_space<vmem>>, vector<16xi32>,
          %add3A_196 = arith.constant 80 : i32
          %add3A_197 = arith.addi %mul3A_147, %add3A_196 : i32
          %get3A_198 = arith.index_cast %add3A_197 : i32 to index
          %get3A_199 = tpu.vector_load %arg9[%get3A_198] {strides = array<i32>} : memref<4112xi32, #tpu.memory_space<vmem>>, vector<16xi32>,
          %sub3A_200 = vector.broadcast %mul3A_18 : i32 to vector<16xi32>
          %sub3A_201 = arith.subi %get3A_199, %sub3A_200 : vector<16xi32>
          %swap3A_202 = arith.constant 0 : i32
          %swap3A_203 = arith.index_cast %swap3A_202 : i32 to index
          %swap3A_204 = arith.constant 80 : index
          %swap3A_205 = tpu.vector_load %arg11[%swap3A_203, %swap3A_204] {strides = array<i32>} : memref<1x128xi32, #tpu.memory_space<vmem>>, vector<16xi32>,
          tpu.vector_store %arg11[%swap3A_203, %swap3A_204], %sub3A_201 {strides = array<i32>} : memref<1x128xi32, #tpu.memory_space<vmem>>, vector<16xi32>,
          %add3A_206 = arith.constant 96 : i32
          %add3A_207 = arith.addi %mul3A_147, %add3A_206 : i32
          %get3A_208 = arith.index_cast %add3A_207 : i32 to index
          %get3A_209 = tpu.vector_load %arg9[%get3A_208] {strides = array<i32>} : memref<4112xi32, #tpu.memory_space<vmem>>, vector<16xi32>,
          %sub3A_210 = vector.broadcast %mul3A_18 : i32 to vector<16xi32>
          %sub3A_211 = arith.subi %get3A_209, %sub3A_210 : vector<16xi32>
          %swap3A_212 = arith.constant 0 : i32
          %swap3A_213 = arith.index_cast %swap3A_212 : i32 to index
          %swap3A_214 = arith.constant 96 : index
          %swap3A_215 = tpu.vector_load %arg11[%swap3A_213, %swap3A_214] {strides = array<i32>} : memref<1x128xi32, #tpu.memory_space<vmem>>, vector<16xi32>,
          tpu.vector_store %arg11[%swap3A_213, %swap3A_214], %sub3A_211 {strides = array<i32>} : memref<1x128xi32, #tpu.memory_space<vmem>>, vector<16xi32>,
          %add3A_216 = arith.constant 112 : i32
          %add3A_217 = arith.addi %mul3A_147, %add3A_216 : i32
          %get3A_218 = arith.index_cast %add3A_217 : i32 to index
          %get3A_219 = tpu.vector_load %arg9[%get3A_218] {strides = array<i32>} : memref<4112xi32, #tpu.memory_space<vmem>>, vector<16xi32>,
          %sub3A_220 = vector.broadcast %mul3A_18 : i32 to vector<16xi32>
          %sub3A_221 = arith.subi %get3A_219, %sub3A_220 : vector<16xi32>
          %swap3A_222 = arith.constant 0 : i32
          %swap3A_223 = arith.index_cast %swap3A_222 : i32 to index
          %swap3A_224 = arith.constant 112 : index
          %swap3A_225 = tpu.vector_load %arg11[%swap3A_223, %swap3A_224] {strides = array<i32>} : memref<1x128xi32, #tpu.memory_space<vmem>>, vector<16xi32>,
          tpu.vector_store %arg11[%swap3A_223, %swap3A_224], %sub3A_221 {strides = array<i32>} : memref<1x128xi32, #tpu.memory_space<vmem>>, vector<16xi32>,
          %parallel_loop3A = arith.constant 0 : i32
          %parallel_loop3A_226 = arith.constant 128 : i32
          %parallel_loop3A_227 = arith.constant 1 : i32
          scf.for %parallel_loop3A_234 = %parallel_loop3A to %parallel_loop3A_226 step %parallel_loop3A_227  : i32 {
            %parallel_loop3A_235 = arith.index_cast %parallel_loop3A_234 : i32 to index
            %parallel_loop3A_236 = arith.constant 96 : index
            %parallel_loop3A_237 = tpu.vector_load %arg13[%parallel_loop3A_235, %parallel_loop3A_236] {strides = array<i32>} : memref<128x112xf32, #tpu.memory_space<vmem>>, vector<16xf32>,
            %parallel_loop3A_238 = arith.index_cast %parallel_loop3A_234 : i32 to index
            %parallel_loop3A_239 = arith.constant 0 : index
            %parallel_loop3A_240 = tpu.vector_load %arg15[%parallel_loop3A_238, %parallel_loop3A_239] {strides = array<i32>} : memref<128x16xf32, #tpu.memory_space<vmem>>, vector<16xf32>,
            %parallel_loop3A_241 = arith.addf %parallel_loop3A_237, %parallel_loop3A_240 : vector<16xf32>
            %parallel_loop3A_242 = arith.constant 0.000000e+00 : f32
            %parallel_loop3A_243 = vector.broadcast %parallel_loop3A_242 : f32 to vector<16xf32>
            %parallel_loop3A_244 = arith.cmpf oge, %parallel_loop3A_241, %parallel_loop3A_243 : vector<16xf32>
            %parallel_loop3A_245 = arith.constant 2.000000e-01 : f32
            %parallel_loop3A_246 = vector.broadcast %parallel_loop3A_245 : f32 to vector<16xf32>
            %parallel_loop3A_247 = arith.mulf %parallel_loop3A_241, %parallel_loop3A_246 : vector<16xf32>
            %parallel_loop3A_248 = arith.select %parallel_loop3A_244, %parallel_loop3A_241, %parallel_loop3A_247 : vector<16xi1>, vector<16xf32>
            %parallel_loop3A_249 = math.exp %parallel_loop3A_248 : vector<16xf32>
            %parallel_loop3A_250 = arith.addi %mul3A_147, %parallel_loop3A_234 : i32
            %parallel_loop3A_251 = arith.cmpi slt, %parallel_loop3A_250, %scan3A_45 : i32
            %parallel_loop3A_252 = arith.extui %parallel_loop3A_251 : i1 to i32
            %parallel_loop3A_253 = arith.sitofp %parallel_loop3A_252 : i32 to f32
            %parallel_loop3A_254 = vector.broadcast %parallel_loop3A_253 : f32 to vector<16xf32>
            %parallel_loop3A_255 = arith.mulf %parallel_loop3A_249, %parallel_loop3A_254 : vector<16xf32>
            %parallel_loop3A_256 = arith.index_cast %parallel_loop3A_234 : i32 to index
            %parallel_loop3A_257 = arith.constant 96 : index
            %parallel_loop3A_258 = tpu.vector_load %arg13[%parallel_loop3A_256, %parallel_loop3A_257] {strides = array<i32>} : memref<128x112xf32, #tpu.memory_space<vmem>>, vector<16xf32>,
            tpu.vector_store %arg13[%parallel_loop3A_256, %parallel_loop3A_257], %parallel_loop3A_255 {strides = array<i32>} : memref<128x112xf32, #tpu.memory_space<vmem>>, vector<16xf32>,
            %parallel_loop3A_259 = vector.broadcast %parallel_loop3A_234 : i32 to vector<16xi32>
            %parallel_loop3A_260 = arith.constant 96 : i32
            %parallel_loop3A_261 = vector.broadcast %parallel_loop3A_260 : i32 to vector<16xi32>
            %parallel_loop3A_262 = tpu.vector_load_idx %arg13[%parallel_loop3A_259, %parallel_loop3A_261] : memref<128x112xf32, #tpu.memory_space<vmem>>[vector<16xi32>, vector<16xi32>], vector<16xf32>,
            %parallel_loop3A_263 = arith.index_cast %parallel_loop3A_234 : i32 to index
            %parallel_loop3A_264 = arith.constant 0 : index
            %parallel_loop3A_265 = tpu.vector_load %arg13[%parallel_loop3A_263, %parallel_loop3A_264] {strides = array<i32>} : memref<128x112xf32, #tpu.memory_space<vmem>>, vector<16xf32>,
            %parallel_loop3A_266 = arith.mulf %parallel_loop3A_265, %parallel_loop3A_262 : vector<16xf32>
            %parallel_loop3A_267 = arith.index_cast %parallel_loop3A_234 : i32 to index
            %parallel_loop3A_268 = arith.constant 0 : index
            %parallel_loop3A_269 = tpu.vector_load %arg13[%parallel_loop3A_267, %parallel_loop3A_268] {strides = array<i32>} : memref<128x112xf32, #tpu.memory_space<vmem>>, vector<16xf32>,
            tpu.vector_store %arg13[%parallel_loop3A_267, %parallel_loop3A_268], %parallel_loop3A_266 {strides = array<i32>} : memref<128x112xf32, #tpu.memory_space<vmem>>, vector<16xf32>,
            %parallel_loop3A_270 = arith.constant 97 : i32
            %parallel_loop3A_271 = vector.broadcast %parallel_loop3A_270 : i32 to vector<16xi32>
            %parallel_loop3A_272 = tpu.vector_load_idx %arg13[%parallel_loop3A_259, %parallel_loop3A_271] : memref<128x112xf32, #tpu.memory_space<vmem>>[vector<16xi32>, vector<16xi32>], vector<16xf32>,
            %parallel_loop3A_273 = arith.index_cast %parallel_loop3A_234 : i32 to index
            %parallel_loop3A_274 = arith.constant 16 : index
            %parallel_loop3A_275 = tpu.vector_load %arg13[%parallel_loop3A_273, %parallel_loop3A_274] {strides = array<i32>} : memref<128x112xf32, #tpu.memory_space<vmem>>, vector<16xf32>,
            %parallel_loop3A_276 = arith.mulf %parallel_loop3A_275, %parallel_loop3A_272 : vector<16xf32>
            %parallel_loop3A_277 = arith.index_cast %parallel_loop3A_234 : i32 to index
            %parallel_loop3A_278 = arith.constant 16 : index
            %parallel_loop3A_279 = tpu.vector_load %arg13[%parallel_loop3A_277, %parallel_loop3A_278] {strides = array<i32>} : memref<128x112xf32, #tpu.memory_space<vmem>>, vector<16xf32>,
            tpu.vector_store %arg13[%parallel_loop3A_277, %parallel_loop3A_278], %parallel_loop3A_276 {strides = array<i32>} : memref<128x112xf32, #tpu.memory_space<vmem>>, vector<16xf32>,
            %parallel_loop3A_280 = arith.constant 98 : i32
            %parallel_loop3A_281 = vector.broadcast %parallel_loop3A_280 : i32 to vector<16xi32>
            %parallel_loop3A_282 = tpu.vector_load_idx %arg13[%parallel_loop3A_259, %parallel_loop3A_281] : memref<128x112xf32, #tpu.memory_space<vmem>>[vector<16xi32>, vector<16xi32>], vector<16xf32>,
            %parallel_loop3A_283 = arith.index_cast %parallel_loop3A_234 : i32 to index
            %parallel_loop3A_284 = arith.constant 32 : index
            %parallel_loop3A_285 = tpu.vector_load %arg13[%parallel_loop3A_283, %parallel_loop3A_284] {strides = array<i32>} : memref<128x112xf32, #tpu.memory_space<vmem>>, vector<16xf32>,
            %parallel_loop3A_286 = arith.mulf %parallel_loop3A_285, %parallel_loop3A_282 : vector<16xf32>
            %parallel_loop3A_287 = arith.index_cast %parallel_loop3A_234 : i32 to index
            %parallel_loop3A_288 = arith.constant 32 : index
            %parallel_loop3A_289 = tpu.vector_load %arg13[%parallel_loop3A_287, %parallel_loop3A_288] {strides = array<i32>} : memref<128x112xf32, #tpu.memory_space<vmem>>, vector<16xf32>,
            tpu.vector_store %arg13[%parallel_loop3A_287, %parallel_loop3A_288], %parallel_loop3A_286 {strides = array<i32>} : memref<128x112xf32, #tpu.memory_space<vmem>>, vector<16xf32>,
            %parallel_loop3A_290 = arith.constant 99 : i32
            %parallel_loop3A_291 = vector.broadcast %parallel_loop3A_290 : i32 to vector<16xi32>
            %parallel_loop3A_292 = tpu.vector_load_idx %arg13[%parallel_loop3A_259, %parallel_loop3A_291] : memref<128x112xf32, #tpu.memory_space<vmem>>[vector<16xi32>, vector<16xi32>], vector<16xf32>,
            %parallel_loop3A_293 = arith.index_cast %parallel_loop3A_234 : i32 to index
            %parallel_loop3A_294 = arith.constant 48 : index
            %parallel_loop3A_295 = tpu.vector_load %arg13[%parallel_loop3A_293, %parallel_loop3A_294] {strides = array<i32>} : memref<128x112xf32, #tpu.memory_space<vmem>>, vector<16xf32>,
            %parallel_loop3A_296 = arith.mulf %parallel_loop3A_295, %parallel_loop3A_292 : vector<16xf32>
            %parallel_loop3A_297 = arith.index_cast %parallel_loop3A_234 : i32 to index
            %parallel_loop3A_298 = arith.constant 48 : index
            %parallel_loop3A_299 = tpu.vector_load %arg13[%parallel_loop3A_297, %parallel_loop3A_298] {strides = array<i32>} : memref<128x112xf32, #tpu.memory_space<vmem>>, vector<16xf32>,
            tpu.vector_store %arg13[%parallel_loop3A_297, %parallel_loop3A_298], %parallel_loop3A_296 {strides = array<i32>} : memref<128x112xf32, #tpu.memory_space<vmem>>, vector<16xf32>,
            %parallel_loop3A_300 = arith.constant 100 : i32
            %parallel_loop3A_301 = vector.broadcast %parallel_loop3A_300 : i32 to vector<16xi32>
            %parallel_loop3A_302 = tpu.vector_load_idx %arg13[%parallel_loop3A_259, %parallel_loop3A_301] : memref<128x112xf32, #tpu.memory_space<vmem>>[vector<16xi32>, vector<16xi32>], vector<16xf32>,
            %parallel_loop3A_303 = arith.index_cast %parallel_loop3A_234 : i32 to index
            %parallel_loop3A_304 = arith.constant 64 : index
            %parallel_loop3A_305 = tpu.vector_load %arg13[%parallel_loop3A_303, %parallel_loop3A_304] {strides = array<i32>} : memref<128x112xf32, #tpu.memory_space<vmem>>, vector<16xf32>,
            %parallel_loop3A_306 = arith.mulf %parallel_loop3A_305, %parallel_loop3A_302 : vector<16xf32>
            %parallel_loop3A_307 = arith.index_cast %parallel_loop3A_234 : i32 to index
            %parallel_loop3A_308 = arith.constant 64 : index
            %parallel_loop3A_309 = tpu.vector_load %arg13[%parallel_loop3A_307, %parallel_loop3A_308] {strides = array<i32>} : memref<128x112xf32, #tpu.memory_space<vmem>>, vector<16xf32>,
            tpu.vector_store %arg13[%parallel_loop3A_307, %parallel_loop3A_308], %parallel_loop3A_306 {strides = array<i32>} : memref<128x112xf32, #tpu.memory_space<vmem>>, vector<16xf32>,
            %parallel_loop3A_310 = arith.constant 101 : i32
            %parallel_loop3A_311 = vector.broadcast %parallel_loop3A_310 : i32 to vector<16xi32>
            %parallel_loop3A_312 = tpu.vector_load_idx %arg13[%parallel_loop3A_259, %parallel_loop3A_311] : memref<128x112xf32, #tpu.memory_space<vmem>>[vector<16xi32>, vector<16xi32>], vector<16xf32>,
            %parallel_loop3A_313 = arith.index_cast %parallel_loop3A_234 : i32 to index
            %parallel_loop3A_314 = arith.constant 80 : index
            %parallel_loop3A_315 = tpu.vector_load %arg13[%parallel_loop3A_313, %parallel_loop3A_314] {strides = array<i32>} : memref<128x112xf32, #tpu.memory_space<vmem>>, vector<16xf32>,
            %parallel_loop3A_316 = arith.mulf %parallel_loop3A_315, %parallel_loop3A_312 : vector<16xf32>
            %parallel_loop3A_317 = arith.index_cast %parallel_loop3A_234 : i32 to index
            %parallel_loop3A_318 = arith.constant 80 : index
            %parallel_loop3A_319 = tpu.vector_load %arg13[%parallel_loop3A_317, %parallel_loop3A_318] {strides = array<i32>} : memref<128x112xf32, #tpu.memory_space<vmem>>, vector<16xf32>,
            tpu.vector_store %arg13[%parallel_loop3A_317, %parallel_loop3A_318], %parallel_loop3A_316 {strides = array<i32>} : memref<128x112xf32, #tpu.memory_space<vmem>>, vector<16xf32>,
          } {sc.loop_unroll_factor = 4 : i64, sc.parallel_access}
          %run_scoped3A = arith.constant 0 : i32
          "tpu.region"() ({
            %run_scoped3A_234 = tpu.sem_alloc : memref<!tpu.dma_semaphore, #tpu.memory_space<semaphore_mem>>
            %dma_start3A = arith.constant 0 : i32
            %dma_start3A_235 = tpu.memref_slice %arg11[%run_scoped3A, %dma_start3A] : memref<1x128xi32, #tpu.memory_space<vmem>> -> memref<1x128xi32, #tpu.memory_space<vmem>>
            %dma_start3A_236 = tpu.memref_squeeze %dma_start3A_235 : memref<1x128xi32, #tpu.memory_space<vmem>> -> memref<128xi32, #tpu.memory_space<vmem>>
            %dma_start3A_237 = arith.constant 0 : i32
            %dma_start3A_238 = arith.constant 0 : i32
            %dma_start3A_239 = tpu.memref_slice %arg18[%dma_start3A_237, %dma_start3A_238] : memref<10560x112xf32, #tpu.memory_space<vmem_shared>> -> memref<10560x112xf32, #tpu.memory_space<vmem_shared>>
            tpu.enqueue_indirect_dma source(%arg13 : memref<128x112xf32, #tpu.memory_space<vmem>>) target(%dma_start3A_239 : memref<10560x112xf32, #tpu.memory_space<vmem_shared>>) offsets(%dma_start3A_236 : memref<128xi32, #tpu.memory_space<vmem>>) semaphore(%run_scoped3A_234 : memref<!tpu.dma_semaphore, #tpu.memory_space<semaphore_mem>>) {add = true}
            %dma_wait3A_240 = arith.constant 0 : i32
            %dma_wait3A_241 = tpu.memref_slice %arg11[%run_scoped3A, %dma_wait3A_240] : memref<1x128xi32, #tpu.memory_space<vmem>> -> memref<1x128xi32, #tpu.memory_space<vmem>>
            %dma_wait3A_242 = tpu.memref_squeeze %dma_wait3A_241 : memref<1x128xi32, #tpu.memory_space<vmem>> -> memref<128xi32, #tpu.memory_space<vmem>>
            %dma_wait3A_243 = arith.constant 0 : i32
            %dma_wait3A_244 = arith.constant 0 : i32
            %dma_wait3A_245 = tpu.memref_slice %arg18[%dma_wait3A_243, %dma_wait3A_244] : memref<10560x112xf32, #tpu.memory_space<vmem_shared>> -> memref<10560x112xf32, #tpu.memory_space<vmem_shared>>
            tpu.wait_indirect_dma semaphore(%run_scoped3A_234 : memref<!tpu.dma_semaphore, #tpu.memory_space<semaphore_mem>>) src(%arg13 : memref<128x112xf32, #tpu.memory_space<vmem>>) dst(%dma_wait3A_245 : memref<10560x112xf32, #tpu.memory_space<vmem_shared>>)
            tpu.yield
          }) : () -> ()
          %add3A_228 = arith.constant 2 : i32
          %add3A_229 = arith.addi %add3A_131, %add3A_228 : i32
          %lt3A_230 = arith.cmpi slt, %add3A_229, %select_n3A : i32
          %convert_element_type3A_231 = arith.extui %lt3A_230 : i1 to i32
          %cond3A_232 = arith.constant 0 : i32
          %cond3A_233 = arith.cmpi ne, %convert_element_type3A_231, %cond3A_232 : i32
          scf.if %cond3A_233 {
            %add3A_234 = arith.constant 2 : i32
            %add3A_235 = arith.addi %add3A_131, %add3A_234 : i32
            %mul3A_236 = arith.constant 128 : i32
            %mul3A_237 = arith.muli %add3A_235, %mul3A_236 : i32
            %dma_start3A = tpu.memref_slice %arg10[%mul3A_237] : memref<4112xi32, #tpu.memory_space<vmem>> -> memref<128xi32, #tpu.memory_space<vmem>>
            %dma_start3A_238 = arith.constant 0 : i32
            %dma_start3A_239 = arith.constant 0 : i32
            %dma_start3A_240 = tpu.memref_slice %arg4[%dma_start3A_238, %dma_start3A_239] : memref<105600x112xf32, #tpu.memory_space<hbm>> -> memref<105600x112xf32, #tpu.memory_space<hbm>>
            tpu.enqueue_indirect_dma source(%dma_start3A_240 : memref<105600x112xf32, #tpu.memory_space<hbm>>) target(%arg13 : memref<128x112xf32, #tpu.memory_space<vmem>>) offsets(%dma_start3A : memref<128xi32, #tpu.memory_space<vmem>>) semaphore(%arg20 : memref<!tpu.dma_semaphore, #tpu.memory_space<semaphore_mem>>)
            %dma_start3A_241 = tpu.memref_slice %arg9[%mul3A_237] : memref<4112xi32, #tpu.memory_space<vmem>> -> memref<128xi32, #tpu.memory_space<vmem>>
            %dma_start3A_242 = arith.constant 0 : i32
            %dma_start3A_243 = arith.constant 0 : i32
            %dma_start3A_244 = tpu.memref_slice %arg5[%dma_start3A_242, %dma_start3A_243] : memref<105600x16xf32, #tpu.memory_space<hbm>> -> memref<105600x16xf32, #tpu.memory_space<hbm>>
            tpu.enqueue_indirect_dma source(%dma_start3A_244 : memref<105600x16xf32, #tpu.memory_space<hbm>>) target(%arg15 : memref<128x16xf32, #tpu.memory_space<vmem>>) offsets(%dma_start3A_241 : memref<128xi32, #tpu.memory_space<vmem>>) semaphore(%arg22 : memref<!tpu.dma_semaphore, #tpu.memory_space<semaphore_mem>>)
          } else {
          }
        } else {
        }
        %while3A_136 = arith.constant 0 : i32
        scf.yield %while3A_136 : i32
      }
      %while3A_107 = arith.constant 1 : i32
      %while3A_108 = scf.for %while3A_119 = %while3A_104 to %while3A_100 step %while3A_107 iter_args(%while3A_120 = %while3A_106) -> (i32)  : i32 {
        %mul3A_121 = arith.constant 2 : i32
        %mul3A_122 = arith.muli %while3A_119, %mul3A_121 : i32
        %add3A_123 = arith.constant 0 : i32
        %add3A_124 = arith.addi %mul3A_122, %add3A_123 : i32
        %lt3A = arith.cmpi slt, %add3A_124, %select_n3A : i32
        %convert_element_type3A_125 = arith.extui %lt3A : i1 to i32
        %cond3A_126 = arith.constant 0 : i32
        %cond3A_127 = arith.cmpi ne, %convert_element_type3A_125, %cond3A_126 : i32
        scf.if %cond3A_127 {
          %dma_wait3A = arith.constant 0 : i32
          %dma_wait3A_137 = tpu.memref_slice %arg10[%dma_wait3A] : memref<4112xi32, #tpu.memory_space<vmem>> -> memref<128xi32, #tpu.memory_space<vmem>>
          %dma_wait3A_138 = arith.constant 0 : i32
          %dma_wait3A_139 = arith.constant 0 : i32
          %dma_wait3A_140 = tpu.memref_slice %arg4[%dma_wait3A_138, %dma_wait3A_139] : memref<105600x112xf32, #tpu.memory_space<hbm>> -> memref<105600x112xf32, #tpu.memory_space<hbm>>
          tpu.wait_indirect_dma semaphore(%arg19 : memref<!tpu.dma_semaphore, #tpu.memory_space<semaphore_mem>>) src(%dma_wait3A_140 : memref<105600x112xf32, #tpu.memory_space<hbm>>) dst(%arg12 : memref<128x112xf32, #tpu.memory_space<vmem>>)
          %dma_wait3A_141 = arith.constant 0 : i32
          %dma_wait3A_142 = tpu.memref_slice %arg9[%dma_wait3A_141] : memref<4112xi32, #tpu.memory_space<vmem>> -> memref<128xi32, #tpu.memory_space<vmem>>
          %dma_wait3A_143 = arith.constant 0 : i32
          %dma_wait3A_144 = arith.constant 0 : i32
          %dma_wait3A_145 = tpu.memref_slice %arg5[%dma_wait3A_143, %dma_wait3A_144] : memref<105600x16xf32, #tpu.memory_space<hbm>> -> memref<105600x16xf32, #tpu.memory_space<hbm>>
          tpu.wait_indirect_dma semaphore(%arg21 : memref<!tpu.dma_semaphore, #tpu.memory_space<semaphore_mem>>) src(%dma_wait3A_145 : memref<105600x16xf32, #tpu.memory_space<hbm>>) dst(%arg14 : memref<128x16xf32, #tpu.memory_space<vmem>>)
          %mul3A_146 = arith.constant 128 : i32
          %mul3A_147 = arith.muli %add3A_124, %mul3A_146 : i32
          %add3A_148 = arith.constant 0 : i32
          %add3A_149 = arith.addi %mul3A_147, %add3A_148 : i32
          %get3A = arith.index_cast %add3A_149 : i32 to index
          %get3A_150 = tpu.vector_load %arg9[%get3A] {strides = array<i32>} : memref<4112xi32, #tpu.memory_space<vmem>>, vector<16xi32>,
          %sub3A_151 = vector.broadcast %mul3A_18 : i32 to vector<16xi32>
          %sub3A_152 = arith.subi %get3A_150, %sub3A_151 : vector<16xi32>
          %swap3A = arith.constant 0 : i32
          %swap3A_153 = arith.index_cast %swap3A : i32 to index
          %swap3A_154 = arith.constant 0 : index
          %swap3A_155 = tpu.vector_load %arg11[%swap3A_153, %swap3A_154] {strides = array<i32>} : memref<1x128xi32, #tpu.memory_space<vmem>>, vector<16xi32>,
          tpu.vector_store %arg11[%swap3A_153, %swap3A_154], %sub3A_152 {strides = array<i32>} : memref<1x128xi32, #tpu.memory_space<vmem>>, vector<16xi32>,
          %add3A_156 = arith.constant 16 : i32
          %add3A_157 = arith.addi %mul3A_147, %add3A_156 : i32
          %get3A_158 = arith.index_cast %add3A_157 : i32 to index
          %get3A_159 = tpu.vector_load %arg9[%get3A_158] {strides = array<i32>} : memref<4112xi32, #tpu.memory_space<vmem>>, vector<16xi32>,
          %sub3A_160 = vector.broadcast %mul3A_18 : i32 to vector<16xi32>
          %sub3A_161 = arith.subi %get3A_159, %sub3A_160 : vector<16xi32>
          %swap3A_162 = arith.constant 0 : i32
          %swap3A_163 = arith.index_cast %swap3A_162 : i32 to index
          %swap3A_164 = arith.constant 16 : index
          %swap3A_165 = tpu.vector_load %arg11[%swap3A_163, %swap3A_164] {strides = array<i32>} : memref<1x128xi32, #tpu.memory_space<vmem>>, vector<16xi32>,
          tpu.vector_store %arg11[%swap3A_163, %swap3A_164], %sub3A_161 {strides = array<i32>} : memref<1x128xi32, #tpu.memory_space<vmem>>, vector<16xi32>,
          %add3A_166 = arith.constant 32 : i32
          %add3A_167 = arith.addi %mul3A_147, %add3A_166 : i32
          %get3A_168 = arith.index_cast %add3A_167 : i32 to index
          %get3A_169 = tpu.vector_load %arg9[%get3A_168] {strides = array<i32>} : memref<4112xi32, #tpu.memory_space<vmem>>, vector<16xi32>,
          %sub3A_170 = vector.broadcast %mul3A_18 : i32 to vector<16xi32>
          %sub3A_171 = arith.subi %get3A_169, %sub3A_170 : vector<16xi32>
          %swap3A_172 = arith.constant 0 : i32
          %swap3A_173 = arith.index_cast %swap3A_172 : i32 to index
          %swap3A_174 = arith.constant 32 : index
          %swap3A_175 = tpu.vector_load %arg11[%swap3A_173, %swap3A_174] {strides = array<i32>} : memref<1x128xi32, #tpu.memory_space<vmem>>, vector<16xi32>,
          tpu.vector_store %arg11[%swap3A_173, %swap3A_174], %sub3A_171 {strides = array<i32>} : memref<1x128xi32, #tpu.memory_space<vmem>>, vector<16xi32>,
          %add3A_176 = arith.constant 48 : i32
          %add3A_177 = arith.addi %mul3A_147, %add3A_176 : i32
          %get3A_178 = arith.index_cast %add3A_177 : i32 to index
          %get3A_179 = tpu.vector_load %arg9[%get3A_178] {strides = array<i32>} : memref<4112xi32, #tpu.memory_space<vmem>>, vector<16xi32>,
          %sub3A_180 = vector.broadcast %mul3A_18 : i32 to vector<16xi32>
          %sub3A_181 = arith.subi %get3A_179, %sub3A_180 : vector<16xi32>
          %swap3A_182 = arith.constant 0 : i32
          %swap3A_183 = arith.index_cast %swap3A_182 : i32 to index
          %swap3A_184 = arith.constant 48 : index
          %swap3A_185 = tpu.vector_load %arg11[%swap3A_183, %swap3A_184] {strides = array<i32>} : memref<1x128xi32, #tpu.memory_space<vmem>>, vector<16xi32>,
          tpu.vector_store %arg11[%swap3A_183, %swap3A_184], %sub3A_181 {strides = array<i32>} : memref<1x128xi32, #tpu.memory_space<vmem>>, vector<16xi32>,
          %add3A_186 = arith.constant 64 : i32
          %add3A_187 = arith.addi %mul3A_147, %add3A_186 : i32
          %get3A_188 = arith.index_cast %add3A_187 : i32 to index
          %get3A_189 = tpu.vector_load %arg9[%get3A_188] {strides = array<i32>} : memref<4112xi32, #tpu.memory_space<vmem>>, vector<16xi32>,
          %sub3A_190 = vector.broadcast %mul3A_18 : i32 to vector<16xi32>
          %sub3A_191 = arith.subi %get3A_189, %sub3A_190 : vector<16xi32>
          %swap3A_192 = arith.constant 0 : i32
          %swap3A_193 = arith.index_cast %swap3A_192 : i32 to index
          %swap3A_194 = arith.constant 64 : index
          %swap3A_195 = tpu.vector_load %arg11[%swap3A_193, %swap3A_194] {strides = array<i32>} : memref<1x128xi32, #tpu.memory_space<vmem>>, vector<16xi32>,
          tpu.vector_store %arg11[%swap3A_193, %swap3A_194], %sub3A_191 {strides = array<i32>} : memref<1x128xi32, #tpu.memory_space<vmem>>, vector<16xi32>,
          %add3A_196 = arith.constant 80 : i32
          %add3A_197 = arith.addi %mul3A_147, %add3A_196 : i32
          %get3A_198 = arith.index_cast %add3A_197 : i32 to index
          %get3A_199 = tpu.vector_load %arg9[%get3A_198] {strides = array<i32>} : memref<4112xi32, #tpu.memory_space<vmem>>, vector<16xi32>,
          %sub3A_200 = vector.broadcast %mul3A_18 : i32 to vector<16xi32>
          %sub3A_201 = arith.subi %get3A_199, %sub3A_200 : vector<16xi32>
          %swap3A_202 = arith.constant 0 : i32
          %swap3A_203 = arith.index_cast %swap3A_202 : i32 to index
          %swap3A_204 = arith.constant 80 : index
          %swap3A_205 = tpu.vector_load %arg11[%swap3A_203, %swap3A_204] {strides = array<i32>} : memref<1x128xi32, #tpu.memory_space<vmem>>, vector<16xi32>,
          tpu.vector_store %arg11[%swap3A_203, %swap3A_204], %sub3A_201 {strides = array<i32>} : memref<1x128xi32, #tpu.memory_space<vmem>>, vector<16xi32>,
          %add3A_206 = arith.constant 96 : i32
          %add3A_207 = arith.addi %mul3A_147, %add3A_206 : i32
          %get3A_208 = arith.index_cast %add3A_207 : i32 to index
          %get3A_209 = tpu.vector_load %arg9[%get3A_208] {strides = array<i32>} : memref<4112xi32, #tpu.memory_space<vmem>>, vector<16xi32>,
          %sub3A_210 = vector.broadcast %mul3A_18 : i32 to vector<16xi32>
          %sub3A_211 = arith.subi %get3A_209, %sub3A_210 : vector<16xi32>
          %swap3A_212 = arith.constant 0 : i32
          %swap3A_213 = arith.index_cast %swap3A_212 : i32 to index
          %swap3A_214 = arith.constant 96 : index
          %swap3A_215 = tpu.vector_load %arg11[%swap3A_213, %swap3A_214] {strides = array<i32>} : memref<1x128xi32, #tpu.memory_space<vmem>>, vector<16xi32>,
          tpu.vector_store %arg11[%swap3A_213, %swap3A_214], %sub3A_211 {strides = array<i32>} : memref<1x128xi32, #tpu.memory_space<vmem>>, vector<16xi32>,
          %add3A_216 = arith.constant 112 : i32
          %add3A_217 = arith.addi %mul3A_147, %add3A_216 : i32
          %get3A_218 = arith.index_cast %add3A_217 : i32 to index
          %get3A_219 = tpu.vector_load %arg9[%get3A_218] {strides = array<i32>} : memref<4112xi32, #tpu.memory_space<vmem>>, vector<16xi32>,
          %sub3A_220 = vector.broadcast %mul3A_18 : i32 to vector<16xi32>
          %sub3A_221 = arith.subi %get3A_219, %sub3A_220 : vector<16xi32>
          %swap3A_222 = arith.constant 0 : i32
          %swap3A_223 = arith.index_cast %swap3A_222 : i32 to index
          %swap3A_224 = arith.constant 112 : index
          %swap3A_225 = tpu.vector_load %arg11[%swap3A_223, %swap3A_224] {strides = array<i32>} : memref<1x128xi32, #tpu.memory_space<vmem>>, vector<16xi32>,
          tpu.vector_store %arg11[%swap3A_223, %swap3A_224], %sub3A_221 {strides = array<i32>} : memref<1x128xi32, #tpu.memory_space<vmem>>, vector<16xi32>,
          %parallel_loop3A = arith.constant 0 : i32
          %parallel_loop3A_226 = arith.constant 128 : i32
          %parallel_loop3A_227 = arith.constant 1 : i32
          scf.for %parallel_loop3A_234 = %parallel_loop3A to %parallel_loop3A_226 step %parallel_loop3A_227  : i32 {
            %parallel_loop3A_235 = arith.index_cast %parallel_loop3A_234 : i32 to index
            %parallel_loop3A_236 = arith.constant 96 : index
            %parallel_loop3A_237 = tpu.vector_load %arg12[%parallel_loop3A_235, %parallel_loop3A_236] {strides = array<i32>} : memref<128x112xf32, #tpu.memory_space<vmem>>, vector<16xf32>,
            %parallel_loop3A_238 = arith.index_cast %parallel_loop3A_234 : i32 to index
            %parallel_loop3A_239 = arith.constant 0 : index
            %parallel_loop3A_240 = tpu.vector_load %arg14[%parallel_loop3A_238, %parallel_loop3A_239] {strides = array<i32>} : memref<128x16xf32, #tpu.memory_space<vmem>>, vector<16xf32>,
            %parallel_loop3A_241 = arith.addf %parallel_loop3A_237, %parallel_loop3A_240 : vector<16xf32>
            %parallel_loop3A_242 = arith.constant 0.000000e+00 : f32
            %parallel_loop3A_243 = vector.broadcast %parallel_loop3A_242 : f32 to vector<16xf32>
            %parallel_loop3A_244 = arith.cmpf oge, %parallel_loop3A_241, %parallel_loop3A_243 : vector<16xf32>
            %parallel_loop3A_245 = arith.constant 2.000000e-01 : f32
            %parallel_loop3A_246 = vector.broadcast %parallel_loop3A_245 : f32 to vector<16xf32>
            %parallel_loop3A_247 = arith.mulf %parallel_loop3A_241, %parallel_loop3A_246 : vector<16xf32>
            %parallel_loop3A_248 = arith.select %parallel_loop3A_244, %parallel_loop3A_241, %parallel_loop3A_247 : vector<16xi1>, vector<16xf32>
            %parallel_loop3A_249 = math.exp %parallel_loop3A_248 : vector<16xf32>
            %parallel_loop3A_250 = arith.addi %mul3A_147, %parallel_loop3A_234 : i32
            %parallel_loop3A_251 = arith.cmpi slt, %parallel_loop3A_250, %scan3A_45 : i32
            %parallel_loop3A_252 = arith.extui %parallel_loop3A_251 : i1 to i32
            %parallel_loop3A_253 = arith.sitofp %parallel_loop3A_252 : i32 to f32
            %parallel_loop3A_254 = vector.broadcast %parallel_loop3A_253 : f32 to vector<16xf32>
            %parallel_loop3A_255 = arith.mulf %parallel_loop3A_249, %parallel_loop3A_254 : vector<16xf32>
            %parallel_loop3A_256 = arith.index_cast %parallel_loop3A_234 : i32 to index
            %parallel_loop3A_257 = arith.constant 96 : index
            %parallel_loop3A_258 = tpu.vector_load %arg12[%parallel_loop3A_256, %parallel_loop3A_257] {strides = array<i32>} : memref<128x112xf32, #tpu.memory_space<vmem>>, vector<16xf32>,
            tpu.vector_store %arg12[%parallel_loop3A_256, %parallel_loop3A_257], %parallel_loop3A_255 {strides = array<i32>} : memref<128x112xf32, #tpu.memory_space<vmem>>, vector<16xf32>,
            %parallel_loop3A_259 = vector.broadcast %parallel_loop3A_234 : i32 to vector<16xi32>
            %parallel_loop3A_260 = arith.constant 96 : i32
            %parallel_loop3A_261 = vector.broadcast %parallel_loop3A_260 : i32 to vector<16xi32>
            %parallel_loop3A_262 = tpu.vector_load_idx %arg12[%parallel_loop3A_259, %parallel_loop3A_261] : memref<128x112xf32, #tpu.memory_space<vmem>>[vector<16xi32>, vector<16xi32>], vector<16xf32>,
            %parallel_loop3A_263 = arith.index_cast %parallel_loop3A_234 : i32 to index
            %parallel_loop3A_264 = arith.constant 0 : index
            %parallel_loop3A_265 = tpu.vector_load %arg12[%parallel_loop3A_263, %parallel_loop3A_264] {strides = array<i32>} : memref<128x112xf32, #tpu.memory_space<vmem>>, vector<16xf32>,
            %parallel_loop3A_266 = arith.mulf %parallel_loop3A_265, %parallel_loop3A_262 : vector<16xf32>
            %parallel_loop3A_267 = arith.index_cast %parallel_loop3A_234 : i32 to index
            %parallel_loop3A_268 = arith.constant 0 : index
            %parallel_loop3A_269 = tpu.vector_load %arg12[%parallel_loop3A_267, %parallel_loop3A_268] {strides = array<i32>} : memref<128x112xf32, #tpu.memory_space<vmem>>, vector<16xf32>,
            tpu.vector_store %arg12[%parallel_loop3A_267, %parallel_loop3A_268], %parallel_loop3A_266 {strides = array<i32>} : memref<128x112xf32, #tpu.memory_space<vmem>>, vector<16xf32>,
            %parallel_loop3A_270 = arith.constant 97 : i32
            %parallel_loop3A_271 = vector.broadcast %parallel_loop3A_270 : i32 to vector<16xi32>
            %parallel_loop3A_272 = tpu.vector_load_idx %arg12[%parallel_loop3A_259, %parallel_loop3A_271] : memref<128x112xf32, #tpu.memory_space<vmem>>[vector<16xi32>, vector<16xi32>], vector<16xf32>,
            %parallel_loop3A_273 = arith.index_cast %parallel_loop3A_234 : i32 to index
            %parallel_loop3A_274 = arith.constant 16 : index
            %parallel_loop3A_275 = tpu.vector_load %arg12[%parallel_loop3A_273, %parallel_loop3A_274] {strides = array<i32>} : memref<128x112xf32, #tpu.memory_space<vmem>>, vector<16xf32>,
            %parallel_loop3A_276 = arith.mulf %parallel_loop3A_275, %parallel_loop3A_272 : vector<16xf32>
            %parallel_loop3A_277 = arith.index_cast %parallel_loop3A_234 : i32 to index
            %parallel_loop3A_278 = arith.constant 16 : index
            %parallel_loop3A_279 = tpu.vector_load %arg12[%parallel_loop3A_277, %parallel_loop3A_278] {strides = array<i32>} : memref<128x112xf32, #tpu.memory_space<vmem>>, vector<16xf32>,
            tpu.vector_store %arg12[%parallel_loop3A_277, %parallel_loop3A_278], %parallel_loop3A_276 {strides = array<i32>} : memref<128x112xf32, #tpu.memory_space<vmem>>, vector<16xf32>,
            %parallel_loop3A_280 = arith.constant 98 : i32
            %parallel_loop3A_281 = vector.broadcast %parallel_loop3A_280 : i32 to vector<16xi32>
            %parallel_loop3A_282 = tpu.vector_load_idx %arg12[%parallel_loop3A_259, %parallel_loop3A_281] : memref<128x112xf32, #tpu.memory_space<vmem>>[vector<16xi32>, vector<16xi32>], vector<16xf32>,
            %parallel_loop3A_283 = arith.index_cast %parallel_loop3A_234 : i32 to index
            %parallel_loop3A_284 = arith.constant 32 : index
            %parallel_loop3A_285 = tpu.vector_load %arg12[%parallel_loop3A_283, %parallel_loop3A_284] {strides = array<i32>} : memref<128x112xf32, #tpu.memory_space<vmem>>, vector<16xf32>,
            %parallel_loop3A_286 = arith.mulf %parallel_loop3A_285, %parallel_loop3A_282 : vector<16xf32>
            %parallel_loop3A_287 = arith.index_cast %parallel_loop3A_234 : i32 to index
            %parallel_loop3A_288 = arith.constant 32 : index
            %parallel_loop3A_289 = tpu.vector_load %arg12[%parallel_loop3A_287, %parallel_loop3A_288] {strides = array<i32>} : memref<128x112xf32, #tpu.memory_space<vmem>>, vector<16xf32>,
            tpu.vector_store %arg12[%parallel_loop3A_287, %parallel_loop3A_288], %parallel_loop3A_286 {strides = array<i32>} : memref<128x112xf32, #tpu.memory_space<vmem>>, vector<16xf32>,
            %parallel_loop3A_290 = arith.constant 99 : i32
            %parallel_loop3A_291 = vector.broadcast %parallel_loop3A_290 : i32 to vector<16xi32>
            %parallel_loop3A_292 = tpu.vector_load_idx %arg12[%parallel_loop3A_259, %parallel_loop3A_291] : memref<128x112xf32, #tpu.memory_space<vmem>>[vector<16xi32>, vector<16xi32>], vector<16xf32>,
            %parallel_loop3A_293 = arith.index_cast %parallel_loop3A_234 : i32 to index
            %parallel_loop3A_294 = arith.constant 48 : index
            %parallel_loop3A_295 = tpu.vector_load %arg12[%parallel_loop3A_293, %parallel_loop3A_294] {strides = array<i32>} : memref<128x112xf32, #tpu.memory_space<vmem>>, vector<16xf32>,
            %parallel_loop3A_296 = arith.mulf %parallel_loop3A_295, %parallel_loop3A_292 : vector<16xf32>
            %parallel_loop3A_297 = arith.index_cast %parallel_loop3A_234 : i32 to index
            %parallel_loop3A_298 = arith.constant 48 : index
            %parallel_loop3A_299 = tpu.vector_load %arg12[%parallel_loop3A_297, %parallel_loop3A_298] {strides = array<i32>} : memref<128x112xf32, #tpu.memory_space<vmem>>, vector<16xf32>,
            tpu.vector_store %arg12[%parallel_loop3A_297, %parallel_loop3A_298], %parallel_loop3A_296 {strides = array<i32>} : memref<128x112xf32, #tpu.memory_space<vmem>>, vector<16xf32>,
            %parallel_loop3A_300 = arith.constant 100 : i32
            %parallel_loop3A_301 = vector.broadcast %parallel_loop3A_300 : i32 to vector<16xi32>
            %parallel_loop3A_302 = tpu.vector_load_idx %arg12[%parallel_loop3A_259, %parallel_loop3A_301] : memref<128x112xf32, #tpu.memory_space<vmem>>[vector<16xi32>, vector<16xi32>], vector<16xf32>,
            %parallel_loop3A_303 = arith.index_cast %parallel_loop3A_234 : i32 to index
            %parallel_loop3A_304 = arith.constant 64 : index
            %parallel_loop3A_305 = tpu.vector_load %arg12[%parallel_loop3A_303, %parallel_loop3A_304] {strides = array<i32>} : memref<128x112xf32, #tpu.memory_space<vmem>>, vector<16xf32>,
            %parallel_loop3A_306 = arith.mulf %parallel_loop3A_305, %parallel_loop3A_302 : vector<16xf32>
            %parallel_loop3A_307 = arith.index_cast %parallel_loop3A_234 : i32 to index
            %parallel_loop3A_308 = arith.constant 64 : index
            %parallel_loop3A_309 = tpu.vector_load %arg12[%parallel_loop3A_307, %parallel_loop3A_308] {strides = array<i32>} : memref<128x112xf32, #tpu.memory_space<vmem>>, vector<16xf32>,
            tpu.vector_store %arg12[%parallel_loop3A_307, %parallel_loop3A_308], %parallel_loop3A_306 {strides = array<i32>} : memref<128x112xf32, #tpu.memory_space<vmem>>, vector<16xf32>,
            %parallel_loop3A_310 = arith.constant 101 : i32
            %parallel_loop3A_311 = vector.broadcast %parallel_loop3A_310 : i32 to vector<16xi32>
            %parallel_loop3A_312 = tpu.vector_load_idx %arg12[%parallel_loop3A_259, %parallel_loop3A_311] : memref<128x112xf32, #tpu.memory_space<vmem>>[vector<16xi32>, vector<16xi32>], vector<16xf32>,
            %parallel_loop3A_313 = arith.index_cast %parallel_loop3A_234 : i32 to index
            %parallel_loop3A_314 = arith.constant 80 : index
            %parallel_loop3A_315 = tpu.vector_load %arg12[%parallel_loop3A_313, %parallel_loop3A_314] {strides = array<i32>} : memref<128x112xf32, #tpu.memory_space<vmem>>, vector<16xf32>,
            %parallel_loop3A_316 = arith.mulf %parallel_loop3A_315, %parallel_loop3A_312 : vector<16xf32>
            %parallel_loop3A_317 = arith.index_cast %parallel_loop3A_234 : i32 to index
            %parallel_loop3A_318 = arith.constant 80 : index
            %parallel_loop3A_319 = tpu.vector_load %arg12[%parallel_loop3A_317, %parallel_loop3A_318] {strides = array<i32>} : memref<128x112xf32, #tpu.memory_space<vmem>>, vector<16xf32>,
            tpu.vector_store %arg12[%parallel_loop3A_317, %parallel_loop3A_318], %parallel_loop3A_316 {strides = array<i32>} : memref<128x112xf32, #tpu.memory_space<vmem>>, vector<16xf32>,
          } {sc.loop_unroll_factor = 4 : i64, sc.parallel_access}
          %run_scoped3A = arith.constant 0 : i32
          "tpu.region"() ({
            %run_scoped3A_234 = tpu.sem_alloc : memref<!tpu.dma_semaphore, #tpu.memory_space<semaphore_mem>>
            %dma_start3A = arith.constant 0 : i32
            %dma_start3A_235 = tpu.memref_slice %arg11[%run_scoped3A, %dma_start3A] : memref<1x128xi32, #tpu.memory_space<vmem>> -> memref<1x128xi32, #tpu.memory_space<vmem>>
            %dma_start3A_236 = tpu.memref_squeeze %dma_start3A_235 : memref<1x128xi32, #tpu.memory_space<vmem>> -> memref<128xi32, #tpu.memory_space<vmem>>
            %dma_start3A_237 = arith.constant 0 : i32
            %dma_start3A_238 = arith.constant 0 : i32
            %dma_start3A_239 = tpu.memref_slice %arg18[%dma_start3A_237, %dma_start3A_238] : memref<10560x112xf32, #tpu.memory_space<vmem_shared>> -> memref<10560x112xf32, #tpu.memory_space<vmem_shared>>
            tpu.enqueue_indirect_dma source(%arg12 : memref<128x112xf32, #tpu.memory_space<vmem>>) target(%dma_start3A_239 : memref<10560x112xf32, #tpu.memory_space<vmem_shared>>) offsets(%dma_start3A_236 : memref<128xi32, #tpu.memory_space<vmem>>) semaphore(%run_scoped3A_234 : memref<!tpu.dma_semaphore, #tpu.memory_space<semaphore_mem>>) {add = true}
            %dma_wait3A_240 = arith.constant 0 : i32
            %dma_wait3A_241 = tpu.memref_slice %arg11[%run_scoped3A, %dma_wait3A_240] : memref<1x128xi32, #tpu.memory_space<vmem>> -> memref<1x128xi32, #tpu.memory_space<vmem>>
            %dma_wait3A_242 = tpu.memref_squeeze %dma_wait3A_241 : memref<1x128xi32, #tpu.memory_space<vmem>> -> memref<128xi32, #tpu.memory_space<vmem>>
            %dma_wait3A_243 = arith.constant 0 : i32
            %dma_wait3A_244 = arith.constant 0 : i32
            %dma_wait3A_245 = tpu.memref_slice %arg18[%dma_wait3A_243, %dma_wait3A_244] : memref<10560x112xf32, #tpu.memory_space<vmem_shared>> -> memref<10560x112xf32, #tpu.memory_space<vmem_shared>>
            tpu.wait_indirect_dma semaphore(%run_scoped3A_234 : memref<!tpu.dma_semaphore, #tpu.memory_space<semaphore_mem>>) src(%arg12 : memref<128x112xf32, #tpu.memory_space<vmem>>) dst(%dma_wait3A_245 : memref<10560x112xf32, #tpu.memory_space<vmem_shared>>)
            tpu.yield
          }) : () -> ()
          %add3A_228 = arith.constant 2 : i32
          %add3A_229 = arith.addi %add3A_124, %add3A_228 : i32
          %lt3A_230 = arith.cmpi slt, %add3A_229, %select_n3A : i32
          %convert_element_type3A_231 = arith.extui %lt3A_230 : i1 to i32
          %cond3A_232 = arith.constant 0 : i32
          %cond3A_233 = arith.cmpi ne, %convert_element_type3A_231, %cond3A_232 : i32
          scf.if %cond3A_233 {
            %add3A_234 = arith.constant 2 : i32
            %add3A_235 = arith.addi %add3A_124, %add3A_234 : i32
            %mul3A_236 = arith.constant 128 : i32
            %mul3A_237 = arith.muli %add3A_235, %mul3A_236 : i32
            %dma_start3A = tpu.memref_slice %arg10[%mul3A_237] : memref<4112xi32, #tpu.memory_space<vmem>> -> memref<128xi32, #tpu.memory_space<vmem>>
            %dma_start3A_238 = arith.constant 0 : i32
            %dma_start3A_239 = arith.constant 0 : i32
            %dma_start3A_240 = tpu.memref_slice %arg4[%dma_start3A_238, %dma_start3A_239] : memref<105600x112xf32, #tpu.memory_space<hbm>> -> memref<105600x112xf32, #tpu.memory_space<hbm>>
            tpu.enqueue_indirect_dma source(%dma_start3A_240 : memref<105600x112xf32, #tpu.memory_space<hbm>>) target(%arg12 : memref<128x112xf32, #tpu.memory_space<vmem>>) offsets(%dma_start3A : memref<128xi32, #tpu.memory_space<vmem>>) semaphore(%arg19 : memref<!tpu.dma_semaphore, #tpu.memory_space<semaphore_mem>>)
            %dma_start3A_241 = tpu.memref_slice %arg9[%mul3A_237] : memref<4112xi32, #tpu.memory_space<vmem>> -> memref<128xi32, #tpu.memory_space<vmem>>
            %dma_start3A_242 = arith.constant 0 : i32
            %dma_start3A_243 = arith.constant 0 : i32
            %dma_start3A_244 = tpu.memref_slice %arg5[%dma_start3A_242, %dma_start3A_243] : memref<105600x16xf32, #tpu.memory_space<hbm>> -> memref<105600x16xf32, #tpu.memory_space<hbm>>
            tpu.enqueue_indirect_dma source(%dma_start3A_244 : memref<105600x16xf32, #tpu.memory_space<hbm>>) target(%arg14 : memref<128x16xf32, #tpu.memory_space<vmem>>) offsets(%dma_start3A_241 : memref<128xi32, #tpu.memory_space<vmem>>) semaphore(%arg21 : memref<!tpu.dma_semaphore, #tpu.memory_space<semaphore_mem>>)
          } else {
          }
        } else {
        }
        %mul3A_128 = arith.constant 2 : i32
        %mul3A_129 = arith.muli %while3A_119, %mul3A_128 : i32
        %add3A_130 = arith.constant 1 : i32
        %add3A_131 = arith.addi %mul3A_129, %add3A_130 : i32
        %lt3A_132 = arith.cmpi slt, %add3A_131, %select_n3A : i32
        %convert_element_type3A_133 = arith.extui %lt3A_132 : i1 to i32
        %cond3A_134 = arith.constant 0 : i32
        %cond3A_135 = arith.cmpi ne, %convert_element_type3A_133, %cond3A_134 : i32
        scf.if %cond3A_135 {
          %dma_wait3A = arith.constant 0 : i32
          %dma_wait3A_137 = tpu.memref_slice %arg10[%dma_wait3A] : memref<4112xi32, #tpu.memory_space<vmem>> -> memref<128xi32, #tpu.memory_space<vmem>>
          %dma_wait3A_138 = arith.constant 0 : i32
          %dma_wait3A_139 = arith.constant 0 : i32
          %dma_wait3A_140 = tpu.memref_slice %arg4[%dma_wait3A_138, %dma_wait3A_139] : memref<105600x112xf32, #tpu.memory_space<hbm>> -> memref<105600x112xf32, #tpu.memory_space<hbm>>
          tpu.wait_indirect_dma semaphore(%arg20 : memref<!tpu.dma_semaphore, #tpu.memory_space<semaphore_mem>>) src(%dma_wait3A_140 : memref<105600x112xf32, #tpu.memory_space<hbm>>) dst(%arg13 : memref<128x112xf32, #tpu.memory_space<vmem>>)
          %dma_wait3A_141 = arith.constant 0 : i32
          %dma_wait3A_142 = tpu.memref_slice %arg9[%dma_wait3A_141] : memref<4112xi32, #tpu.memory_space<vmem>> -> memref<128xi32, #tpu.memory_space<vmem>>
          %dma_wait3A_143 = arith.constant 0 : i32
          %dma_wait3A_144 = arith.constant 0 : i32
          %dma_wait3A_145 = tpu.memref_slice %arg5[%dma_wait3A_143, %dma_wait3A_144] : memref<105600x16xf32, #tpu.memory_space<hbm>> -> memref<105600x16xf32, #tpu.memory_space<hbm>>
          tpu.wait_indirect_dma semaphore(%arg22 : memref<!tpu.dma_semaphore, #tpu.memory_space<semaphore_mem>>) src(%dma_wait3A_145 : memref<105600x16xf32, #tpu.memory_space<hbm>>) dst(%arg15 : memref<128x16xf32, #tpu.memory_space<vmem>>)
          %mul3A_146 = arith.constant 128 : i32
          %mul3A_147 = arith.muli %add3A_131, %mul3A_146 : i32
          %add3A_148 = arith.constant 0 : i32
          %add3A_149 = arith.addi %mul3A_147, %add3A_148 : i32
          %get3A = arith.index_cast %add3A_149 : i32 to index
          %get3A_150 = tpu.vector_load %arg9[%get3A] {strides = array<i32>} : memref<4112xi32, #tpu.memory_space<vmem>>, vector<16xi32>,
          %sub3A_151 = vector.broadcast %mul3A_18 : i32 to vector<16xi32>
          %sub3A_152 = arith.subi %get3A_150, %sub3A_151 : vector<16xi32>
          %swap3A = arith.constant 0 : i32
          %swap3A_153 = arith.index_cast %swap3A : i32 to index
          %swap3A_154 = arith.constant 0 : index
          %swap3A_155 = tpu.vector_load %arg11[%swap3A_153, %swap3A_154] {strides = array<i32>} : memref<1x128xi32, #tpu.memory_space<vmem>>, vector<16xi32>,
          tpu.vector_store %arg11[%swap3A_153, %swap3A_154], %sub3A_152 {strides = array<i32>} : memref<1x128xi32, #tpu.memory_space<vmem>>, vector<16xi32>,
          %add3A_156 = arith.constant 16 : i32
          %add3A_157 = arith.addi %mul3A_147, %add3A_156 : i32
          %get3A_158 = arith.index_cast %add3A_157 : i32 to index
          %get3A_159 = tpu.vector_load %arg9[%get3A_158] {strides = array<i32>} : memref<4112xi32, #tpu.memory_space<vmem>>, vector<16xi32>,
          %sub3A_160 = vector.broadcast %mul3A_18 : i32 to vector<16xi32>
          %sub3A_161 = arith.subi %get3A_159, %sub3A_160 : vector<16xi32>
          %swap3A_162 = arith.constant 0 : i32
          %swap3A_163 = arith.index_cast %swap3A_162 : i32 to index
          %swap3A_164 = arith.constant 16 : index
          %swap3A_165 = tpu.vector_load %arg11[%swap3A_163, %swap3A_164] {strides = array<i32>} : memref<1x128xi32, #tpu.memory_space<vmem>>, vector<16xi32>,
          tpu.vector_store %arg11[%swap3A_163, %swap3A_164], %sub3A_161 {strides = array<i32>} : memref<1x128xi32, #tpu.memory_space<vmem>>, vector<16xi32>,
          %add3A_166 = arith.constant 32 : i32
          %add3A_167 = arith.addi %mul3A_147, %add3A_166 : i32
          %get3A_168 = arith.index_cast %add3A_167 : i32 to index
          %get3A_169 = tpu.vector_load %arg9[%get3A_168] {strides = array<i32>} : memref<4112xi32, #tpu.memory_space<vmem>>, vector<16xi32>,
          %sub3A_170 = vector.broadcast %mul3A_18 : i32 to vector<16xi32>
          %sub3A_171 = arith.subi %get3A_169, %sub3A_170 : vector<16xi32>
          %swap3A_172 = arith.constant 0 : i32
          %swap3A_173 = arith.index_cast %swap3A_172 : i32 to index
          %swap3A_174 = arith.constant 32 : index
          %swap3A_175 = tpu.vector_load %arg11[%swap3A_173, %swap3A_174] {strides = array<i32>} : memref<1x128xi32, #tpu.memory_space<vmem>>, vector<16xi32>,
          tpu.vector_store %arg11[%swap3A_173, %swap3A_174], %sub3A_171 {strides = array<i32>} : memref<1x128xi32, #tpu.memory_space<vmem>>, vector<16xi32>,
          %add3A_176 = arith.constant 48 : i32
          %add3A_177 = arith.addi %mul3A_147, %add3A_176 : i32
          %get3A_178 = arith.index_cast %add3A_177 : i32 to index
          %get3A_179 = tpu.vector_load %arg9[%get3A_178] {strides = array<i32>} : memref<4112xi32, #tpu.memory_space<vmem>>, vector<16xi32>,
          %sub3A_180 = vector.broadcast %mul3A_18 : i32 to vector<16xi32>
          %sub3A_181 = arith.subi %get3A_179, %sub3A_180 : vector<16xi32>
          %swap3A_182 = arith.constant 0 : i32
          %swap3A_183 = arith.index_cast %swap3A_182 : i32 to index
          %swap3A_184 = arith.constant 48 : index
          %swap3A_185 = tpu.vector_load %arg11[%swap3A_183, %swap3A_184] {strides = array<i32>} : memref<1x128xi32, #tpu.memory_space<vmem>>, vector<16xi32>,
          tpu.vector_store %arg11[%swap3A_183, %swap3A_184], %sub3A_181 {strides = array<i32>} : memref<1x128xi32, #tpu.memory_space<vmem>>, vector<16xi32>,
          %add3A_186 = arith.constant 64 : i32
          %add3A_187 = arith.addi %mul3A_147, %add3A_186 : i32
          %get3A_188 = arith.index_cast %add3A_187 : i32 to index
          %get3A_189 = tpu.vector_load %arg9[%get3A_188] {strides = array<i32>} : memref<4112xi32, #tpu.memory_space<vmem>>, vector<16xi32>,
          %sub3A_190 = vector.broadcast %mul3A_18 : i32 to vector<16xi32>
          %sub3A_191 = arith.subi %get3A_189, %sub3A_190 : vector<16xi32>
          %swap3A_192 = arith.constant 0 : i32
          %swap3A_193 = arith.index_cast %swap3A_192 : i32 to index
          %swap3A_194 = arith.constant 64 : index
          %swap3A_195 = tpu.vector_load %arg11[%swap3A_193, %swap3A_194] {strides = array<i32>} : memref<1x128xi32, #tpu.memory_space<vmem>>, vector<16xi32>,
          tpu.vector_store %arg11[%swap3A_193, %swap3A_194], %sub3A_191 {strides = array<i32>} : memref<1x128xi32, #tpu.memory_space<vmem>>, vector<16xi32>,
          %add3A_196 = arith.constant 80 : i32
          %add3A_197 = arith.addi %mul3A_147, %add3A_196 : i32
          %get3A_198 = arith.index_cast %add3A_197 : i32 to index
          %get3A_199 = tpu.vector_load %arg9[%get3A_198] {strides = array<i32>} : memref<4112xi32, #tpu.memory_space<vmem>>, vector<16xi32>,
          %sub3A_200 = vector.broadcast %mul3A_18 : i32 to vector<16xi32>
          %sub3A_201 = arith.subi %get3A_199, %sub3A_200 : vector<16xi32>
          %swap3A_202 = arith.constant 0 : i32
          %swap3A_203 = arith.index_cast %swap3A_202 : i32 to index
          %swap3A_204 = arith.constant 80 : index
          %swap3A_205 = tpu.vector_load %arg11[%swap3A_203, %swap3A_204] {strides = array<i32>} : memref<1x128xi32, #tpu.memory_space<vmem>>, vector<16xi32>,
          tpu.vector_store %arg11[%swap3A_203, %swap3A_204], %sub3A_201 {strides = array<i32>} : memref<1x128xi32, #tpu.memory_space<vmem>>, vector<16xi32>,
          %add3A_206 = arith.constant 96 : i32
          %add3A_207 = arith.addi %mul3A_147, %add3A_206 : i32
          %get3A_208 = arith.index_cast %add3A_207 : i32 to index
          %get3A_209 = tpu.vector_load %arg9[%get3A_208] {strides = array<i32>} : memref<4112xi32, #tpu.memory_space<vmem>>, vector<16xi32>,
          %sub3A_210 = vector.broadcast %mul3A_18 : i32 to vector<16xi32>
          %sub3A_211 = arith.subi %get3A_209, %sub3A_210 : vector<16xi32>
          %swap3A_212 = arith.constant 0 : i32
          %swap3A_213 = arith.index_cast %swap3A_212 : i32 to index
          %swap3A_214 = arith.constant 96 : index
          %swap3A_215 = tpu.vector_load %arg11[%swap3A_213, %swap3A_214] {strides = array<i32>} : memref<1x128xi32, #tpu.memory_space<vmem>>, vector<16xi32>,
          tpu.vector_store %arg11[%swap3A_213, %swap3A_214], %sub3A_211 {strides = array<i32>} : memref<1x128xi32, #tpu.memory_space<vmem>>, vector<16xi32>,
          %add3A_216 = arith.constant 112 : i32
          %add3A_217 = arith.addi %mul3A_147, %add3A_216 : i32
          %get3A_218 = arith.index_cast %add3A_217 : i32 to index
          %get3A_219 = tpu.vector_load %arg9[%get3A_218] {strides = array<i32>} : memref<4112xi32, #tpu.memory_space<vmem>>, vector<16xi32>,
          %sub3A_220 = vector.broadcast %mul3A_18 : i32 to vector<16xi32>
          %sub3A_221 = arith.subi %get3A_219, %sub3A_220 : vector<16xi32>
          %swap3A_222 = arith.constant 0 : i32
          %swap3A_223 = arith.index_cast %swap3A_222 : i32 to index
          %swap3A_224 = arith.constant 112 : index
          %swap3A_225 = tpu.vector_load %arg11[%swap3A_223, %swap3A_224] {strides = array<i32>} : memref<1x128xi32, #tpu.memory_space<vmem>>, vector<16xi32>,
          tpu.vector_store %arg11[%swap3A_223, %swap3A_224], %sub3A_221 {strides = array<i32>} : memref<1x128xi32, #tpu.memory_space<vmem>>, vector<16xi32>,
          %parallel_loop3A = arith.constant 0 : i32
          %parallel_loop3A_226 = arith.constant 128 : i32
          %parallel_loop3A_227 = arith.constant 1 : i32
          scf.for %parallel_loop3A_234 = %parallel_loop3A to %parallel_loop3A_226 step %parallel_loop3A_227  : i32 {
            %parallel_loop3A_235 = arith.index_cast %parallel_loop3A_234 : i32 to index
            %parallel_loop3A_236 = arith.constant 96 : index
            %parallel_loop3A_237 = tpu.vector_load %arg13[%parallel_loop3A_235, %parallel_loop3A_236] {strides = array<i32>} : memref<128x112xf32, #tpu.memory_space<vmem>>, vector<16xf32>,
            %parallel_loop3A_238 = arith.index_cast %parallel_loop3A_234 : i32 to index
            %parallel_loop3A_239 = arith.constant 0 : index
            %parallel_loop3A_240 = tpu.vector_load %arg15[%parallel_loop3A_238, %parallel_loop3A_239] {strides = array<i32>} : memref<128x16xf32, #tpu.memory_space<vmem>>, vector<16xf32>,
            %parallel_loop3A_241 = arith.addf %parallel_loop3A_237, %parallel_loop3A_240 : vector<16xf32>
            %parallel_loop3A_242 = arith.constant 0.000000e+00 : f32
            %parallel_loop3A_243 = vector.broadcast %parallel_loop3A_242 : f32 to vector<16xf32>
            %parallel_loop3A_244 = arith.cmpf oge, %parallel_loop3A_241, %parallel_loop3A_243 : vector<16xf32>
            %parallel_loop3A_245 = arith.constant 2.000000e-01 : f32
            %parallel_loop3A_246 = vector.broadcast %parallel_loop3A_245 : f32 to vector<16xf32>
            %parallel_loop3A_247 = arith.mulf %parallel_loop3A_241, %parallel_loop3A_246 : vector<16xf32>
            %parallel_loop3A_248 = arith.select %parallel_loop3A_244, %parallel_loop3A_241, %parallel_loop3A_247 : vector<16xi1>, vector<16xf32>
            %parallel_loop3A_249 = math.exp %parallel_loop3A_248 : vector<16xf32>
            %parallel_loop3A_250 = arith.addi %mul3A_147, %parallel_loop3A_234 : i32
            %parallel_loop3A_251 = arith.cmpi slt, %parallel_loop3A_250, %scan3A_45 : i32
            %parallel_loop3A_252 = arith.extui %parallel_loop3A_251 : i1 to i32
            %parallel_loop3A_253 = arith.sitofp %parallel_loop3A_252 : i32 to f32
            %parallel_loop3A_254 = vector.broadcast %parallel_loop3A_253 : f32 to vector<16xf32>
            %parallel_loop3A_255 = arith.mulf %parallel_loop3A_249, %parallel_loop3A_254 : vector<16xf32>
            %parallel_loop3A_256 = arith.index_cast %parallel_loop3A_234 : i32 to index
            %parallel_loop3A_257 = arith.constant 96 : index
            %parallel_loop3A_258 = tpu.vector_load %arg13[%parallel_loop3A_256, %parallel_loop3A_257] {strides = array<i32>} : memref<128x112xf32, #tpu.memory_space<vmem>>, vector<16xf32>,
            tpu.vector_store %arg13[%parallel_loop3A_256, %parallel_loop3A_257], %parallel_loop3A_255 {strides = array<i32>} : memref<128x112xf32, #tpu.memory_space<vmem>>, vector<16xf32>,
            %parallel_loop3A_259 = vector.broadcast %parallel_loop3A_234 : i32 to vector<16xi32>
            %parallel_loop3A_260 = arith.constant 96 : i32
            %parallel_loop3A_261 = vector.broadcast %parallel_loop3A_260 : i32 to vector<16xi32>
            %parallel_loop3A_262 = tpu.vector_load_idx %arg13[%parallel_loop3A_259, %parallel_loop3A_261] : memref<128x112xf32, #tpu.memory_space<vmem>>[vector<16xi32>, vector<16xi32>], vector<16xf32>,
            %parallel_loop3A_263 = arith.index_cast %parallel_loop3A_234 : i32 to index
            %parallel_loop3A_264 = arith.constant 0 : index
            %parallel_loop3A_265 = tpu.vector_load %arg13[%parallel_loop3A_263, %parallel_loop3A_264] {strides = array<i32>} : memref<128x112xf32, #tpu.memory_space<vmem>>, vector<16xf32>,
            %parallel_loop3A_266 = arith.mulf %parallel_loop3A_265, %parallel_loop3A_262 : vector<16xf32>
            %parallel_loop3A_267 = arith.index_cast %parallel_loop3A_234 : i32 to index
            %parallel_loop3A_268 = arith.constant 0 : index
            %parallel_loop3A_269 = tpu.vector_load %arg13[%parallel_loop3A_267, %parallel_loop3A_268] {strides = array<i32>} : memref<128x112xf32, #tpu.memory_space<vmem>>, vector<16xf32>,
            tpu.vector_store %arg13[%parallel_loop3A_267, %parallel_loop3A_268], %parallel_loop3A_266 {strides = array<i32>} : memref<128x112xf32, #tpu.memory_space<vmem>>, vector<16xf32>,
            %parallel_loop3A_270 = arith.constant 97 : i32
            %parallel_loop3A_271 = vector.broadcast %parallel_loop3A_270 : i32 to vector<16xi32>
            %parallel_loop3A_272 = tpu.vector_load_idx %arg13[%parallel_loop3A_259, %parallel_loop3A_271] : memref<128x112xf32, #tpu.memory_space<vmem>>[vector<16xi32>, vector<16xi32>], vector<16xf32>,
            %parallel_loop3A_273 = arith.index_cast %parallel_loop3A_234 : i32 to index
            %parallel_loop3A_274 = arith.constant 16 : index
            %parallel_loop3A_275 = tpu.vector_load %arg13[%parallel_loop3A_273, %parallel_loop3A_274] {strides = array<i32>} : memref<128x112xf32, #tpu.memory_space<vmem>>, vector<16xf32>,
            %parallel_loop3A_276 = arith.mulf %parallel_loop3A_275, %parallel_loop3A_272 : vector<16xf32>
            %parallel_loop3A_277 = arith.index_cast %parallel_loop3A_234 : i32 to index
            %parallel_loop3A_278 = arith.constant 16 : index
            %parallel_loop3A_279 = tpu.vector_load %arg13[%parallel_loop3A_277, %parallel_loop3A_278] {strides = array<i32>} : memref<128x112xf32, #tpu.memory_space<vmem>>, vector<16xf32>,
            tpu.vector_store %arg13[%parallel_loop3A_277, %parallel_loop3A_278], %parallel_loop3A_276 {strides = array<i32>} : memref<128x112xf32, #tpu.memory_space<vmem>>, vector<16xf32>,
            %parallel_loop3A_280 = arith.constant 98 : i32
            %parallel_loop3A_281 = vector.broadcast %parallel_loop3A_280 : i32 to vector<16xi32>
            %parallel_loop3A_282 = tpu.vector_load_idx %arg13[%parallel_loop3A_259, %parallel_loop3A_281] : memref<128x112xf32, #tpu.memory_space<vmem>>[vector<16xi32>, vector<16xi32>], vector<16xf32>,
            %parallel_loop3A_283 = arith.index_cast %parallel_loop3A_234 : i32 to index
            %parallel_loop3A_284 = arith.constant 32 : index
            %parallel_loop3A_285 = tpu.vector_load %arg13[%parallel_loop3A_283, %parallel_loop3A_284] {strides = array<i32>} : memref<128x112xf32, #tpu.memory_space<vmem>>, vector<16xf32>,
            %parallel_loop3A_286 = arith.mulf %parallel_loop3A_285, %parallel_loop3A_282 : vector<16xf32>
            %parallel_loop3A_287 = arith.index_cast %parallel_loop3A_234 : i32 to index
            %parallel_loop3A_288 = arith.constant 32 : index
            %parallel_loop3A_289 = tpu.vector_load %arg13[%parallel_loop3A_287, %parallel_loop3A_288] {strides = array<i32>} : memref<128x112xf32, #tpu.memory_space<vmem>>, vector<16xf32>,
            tpu.vector_store %arg13[%parallel_loop3A_287, %parallel_loop3A_288], %parallel_loop3A_286 {strides = array<i32>} : memref<128x112xf32, #tpu.memory_space<vmem>>, vector<16xf32>,
            %parallel_loop3A_290 = arith.constant 99 : i32
            %parallel_loop3A_291 = vector.broadcast %parallel_loop3A_290 : i32 to vector<16xi32>
            %parallel_loop3A_292 = tpu.vector_load_idx %arg13[%parallel_loop3A_259, %parallel_loop3A_291] : memref<128x112xf32, #tpu.memory_space<vmem>>[vector<16xi32>, vector<16xi32>], vector<16xf32>,
            %parallel_loop3A_293 = arith.index_cast %parallel_loop3A_234 : i32 to index
            %parallel_loop3A_294 = arith.constant 48 : index
            %parallel_loop3A_295 = tpu.vector_load %arg13[%parallel_loop3A_293, %parallel_loop3A_294] {strides = array<i32>} : memref<128x112xf32, #tpu.memory_space<vmem>>, vector<16xf32>,
            %parallel_loop3A_296 = arith.mulf %parallel_loop3A_295, %parallel_loop3A_292 : vector<16xf32>
            %parallel_loop3A_297 = arith.index_cast %parallel_loop3A_234 : i32 to index
            %parallel_loop3A_298 = arith.constant 48 : index
            %parallel_loop3A_299 = tpu.vector_load %arg13[%parallel_loop3A_297, %parallel_loop3A_298] {strides = array<i32>} : memref<128x112xf32, #tpu.memory_space<vmem>>, vector<16xf32>,
            tpu.vector_store %arg13[%parallel_loop3A_297, %parallel_loop3A_298], %parallel_loop3A_296 {strides = array<i32>} : memref<128x112xf32, #tpu.memory_space<vmem>>, vector<16xf32>,
            %parallel_loop3A_300 = arith.constant 100 : i32
            %parallel_loop3A_301 = vector.broadcast %parallel_loop3A_300 : i32 to vector<16xi32>
            %parallel_loop3A_302 = tpu.vector_load_idx %arg13[%parallel_loop3A_259, %parallel_loop3A_301] : memref<128x112xf32, #tpu.memory_space<vmem>>[vector<16xi32>, vector<16xi32>], vector<16xf32>,
            %parallel_loop3A_303 = arith.index_cast %parallel_loop3A_234 : i32 to index
            %parallel_loop3A_304 = arith.constant 64 : index
            %parallel_loop3A_305 = tpu.vector_load %arg13[%parallel_loop3A_303, %parallel_loop3A_304] {strides = array<i32>} : memref<128x112xf32, #tpu.memory_space<vmem>>, vector<16xf32>,
            %parallel_loop3A_306 = arith.mulf %parallel_loop3A_305, %parallel_loop3A_302 : vector<16xf32>
            %parallel_loop3A_307 = arith.index_cast %parallel_loop3A_234 : i32 to index
            %parallel_loop3A_308 = arith.constant 64 : index
            %parallel_loop3A_309 = tpu.vector_load %arg13[%parallel_loop3A_307, %parallel_loop3A_308] {strides = array<i32>} : memref<128x112xf32, #tpu.memory_space<vmem>>, vector<16xf32>,
            tpu.vector_store %arg13[%parallel_loop3A_307, %parallel_loop3A_308], %parallel_loop3A_306 {strides = array<i32>} : memref<128x112xf32, #tpu.memory_space<vmem>>, vector<16xf32>,
            %parallel_loop3A_310 = arith.constant 101 : i32
            %parallel_loop3A_311 = vector.broadcast %parallel_loop3A_310 : i32 to vector<16xi32>
            %parallel_loop3A_312 = tpu.vector_load_idx %arg13[%parallel_loop3A_259, %parallel_loop3A_311] : memref<128x112xf32, #tpu.memory_space<vmem>>[vector<16xi32>, vector<16xi32>], vector<16xf32>,
            %parallel_loop3A_313 = arith.index_cast %parallel_loop3A_234 : i32 to index
            %parallel_loop3A_314 = arith.constant 80 : index
            %parallel_loop3A_315 = tpu.vector_load %arg13[%parallel_loop3A_313, %parallel_loop3A_314] {strides = array<i32>} : memref<128x112xf32, #tpu.memory_space<vmem>>, vector<16xf32>,
            %parallel_loop3A_316 = arith.mulf %parallel_loop3A_315, %parallel_loop3A_312 : vector<16xf32>
            %parallel_loop3A_317 = arith.index_cast %parallel_loop3A_234 : i32 to index
            %parallel_loop3A_318 = arith.constant 80 : index
            %parallel_loop3A_319 = tpu.vector_load %arg13[%parallel_loop3A_317, %parallel_loop3A_318] {strides = array<i32>} : memref<128x112xf32, #tpu.memory_space<vmem>>, vector<16xf32>,
            tpu.vector_store %arg13[%parallel_loop3A_317, %parallel_loop3A_318], %parallel_loop3A_316 {strides = array<i32>} : memref<128x112xf32, #tpu.memory_space<vmem>>, vector<16xf32>,
          } {sc.loop_unroll_factor = 4 : i64, sc.parallel_access}
          %run_scoped3A = arith.constant 0 : i32
          "tpu.region"() ({
            %run_scoped3A_234 = tpu.sem_alloc : memref<!tpu.dma_semaphore, #tpu.memory_space<semaphore_mem>>
            %dma_start3A = arith.constant 0 : i32
            %dma_start3A_235 = tpu.memref_slice %arg11[%run_scoped3A, %dma_start3A] : memref<1x128xi32, #tpu.memory_space<vmem>> -> memref<1x128xi32, #tpu.memory_space<vmem>>
            %dma_start3A_236 = tpu.memref_squeeze %dma_start3A_235 : memref<1x128xi32, #tpu.memory_space<vmem>> -> memref<128xi32, #tpu.memory_space<vmem>>
            %dma_start3A_237 = arith.constant 0 : i32
            %dma_start3A_238 = arith.constant 0 : i32
            %dma_start3A_239 = tpu.memref_slice %arg18[%dma_start3A_237, %dma_start3A_238] : memref<10560x112xf32, #tpu.memory_space<vmem_shared>> -> memref<10560x112xf32, #tpu.memory_space<vmem_shared>>
            tpu.enqueue_indirect_dma source(%arg13 : memref<128x112xf32, #tpu.memory_space<vmem>>) target(%dma_start3A_239 : memref<10560x112xf32, #tpu.memory_space<vmem_shared>>) offsets(%dma_start3A_236 : memref<128xi32, #tpu.memory_space<vmem>>) semaphore(%run_scoped3A_234 : memref<!tpu.dma_semaphore, #tpu.memory_space<semaphore_mem>>) {add = true}
            %dma_wait3A_240 = arith.constant 0 : i32
            %dma_wait3A_241 = tpu.memref_slice %arg11[%run_scoped3A, %dma_wait3A_240] : memref<1x128xi32, #tpu.memory_space<vmem>> -> memref<1x128xi32, #tpu.memory_space<vmem>>
            %dma_wait3A_242 = tpu.memref_squeeze %dma_wait3A_241 : memref<1x128xi32, #tpu.memory_space<vmem>> -> memref<128xi32, #tpu.memory_space<vmem>>
            %dma_wait3A_243 = arith.constant 0 : i32
            %dma_wait3A_244 = arith.constant 0 : i32
            %dma_wait3A_245 = tpu.memref_slice %arg18[%dma_wait3A_243, %dma_wait3A_244] : memref<10560x112xf32, #tpu.memory_space<vmem_shared>> -> memref<10560x112xf32, #tpu.memory_space<vmem_shared>>
            tpu.wait_indirect_dma semaphore(%run_scoped3A_234 : memref<!tpu.dma_semaphore, #tpu.memory_space<semaphore_mem>>) src(%arg13 : memref<128x112xf32, #tpu.memory_space<vmem>>) dst(%dma_wait3A_245 : memref<10560x112xf32, #tpu.memory_space<vmem_shared>>)
            tpu.yield
          }) : () -> ()
          %add3A_228 = arith.constant 2 : i32
          %add3A_229 = arith.addi %add3A_131, %add3A_228 : i32
          %lt3A_230 = arith.cmpi slt, %add3A_229, %select_n3A : i32
          %convert_element_type3A_231 = arith.extui %lt3A_230 : i1 to i32
          %cond3A_232 = arith.constant 0 : i32
          %cond3A_233 = arith.cmpi ne, %convert_element_type3A_231, %cond3A_232 : i32
          scf.if %cond3A_233 {
            %add3A_234 = arith.constant 2 : i32
            %add3A_235 = arith.addi %add3A_131, %add3A_234 : i32
            %mul3A_236 = arith.constant 128 : i32
            %mul3A_237 = arith.muli %add3A_235, %mul3A_236 : i32
            %dma_start3A = tpu.memref_slice %arg10[%mul3A_237] : memref<4112xi32, #tpu.memory_space<vmem>> -> memref<128xi32, #tpu.memory_space<vmem>>
            %dma_start3A_238 = arith.constant 0 : i32
            %dma_start3A_239 = arith.constant 0 : i32
            %dma_start3A_240 = tpu.memref_slice %arg4[%dma_start3A_238, %dma_start3A_239] : memref<105600x112xf32, #tpu.memory_space<hbm>> -> memref<105600x112xf32, #tpu.memory_space<hbm>>
            tpu.enqueue_indirect_dma source(%dma_start3A_240 : memref<105600x112xf32, #tpu.memory_space<hbm>>) target(%arg13 : memref<128x112xf32, #tpu.memory_space<vmem>>) offsets(%dma_start3A : memref<128xi32, #tpu.memory_space<vmem>>) semaphore(%arg20 : memref<!tpu.dma_semaphore, #tpu.memory_space<semaphore_mem>>)
            %dma_start3A_241 = tpu.memref_slice %arg9[%mul3A_237] : memref<4112xi32, #tpu.memory_space<vmem>> -> memref<128xi32, #tpu.memory_space<vmem>>
            %dma_start3A_242 = arith.constant 0 : i32
            %dma_start3A_243 = arith.constant 0 : i32
            %dma_start3A_244 = tpu.memref_slice %arg5[%dma_start3A_242, %dma_start3A_243] : memref<105600x16xf32, #tpu.memory_space<hbm>> -> memref<105600x16xf32, #tpu.memory_space<hbm>>
            tpu.enqueue_indirect_dma source(%dma_start3A_244 : memref<105600x16xf32, #tpu.memory_space<hbm>>) target(%arg15 : memref<128x16xf32, #tpu.memory_space<vmem>>) offsets(%dma_start3A_241 : memref<128xi32, #tpu.memory_space<vmem>>) semaphore(%arg22 : memref<!tpu.dma_semaphore, #tpu.memory_space<semaphore_mem>>)
          } else {
          }
        } else {
        }
        %while3A_136 = arith.constant 0 : i32
        scf.yield %while3A_136 : i32
      }
      %barrier3A_109 = arith.constant 0 : index
      tpu.barrier barrier_id(%barrier3A_109)
      %scan3A_110 = arith.constant 0 : i32
      %scan3A_111 = arith.constant 0 : i32
      %scan3A_112 = arith.constant 15 : i32
      %scan3A_113 = arith.addi %scan3A_111, %scan3A_112 : i32
      %scan3A_114 = arith.constant 1 : i32
      %scan3A_115 = scf.for %scan3A_119 = %scan3A_111 to %scan3A_113 step %scan3A_114 iter_args(%scan3A_120 = %scan3A_110) -> (i32)  : i32 {
        %mul3A_121 = arith.constant 44 : i32
        %mul3A_122 = arith.muli %scan3A_119, %mul3A_121 : i32
        %add3A_123 = arith.addi %mul3A_22, %mul3A_122 : i32
        "tpu.region"() ({
          %run_scoped3A = tpu.sem_alloc : memref<!tpu.dma_semaphore, #tpu.memory_space<semaphore_mem>>
          %dma_start3A = arith.constant 0 : i32
          %dma_start3A_128 = tpu.memref_slice %arg18[%add3A_123, %dma_start3A] : memref<10560x112xf32, #tpu.memory_space<vmem_shared>> -> memref<44x112xf32, #tpu.memory_space<vmem_shared>>
          %dma_start3A_129 = arith.constant 0 : i32
          %dma_start3A_130 = tpu.memref_slice %arg18[%add3A_123, %dma_start3A_129] : memref<10560x112xf32, #tpu.memory_space<vmem_shared>> -> memref<44x112xf32, #tpu.memory_space<vmem_shared>>
          tpu.enqueue_dma source(%dma_start3A_130 : memref<44x112xf32, #tpu.memory_space<vmem_shared>>) target(%arg16 : memref<44x112xf32, #tpu.memory_space<vmem>>) target_semaphore(%run_scoped3A : memref<!tpu.dma_semaphore, #tpu.memory_space<semaphore_mem>>)
          %dma_wait3A = arith.constant 0 : i32
          %dma_wait3A_131 = tpu.memref_slice %arg18[%add3A_123, %dma_wait3A] : memref<10560x112xf32, #tpu.memory_space<vmem_shared>> -> memref<44x112xf32, #tpu.memory_space<vmem_shared>>
          %dma_wait3A_132 = arith.constant 0 : i32
          %dma_wait3A_133 = tpu.memref_slice %arg18[%add3A_123, %dma_wait3A_132] : memref<10560x112xf32, #tpu.memory_space<vmem_shared>> -> memref<44x112xf32, #tpu.memory_space<vmem_shared>>
          tpu.wait_dma2 semaphore(%run_scoped3A : memref<!tpu.dma_semaphore, #tpu.memory_space<semaphore_mem>>) src(%dma_wait3A_133 : memref<44x112xf32, #tpu.memory_space<vmem_shared>>) dst(%arg16 : memref<44x112xf32, #tpu.memory_space<vmem>>)
          tpu.yield
        }) : () -> ()
        %parallel_loop3A = arith.constant 0 : i32
        %parallel_loop3A_124 = arith.constant 44 : i32
        %parallel_loop3A_125 = arith.constant 1 : i32
        scf.for %parallel_loop3A_128 = %parallel_loop3A to %parallel_loop3A_124 step %parallel_loop3A_125  : i32 {
          %parallel_loop3A_129 = vector.broadcast %parallel_loop3A_128 : i32 to vector<16xi32>
          %parallel_loop3A_130 = arith.constant 96 : i32
          %parallel_loop3A_131 = vector.broadcast %parallel_loop3A_130 : i32 to vector<16xi32>
          %parallel_loop3A_132 = tpu.vector_load_idx %arg16[%parallel_loop3A_129, %parallel_loop3A_131] : memref<44x112xf32, #tpu.memory_space<vmem>>[vector<16xi32>, vector<16xi32>], vector<16xf32>,
          %parallel_loop3A_133 = arith.index_cast %parallel_loop3A_128 : i32 to index
          %parallel_loop3A_134 = arith.constant 0 : index
          %parallel_loop3A_135 = tpu.vector_load %arg16[%parallel_loop3A_133, %parallel_loop3A_134] {strides = array<i32>} : memref<44x112xf32, #tpu.memory_space<vmem>>, vector<16xf32>,
          %parallel_loop3A_136 = arith.constant 1.000000e-16 : f32
          %parallel_loop3A_137 = vector.broadcast %parallel_loop3A_136 : f32 to vector<16xf32>
          %parallel_loop3A_138 = arith.addf %parallel_loop3A_132, %parallel_loop3A_137 : vector<16xf32>
          %parallel_loop3A_139 = arith.divf %parallel_loop3A_135, %parallel_loop3A_138 : vector<16xf32>
          %parallel_loop3A_140 = arith.constant 0.000000e+00 : f32
          %parallel_loop3A_141 = vector.broadcast %parallel_loop3A_140 : f32 to vector<16xf32>
          %parallel_loop3A_142 = arith.cmpf ogt, %parallel_loop3A_139, %parallel_loop3A_141 : vector<16xf32>
          %parallel_loop3A_143 = math.exp %parallel_loop3A_139 : vector<16xf32>
          %parallel_loop3A_144 = arith.constant 1.000000e+00 : f32
          %parallel_loop3A_145 = vector.broadcast %parallel_loop3A_144 : f32 to vector<16xf32>
          %parallel_loop3A_146 = arith.subf %parallel_loop3A_143, %parallel_loop3A_145 : vector<16xf32>
          %parallel_loop3A_147 = arith.select %parallel_loop3A_142, %parallel_loop3A_139, %parallel_loop3A_146 : vector<16xi1>, vector<16xf32>
          %parallel_loop3A_148 = arith.index_cast %parallel_loop3A_128 : i32 to index
          %parallel_loop3A_149 = arith.constant 0 : index
          %parallel_loop3A_150 = tpu.vector_load %arg16[%parallel_loop3A_148, %parallel_loop3A_149] {strides = array<i32>} : memref<44x112xf32, #tpu.memory_space<vmem>>, vector<16xf32>,
          tpu.vector_store %arg16[%parallel_loop3A_148, %parallel_loop3A_149], %parallel_loop3A_147 {strides = array<i32>} : memref<44x112xf32, #tpu.memory_space<vmem>>, vector<16xf32>,
          %parallel_loop3A_151 = arith.constant 97 : i32
          %parallel_loop3A_152 = vector.broadcast %parallel_loop3A_151 : i32 to vector<16xi32>
          %parallel_loop3A_153 = tpu.vector_load_idx %arg16[%parallel_loop3A_129, %parallel_loop3A_152] : memref<44x112xf32, #tpu.memory_space<vmem>>[vector<16xi32>, vector<16xi32>], vector<16xf32>,
          %parallel_loop3A_154 = arith.index_cast %parallel_loop3A_128 : i32 to index
          %parallel_loop3A_155 = arith.constant 16 : index
          %parallel_loop3A_156 = tpu.vector_load %arg16[%parallel_loop3A_154, %parallel_loop3A_155] {strides = array<i32>} : memref<44x112xf32, #tpu.memory_space<vmem>>, vector<16xf32>,
          %parallel_loop3A_157 = arith.constant 1.000000e-16 : f32
          %parallel_loop3A_158 = vector.broadcast %parallel_loop3A_157 : f32 to vector<16xf32>
          %parallel_loop3A_159 = arith.addf %parallel_loop3A_153, %parallel_loop3A_158 : vector<16xf32>
          %parallel_loop3A_160 = arith.divf %parallel_loop3A_156, %parallel_loop3A_159 : vector<16xf32>
          %parallel_loop3A_161 = arith.constant 0.000000e+00 : f32
          %parallel_loop3A_162 = vector.broadcast %parallel_loop3A_161 : f32 to vector<16xf32>
          %parallel_loop3A_163 = arith.cmpf ogt, %parallel_loop3A_160, %parallel_loop3A_162 : vector<16xf32>
          %parallel_loop3A_164 = math.exp %parallel_loop3A_160 : vector<16xf32>
          %parallel_loop3A_165 = arith.constant 1.000000e+00 : f32
          %parallel_loop3A_166 = vector.broadcast %parallel_loop3A_165 : f32 to vector<16xf32>
          %parallel_loop3A_167 = arith.subf %parallel_loop3A_164, %parallel_loop3A_166 : vector<16xf32>
          %parallel_loop3A_168 = arith.select %parallel_loop3A_163, %parallel_loop3A_160, %parallel_loop3A_167 : vector<16xi1>, vector<16xf32>
          %parallel_loop3A_169 = arith.index_cast %parallel_loop3A_128 : i32 to index
          %parallel_loop3A_170 = arith.constant 16 : index
          %parallel_loop3A_171 = tpu.vector_load %arg16[%parallel_loop3A_169, %parallel_loop3A_170] {strides = array<i32>} : memref<44x112xf32, #tpu.memory_space<vmem>>, vector<16xf32>,
          tpu.vector_store %arg16[%parallel_loop3A_169, %parallel_loop3A_170], %parallel_loop3A_168 {strides = array<i32>} : memref<44x112xf32, #tpu.memory_space<vmem>>, vector<16xf32>,
          %parallel_loop3A_172 = arith.constant 98 : i32
          %parallel_loop3A_173 = vector.broadcast %parallel_loop3A_172 : i32 to vector<16xi32>
          %parallel_loop3A_174 = tpu.vector_load_idx %arg16[%parallel_loop3A_129, %parallel_loop3A_173] : memref<44x112xf32, #tpu.memory_space<vmem>>[vector<16xi32>, vector<16xi32>], vector<16xf32>,
          %parallel_loop3A_175 = arith.index_cast %parallel_loop3A_128 : i32 to index
          %parallel_loop3A_176 = arith.constant 32 : index
          %parallel_loop3A_177 = tpu.vector_load %arg16[%parallel_loop3A_175, %parallel_loop3A_176] {strides = array<i32>} : memref<44x112xf32, #tpu.memory_space<vmem>>, vector<16xf32>,
          %parallel_loop3A_178 = arith.constant 1.000000e-16 : f32
          %parallel_loop3A_179 = vector.broadcast %parallel_loop3A_178 : f32 to vector<16xf32>
          %parallel_loop3A_180 = arith.addf %parallel_loop3A_174, %parallel_loop3A_179 : vector<16xf32>
          %parallel_loop3A_181 = arith.divf %parallel_loop3A_177, %parallel_loop3A_180 : vector<16xf32>
          %parallel_loop3A_182 = arith.constant 0.000000e+00 : f32
          %parallel_loop3A_183 = vector.broadcast %parallel_loop3A_182 : f32 to vector<16xf32>
          %parallel_loop3A_184 = arith.cmpf ogt, %parallel_loop3A_181, %parallel_loop3A_183 : vector<16xf32>
          %parallel_loop3A_185 = math.exp %parallel_loop3A_181 : vector<16xf32>
          %parallel_loop3A_186 = arith.constant 1.000000e+00 : f32
          %parallel_loop3A_187 = vector.broadcast %parallel_loop3A_186 : f32 to vector<16xf32>
          %parallel_loop3A_188 = arith.subf %parallel_loop3A_185, %parallel_loop3A_187 : vector<16xf32>
          %parallel_loop3A_189 = arith.select %parallel_loop3A_184, %parallel_loop3A_181, %parallel_loop3A_188 : vector<16xi1>, vector<16xf32>
          %parallel_loop3A_190 = arith.index_cast %parallel_loop3A_128 : i32 to index
          %parallel_loop3A_191 = arith.constant 32 : index
          %parallel_loop3A_192 = tpu.vector_load %arg16[%parallel_loop3A_190, %parallel_loop3A_191] {strides = array<i32>} : memref<44x112xf32, #tpu.memory_space<vmem>>, vector<16xf32>,
          tpu.vector_store %arg16[%parallel_loop3A_190, %parallel_loop3A_191], %parallel_loop3A_189 {strides = array<i32>} : memref<44x112xf32, #tpu.memory_space<vmem>>, vector<16xf32>,
          %parallel_loop3A_193 = arith.constant 99 : i32
          %parallel_loop3A_194 = vector.broadcast %parallel_loop3A_193 : i32 to vector<16xi32>
          %parallel_loop3A_195 = tpu.vector_load_idx %arg16[%parallel_loop3A_129, %parallel_loop3A_194] : memref<44x112xf32, #tpu.memory_space<vmem>>[vector<16xi32>, vector<16xi32>], vector<16xf32>,
          %parallel_loop3A_196 = arith.index_cast %parallel_loop3A_128 : i32 to index
          %parallel_loop3A_197 = arith.constant 48 : index
          %parallel_loop3A_198 = tpu.vector_load %arg16[%parallel_loop3A_196, %parallel_loop3A_197] {strides = array<i32>} : memref<44x112xf32, #tpu.memory_space<vmem>>, vector<16xf32>,
          %parallel_loop3A_199 = arith.constant 1.000000e-16 : f32
          %parallel_loop3A_200 = vector.broadcast %parallel_loop3A_199 : f32 to vector<16xf32>
          %parallel_loop3A_201 = arith.addf %parallel_loop3A_195, %parallel_loop3A_200 : vector<16xf32>
          %parallel_loop3A_202 = arith.divf %parallel_loop3A_198, %parallel_loop3A_201 : vector<16xf32>
          %parallel_loop3A_203 = arith.constant 0.000000e+00 : f32
          %parallel_loop3A_204 = vector.broadcast %parallel_loop3A_203 : f32 to vector<16xf32>
          %parallel_loop3A_205 = arith.cmpf ogt, %parallel_loop3A_202, %parallel_loop3A_204 : vector<16xf32>
          %parallel_loop3A_206 = math.exp %parallel_loop3A_202 : vector<16xf32>
          %parallel_loop3A_207 = arith.constant 1.000000e+00 : f32
          %parallel_loop3A_208 = vector.broadcast %parallel_loop3A_207 : f32 to vector<16xf32>
          %parallel_loop3A_209 = arith.subf %parallel_loop3A_206, %parallel_loop3A_208 : vector<16xf32>
          %parallel_loop3A_210 = arith.select %parallel_loop3A_205, %parallel_loop3A_202, %parallel_loop3A_209 : vector<16xi1>, vector<16xf32>
          %parallel_loop3A_211 = arith.index_cast %parallel_loop3A_128 : i32 to index
          %parallel_loop3A_212 = arith.constant 48 : index
          %parallel_loop3A_213 = tpu.vector_load %arg16[%parallel_loop3A_211, %parallel_loop3A_212] {strides = array<i32>} : memref<44x112xf32, #tpu.memory_space<vmem>>, vector<16xf32>,
          tpu.vector_store %arg16[%parallel_loop3A_211, %parallel_loop3A_212], %parallel_loop3A_210 {strides = array<i32>} : memref<44x112xf32, #tpu.memory_space<vmem>>, vector<16xf32>,
          %parallel_loop3A_214 = arith.constant 100 : i32
          %parallel_loop3A_215 = vector.broadcast %parallel_loop3A_214 : i32 to vector<16xi32>
          %parallel_loop3A_216 = tpu.vector_load_idx %arg16[%parallel_loop3A_129, %parallel_loop3A_215] : memref<44x112xf32, #tpu.memory_space<vmem>>[vector<16xi32>, vector<16xi32>], vector<16xf32>,
          %parallel_loop3A_217 = arith.index_cast %parallel_loop3A_128 : i32 to index
          %parallel_loop3A_218 = arith.constant 64 : index
          %parallel_loop3A_219 = tpu.vector_load %arg16[%parallel_loop3A_217, %parallel_loop3A_218] {strides = array<i32>} : memref<44x112xf32, #tpu.memory_space<vmem>>, vector<16xf32>,
          %parallel_loop3A_220 = arith.constant 1.000000e-16 : f32
          %parallel_loop3A_221 = vector.broadcast %parallel_loop3A_220 : f32 to vector<16xf32>
          %parallel_loop3A_222 = arith.addf %parallel_loop3A_216, %parallel_loop3A_221 : vector<16xf32>
          %parallel_loop3A_223 = arith.divf %parallel_loop3A_219, %parallel_loop3A_222 : vector<16xf32>
          %parallel_loop3A_224 = arith.constant 0.000000e+00 : f32
          %parallel_loop3A_225 = vector.broadcast %parallel_loop3A_224 : f32 to vector<16xf32>
          %parallel_loop3A_226 = arith.cmpf ogt, %parallel_loop3A_223, %parallel_loop3A_225 : vector<16xf32>
          %parallel_loop3A_227 = math.exp %parallel_loop3A_223 : vector<16xf32>
          %parallel_loop3A_228 = arith.constant 1.000000e+00 : f32
          %parallel_loop3A_229 = vector.broadcast %parallel_loop3A_228 : f32 to vector<16xf32>
          %parallel_loop3A_230 = arith.subf %parallel_loop3A_227, %parallel_loop3A_229 : vector<16xf32>
          %parallel_loop3A_231 = arith.select %parallel_loop3A_226, %parallel_loop3A_223, %parallel_loop3A_230 : vector<16xi1>, vector<16xf32>
          %parallel_loop3A_232 = arith.index_cast %parallel_loop3A_128 : i32 to index
          %parallel_loop3A_233 = arith.constant 64 : index
          %parallel_loop3A_234 = tpu.vector_load %arg16[%parallel_loop3A_232, %parallel_loop3A_233] {strides = array<i32>} : memref<44x112xf32, #tpu.memory_space<vmem>>, vector<16xf32>,
          tpu.vector_store %arg16[%parallel_loop3A_232, %parallel_loop3A_233], %parallel_loop3A_231 {strides = array<i32>} : memref<44x112xf32, #tpu.memory_space<vmem>>, vector<16xf32>,
          %parallel_loop3A_235 = arith.constant 101 : i32
          %parallel_loop3A_236 = vector.broadcast %parallel_loop3A_235 : i32 to vector<16xi32>
          %parallel_loop3A_237 = tpu.vector_load_idx %arg16[%parallel_loop3A_129, %parallel_loop3A_236] : memref<44x112xf32, #tpu.memory_space<vmem>>[vector<16xi32>, vector<16xi32>], vector<16xf32>,
          %parallel_loop3A_238 = arith.index_cast %parallel_loop3A_128 : i32 to index
          %parallel_loop3A_239 = arith.constant 80 : index
          %parallel_loop3A_240 = tpu.vector_load %arg16[%parallel_loop3A_238, %parallel_loop3A_239] {strides = array<i32>} : memref<44x112xf32, #tpu.memory_space<vmem>>, vector<16xf32>,
          %parallel_loop3A_241 = arith.constant 1.000000e-16 : f32
          %parallel_loop3A_242 = vector.broadcast %parallel_loop3A_241 : f32 to vector<16xf32>
          %parallel_loop3A_243 = arith.addf %parallel_loop3A_237, %parallel_loop3A_242 : vector<16xf32>
          %parallel_loop3A_244 = arith.divf %parallel_loop3A_240, %parallel_loop3A_243 : vector<16xf32>
          %parallel_loop3A_245 = arith.constant 0.000000e+00 : f32
          %parallel_loop3A_246 = vector.broadcast %parallel_loop3A_245 : f32 to vector<16xf32>
          %parallel_loop3A_247 = arith.cmpf ogt, %parallel_loop3A_244, %parallel_loop3A_246 : vector<16xf32>
          %parallel_loop3A_248 = math.exp %parallel_loop3A_244 : vector<16xf32>
          %parallel_loop3A_249 = arith.constant 1.000000e+00 : f32
          %parallel_loop3A_250 = vector.broadcast %parallel_loop3A_249 : f32 to vector<16xf32>
          %parallel_loop3A_251 = arith.subf %parallel_loop3A_248, %parallel_loop3A_250 : vector<16xf32>
          %parallel_loop3A_252 = arith.select %parallel_loop3A_247, %parallel_loop3A_244, %parallel_loop3A_251 : vector<16xi1>, vector<16xf32>
          %parallel_loop3A_253 = arith.index_cast %parallel_loop3A_128 : i32 to index
          %parallel_loop3A_254 = arith.constant 80 : index
          %parallel_loop3A_255 = tpu.vector_load %arg16[%parallel_loop3A_253, %parallel_loop3A_254] {strides = array<i32>} : memref<44x112xf32, #tpu.memory_space<vmem>>, vector<16xf32>,
          tpu.vector_store %arg16[%parallel_loop3A_253, %parallel_loop3A_254], %parallel_loop3A_252 {strides = array<i32>} : memref<44x112xf32, #tpu.memory_space<vmem>>, vector<16xf32>,
        } {sc.loop_unroll_factor = 4 : i64, sc.parallel_access}
        %add3A_126 = arith.addi %mul3A_18, %add3A_123 : i32
        "tpu.region"() ({
          %run_scoped3A = tpu.sem_alloc : memref<!tpu.dma_semaphore, #tpu.memory_space<semaphore_mem>>
          %dma_start3A = arith.constant 0 : i32
          %dma_start3A_128 = tpu.memref_slice %arg6[%add3A_126, %dma_start3A] : memref<105600x112xf32, #tpu.memory_space<hbm>> -> memref<44x112xf32, #tpu.memory_space<hbm>>
          %dma_start3A_129 = arith.constant 0 : i32
          %dma_start3A_130 = tpu.memref_slice %arg6[%add3A_126, %dma_start3A_129] : memref<105600x112xf32, #tpu.memory_space<hbm>> -> memref<44x112xf32, #tpu.memory_space<hbm>>
          tpu.enqueue_dma source(%arg16 : memref<44x112xf32, #tpu.memory_space<vmem>>) target(%dma_start3A_130 : memref<44x112xf32, #tpu.memory_space<hbm>>) target_semaphore(%run_scoped3A : memref<!tpu.dma_semaphore, #tpu.memory_space<semaphore_mem>>)
          %dma_wait3A = arith.constant 0 : i32
          %dma_wait3A_131 = tpu.memref_slice %arg6[%add3A_126, %dma_wait3A] : memref<105600x112xf32, #tpu.memory_space<hbm>> -> memref<44x112xf32, #tpu.memory_space<hbm>>
          %dma_wait3A_132 = arith.constant 0 : i32
          %dma_wait3A_133 = tpu.memref_slice %arg6[%add3A_126, %dma_wait3A_132] : memref<105600x112xf32, #tpu.memory_space<hbm>> -> memref<44x112xf32, #tpu.memory_space<hbm>>
          tpu.wait_dma2 semaphore(%run_scoped3A : memref<!tpu.dma_semaphore, #tpu.memory_space<semaphore_mem>>) src(%arg16 : memref<44x112xf32, #tpu.memory_space<vmem>>) dst(%dma_wait3A_133 : memref<44x112xf32, #tpu.memory_space<hbm>>)
          tpu.yield
        }) : () -> ()
        %scan3A_127 = arith.constant 0 : i32
        scf.yield %scan3A_127 : i32
      }
      %scan3A_116 = arith.constant 15 : i32
      %barrier3A_117 = arith.constant 0 : index
      tpu.barrier barrier_id(%barrier3A_117)
      %scan3A_118 = arith.constant 0 : i32
      scf.yield %scan3A_118 : i32
    }
    %scan3A_13 = arith.constant 5 : i32
    return
  }
}

module attributes {stable_mosaic.version = 14 : i64} {
  func.func @body(%arg0: i32, %arg1: memref<2112x11xf32, #tpu.memory_space<vmem>>, %arg2: memref<11x96xf32, #tpu.memory_space<vmem>>, %arg3: memref<96x16xf32, #tpu.memory_space<vmem>>, %arg4: memref<96x16xf32, #tpu.memory_space<vmem>>, %arg5: memref<2112x112xf32, #tpu.memory_space<vmem>>, %arg6: memref<2112x16xf32, #tpu.memory_space<vmem>>) attributes {dimension_semantics = [#tpu.dimension_semantics<arbitrary>], iteration_bounds = array<i64: 50>, scalar_prefetch = 0 : i64, scratch_operands = 0 : i64, tpu.core_type = #tpu.core_type<tc>, window_params = [{transform_indices = @transform_0, window_bounds = array<i64: 2112, 11>}, {pipeline_mode = #tpu.pipeline_mode<synchronous>, transform_indices = @transform_1, window_bounds = array<i64: 11, 96>}, {pipeline_mode = #tpu.pipeline_mode<synchronous>, transform_indices = @transform_2, window_bounds = array<i64: 96, 16>}, {pipeline_mode = #tpu.pipeline_mode<synchronous>, transform_indices = @transform_3, window_bounds = array<i64: 96, 16>}, {transform_indices = @transform_4, window_bounds = array<i64: 2112, 112>}, {transform_indices = @transform_5, window_bounds = array<i64: 2112, 16>}]} {
    %get3A = arith.constant 0 : index
    %get3A_0 = arith.constant 0 : index
    %get3A_1 = vector.load %arg1[%get3A, %get3A_0] : memref<2112x11xf32, #tpu.memory_space<vmem>>, vector<2112x11xf32>
    %get3A_2 = arith.constant 0 : index
    %get3A_3 = arith.constant 0 : index
    %get3A_4 = vector.load %arg2[%get3A_2, %get3A_3] : memref<11x96xf32, #tpu.memory_space<vmem>>, vector<11x96xf32>
    %dot_general3A = arith.constant dense<0.000000e+00> : vector<2112x96xf32>
    %dot_general3A_5 = tpu.matmul %get3A_1, %get3A_4, %dot_general3A {dimension_numbers = #tpu.dot_dimension_numbers<[1], [0], [0], [1], [0, 0, 1, 1], [], []>, transpose_lhs_hint = false} : vector<2112x11xf32>, vector<11x96xf32>, vector<2112x96xf32> -> vector<2112x96xf32>
    %swap3A = arith.constant 0 : index
    %swap3A_6 = arith.constant 0 : index
    %swap3A_7 = vector.load %arg5[%swap3A, %swap3A_6] : memref<2112x112xf32, #tpu.memory_space<vmem>>, vector<2112x96xf32>
    tpu.vector_store %arg5[%swap3A, %swap3A_6], %dot_general3A_5 {strides = array<i32>} : memref<2112x112xf32, #tpu.memory_space<vmem>>, vector<2112x96xf32>,
    %get3A_8 = arith.constant 0 : index
    %get3A_9 = arith.constant 0 : index
    %get3A_10 = vector.load %arg3[%get3A_8, %get3A_9] : memref<96x16xf32, #tpu.memory_space<vmem>>, vector<96x16xf32>
    %dot_general3A_11 = arith.constant dense<0.000000e+00> : vector<2112x16xf32>
    %dot_general3A_12 = tpu.matmul %dot_general3A_5, %get3A_10, %dot_general3A_11 {dimension_numbers = #tpu.dot_dimension_numbers<[1], [0], [0], [1], [0, 0, 1, 1], [], []>, transpose_lhs_hint = false} : vector<2112x96xf32>, vector<96x16xf32>, vector<2112x16xf32> -> vector<2112x16xf32>
    %swap3A_13 = arith.constant 0 : index
    %swap3A_14 = arith.constant 96 : index
    %swap3A_15 = vector.load %arg5[%swap3A_13, %swap3A_14] : memref<2112x112xf32, #tpu.memory_space<vmem>>, vector<2112x16xf32>
    tpu.vector_store %arg5[%swap3A_13, %swap3A_14], %dot_general3A_12 {strides = array<i32>} : memref<2112x112xf32, #tpu.memory_space<vmem>>, vector<2112x16xf32>,
    %get3A_16 = arith.constant 0 : index
    %get3A_17 = arith.constant 0 : index
    %get3A_18 = vector.load %arg4[%get3A_16, %get3A_17] : memref<96x16xf32, #tpu.memory_space<vmem>>, vector<96x16xf32>
    %dot_general3A_19 = arith.constant dense<0.000000e+00> : vector<2112x16xf32>
    %dot_general3A_20 = tpu.matmul %dot_general3A_5, %get3A_18, %dot_general3A_19 {dimension_numbers = #tpu.dot_dimension_numbers<[1], [0], [0], [1], [0, 0, 1, 1], [], []>, transpose_lhs_hint = false} : vector<2112x96xf32>, vector<96x16xf32>, vector<2112x16xf32> -> vector<2112x16xf32>
    %swap3A_21 = arith.constant 0 : index
    %swap3A_22 = arith.constant 0 : index
    %swap3A_23 = vector.load %arg6[%swap3A_21, %swap3A_22] : memref<2112x16xf32, #tpu.memory_space<vmem>>, vector<2112x16xf32>
    tpu.vector_store %arg6[%swap3A_21, %swap3A_22], %dot_general3A_20 {strides = array<i32>} : memref<2112x16xf32, #tpu.memory_space<vmem>>, vector<2112x16xf32>,
    return
  }
  func.func @transform_0(%arg0: i32) -> (i32, i32) {
    %c0_i32 = arith.constant 0 : i32
    %c0_i32_0 = arith.constant 0 : i32
    return %arg0, %c0_i32 : i32, i32
  }
  func.func @transform_1(%arg0: i32) -> (i32, i32) {
    %c0_i32 = arith.constant 0 : i32
    %c0_i32_0 = arith.constant 0 : i32
    %c0_i32_1 = arith.constant 0 : i32
    return %c0_i32, %c0_i32_0 : i32, i32
  }
  func.func @transform_2(%arg0: i32) -> (i32, i32) {
    %c0_i32 = arith.constant 0 : i32
    %c0_i32_0 = arith.constant 0 : i32
    %c0_i32_1 = arith.constant 0 : i32
    return %c0_i32, %c0_i32_0 : i32, i32
  }
  func.func @transform_3(%arg0: i32) -> (i32, i32) {
    %c0_i32 = arith.constant 0 : i32
    %c0_i32_0 = arith.constant 0 : i32
    %c0_i32_1 = arith.constant 0 : i32
    return %c0_i32, %c0_i32_0 : i32, i32
  }
  func.func @transform_4(%arg0: i32) -> (i32, i32) {
    %c0_i32 = arith.constant 0 : i32
    %c0_i32_0 = arith.constant 0 : i32
    return %arg0, %c0_i32 : i32, i32
  }
  func.func @transform_5(%arg0: i32) -> (i32, i32) {
    %c0_i32 = arith.constant 0 : i32
    %c0_i32_0 = arith.constant 0 : i32
    return %arg0, %c0_i32 : i32, i32
  }
}

module attributes {stable_mosaic.version = 14 : i64} {
  func.func @body(%arg0: i32, %arg1: memref<2112x112xf32, #tpu.memory_space<vmem>>, %arg2: memref<96x3xf32, #tpu.memory_space<vmem>>, %arg3: memref<96x3xf32, #tpu.memory_space<vmem>>, %arg4: memref<2112x8xf32, #tpu.memory_space<vmem>>, %arg5: memref<1x8xf32, #tpu.memory_space<vmem>>) attributes {dimension_semantics = [#tpu.dimension_semantics<arbitrary>], iteration_bounds = array<i64: 50>, scalar_prefetch = 0 : i64, scratch_operands = 0 : i64, tpu.core_type = #tpu.core_type<tc>, window_params = [{transform_indices = @transform_0, window_bounds = array<i64: 2112, 112>}, {pipeline_mode = #tpu.pipeline_mode<synchronous>, transform_indices = @transform_1, window_bounds = array<i64: 96, 3>}, {pipeline_mode = #tpu.pipeline_mode<synchronous>, transform_indices = @transform_2, window_bounds = array<i64: 96, 3>}, {transform_indices = @transform_3, window_bounds = array<i64: 2112, 8>}, {pipeline_mode = #tpu.pipeline_mode<synchronous>, transform_indices = @transform_4, window_bounds = array<i64: 1, 8>}]} {
    %get3A = arith.constant 0 : index
    %get3A_0 = arith.constant 0 : index
    %get3A_1 = vector.load %arg1[%get3A, %get3A_0] : memref<2112x112xf32, #tpu.memory_space<vmem>>, vector<2112x96xf32>
    %get3A_2 = arith.constant 0 : index
    %get3A_3 = arith.constant 0 : index
    %get3A_4 = vector.load %arg2[%get3A_2, %get3A_3] : memref<96x3xf32, #tpu.memory_space<vmem>>, vector<96x3xf32>
    %dot_general3A = arith.constant dense<0.000000e+00> : vector<2112x3xf32>
    %dot_general3A_5 = tpu.matmul %get3A_1, %get3A_4, %dot_general3A {dimension_numbers = #tpu.dot_dimension_numbers<[1], [0], [0], [1], [0, 0, 1, 1], [], []>, transpose_lhs_hint = false} : vector<2112x96xf32>, vector<96x3xf32>, vector<2112x3xf32> -> vector<2112x3xf32>
    %tanh3A = math.tanh %dot_general3A_5 : vector<2112x3xf32>
    %exp3A = math.exp %tanh3A : vector<2112x3xf32>
    %mul3A = arith.constant 2112 : i32
    %mul3A_6 = arith.muli %arg0, %mul3A : i32
    %iota3A = tpu.iota {dimensions = array<i32: 0>} : vector<2112x1xi32>
    %add3A = vector.broadcast %mul3A_6 : i32 to vector<2112x1xi32>
    %add3A_7 = arith.addi %add3A, %iota3A : vector<2112x1xi32>
    %lt3A = arith.constant 100000 : i32
    %lt3A_8 = vector.broadcast %lt3A : i32 to vector<2112x1xi32>
    %lt3A_9 = arith.cmpi slt, %add3A_7, %lt3A_8 : vector<2112x1xi32>
    %jit3A = arith.constant 0.000000e+00 : f32
    %broadcast_in_dim3A = vector.shape_cast %lt3A_9 : vector<2112x1xi1> to vector<2112x1xi1>
    %broadcast_in_dim3A_10 = vector.broadcast %broadcast_in_dim3A : vector<2112x1xi1> to vector<2112x3xi1>
    %broadcast_in_dim3A_11 = vector.broadcast %jit3A : f32 to vector<2112x3xf32>
    %select_n3A = arith.select %broadcast_in_dim3A_10, %exp3A, %broadcast_in_dim3A_11 : vector<2112x3xi1>, vector<2112x3xf32>
    %get3A_12 = arith.constant 0 : index
    %get3A_13 = arith.constant 0 : index
    %get3A_14 = vector.load %arg3[%get3A_12, %get3A_13] : memref<96x3xf32, #tpu.memory_space<vmem>>, vector<96x3xf32>
    %dot_general3A_15 = arith.constant dense<0.000000e+00> : vector<2112x3xf32>
    %dot_general3A_16 = tpu.matmul %get3A_1, %get3A_14, %dot_general3A_15 {dimension_numbers = #tpu.dot_dimension_numbers<[1], [0], [0], [1], [0, 0, 1, 1], [], []>, transpose_lhs_hint = false} : vector<2112x96xf32>, vector<96x3xf32>, vector<2112x3xf32> -> vector<2112x3xf32>
    %broadcast_in_dim3A_17 = arith.constant 0.000000e+00 : f32
    %broadcast_in_dim3A_18 = vector.broadcast %broadcast_in_dim3A_17 : f32 to vector<2112x2xf32>
    %concatenate3A = tpu.concatenate %select_n3A, %dot_general3A_16, %broadcast_in_dim3A_18 in 1 : vector<2112x3xf32>, vector<2112x3xf32>, vector<2112x2xf32> -> vector<2112x8xf32>
    %swap3A = arith.constant 0 : index
    %swap3A_19 = arith.constant 0 : index
    %swap3A_20 = vector.load %arg4[%swap3A, %swap3A_19] : memref<2112x8xf32, #tpu.memory_space<vmem>>, vector<2112x8xf32>
    tpu.vector_store %arg4[%swap3A, %swap3A_19], %concatenate3A {strides = array<i32>} : memref<2112x8xf32, #tpu.memory_space<vmem>>, vector<2112x8xf32>,
    %eq3A = arith.constant 0 : i32
    %eq3A_21 = arith.cmpi eq, %arg0, %eq3A : i32
    %convert_element_type3A = arith.extui %eq3A_21 : i1 to i32
    %cond3A = arith.constant 0 : i32
    %cond3A_22 = arith.cmpi ne, %convert_element_type3A, %cond3A : i32
    scf.if %cond3A_22 {
      %broadcast_in_dim3A_35 = arith.constant 0.000000e+00 : f32
      %broadcast_in_dim3A_36 = vector.broadcast %broadcast_in_dim3A_35 : f32 to vector<1x8xf32>
      %swap3A_37 = arith.constant 0 : index
      %swap3A_38 = arith.constant 0 : index
      %swap3A_39 = vector.load %arg5[%swap3A_37, %swap3A_38] : memref<1x8xf32, #tpu.memory_space<vmem>>, vector<1x8xf32>
      tpu.vector_store %arg5[%swap3A_37, %swap3A_38], %broadcast_in_dim3A_36 {strides = array<i32>} : memref<1x8xf32, #tpu.memory_space<vmem>>, vector<1x8xf32>,
    } else {
    }
    %get3A_23 = arith.constant 0 : index
    %get3A_24 = arith.constant 0 : index
    %get3A_25 = vector.load %arg5[%get3A_23, %get3A_24] : memref<1x8xf32, #tpu.memory_space<vmem>>, vector<1x8xf32>
    %reduce_sum3A = arith.constant dense<0.000000e+00> : vector<3xf32>
    %reduce_sum3A_26 = vector.multi_reduction <add>, %select_n3A, %reduce_sum3A [0] : vector<2112x3xf32> to vector<3xf32>
    %broadcast_in_dim3A_27 = vector.shape_cast %reduce_sum3A_26 : vector<3xf32> to vector<1x3xf32>
    %jit3A_28 = arith.constant 0 : i32
    %convert_element_type3A_29 = arith.sitofp %jit3A_28 : i32 to f32
    %pad3A = vector.broadcast %convert_element_type3A_29 : f32 to vector<1x5xf32>
    %pad3A_30 = tpu.concatenate %broadcast_in_dim3A_27, %pad3A in 1 : vector<1x3xf32>, vector<1x5xf32> -> vector<1x8xf32>
    %add3A_31 = arith.addf %get3A_25, %pad3A_30 : vector<1x8xf32>
    %swap3A_32 = arith.constant 0 : index
    %swap3A_33 = arith.constant 0 : index
    %swap3A_34 = vector.load %arg5[%swap3A_32, %swap3A_33] : memref<1x8xf32, #tpu.memory_space<vmem>>, vector<1x8xf32>
    tpu.vector_store %arg5[%swap3A_32, %swap3A_33], %add3A_31 {strides = array<i32>} : memref<1x8xf32, #tpu.memory_space<vmem>>, vector<1x8xf32>,
    return
  }
  func.func @transform_0(%arg0: i32) -> (i32, i32) {
    %c0_i32 = arith.constant 0 : i32
    %c0_i32_0 = arith.constant 0 : i32
    return %arg0, %c0_i32 : i32, i32
  }
  func.func @transform_1(%arg0: i32) -> (i32, i32) {
    %c0_i32 = arith.constant 0 : i32
    %c0_i32_0 = arith.constant 0 : i32
    %c0_i32_1 = arith.constant 0 : i32
    return %c0_i32, %c0_i32_0 : i32, i32
  }
  func.func @transform_2(%arg0: i32) -> (i32, i32) {
    %c0_i32 = arith.constant 0 : i32
    %c0_i32_0 = arith.constant 0 : i32
    %c0_i32_1 = arith.constant 0 : i32
    return %c0_i32, %c0_i32_0 : i32, i32
  }
  func.func @transform_3(%arg0: i32) -> (i32, i32) {
    %c0_i32 = arith.constant 0 : i32
    %c0_i32_0 = arith.constant 0 : i32
    return %arg0, %c0_i32 : i32, i32
  }
  func.func @transform_4(%arg0: i32) -> (i32, i32) {
    %c0_i32 = arith.constant 0 : i32
    %c0_i32_0 = arith.constant 0 : i32
    %c0_i32_1 = arith.constant 0 : i32
    return %c0_i32, %c0_i32_0 : i32, i32
  }
}

module attributes {stable_mosaic.version = 14 : i64} {
  func.func @body(%arg0: i32, %arg1: memref<2112x8xf32, #tpu.memory_space<vmem>>, %arg2: memref<1x8xf32, #tpu.memory_space<vmem>>, %arg3: memref<1x1xf32, #tpu.memory_space<vmem>>, %arg4: memref<2112x1xf32, #tpu.memory_space<vmem>>) attributes {dimension_semantics = [#tpu.dimension_semantics<arbitrary>], iteration_bounds = array<i64: 50>, scalar_prefetch = 0 : i64, scratch_operands = 0 : i64, tpu.core_type = #tpu.core_type<tc>, window_params = [{transform_indices = @transform_0, window_bounds = array<i64: 2112, 8>}, {pipeline_mode = #tpu.pipeline_mode<synchronous>, transform_indices = @transform_1, window_bounds = array<i64: 1, 8>}, {pipeline_mode = #tpu.pipeline_mode<synchronous>, transform_indices = @transform_2, window_bounds = array<i64: 1, 1>}, {transform_indices = @transform_3, window_bounds = array<i64: 2112, 1>}]} {
    %get3A = arith.constant 0 : index
    %get3A_0 = arith.constant 0 : index
    %get3A_1 = vector.load %arg1[%get3A, %get3A_0] : memref<2112x8xf32, #tpu.memory_space<vmem>>, vector<2112x3xf32>
    %get3A_2 = arith.constant 0 : index
    %get3A_3 = arith.constant 3 : index
    %get3A_4 = vector.load %arg1[%get3A_2, %get3A_3] : memref<2112x8xf32, #tpu.memory_space<vmem>>, vector<2112x3xf32>
    %get3A_5 = arith.constant 0 : index
    %get3A_6 = arith.constant 0 : index
    %get3A_7 = vector.load %arg2[%get3A_5, %get3A_6] : memref<1x8xf32, #tpu.memory_space<vmem>>, vector<1x3xf32>
    %mul3A = arith.mulf %get3A_1, %get3A_4 : vector<2112x3xf32>
    %div3A = vector.broadcast %get3A_7 : vector<1x3xf32> to vector<2112x3xf32>
    %div3A_8 = arith.divf %mul3A, %div3A : vector<2112x3xf32>
    %reduce_sum3A = arith.constant dense<0.000000e+00> : vector<2112xf32>
    %reduce_sum3A_9 = vector.multi_reduction <add>, %div3A_8, %reduce_sum3A [1] : vector<2112x3xf32> to vector<2112xf32>
    %get3A_10 = arith.constant 0 : index
    %get3A_11 = arith.constant 0 : index
    %get3A_12 = vector.load %arg3[%get3A_10, %get3A_11] : memref<1x1xf32, #tpu.memory_space<vmem>>, vector<1x1xf32>
    %get3A_13 = vector.extract %get3A_12[0, 0] : f32 from vector<1x1xf32>
    %add3A = vector.broadcast %get3A_13 : f32 to vector<2112xf32>
    %add3A_14 = arith.addf %reduce_sum3A_9, %add3A : vector<2112xf32>
    %broadcast_in_dim3A = vector.shape_cast %add3A_14 : vector<2112xf32> to vector<2112x1xf32>
    %swap3A = arith.constant 0 : index
    %swap3A_15 = arith.constant 0 : index
    %swap3A_16 = vector.load %arg4[%swap3A, %swap3A_15] : memref<2112x1xf32, #tpu.memory_space<vmem>>, vector<2112x1xf32>
    tpu.vector_store %arg4[%swap3A, %swap3A_15], %broadcast_in_dim3A {strides = array<i32>} : memref<2112x1xf32, #tpu.memory_space<vmem>>, vector<2112x1xf32>,
    return
  }
  func.func @transform_0(%arg0: i32) -> (i32, i32) {
    %c0_i32 = arith.constant 0 : i32
    %c0_i32_0 = arith.constant 0 : i32
    return %arg0, %c0_i32 : i32, i32
  }
  func.func @transform_1(%arg0: i32) -> (i32, i32) {
    %c0_i32 = arith.constant 0 : i32
    %c0_i32_0 = arith.constant 0 : i32
    %c0_i32_1 = arith.constant 0 : i32
    return %c0_i32, %c0_i32_0 : i32, i32
  }
  func.func @transform_2(%arg0: i32) -> (i32, i32) {
    %c0_i32 = arith.constant 0 : i32
    %c0_i32_0 = arith.constant 0 : i32
    %c0_i32_1 = arith.constant 0 : i32
    return %c0_i32, %c0_i32_0 : i32, i32
  }
  func.func @transform_3(%arg0: i32) -> (i32, i32) {
    %c0_i32 = arith.constant 0 : i32
    %c0_i32_0 = arith.constant 0 : i32
    return %arg0, %c0_i32 : i32, i32
  }
}

</mosaic_0001>

<sc_bundles>
// kernel: kernel.6.cloned.1.call-start
scs
__scs_entry_jumppad:
0x0: {  	(pc) =	sbr.rel $0x88, $3  }
0x1: {  	(tag) =	ssettag $0x0;
	lr =	simm.s32 $0x1  }
0x2: {  	[smem:$0x3F96] =	sst lr;
	_ =	strace $0xD0000000  }
0x3: {  	_ = 	snop  }
0x4: {  	_ = 	snop  }
0x5: {  	_ = 	snop  }
0x6: {  	_ = 	snop  }
0x7: {  	_ = 	snop  }
__scs_overlays_trampoline_lowered:
0x8: {  	[smem:$0x3FA5] =	sst s0  }
0x9: {  	[smem:$0x3FA6] =	sst s1  }
0xa: {  	[smem:$0x3FA7] =	sst s2  }
0xb: {  	[smem:$0x3FA8] =	sst s3  }
0xc: {  	[smem:$0x3FA9] =	sst s4  }
0xd: {  	[smem:$0x3FAA] =	sst s5  }
0xe: {  	[smem:$0x3FAB] =	sst s6  }
0xf: {  	[smem:$0x3FAC] =	sst s7  }
0x10: {  	[smem:$0x3FAD] =	sst s8  }
0x11: {  	[smem:$0x3FAE] =	sst s9;
	s0 =	simm.s32 @!p0 $0x0  }
0x12: {  	s1 =	sld [smem:$0x3F94];
	s0 =	simm.s32 @p0 $0x1  }
0x13: {  	[smem:$0x3FAF] =	sst s0;
	s0 =	simm.s32 @!p1 $0x0  }
0x14: {  	s2 =	sld [smem:$0x3F93];
	s0 =	simm.s32 @p1 $0x1  }
0x15: {  	[smem:$0x3FB0] =	sst s0;
	s0 =	simm.s32 @!p2 $0x0  }
0x16: {  	s3 =	sld [smem:$0x3FDB];
	s0 =	simm.s32 @p2 $0x1  }
0x17: {  	s4 =	simm.s32 $0x1BF5;
	[smem:$0x3FB2] =	sst s0  }
0x18: {  	s0 =	sld [smem:$0x3F95];
	_ =	swait.ge [sflag:s4], $0x0  }
0x19: {  	s7 =	sld [smem:$0x3F96]  }
0x1a: {  	s8 =	sadd.s32 $0xFFFFE003, lr  }
0x1b: {  	s9 =	sadd.s32 $0xFFFFFEF7, lr;
	s5 =	simm.s32 $0xFFFFFFFF;
	p2 =	slt.u32 s8, $0xFFFFF086  }
0x1c: {  	p1 =	slt.u32 s9, $0xF7A;
	s5 =	simm.s32 @!p2 $0x0  }
0x1d: {  	s5 =	simm.s32 @p1 $0x1;
	p0 =	seq.s32 s7, s2  }
0x1e: {  	s7 =	smul.u32 @!p0 $0xF7A, s2;
	p2 =	seq.s32 @!p0 s5, $0x0  }
0x1f: {  	s9 =	smul.u32 $0xF7A, s1;
	s8 =	simm.s32 @!p0 $0x1BF5;
	p2 =	por !p2, p0  }
0x20: {  	[sflag:s8] =	ssyncset.s32 @!p0 $0xFFFFF086;
	s6 =	sadd.s32 @!p0 s3, s7;
	s7 =	simm.s32 @!p0 $0x108  }
0x21: {  	s3 =	sadd.s32 s3, s9;
	s6 =	sadd.s32 @!p0 $0x88, s6;
	s7 =	simm.s32 @p2 $0x1082  }
0x22: {  	[simem:s7], [sflag:s8] =	dma.local @!p0 [hbm:s6], $0xF7A  }
0x23: {  	s9 =	sor.u32 $0xD0000000, s2;
	s6 =	simm.s32 $0x108;
	_ =	swait.ge @!p0 [sflag:s8], $0x0  }
0x24: {  	s3 =	sadd.s32 $0x88, s3;
	s6 =	simm.s32 @!p1 $0x1082;
	[sflag:s4] =	ssyncset.s32 $0xFFFFF086  }
0x25: {  	[simem:s6], [sflag:s4] =	dma.local [hbm:s3], $0xF7A  }
0x26: {  	[smem:$0x3F96] =	sst s1;
	(tag) =	ssettag s2;
	_ =	strace s9  }
0x27: {  	s1 =	sld [smem:$0x3FA6]  }
0x28: {  	s2 =	sld [smem:$0x3FA7]  }
0x29: {  	s4 =	sld [smem:$0x3FA9]  }
0x2a: {  	p0 =	seq.s32 s5, $0x0;
	s5 =	sld [smem:$0x3FAA]  }
0x2b: {  	s6 =	sld [smem:$0x3FAB]  }
0x2c: {  	s7 =	sld [smem:$0x3FAC]  }
0x2d: {  	s3 =	simm.s32 $0x108;
	s8 =	sld [smem:$0x3FAD]  }
0x2e: {  	s3 =	simm.s32 @!p0 $0x1082;
	s9 =	sld [smem:$0x3FAE]  }
0x2f: {  	lr =	sadd.s32 s0, s3;
	s0 =	sld [smem:$0x3FA5]  }
0x30: {  	s3 =	sld [smem:$0x3FA8]  }
0x31: {  	[smem:$0x3FB1] =	sst s10  }
0x32: {  	s10 =	sld [smem:$0x3FAF];
	_ =	sdelay $0x3  }
0x33: {  	p0 =	seq.s32 s10, $0x1;
	s10 =	sld [smem:$0x3FB1];
	_ =	sdelay $0x3  }
0x34: {  	[smem:$0x3FB1] =	sst s10  }
0x35: {  	s10 =	sld [smem:$0x3FB0];
	_ =	sdelay $0x3  }
0x36: {  	p1 =	seq.s32 s10, $0x1;
	s10 =	sld [smem:$0x3FB1];
	_ =	sdelay $0x3  }
0x37: {  	[smem:$0x3FB1] =	sst s10  }
0x38: {  	s10 =	sld [smem:$0x3FB2]  }
0x39: {  	_ = 	snop;
	(pc) =	sbr.ind lr, $3  }
0x3a: {  	_ = 	snop  }
0x3b: {  	_ = 	snop  }
0x3c: {  	p2 =	seq.s32 s10, $0x1;
	s10 =	sld [smem:$0x3FB1]  }
0x3d: {  	_ =	shalt  }
0x3e: {  	_ =	shalt  }
0x3f: {  	_ =	shalt  }
0x40: {  	_ =	shalt  }
0x41: {  	_ =	shalt  }
0x42: {  	_ =	shalt  }
0x43: {  	_ =	shalt  }
0x44: {  	_ =	shalt  }
0x45: {  	_ =	shalt  }
0x46: {  	_ =	shalt  }
0x47: {  	_ =	shalt  }
0x48: {  	_ =	shalt  }
0x49: {  	_ =	shalt  }
0x4a: {  	_ =	shalt  }
0x4b: {  	_ =	shalt  }
0x4c: {  	_ =	shalt  }
0x4d: {  	_ =	shalt  }
0x4e: {  	_ =	shalt  }
0x4f: {  	_ =	shalt  }
0x50: {  	_ =	shalt  }
0x51: {  	_ =	shalt  }
0x52: {  	_ =	shalt  }
0x53: {  	_ =	shalt  }
0x54: {  	_ =	shalt  }
0x55: {  	_ =	shalt  }
0x56: {  	_ =	shalt  }
0x57: {  	_ =	shalt  }
0x58: {  	_ =	shalt  }
0x59: {  	_ =	shalt  }
0x5a: {  	_ =	shalt  }
0x5b: {  	_ =	shalt  }
0x5c: {  	_ =	shalt  }
0x5d: {  	_ =	shalt  }
0x5e: {  	_ =	shalt  }
0x5f: {  	_ =	shalt  }
0x60: {  	_ =	shalt  }
0x61: {  	_ =	shalt  }
0x62: {  	_ =	shalt  }
0x63: {  	_ =	shalt  }
0x64: {  	_ =	shalt  }
0x65: {  	_ =	shalt  }
0x66: {  	_ =	shalt  }
0x67: {  	_ =	shalt  }
0x68: {  	_ =	shalt  }
0x69: {  	_ =	shalt  }
0x6a: {  	_ =	shalt  }
0x6b: {  	_ =	shalt  }
0x6c: {  	_ =	shalt  }
0x6d: {  	_ =	shalt  }
0x6e: {  	_ =	shalt  }
0x6f: {  	_ =	shalt  }
0x70: {  	_ =	shalt  }
0x71: {  	_ =	shalt  }
0x72: {  	_ =	shalt  }
0x73: {  	_ =	shalt  }
0x74: {  	_ =	shalt  }
0x75: {  	_ =	shalt  }
0x76: {  	_ =	shalt  }
0x77: {  	_ =	shalt  }
0x78: {  	_ =	shalt  }
0x79: {  	_ =	shalt  }
0x7a: {  	_ =	shalt  }
0x7b: {  	_ =	shalt  }
0x7c: {  	_ =	shalt  }
0x7d: {  	_ =	shalt  }
0x7e: {  	_ =	shalt  }
0x7f: {  	_ =	shalt  }
0x80: {  	_ =	shalt  }
0x81: {  	_ =	shalt  }
0x82: {  	_ =	shalt  }
0x83: {  	_ =	shalt  }
0x84: {  	_ =	shalt  }
0x85: {  	_ =	shalt  }
0x86: {  	_ =	shalt  }
0x87: {  	_ =	shalt  }
.Lfunc_end0:
.L_simem_size_0:
called_computation_lowered:
.L_overlay_start_0:
0x88: {  	s2 =	sld [smem:$0x3FD9]  }
0x89: {  	s3 =	sld [smem:$0x3FFE];
	_ =	sdelay $0x1  }
0x8a: {  	s1 =	srdreg.scid  }
0x8b: {  	s0 =	sand.u32 $0x1, s1  }
0x8c: {  	s16 =	sshll.u32 s0, $0xA;
	s2 =	sadd.s32 s3, s2  }
0x8d: {  	s2 =	sadd.s32 s2, s16  }
0x8e: {  	[smem:$0x3FBD] =	sst s2  }
0x8f: {  	_ = 	snop  }
0x90: {  	(tm) =	ssettm $0x1  }
0x91: {  	s17 =	sld [smem:$0x3FFB];
	_ =	sdelay $0x3  }
0x92: {  	_ =	strace s17  }
0x93: {  	s2 =	sld [smem:$0x3FFC];
	_ =	sdelay $0x3  }
0x94: {  	_ =	strace s2  }
0x95: {  	s2 =	sld [smem:$0x3FFD];
	_ =	sdelay $0x3  }
0x96: {  	_ =	strace s2  }
0x97: {  	_ =	strace $0x8FFFFFFF  }
0x98: {  	s18 =	sld [smem:$0x3FDB];
	_ =	sdelay $0x1  }
0x99: {  	s19 =	simm.s32 $_scs_section_size  }
0x9a: {  	s4 =	simm.s32 $_size__tile_overlayer_lowered;
	s5 =	simm.s32 $_tile_overlayer_lowered  }
0x9b: {  	s22 =	simm.s32 $0x1BFF;
	s21 =	sshll.u32 s5, $0x1;
	s2 =	sadd.s32 s19, s18  }
0x9c: {  	s6 =	simm.s32 $0x0;
	s20 =	sshll.u32 s4, $0x1;
	s4 =	sadd.s32 s21, s2  }
0x9d: {  	[timem:s6], [sflag:s22] =	dma.local [hbm:s4], s20  }
0x9e: {  	_ =	swait.ge [sflag:s22], s20  }
0x9f: {  	s3 =	ssub.s32 $0x0, s20;
	[sflag:s22] =	ssyncset.done $0x0  }
0xa0: {  	[sflag:s22] =	ssyncadd.s32 s3;
	_ =	sdelay $0x1  }
0xa1: {  	s23 =	simm.s32 $0x1B8B  }
0xa2: {  	_ =	swait.ge [sflag:s23], $0x1  }
0xa3: {  	[sflag:s23] =	ssyncset.done $0x0  }
0xa4: {  	s25 =	simm.s32 $0x1B8E;
	s24 =	sld [smem:$0x3FFE];
	[sflag:s23] =	ssyncadd.s32 $0xFFFFFFFF  }
0xa5: {  	s26 =	simm.s32 $execute0_lowered;
	[smem:$0x3FD2] =	sst s25  }
0xa6: {  	s4 =	sshll.u32 s26, $0x1;
	_ =	strace $0x80000046;
	[dreg:$0x1] =	wrdreg $0xFFFFFFFF  }
0xa7: {  	s28 =	simm.s32 $_size_execute0_lowered;
	s2 =	sadd.s32 s2, s4;
	[dreg:$0x0] =	wrdreg $0x0  }
0xa8: {  	s4 =	sshll.u32 s28, $0x1;
	[dreg:$0x2] =	wrdreg s2  }
0xa9: {  	[dreg:$0x3] =	wrdreg s4  }
0xaa: {  	[dreg:$0x4] =	wrdreg $0xC0  }
0xab: {  	_ =	task [dreg:s6], $0x5FFFF  }
0xac: {  	[dreg:$0x1] =	wrdreg $0xFFFFFFFF  }
0xad: {  	[dreg:$0x0] =	wrdreg $0x60  }
0xae: {  	[dreg:$0x2] =	wrdreg s24  }
0xaf: {  	[dreg:$0x3] =	wrdreg $0xD6C00  }
0xb0: {  	[dreg:$0x4] =	wrdreg $0x9  }
0xb1: {  	_ =	task.clear_ibuf [dreg:s6], $0x5FFFF;
	_ =	strace $0x90000046  }
0xb2: {  	s29 =	simm.s32 $0x9;
	_ =	strace $0x80000048  }
0xb3: {  	_ =	swait.ge [sflag:s29], $0x1  }
0xb4: {  	[sflag:s29] =	ssyncadd.s32 $0xFFFFFFFF  }
0xb5: {  	_ =	strace $0x90000048  }
0xb6: {  	_ =	sfence  }
0xb7: {  	s30 =	sld [smem:$0x0];
	_ =	sdelay $0x2  }
0xb8: {  	s31 =	sshll.u32 s1, $0xD;
	s1 =	sshrl.u32 s1, $0x2  }
0xb9: {  	s3 =	sand.u32 $0x4000, s31;
	s1 =	sadd.s32 s1, s30  }
0xba: {  	s0 =	sor.u32 s3, s0;
	s1 =	sshll.u32 s1, $0x11  }
0xbb: {  	s0 =	sor.u32 s1, s0  }
0xbc: {  	s0 =	sadd.s32 $0x8F2B, s0  }
0xbd: {  	[sflag:s0] =	ssyncadd.remote.s32 $0x1  }
0xbe: {  	_ =	sfence.sel $0xFFFF  }
0xbf: {  	[dreg:$0x0] =	wrdreg $0xFFFFFFFF;
	(pc) =	sbr.abs _section_cstart, $3  }
0xc0: {  	[dreg:$0x1] =	wrdreg $0xFFFFFFFF  }
0xc1: {  	_ =	task.clear_ibuf [dreg:s6], $0x2FFFF;
	_ =	strace $0x9FFFFFFF  }
0xc2: {  	(tm) =	ssettm $0x7FFFFFFF  }
0xc3: {  	_ =	shalt  }
tec
execute0_lowered:
.L_overlay_start_1:
0x0: {  	(tag) =	ssettag $0x1  }
0x1: {  	s0 =	rddreg [dreg:$0x0]  }
0x2: {  	s1 =	rddreg [dreg:$0x1];
	s2 =	simm.s32 $0x0;
	s12 =	srdreg.scid  }
0x3: {  	s5 =	stileid.u32;
	s3 =	sadd.s32 $0x1CE600, s0;
	s11 =	sadd.s32 $0x19D800, s0  }
0x4: {  	[smem:$0x7FF] =	sst s2;
	s6 =	sadd.s32 $0xE00, s0;
	s7 =	sadd.s32 $0x169E00, s0  }
0x5: {  	s9 =	smul.u32 $0x48300, s5;
	_ =	strace $0x80000047;
	[dreg:$0x3] =	wrdreg s3  }
0x6: {  	s0 =	sadd.s32 $0x1FF400, s0;
	s14 =	smul.u32 $0x294, s5;
	[dreg:$0x4] =	wrdreg s11  }
0x7: {  	s16 =	smul.u32 $0x186A0, s5;
	s3 =	sand.u32 $0x1, s12;
	[dreg:$0x5] =	wrdreg s0  }
0x8: {  	s4 =	ssub.s32 $0x2, s3;
	s3 =	smul.u32 $0x5, s3;
	[dreg:$0x7] =	wrdreg s14  }
0x9: {  	s15 =	sshrl.u32 s9, $0x2;
	[dreg:$0x8] =	wrdreg s16  }
0xa: {  	s17 =	sadd.s32 s15, s1;
	[dreg:$0x6] =	wrdreg s3  }
0xb: {  	s3 =	sadd.s32 $0x1340, s17;
	[dreg:$0xa] =	wrdreg s17  }
0xc: {  	s18 =	sadd.s32 $0x2680, s17;
	[dreg:$0xb] =	wrdreg s3  }
0xd: {  	s19 =	sadd.s32 $0x39C0, s17;
	[dreg:$0xc] =	wrdreg s18  }
0xe: {  	s30 =	simm.s32 $0x5;
	s20 =	sadd.s32 $0x4D00, s17;
	[dreg:$0xd] =	wrdreg s19  }
0xf: {  	s5 =	simm.s32 $0x0;
	s21 =	sadd.s32 $0x6040, s17;
	[dreg:$0xe] =	wrdreg s20  }
0x10: {  	s12 =	simm.s32 $0x1;
	s22 =	sadd.s32 $0x7380, s17;
	[dreg:$0xf] =	wrdreg s21  }
0x11: {  	s9 =	simm.s32 $0x3040;
	s23 =	sadd.s32 $0x86C0, s17;
	[dreg:$0x10] =	wrdreg s22  }
0x12: {  	s14 =	simm.s32 $0x80;
	s24 =	sadd.s32 $0x9A00, s17;
	[dreg:$0x11] =	wrdreg s23  }
0x13: {  	s16 =	simm.s32 $0x2;
	s25 =	sadd.s32 $0xAD40, s17;
	[dreg:$0x12] =	wrdreg s24  }
0x14: {  	s13 =	sshrl.u32 s4, $0x1;
	s26 =	sadd.s32 $0xC080, s17;
	[dreg:$0x13] =	wrdreg s25  }
0x15: {  	s15 =	simm.s32 $0x2FC0;
	s28 =	sadd.s32 $0xD3C0, s17;
	[dreg:$0x14] =	wrdreg s26  }
.Ltmp0:
0x16: {  	s29 =	sadd.s32 $0xE700, s17;
	[dreg:$0x15] =	wrdreg s28;
	(pc) =	sbr.rel .LBB2_1-.Ltmp0, $4  }
0x17: {  	s0 =	ssub.s32 s4, s13;
	s31 =	sadd.s32 $0xFA40, s17;
	[dreg:$0x16] =	wrdreg s29  }
0x18: {  	s0 =	smax.u32 s0, $0x1;
	[dreg:$0x17] =	wrdreg s31;
	s3 =	simm.s32 $0x4  }
0x19: {  	s18 =	simm.s32 $0xB040;
	[dreg:$0x9] =	wrdreg s0;
	s0 =	sadd.s32 $0x10D80, s17  }
0x1a: {  	v0 =	vimm.f32 $0.0e+00;
	v1 =	vimm.s32 $0x0;
	s17 =	simm.s32 $0x6840;
	[dreg:$0x18] =	wrdreg s0;
	s0 =	simm.s32 $0x3  }
.LBB2_37:
0x1b: {  	s5 =	rddreg [dreg:$0x19]  }
0x1c: {  	s4 =	rddreg [dreg:$0x9];
	s5 =	sadd.s32 $0x1, s5  }
0x1d: {  	p0 =	sne.s32 s5, s4  }
.Ltmp1:
0x1e: {  	_ = 	snop;
	(pc) =	sbr.rel @!p0 .LBB2_38-.Ltmp1, $2  }
0x1f: {  	_ =	sdelay $0x2  }
0x20: {  	v0 =	vimm.f32 $0.0e+00  }
.LBB2_1:
0x21: {  	[dreg:$0x19] =	wrdreg s5;
	s4 =	simm.s32 $0x0;
	s13 =	simm.s32 $0x1C0  }
.LBB2_2:
0x22: {  	p0 =	sne.s32 s13, $0x4B40;
	[tilespmem:s4+$0xC3E0] =	vst v0  }
0x23: {  	[tilespmem:s4+$0xC380] =	vst v0  }
.Ltmp2:
0x24: {  	[tilespmem:s4+$0xC390] =	vst v0;
	(pc) =	sbr.rel @p0 .LBB2_2-.Ltmp2, $4  }
0x25: {  	[tilespmem:s4+$0xC3A0] =	vst v0  }
0x26: {  	[tilespmem:s4+$0xC3B0] =	vst v0  }
0x27: {  	[tilespmem:s4+$0xC3C0] =	vst v0  }
0x28: {  	[tilespmem:s4+$0xC3D0] =	vst v0;
	s4 =	sshra.s32 s13, $0x2;
	s13 =	sadd.s32 $0x1C0, s13  }
0x29: {  	[tilespmem:s4+$0xC3E0] =	vst v0  }
0x2a: {  	[tilespmem:s4+$0xC380] =	vst v0  }
0x2b: {  	[tilespmem:s4+$0xC390] =	vst v0  }
0x2c: {  	[tilespmem:s4+$0xC3A0] =	vst v0  }
0x2d: {  	[tilespmem:s4+$0xC3B0] =	vst v0  }
0x2e: {  	[tilespmem:s4+$0xC3C0] =	vst v0  }
0x2f: {  	s5 =	simm.s32 $0x0;
	[tilespmem:s4+$0xC3D0] =	vst v0  }
.LBB2_4:
0x30: {  	s4 =	rddreg [dreg:$0x6]  }
0x31: {  	s4 =	sadd.s32 s4, s5  }
0x32: {  	s4 =	smul.u32 $0x2940, s4  }
0x33: {  	[dreg:$0x1a] =	wrdreg s5  }
0x34: {  	s13 =	simm.s32 $0x0;
	[dreg:$0x1b] =	wrdreg s4;
	v2 =	vmov s4;
	s4 =	simm.s32 $0x40  }
.LBB2_5:
0x35: {  	p0 =	sne.s32 s4, $0x4000;
	[tilespmem:s13+$0xFA0] =	vst v2;
	s19 =	smov.u32 s4;
	s4 =	sadd.s32 $0x40, s4  }
.Ltmp3:
0x36: {  	[tilespmem:s13+$0x1FB0] =	vst v1;
	(pc) =	sbr.rel @p0 .LBB2_5-.Ltmp3, $2  }
0x37: {  	_ =	sdelay $0x2  }
0x38: {  	s13 =	sshra.s32 s19, $0x2  }
0x39: {  	[tilespmem:s13+$0xFA0] =	vst v2  }
0x3a: {  	[tilespmem:s13+$0x1FB0] =	vst v1;
	s4 =	rddreg [dreg:$0xa];
	s5 =	simm.s32 $0xC380  }
0x3b: {  	[spmem:s4] =	stream.linear.scatter [tilespmem:s5], [sflag:$0x5], $0x1340, $0x38;
	[tilespmem:$0x1F780] =	vst v63  }
0x3c: {  	_ =	swait.ge [sflag:s30], $0x1340  }
0x3d: {  	[sflag:s30] =	ssyncset.done $0x0  }
0x3e: {  	s8 =	rddreg [dreg:$0xb];
	[sflag:s30] =	ssyncadd.s32 $0xFFFFECC0  }
0x3f: {  	[spmem:s8] =	stream.linear.scatter [tilespmem:s5], [sflag:$0x5], $0x1340, $0x38;
	[tilespmem:$0x1F780] =	vst v63  }
0x40: {  	_ =	swait.ge [sflag:s30], $0x1340  }
0x41: {  	[sflag:s30] =	ssyncset.done $0x0  }
0x42: {  	s10 =	rddreg [dreg:$0xc];
	[sflag:s30] =	ssyncadd.s32 $0xFFFFECC0  }
0x43: {  	[spmem:s10] =	stream.linear.scatter [tilespmem:s5], [sflag:$0x5], $0x1340, $0x38;
	[tilespmem:$0x1F780] =	vst v63  }
0x44: {  	_ =	swait.ge [sflag:s30], $0x1340  }
0x45: {  	[sflag:s30] =	ssyncset.done $0x0  }
0x46: {  	s11 =	rddreg [dreg:$0xd];
	[sflag:s30] =	ssyncadd.s32 $0xFFFFECC0  }
0x47: {  	[spmem:s11] =	stream.linear.scatter [tilespmem:s5], [sflag:$0x5], $0x1340, $0x38;
	[tilespmem:$0x1F780] =	vst v63  }
0x48: {  	_ =	swait.ge [sflag:s30], $0x1340  }
0x49: {  	[sflag:s30] =	ssyncset.done $0x0  }
0x4a: {  	s13 =	rddreg [dreg:$0xe];
	[sflag:s30] =	ssyncadd.s32 $0xFFFFECC0  }
0x4b: {  	[spmem:s13] =	stream.linear.scatter [tilespmem:s5], [sflag:$0x5], $0x1340, $0x38;
	[tilespmem:$0x1F780] =	vst v63  }
0x4c: {  	_ =	swait.ge [sflag:s30], $0x1340  }
0x4d: {  	[sflag:s30] =	ssyncset.done $0x0  }
0x4e: {  	s19 =	rddreg [dreg:$0xf];
	[sflag:s30] =	ssyncadd.s32 $0xFFFFECC0  }
0x4f: {  	[spmem:s19] =	stream.linear.scatter [tilespmem:s5], [sflag:$0x5], $0x1340, $0x38;
	[tilespmem:$0x1F780] =	vst v63  }
0x50: {  	_ =	swait.ge [sflag:s30], $0x1340  }
0x51: {  	[sflag:s30] =	ssyncset.done $0x0  }
0x52: {  	s20 =	rddreg [dreg:$0x10];
	[sflag:s30] =	ssyncadd.s32 $0xFFFFECC0  }
0x53: {  	[spmem:s20] =	stream.linear.scatter [tilespmem:s5], [sflag:$0x5], $0x1340, $0x38;
	[tilespmem:$0x1F780] =	vst v63  }
0x54: {  	_ =	swait.ge [sflag:s30], $0x1340  }
0x55: {  	[sflag:s30] =	ssyncset.done $0x0  }
0x56: {  	s21 =	rddreg [dreg:$0x11];
	[sflag:s30] =	ssyncadd.s32 $0xFFFFECC0  }
0x57: {  	[spmem:s21] =	stream.linear.scatter [tilespmem:s5], [sflag:$0x5], $0x1340, $0x38;
	[tilespmem:$0x1F780] =	vst v63  }
0x58: {  	_ =	swait.ge [sflag:s30], $0x1340  }
0x59: {  	[sflag:s30] =	ssyncset.done $0x0  }
0x5a: {  	s22 =	rddreg [dreg:$0x12];
	[sflag:s30] =	ssyncadd.s32 $0xFFFFECC0  }
0x5b: {  	[spmem:s22] =	stream.linear.scatter [tilespmem:s5], [sflag:$0x5], $0x1340, $0x38;
	[tilespmem:$0x1F780] =	vst v63  }
0x5c: {  	_ =	swait.ge [sflag:s30], $0x1340  }
0x5d: {  	[sflag:s30] =	ssyncset.done $0x0  }
0x5e: {  	s23 =	rddreg [dreg:$0x13];
	[sflag:s30] =	ssyncadd.s32 $0xFFFFECC0  }
0x5f: {  	[spmem:s23] =	stream.linear.scatter [tilespmem:s5], [sflag:$0x5], $0x1340, $0x38;
	[tilespmem:$0x1F780] =	vst v63  }
0x60: {  	_ =	swait.ge [sflag:s30], $0x1340  }
0x61: {  	[sflag:s30] =	ssyncset.done $0x0  }
0x62: {  	s24 =	rddreg [dreg:$0x14];
	[sflag:s30] =	ssyncadd.s32 $0xFFFFECC0  }
0x63: {  	[spmem:s24] =	stream.linear.scatter [tilespmem:s5], [sflag:$0x5], $0x1340, $0x38;
	[tilespmem:$0x1F780] =	vst v63  }
0x64: {  	_ =	swait.ge [sflag:s30], $0x1340  }
0x65: {  	[sflag:s30] =	ssyncset.done $0x0  }
0x66: {  	s25 =	rddreg [dreg:$0x15];
	[sflag:s30] =	ssyncadd.s32 $0xFFFFECC0  }
0x67: {  	[spmem:s25] =	stream.linear.scatter [tilespmem:s5], [sflag:$0x5], $0x1340, $0x38;
	[tilespmem:$0x1F780] =	vst v63  }
0x68: {  	_ =	swait.ge [sflag:s30], $0x1340  }
0x69: {  	[sflag:s30] =	ssyncset.done $0x0  }
0x6a: {  	s26 =	rddreg [dreg:$0x16];
	[sflag:s30] =	ssyncadd.s32 $0xFFFFECC0  }
0x6b: {  	[spmem:s26] =	stream.linear.scatter [tilespmem:s5], [sflag:$0x5], $0x1340, $0x38;
	[tilespmem:$0x1F780] =	vst v63  }
0x6c: {  	_ =	swait.ge [sflag:s30], $0x1340  }
0x6d: {  	[sflag:s30] =	ssyncset.done $0x0  }
0x6e: {  	s28 =	rddreg [dreg:$0x17];
	[sflag:s30] =	ssyncadd.s32 $0xFFFFECC0  }
0x6f: {  	[spmem:s28] =	stream.linear.scatter [tilespmem:s5], [sflag:$0x5], $0x1340, $0x38;
	[tilespmem:$0x1F780] =	vst v63  }
0x70: {  	_ =	swait.ge [sflag:s30], $0x1340  }
0x71: {  	[sflag:s30] =	ssyncset.done $0x0  }
0x72: {  	s29 =	rddreg [dreg:$0x18];
	[sflag:s30] =	ssyncadd.s32 $0xFFFFECC0  }
0x73: {  	[spmem:s29] =	stream.linear.scatter [tilespmem:s5], [sflag:$0x5], $0x1340, $0x38;
	[tilespmem:$0x1F780] =	vst v63  }
.Ltmp4:
0x74: {  	_ =	swait.ge [sflag:s30], $0x1340;
	(pc) =	sbr.rel .LBB2_7-.Ltmp4, $4  }
0x75: {  	[sflag:s30] =	ssyncset.done $0x0  }
0x76: {  	s31 =	rddreg [dreg:$0x1b];
	[sflag:s30] =	ssyncadd.s32 $0xFFFFECC0  }
0x77: {  	s4 =	sadd.s32 $0x2940, s31;
	[bflag:$0x0] =	sbarrier.arrive $0xFFFF  }
0x78: {  	s21 =	simm.s32 $0x0;
	s22 =	simm.s32 $0x0;
	v3 =	vmov s4  }
.LBB2_20:
0x79: {  	s21 =	simm.s32 $0x0  }
.LBB2_21:
0x7a: {  	s22 =	sadd.s32 $0x1, s22  }
0x7b: {  	p0 =	sne.s32 s22, $0x32  }
.Ltmp5:
0x7c: {  	_ = 	snop;
	(pc) =	sbr.rel @!p0 .LBB2_22-.Ltmp5, $1  }
0x7d: {  	_ =	sdelay $0x3  }
.LBB2_7:
0x7e: {  	s4 =	smul.u32 $0x7D0, s22  }
0x7f: {  	s5 =	rddreg [dreg:$0x8]  }
0x80: {  	s4 =	sadd.s32 s5, s4  }
0x81: {  	s24 =	rddreg [dreg:$0x4];
	s4 =	sshrl.u32 s4, $0x3  }
0x82: {  	s25 =	rddreg [dreg:$0x3];
	s13 =	sadd.s32 s24, s4  }
0x83: {  	[tilespmem:s2], [sflag:$0x3] =	stream.linear.gather [hbm4b:s13+s2], $0x7D0, $0x38;
	[tilespmem:$0x1F780] =	vst v63  }
0x84: {  	s26 =	simm.s32 $0x7D0;
	s4 =	sadd.s32 s25, s4  }
0x85: {  	[tilespmem:s26], [sflag:$0x4] =	stream.linear.gather [hbm4b:s4+s2], $0x7D0, $0x38;
	[tilespmem:$0x1F780] =	vst v63  }
0x86: {  	_ =	swait.ge [sflag:s0], $0x7D0  }
0x87: {  	[sflag:s0] =	ssyncset.done $0x0  }
0x88: {  	[sflag:s0] =	ssyncadd.s32 $0xFFFFF830  }
0x89: {  	_ =	swait.ge [sflag:s3], $0x7D0  }
0x8a: {  	[sflag:s3] =	ssyncset.done $0x0  }
0x8b: {  	s28 =	simm.s32 $0x20;
	[sflag:s3] =	ssyncadd.s32 $0xFFFFF830  }
0x8c: {  	v16 =	vld [tilespmem:s28+$0xFFFFFFE0]  }
0x8d: {  	v10 =	vld [tilespmem:s28+$0x0]  }
0x8e: {  	v11 =	vld [tilespmem:s28+$0xFFFFFFF0]  }
0x8f: {  	v8 =	vld [tilespmem:s28+$0x10];
	_ =	sdelay $0x2  }
0x90: {  	vm0 =	vge.s32 v16, v2  }
0x91: {  	s29 =	simm.s32 $0x60;
	vm1 =	vlt.s32 v16, v3;
	vm2 =	vge.s32 v10, v2;
	vm3 =	vlt.s32 v11, v3  }
0x92: {  	v13 =	vld [tilespmem:s29+$0xFFFFFFE0];
	vm4 =	vge.s32 v8, v2;
	vm1 =	vmand vm0, vm1;
	vm0 =	vge.s32 v11, v2  }
0x93: {  	v7 =	vld [tilespmem:s29+$0xFFFFFFF0];
	vm5 =	vlt.s32 v10, v3;
	v6 =	vsel vm1, $0x1, v1;
	vm3 =	vmand vm0, vm3  }
0x94: {  	v5 =	vld [tilespmem:s29+$0x0];
	vm2 =	vmand vm2, vm5;
	vm0 =	vlt.s32 v8, v3;
	(xrf0) =	vadd.scan.msk.s32 $0xffff, v6;
	v6 =	vsel vm3, $0x1, v1  }
0x95: {  	v4 =	vld [tilespmem:s29+$0x10];
	v9 =	vsel vm2, $0x1, v1;
	vm4 =	vmand vm4, vm0;
	(xrf0) =	vadd.scan.msk.s32 $0xffff, v6  }
0x96: {  	v6 =	vsel vm4, $0x1, v1;
	(xrf0) =	vadd.scan.msk.s32 $0xffff, v9  }
0x97: {  	vm7 =	vge.s32 v13, v2;
	vm8 =	vlt.s32 v13, v3;
	(xrf0) =	vadd.scan.msk.s32 $0xffff, v6  }
0x98: {  	vm6 =	vge.s32 v7, v2;
	vm8 =	vmand vm7, vm8;
	vm7 =	vlt.s32 v7, v3  }
0x99: {  	vm9 =	vlt.s32 v5, v3;
	vm10 =	vmand vm6, vm7;
	v9 =	vsel vm8, $0x1, v1  }
0x9a: {  	vm5 =	vge.s32 v4, v2;
	vm0 =	vge.s32 v5, v2;
	v14 =	vsel vm10, $0x1, v1;
	v6, _, _ =	vpop (xrf0)  }
0x9b: {  	vm6 =	vlt.s32 v4, v3;
	vm0 =	vmand vm0, vm9;
	(xrf0) =	vadd.scan.msk.s32 $0xffff, v9;
	(v2sf) =	vpush v6, $0xF;
	v12, _, _ =	vpop (xrf0)  }
0x9c: {  	vm5 =	vmand vm5, vm6;
	v15 =	vsel vm0, $0x1, v1;
	(xrf0) =	vadd.scan.msk.s32 $0xffff, v14;
	(v2sf) =	vpush v12, $0xF;
	v9, _, _ =	vpop (xrf0)  }
0x9d: {  	v17 =	vsel vm5, $0x1, v1;
	(xrf0) =	vadd.scan.msk.s32 $0xffff, v15;
	(v2sf) =	vpush v9, $0xF;
	v14, _, _ =	vpop (xrf0)  }
0x9e: {  	s31 =	simm.s32 $0xA0;
	(xrf0) =	vadd.scan.msk.s32 $0xffff, v17;
	(v2sf) =	vpush v14, $0xF  }
0x9f: {  	v6 =	vld [tilespmem:s31+$0x10]  }
0xa0: {  	v12 =	vld [tilespmem:s31+$0x0]  }
0xa1: {  	vm1 =	vmmov vm1;
	vm7 =	vmmov vm2;
	vm6 =	vmmov vm3;
	v14 =	vld [tilespmem:s31+$0xFFFFFFE0];
	v15, _, _ =	vpop (xrf0)  }
0xa2: {  	s4 =	simm.s32 $0x7F0;
	vm12 =	vmmov vm1;
	vm3 =	vmmov vm8;
	v9 =	vld [tilespmem:s31+$0xFFFFFFF0];
	(v2sf) =	vpush v15, $0xF;
	v15, _, _ =	vpop (xrf0)  }
0xa3: {  	vm2 =	vmmov vm10;
	vm4 =	vmmov vm4;
	v17 =	vld [tilespmem:s4+$0xFFFFFFE0];
	(v2sf) =	vpush v15, $0xF;
	v18, _, _ =	vpop (xrf0)  }
0xa4: {  	vm6 =	vmmov vm6;
	vm1 =	vmmov vm5;
	(v2sf) =	vpush v18, $0xF;
	v19, _, _ =	vpop (xrf0)  }
0xa5: {  	vm4 =	vmmov vm4;
	vm5 =	vge.s32 v6, v2;
	(v2sf) =	vpush v19, $0xF  }
0xa6: {  	[tilespmem:s21+$0xFA0] =	vst.msk vm12, v16;
	v16 =	vld [tilespmem:s4+$0x0];
	vm10 =	vge.s32 v12, v2;
	vm9 =	vge.s32 v14, v2;
	vm13 =	vlt.s32 v14, v3  }
0xa7: {  	vm8 =	vge.s32 v9, v2;
	v15 =	vld [tilespmem:s4+$0xFFFFFFF0];
	vm9 =	vmand vm9, vm13;
	vm13 =	vlt.s32 v9, v3  }
0xa8: {  	s19 =	simm.s32 $0xE0;
	s13 =	simm.s32 $0x8;
	vm11 =	vlt.s32 v12, v3;
	[tilespmem:s21+$0x1FB0] =	vst.msk vm12, v17;
	v17 =	vld [tilespmem:s4+$0x10];
	v18 =	vsel vm9, $0x1, v1;
	vm8 =	vmand vm8, vm13  }
.LBB2_8:
0xa9: {  	v20 =	vsel vm8, $0x1, v1;
	vm14 =	vlt.s32 v6, v3;
	vm13 =	vmmov vm7  }
0xaa: {  	v19 =	vld [tilespmem:s19+$0x10];
	(xrf0) =	vadd.scan.msk.s32 $0xffff, v18;
	s23 =	spop (v2sf);
	vm7 =	vmmov vm0;
	vm0 =	vmand vm10, vm11;
	vm12 =	vmmov vm3  }
0xab: {  	vm3 =	vmmov vm9;
	v18 =	vld [tilespmem:s19+$0x0];
	v21 =	vsel vm0, $0x1, v1;
	vm5 =	vmand vm5, vm14;
	(xrf0) =	vadd.scan.msk.s32 $0xffff, v20;
	s23 =	sadd.s32 s21, s23;
	s21 =	spop (v2sf)  }
0xac: {  	s4 =	sadd.s32 $0x40, s4;
	v20 =	vsel vm5, $0x1, v1;
	(xrf0) =	vadd.scan.msk.s32 $0xffff, v21;
	[tilespmem:s23+$0xFA0] =	vst.msk vm6, v11;
	s24 =	sadd.s32 s23, s21;
	s21 =	spop (v2sf);
	v11 =	vmovc v7;
	v7 =	vmov v9;
	v9 =	vld [tilespmem:s19+$0xFFFFFFF0]  }
0xad: {  	s13 =	sadd.s32 $0x4, s13;
	vm9 =	vmmov vm6;
	v21 =	vld [tilespmem:s19+$0xFFFFFFE0];
	(xrf0) =	vadd.scan.msk.s32 $0xffff, v20;
	[tilespmem:s24+$0xFA0] =	vst.msk vm13, v10;
	s25 =	sadd.s32 s24, s21;
	s21 =	spop (v2sf);
	v10 =	vmovc v5;
	v5 =	vmov v12  }
0xae: {  	p0 =	slt.u32 s13, $0x78;
	vm6 =	vmmov vm2;
	vm2 =	vmmov vm8;
	v20 =	vld [tilespmem:s4+$0xFFFFFFE0];
	[tilespmem:s25+$0xFA0] =	vst.msk vm4, v8;
	s21 =	sadd.s32 s25, s21;
	v8 =	vmovc v4;
	v4 =	vmov v6  }
0xaf: {  	[tilespmem:s25+$0x1FB0] =	vst.msk vm4, v17;
	v6 =	vmov v19;
	vm4 =	vmmov vm1;
	vm1 =	vmmov vm5  }
.Ltmp6:
0xb0: {  	vm10 =	vge.s32 v18, v2;
	vm5 =	vge.s32 v6, v2;
	v17, _, _ =	vpop (xrf0);
	[tilespmem:s24+$0x1FB0] =	vst.msk vm13, v16;
	v12 =	vmov v18;
	(pc) =	sbr.rel @p0 .LBB2_8-.Ltmp6, $4  }
0xb1: {  	vm8 =	vge.s32 v9, v2;
	vm11 =	vlt.s32 v12, v3;
	(v2sf) =	vpush v17, $0xF;
	v16, _, _ =	vpop (xrf0);
	[tilespmem:s23+$0x1FB0] =	vst.msk vm9, v15  }
0xb2: {  	vm9 =	vge.s32 v21, v2;
	vm13 =	vlt.s32 v21, v3;
	(v2sf) =	vpush v16, $0xF;
	v16, _, _ =	vpop (xrf0);
	[tilespmem:s21+$0xFA0] =	vst.msk vm12, v13;
	v15 =	vld [tilespmem:s4+$0xFFFFFFF0]  }
0xb3: {  	vm9 =	vmand vm9, vm13;
	vm13 =	vlt.s32 v9, v3;
	(v2sf) =	vpush v16, $0xF;
	v13, _, _ =	vpop (xrf0);
	[tilespmem:s21+$0x1FB0] =	vst.msk vm12, v20;
	v16 =	vld [tilespmem:s4+$0x0]  }
0xb4: {  	s19 =	sadd.s32 $0x40, s19;
	v18 =	vsel vm9, $0x1, v1;
	vm8 =	vmand vm8, vm13;
	(v2sf) =	vpush v13, $0xF;
	v17 =	vld [tilespmem:s4+$0x10];
	v13 =	vmovc v14;
	v14 =	vmovc v21  }
0xb5: {  	v19 =	vsel vm8, $0x1, v1;
	(xrf0) =	vadd.scan.msk.s32 $0xffff, v18  }
0xb6: {  	vm10 =	vmand vm10, vm11;
	(xrf0) =	vadd.scan.msk.s32 $0xffff, v19  }
0xb7: {  	v55 =	vsel vm10, $0x1, v1  }
0xb8: {  	(xrf0) =	vadd.scan.msk.s32 $0xffff, v55;
	_ =	sdelay $0x2  }
0xb9: {  	s13 =	spop (v2sf);
	v56, _, _ =	vpop (xrf0)  }
0xba: {  	s13 =	sadd.s32 s21, s13;
	s19 =	spop (v2sf);
	(v2sf) =	vpush v56, $0xF;
	v57, _, _ =	vpop (xrf0)  }
0xbb: {  	vm7 =	vmmov vm7;
	[tilespmem:s13+$0xFA0] =	vst.msk vm6, v11;
	s19 =	sadd.s32 s13, s19;
	(v2sf) =	vpush v57, $0xF  }
0xbc: {  	s4 =	sadd.s32 $0x40, s4;
	vm15 =	vmmov vm6;
	s31 =	spop (v2sf);
	[tilespmem:s19+$0xFA0] =	vst.msk vm7, v10;
	v58, _, _ =	vpop (xrf0)  }
0xbd: {  	v59 =	vld [tilespmem:s4+$0xFFFFFFE0];
	s21 =	sadd.s32 s19, s31;
	[tilespmem:s13+$0x1FB0] =	vst.msk vm15, v15;
	(v2sf) =	vpush v58, $0xF  }
0xbe: {  	[tilespmem:s21+$0xFA0] =	vst.msk vm4, v8  }
0xbf: {  	s23 =	spop (v2sf);
	[tilespmem:s19+$0x1FB0] =	vst.msk vm7, v16  }
0xc0: {  	vm3 =	vmmov vm3;
	v60 =	vld [tilespmem:s4+$0xFFFFFFF0];
	s5 =	sadd.s32 s21, s23;
	[tilespmem:s21+$0x1FB0] =	vst.msk vm4, v17  }
0xc1: {  	[tilespmem:s5+$0xFA0] =	vst.msk vm3, v13;
	s8 =	spop (v2sf)  }
0xc2: {  	vm0 =	vmmov vm0;
	vm2 =	vmmov vm2;
	v62 =	vld [tilespmem:s4+$0x0];
	[tilespmem:s5+$0x1FB0] =	vst.msk vm3, v59;
	s13 =	sadd.s32 s5, s8;
	s10 =	spop (v2sf)  }
0xc3: {  	v61 =	vld [tilespmem:s4+$0x10];
	vm0 =	vmmov vm0;
	[tilespmem:s13+$0xFA0] =	vst.msk vm2, v7;
	s19 =	sadd.s32 s13, s10  }
0xc4: {  	s4 =	sadd.s32 $0x40, s4;
	s11 =	spop (v2sf);
	vm2 =	vmmov vm2;
	[tilespmem:s19+$0xFA0] =	vst.msk vm0, v5  }
0xc5: {  	vm1 =	vmmov vm1;
	s21 =	sadd.s32 s19, s11;
	v5 =	vld [tilespmem:s4+$0xFFFFFFE0];
	[tilespmem:s13+$0x1FB0] =	vst.msk vm2, v60  }
0xc6: {  	[tilespmem:s21+$0xFA0] =	vst.msk vm1, v4  }
0xc7: {  	vm4 =	vmmov vm9;
	s20 =	spop (v2sf);
	[tilespmem:s19+$0x1FB0] =	vst.msk vm0, v62  }
0xc8: {  	vm6 =	vmmov vm4;
	s23 =	sadd.s32 s21, s20;
	v4 =	vld [tilespmem:s4+$0xFFFFFFF0];
	[tilespmem:s21+$0x1FB0] =	vst.msk vm1, v61  }
0xc9: {  	vm9 =	vmmov vm8;
	[tilespmem:s23+$0xFA0] =	vst.msk vm6, v14;
	s24 =	spop (v2sf)  }
0xca: {  	vm11 =	vmmov vm10;
	vm7 =	vlt.s32 v6, v3;
	vm2 =	vmmov vm9;
	[tilespmem:s23+$0x1FB0] =	vst.msk vm6, v5;
	v5 =	vld [tilespmem:s4+$0x0];
	s25 =	sadd.s32 s23, s24;
	s26 =	spop (v2sf)  }
0xcb: {  	v63 =	vld [tilespmem:s4+$0x10];
	vm3 =	vmmov vm11;
	vm1 =	vmand vm5, vm7;
	[tilespmem:s25+$0xFA0] =	vst.msk vm2, v9;
	s13 =	sadd.s32 s25, s26  }
0xcc: {  	vm13 =	vmmov vm2;
	vm12 =	vmmov vm1;
	s28 =	spop (v2sf);
	[tilespmem:s13+$0xFA0] =	vst.msk vm3, v12  }
0xcd: {  	vm0 =	vmmov vm12;
	s19 =	sadd.s32 s13, s28;
	[tilespmem:s25+$0x1FB0] =	vst.msk vm13, v4  }
0xce: {  	[tilespmem:s19+$0xFA0] =	vst.msk vm0, v6  }
0xcf: {  	[tilespmem:s13+$0x1FB0] =	vst.msk vm3, v5  }
0xd0: {  	[tilespmem:s19+$0x1FB0] =	vst.msk vm0, v63  }
0xd1: {  	v4 =	vld [tilespmem:$0x7C0];
	_ =	sdelay $0x4  }
0xd2: {  	vm14 =	vge.s32 v4, v2;
	vm15 =	vlt.s32 v4, v3  }
0xd3: {  	v5 =	vsel vm1, $0x1, v1;
	vm0 =	vmand vm14, vm15  }
0xd4: {  	(xrf0) =	vadd.scan.msk.s32 $0xffff, v5;
	v5 =	vsel vm0, $0x1, v1  }
0xd5: {  	(xrf0) =	vadd.scan.msk.s32 $0xffff, v5;
	_ =	sdelay $0x4  }
0xd6: {  	v5, _, _ =	vpop (xrf0)  }
0xd7: {  	(v2sf) =	vpush v5, $0xF;
	v5, _, _ =	vpop (xrf0)  }
0xd8: {  	(v2sf) =	vpush v5, $0xF;
	_ =	sdelay $0xd  }
0xd9: {  	s29 =	spop (v2sf)  }
0xda: {  	s4 =	sadd.s32 s19, s29;
	s31 =	spop (v2sf)  }
0xdb: {  	s21 =	sadd.s32 s4, s31  }
0xdc: {  	p0 =	slt.s32 s21, $0x801  }
0xdd: {  	s13 =	sadd.s32 @!p0 $0x7F, s21  }
0xde: {  	s19 =	sand.u32 @!p0 $0x7F, s13  }
0xdf: {  	p1 =	slt.s32 @!p0 s13, $0x0;
	p2 =	sne.s32 @!p0 s19, $0x0  }
0xe0: {  	s19 =	sshra.s32 @!p0 s13, $0x1F;
	p1 =	por @!p0 !p1, !p2  }
0xe1: {  	s19 =	sshrl.u32 @!p0 s19, $0x19;
	p1 =	por @!p0 !p1, !p1  }
0xe2: {  	v5 =	vld [tilespmem:$0xF90];
	s13 =	sadd.s32 @!p0 s19, s13;
	s19 =	simm.s32 @!p0 $0x1;
	p1 =	por !p1, p0  }
0xe3: {  	s13 =	sshra.s32 @!p0 s13, $0x7;
	s19 =	simm.s32 @p1 $0x0  }
0xe4: {  	s23 =	ssub.s32 @!p0 s13, s19  }
0xe5: {  	p1 =	slt.s32 @!p0 s23, $0x1  }
0xe6: {  	[tilespmem:s4+$0xFA0] =	vst.msk vm0, v4;
	p2 =	por p1, p0  }
0xe7: {  	[tilespmem:s4+$0x1FB0] =	vst.msk vm0, v5;
	s4 =	simm.s32 @!p2 $0x80;
	s13 =	simm.s32 @!p2 $0x1FB0;
	s19 =	simm.s32 @!p2 $0x3040  }
0xe8: {  	[tilespmem:s19], [sflag:$0x1] =	stream.indirect.gather @!p2 [hbm4b:s6+s4], $0x70, s13, s4, $0xb8;
	[tilespmem:$0x1F780] =	vst v63  }
0xe9: {  	s13 =	simm.s32 @!p2 $0xFA0;
	s19 =	simm.s32 @!p2 $0xA040  }
0xea: {  	[tilespmem:s19], [sflag:$0x3] =	stream.indirect.gather @!p2 [hbm4b:s7+s4], $0x10, s13, s4, $0xb8;
	[tilespmem:$0x1F780] =	vst v63  }
0xeb: {  	p2 =	seq.s32 @!p2 s23, $0x1  }
0xec: {  	p1 =	por @!p0 p2, p1  }
0xed: {  	p1 =	por p1, p0  }
0xee: {  	s4 =	simm.s32 @!p1 $0x80;
	s13 =	simm.s32 @!p1 $0x2030;
	s19 =	simm.s32 @!p1 $0x6840  }
0xef: {  	[tilespmem:s19], [sflag:$0x2] =	stream.indirect.gather @!p1 [hbm4b:s6+s4], $0x70, s13, s4, $0xb8;
	[tilespmem:$0x1F780] =	vst v63  }
0xf0: {  	s13 =	simm.s32 @!p1 $0x1020;
	s19 =	simm.s32 @!p1 $0xA840  }
0xf1: {  	[tilespmem:s19], [sflag:$0x4] =	stream.indirect.gather @!p1 [hbm4b:s7+s4], $0x10, s13, s4, $0xb8;
	[tilespmem:$0x1F780] =	vst v63  }
0xf2: {  	s4 =	sadd.s32 @!p0 $0x1, s23  }
0xf3: {  	s13 =	sand.u32 @!p0 $0x1, s4  }
0xf4: {  	p1 =	slt.s32 @!p0 s23, $0x0;
	p2 =	seq.s32 @!p0 s13, $0x1  }
0xf5: {  	p1 =	por @!p0 !p1, !p2  }
0xf6: {  	s13 =	sshrl.u32 @!p0 s4, $0x1F;
	p1 =	por @!p0 !p1, !p1  }
0xf7: {  	s19 =	simm.s32 @!p0 $0x1;
	s4 =	sadd.s32 @!p0 s13, s4;
	p1 =	por !p1, p0  }
0xf8: {  	s4 =	sshra.s32 @!p0 s4, $0x1;
	s19 =	simm.s32 @p1 $0x0  }
0xf9: {  	s24 =	ssub.s32 @!p0 s4, s19  }
0xfa: {  	p1 =	slt.s32 @!p0 s24, $0x1  }
0xfb: {  	p1 =	por p0, p1  }
.Ltmp7:
0xfc: {  	_ = 	snop;
	(pc) =	sbr.rel @!p1 .LBB2_11-.Ltmp7, $2  }
0xfd: {  	_ =	sdelay $0x2  }
0xfe: {  	s25 =	simm.s32 @!p0 $0x0;
	s26 =	simm.s32 @!p0 $0x0  }
.Ltmp8:
0xff: {  	(pc) =	sbr.rel .LBB2_21-.Ltmp8, $2  }
0x100: {  	_ =	sdelay $0x2  }
0x101: {  	s21 =	simm.s32 @!p0 $0x0  }
.LBB2_19:
0x102: {  	s26 =	sadd.s32 $0x1, s26  }
0x103: {  	p0 =	sne.s32 s26, s24  }
.Ltmp9:
0x104: {  	_ = 	snop;
	(pc) =	sbr.rel @!p0 .LBB2_20-.Ltmp9, $2  }
0x105: {  	_ =	sdelay $0x2  }
0x106: {  	s25 =	sadd.s32 $0x100, s25  }
.LBB2_11:
0x107: {  	s28 =	sshll.u32 s26, $0x1  }
0x108: {  	p0 =	sge.s32 s28, s23  }
.Ltmp10:
0x109: {  	_ = 	snop;
	(pc) =	sbr.rel @p0 .LBB2_15-.Ltmp10, $1  }
0x10a: {  	_ =	sdelay $0x3  }
0x10b: {  	_ =	swait.ge [sflag:s12], $0x3800  }
0x10c: {  	[sflag:s12] =	ssyncset.done $0x0  }
0x10d: {  	[sflag:s12] =	ssyncadd.s32 $0xFFFFC800  }
0x10e: {  	_ =	swait.ge [sflag:s0], $0x800  }
0x10f: {  	[sflag:s0] =	ssyncset.done $0x0  }
0x110: {  	s4 =	sshll.u32 s26, $0x8;
	[sflag:s0] =	ssyncadd.s32 $0xFFFFF800  }
0x111: {  	v4 =	vld [tilespmem:s4+$0xFA0];
	_ =	sdelay $0x4  }
0x112: {  	v4 =	vsub.s32 v4, v2  }
0x113: {  	[tilespmem:$0x2FC0] =	vst v4  }
0x114: {  	v4 =	vld [tilespmem:s4+$0xFB0];
	_ =	sdelay $0x4  }
0x115: {  	v4 =	vsub.s32 v4, v2  }
0x116: {  	[tilespmem:$0x2FD0] =	vst v4  }
0x117: {  	v4 =	vld [tilespmem:s4+$0xFC0];
	_ =	sdelay $0x4  }
0x118: {  	v4 =	vsub.s32 v4, v2  }
0x119: {  	[tilespmem:$0x2FE0] =	vst v4  }
0x11a: {  	v4 =	vld [tilespmem:s4+$0xFD0];
	_ =	sdelay $0x4  }
0x11b: {  	v4 =	vsub.s32 v4, v2  }
0x11c: {  	[tilespmem:$0x2FF0] =	vst v4  }
0x11d: {  	v4 =	vld [tilespmem:s4+$0xFE0];
	_ =	sdelay $0x4  }
0x11e: {  	v4 =	vsub.s32 v4, v2  }
0x11f: {  	[tilespmem:$0x3000] =	vst v4  }
0x120: {  	v4 =	vld [tilespmem:s4+$0xFF0];
	_ =	sdelay $0x4  }
0x121: {  	v4 =	vsub.s32 v4, v2  }
0x122: {  	[tilespmem:$0x3010] =	vst v4  }
0x123: {  	v4 =	vld [tilespmem:s4+$0x1000];
	_ =	sdelay $0x4  }
0x124: {  	v4 =	vsub.s32 v4, v2  }
0x125: {  	[tilespmem:$0x3020] =	vst v4  }
0x126: {  	v4 =	vld [tilespmem:s4+$0x1010];
	_ =	sdelay $0x4  }
0x127: {  	v4 =	vsub.s32 v4, v2  }
0x128: {  	s13 =	simm.s32 $0x3120;
	[tilespmem:$0x3030] =	vst v4  }
0x129: {  	s8 =	simm.s32 $0xA060;
	v4 =	vld [tilespmem:s13+$0xD0]  }
0x12a: {  	v5 =	vld [tilespmem:s8+$0x10];
	_ =	sdelay $0x1  }
0x12b: {  	v6 =	vld [tilespmem:s13+$0xFFFFFFF0]  }
0x12c: {  	v7 =	vld [tilespmem:s8+$0xFFFFFFF0];
	_ =	sdelay $0x1  }
0x12d: {  	v9 =	vld [tilespmem:s8+$0x0];
	v4 =	vadd.f32 v5, v4  }
0x12e: {  	v5 =	vld [tilespmem:s13+$0x60]  }
0x12f: {  	v8 =	vld [tilespmem:s8+$0xFFFFFFE0];
	v10 =	vmul.f32 $2.000000030e-01, v4  }
0x130: {  	v11 =	vld [tilespmem:s13+$0xFFFFFF80];
	v6 =	vadd.f32 v7, v6;
	vm0 =	vge.f32 v4, $0.0e+00  }
0x131: {  	v4 =	vsel vm0, v4, v10  }
0x132: {  	v7 =	vmul.f32 $2.000000030e-01, v6;
	v4 =	vmul.f32 $1.442695020e+00, v4  }
0x133: {  	vm14 =	vge.f32 v6, $0.0e+00;
	v5 =	vadd.f32 v9, v5  }
0x134: {  	(erf) = vpow2.f32 v4;
	v4 =	vsel vm14, v6, v7  }
0x135: {  	v6 =	vadd.f32 v8, v11;
	v7 =	vmul.f32 $2.000000030e-01, v5;
	v4 =	vmul.f32 $1.442695020e+00, v4  }
0x136: {  	vm15 =	vge.f32 v5, $0.0e+00  }
0x137: {  	s10 =	simm.s32 $0x3;
	v8 =	vmul.f32 $2.000000030e-01, v6;
	v5 =	vsel vm15, v5, v7;
	(erf) = vpow2.f32 v4  }
0x138: {  	v9 =	vmov s10;
	vm1 =	vge.f32 v6, $0.0e+00;
	v5 =	vmul.f32 $1.442695020e+00, v5  }
0x139: {  	s19 =	simm.s32 $0x1;
	v7 =	vmul.u32 $0x70, v9;
	v4 =	vsel vm1, v6, v8  }
0x13a: {  	s11 =	sadd.s32 $0x0, s25;
	s31 =	simm.s32 $0x0;
	v4 =	vmul.f32 $1.442695020e+00, v4;
	(erf) = vpow2.f32 v5;
	v5 =	vmov s19  }
0x13b: {  	s29 =	sadd.s32 $0x3, s11;
	v12 =	vld [tilespmem:s13+$0xFFFFFFA0];
	v6 =	vadd.s32 $0x60, v7;
	v7 =	vmov s31  }
0x13c: {  	p0 =	slt.s32 s29, s21;
	s29 =	simm.s32 $0x2;
	v18 =	vld [tilespmem:s13+$0x10];
	v16 =	vbroadcast v6, $0x0;
	s19 =	simm.f32 $1.000000000e+00;
	v7 =	vmul.u32 $0x70, v7;
	(erf) = vpow2.f32 v4  }
0x13d: {  	v17 =	vld [tilespmem:s13+$0xFFFFFF40];
	v6 =	vmov s29;
	s19 =	simm.s32 @!p0 $0x0;
	v4 =	vmul.u32 $0x70, v5;
	v5 =	vpop (erf)  }
0x13e: {  	s20 =	sadd.s32 $0x1, s11;
	v19 =	vld [tilespmem:s13+$0xFFFFFFB0];
	v6 =	vmul.u32 $0x70, v6;
	v5 =	vmul.f32 s19, v5  }
0x13f: {  	v22 =	vld [tilespmem:s13+$0x20];
	p0 =	slt.s32 s20, s21;
	v4 =	vadd.s32 $0x60, v4;
	s19 =	simm.f32 $1.000000000e+00  }
0x140: {  	v21 =	vld [tilespmem:s13+$0x70];
	v4 =	vbroadcast v4, $0x0;
	s19 =	simm.s32 @!p0 $0x0;
	[tilespmem:s13+$0xD0] =	vst v5;
	v5 =	vadd.s32 $0x60, v6;
	v6 =	vadd.s32 $0x60, v7;
	v7 =	vpop (erf)  }
0x141: {  	v15 =	vld [tilespmem:s13+$0xFFFFFF50];
	v7 =	vmul.f32 s19, v7  }
0x142: {  	s29 =	sadd.s32 $0x2, s11;
	v20 =	vld.idx.msk [tilespmem:v16+s9+$0x0], $0xffff;
	v5 =	vbroadcast v5, $0x0  }
0x143: {  	v13 =	vld [tilespmem:s13+$0xFFFFFFC0];
	p0 =	slt.s32 s29, s21;
	s29 =	simm.f32 $1.000000000e+00;
	v6 =	vbroadcast v6, $0x0  }
0x144: {  	p1 =	slt.s32 s11, s21;
	s4 =	simm.f32 $1.000000000e+00;
	v10 =	vld [tilespmem:s13+$0xFFFFFF20];
	s29 =	simm.s32 @!p0 $0x0;
	v23 =	vpop (erf)  }
0x145: {  	s4 =	simm.s32 @!p1 $0x0;
	v9 =	vld [tilespmem:s13+$0xFFFFFF90];
	v24 =	vor.u32 $0x1, v16;
	[tilespmem:s13+$0xFFFFFFF0] =	vst v7;
	v23 =	vmul.f32 s29, v23;
	v7 =	vpop (erf)  }
0x146: {  	v25 =	vld.idx.msk [tilespmem:v4+s9+$0x0], $0xffff;
	v26 =	vmul.f32 s4, v7  }
0x147: {  	v8 =	vld [tilespmem:s13+$0x0];
	[tilespmem:s13+$0x60] =	vst v23;
	v20 =	vmul.f32 v21, v20  }
0x148: {  	v21 =	vld.idx.msk [tilespmem:v5+s9+$0x0], $0xffff;
	[tilespmem:s13+$0xFFFFFF80] =	vst v26  }
0x149: {  	[tilespmem:s13+$0x70] =	vst v20;
	v23 =	vld.idx.msk [tilespmem:v6+s9+$0x0], $0xffff  }
0x14a: {  	v26 =	vor.u32 $0x1, v4;
	v20 =	vld.idx.msk [tilespmem:v24+s9+$0x0], $0xffff  }
0x14b: {  	v9 =	vmul.f32 v9, v25;
	v24 =	vld [tilespmem:s13+$0x80];
	v25 =	vor.u32 $0x1, v5  }
0x14c: {  	v14 =	vld [tilespmem:s13+$0x30]  }
0x14d: {  	v11 =	vld [tilespmem:s13+$0xFFFFFF30];
	v27 =	vor.u32 $0x1, v6;
	v8 =	vmul.f32 v8, v21  }
0x14e: {  	v7 =	vld [tilespmem:s13+$0xFFFFFF60];
	[tilespmem:s13+$0xFFFFFF90] =	vst v9;
	v21 =	vor.u32 $0x2, v16  }
0x14f: {  	v9 =	vld.idx.msk [tilespmem:v26+s9+$0x0], $0xffff;
	v23 =	vmul.f32 v10, v23;
	[tilespmem:s13+$0x0] =	vst v8  }
0x150: {  	v8 =	vmul.f32 v24, v20;
	v20 =	vld.idx.msk [tilespmem:v25+s9+$0x0], $0xffff  }
0x151: {  	v25 =	vld [tilespmem:s13+$0x90];
	[tilespmem:s13+$0xFFFFFF20] =	vst v23  }
0x152: {  	[tilespmem:s13+$0x80] =	vst v8;
	v23 =	vld.idx.msk [tilespmem:v27+s9+$0x0], $0xffff  }
0x153: {  	v24 =	vor.u32 $0x2, v4;
	v21 =	vld.idx.msk [tilespmem:v21+s9+$0x0], $0xffff  }
0x154: {  	v26 =	vor.u32 $0x2, v5;
	v10 =	vld [tilespmem:s13+$0x40]  }
0x155: {  	v27 =	vor.u32 $0x2, v6;
	v8 =	vmul.f32 v12, v9;
	v12 =	vld [tilespmem:s13+$0xFFFFFFD0]  }
0x156: {  	v9 =	vld [tilespmem:s13+$0xFFFFFF70];
	v18 =	vmul.f32 v18, v20;
	v20 =	vor.u32 $0x3, v16  }
0x157: {  	[tilespmem:s13+$0xFFFFFFA0] =	vst v8;
	v8 =	vld [tilespmem:s13+$0xFFFFFFE0];
	v11 =	vmul.f32 v11, v23  }
0x158: {  	v24 =	vld.idx.msk [tilespmem:v24+s9+$0x0], $0xffff;
	[tilespmem:s13+$0x10] =	vst v18;
	v18 =	vmul.f32 v25, v21  }
0x159: {  	v25 =	vld.idx.msk [tilespmem:v26+s9+$0x0], $0xffff;
	[tilespmem:s13+$0xFFFFFF30] =	vst v11  }
0x15a: {  	[tilespmem:s13+$0x90] =	vst v18;
	v21 =	vld.idx.msk [tilespmem:v27+s9+$0x0], $0xffff  }
0x15b: {  	v18 =	vld.idx.msk [tilespmem:v20+s9+$0x0], $0xffff  }
0x15c: {  	s29 =	simm.s32 $0x32E0;
	v20 =	vld [tilespmem:s13+$0xA0]  }
0x15d: {  	v23 =	vld [tilespmem:s29+$0xD0];
	v19 =	vmul.f32 v19, v24  }
0x15e: {  	s31 =	simm.s32 $0xA0A0;
	v11 =	vld [tilespmem:s13+$0x50]  }
0x15f: {  	s19 =	simm.s32 $0x4;
	s4 =	simm.s32 $0x8;
	v24 =	vld [tilespmem:s31+$0x10];
	[tilespmem:s13+$0xFFFFFFB0] =	vst v19;
	v19 =	vmul.f32 v22, v25;
	v22 =	vor.u32 $0x4, v16  }
.LBB2_13:
0x160: {  	p0 =	slt.u32 s4, $0x7C;
	v26 =	vld [tilespmem:s31+$0xFFFFFFE0];
	v17 =	vmul.f32 v17, v21  }
0x161: {  	v21 =	vld [tilespmem:s29+$0xFFFFFFF0];
	[tilespmem:s13+$0x20] =	vst v19;
	v18 =	vmul.f32 v20, v18  }
0x162: {  	v19 =	vld [tilespmem:s31+$0xFFFFFFF0];
	[tilespmem:s13+$0xFFFFFF40] =	vst v17  }
0x163: {  	v17 =	vld [tilespmem:s29+$0x60];
	[tilespmem:s13+$0xA0] =	vst v18  }
0x164: {  	v18 =	vadd.f32 v24, v23;
	v20 =	vld.idx.msk [tilespmem:v22+s9+$0x0], $0xffff  }
0x165: {  	v22 =	vld [tilespmem:s13+$0xB0]  }
0x166: {  	v27 =	vld [tilespmem:s31+$0x0];
	v24 =	vmul.f32 $2.000000030e-01, v18  }
0x167: {  	vm0 =	vge.f32 v18, $0.0e+00;
	v28 =	vld [tilespmem:s29+$0xFFFFFF80];
	v19 =	vadd.f32 v19, v21  }
0x168: {  	v16 =	vor.u32 $0x5, v16;
	v23 =	vld [tilespmem:s29+$0xFFFFFF20];
	v18 =	vsel vm0, v18, v24  }
0x169: {  	vm0 =	vge.f32 v19, $0.0e+00;
	v21 =	vmul.f32 $2.000000030e-01, v19;
	v25 =	vld [tilespmem:s29+$0xFFFFFF90];
	v29 =	vmul.f32 $1.442695020e+00, v18  }
0x16a: {  	v24 =	vld [tilespmem:s29+$0x0];
	v20 =	vmul.f32 v22, v20  }
0x16b: {  	v18 =	vld [tilespmem:s29+$0xFFFFFF30];
	v19 =	vsel vm0, v19, v21;
	v17 =	vadd.f32 v27, v17;
	(erf) = vpow2.f32 v29  }
0x16c: {  	v27 =	vor.u32 $0x3, v6;
	v26 =	vadd.f32 v26, v28;
	v19 =	vmul.f32 $1.442695020e+00, v19;
	v21 =	vld [tilespmem:s29+$0xFFFFFFA0];
	[tilespmem:s13+$0xB0] =	vst v20  }
0x16d: {  	s5 =	sadd.s32 $0x3, s19;
	v28 =	vor.u32 $0x3, v4;
	vm0 =	vge.f32 v17, $0.0e+00;
	v20 =	vmul.f32 $2.000000030e-01, v17;
	v29 =	vld.idx.msk [tilespmem:v16+s9+$0x0], $0xffff  }
0x16e: {  	v30 =	vmov s5;
	vm1 =	vge.f32 v26, $0.0e+00;
	v16 =	vmul.f32 $2.000000030e-01, v26;
	v31 =	vld [tilespmem:s13+$0xC0]  }
0x16f: {  	s5 =	sadd.s32 s19, s25;
	v30 =	vmul.u32 $0x70, v30;
	v20 =	vsel vm0, v17, v20;
	v22 =	vld [tilespmem:s29+$0x10];
	(erf) = vpow2.f32 v19  }
0x170: {  	v32 =	vor.u32 $0x3, v5;
	s8 =	sadd.s32 $0x1, s19;
	s10 =	sadd.s32 $0x2, s19;
	s11 =	sadd.s32 $0x1, s5;
	v16 =	vsel vm1, v26, v16;
	v17 =	vld [tilespmem:s29+$0xFFFFFF40];
	v26 =	vmul.f32 $1.442695020e+00, v20  }
0x171: {  	s20 =	sadd.s32 $0x3, s5;
	p4 =	slt.s32 s5, s21;
	p2 =	slt.s32 s11, s21;
	v0 =	vmul.f32 $1.442695020e+00, v16;
	v20 =	vld [tilespmem:s29+$0xFFFFFFB0];
	v16 =	vadd.s32 $0x60, v30  }
0x172: {  	p3 =	slt.s32 s20, s21;
	s11 =	simm.f32 $1.000000000e+00;
	v30 =	vmov s8;
	s8 =	sadd.s32 $0x2, s5;
	v19 =	vld [tilespmem:s29+$0x20];
	v16 =	vbroadcast v16, $0x0;
	(erf) = vpow2.f32 v26  }
0x173: {  	s5 =	simm.f32 $1.000000000e+00;
	v26 =	vmul.u32 $0x70, v30;
	p1 =	slt.s32 s8, s21;
	s8 =	simm.f32 $1.000000000e+00;
	(erf) = vpow2.f32 v0;
	v27 =	vld.idx.msk [tilespmem:v27+s9+$0x0], $0xffff;
	v29 =	vmul.f32 v31, v29  }
0x174: {  	v30 =	vmov s19;
	s5 =	simm.s32 @!p2 $0x0;
	v31 =	vmov s10;
	s8 =	simm.s32 @!p3 $0x0;
	s10 =	simm.f32 $1.000000000e+00;
	v33 =	vpop (erf);
	v28 =	vld.idx.msk [tilespmem:v28+s9+$0x0], $0xffff  }
0x175: {  	s19 =	smov.u32 s4;
	s11 =	simm.s32 @!p1 $0x0;
	s10 =	simm.s32 @!p4 $0x0;
	v26 =	vadd.s32 $0x60, v26;
	v31 =	vmul.u32 $0x70, v31;
	v33 =	vmul.f32 s8, v33;
	v32 =	vld.idx.msk [tilespmem:v32+s9+$0x0], $0xffff;
	[tilespmem:s13+$0xC0] =	vst v29  }
0x176: {  	v29 =	vmul.u32 $0x70, v30;
	v26 =	vbroadcast v26, $0x0;
	v30 =	vld [tilespmem:s29+$0xFFFFFF50]  }
0x177: {  	v31 =	vadd.s32 $0x60, v31;
	v34 =	vld [tilespmem:s29+$0xFFFFFFC0];
	[tilespmem:s29+$0xD0] =	vst v33  }
0x178: {  	v36 =	vor.u32 $0x4, v6;
	v29 =	vadd.s32 $0x60, v29;
	v31 =	vbroadcast v31, $0x0;
	v33 =	vld.idx.msk [tilespmem:v16+s9+$0x0], $0xffff;
	v35 =	vpop (erf)  }
0x179: {  	v38 =	vor.u32 $0x4, v4;
	v27 =	vmul.f32 v15, v27;
	v35 =	vmul.f32 s5, v35;
	v37 =	vld [tilespmem:s29+$0x70]  }
0x17a: {  	v29 =	vbroadcast v29, $0x0;
	v28 =	vmul.f32 v13, v28;
	v39 =	vld [tilespmem:s29+$0x30]  }
0x17b: {  	v32 =	vmul.f32 v14, v32;
	v40 =	vld [tilespmem:s29+$0xFFFFFF60];
	[tilespmem:s29+$0xFFFFFFF0] =	vst v35;
	v13 =	vpop (erf);
	v15 =	vmov v30  }
0x17c: {  	v35 =	vor.u32 $0x1, v16;
	v30 =	vld.idx.msk [tilespmem:v26+s9+$0x0], $0xffff;
	v0 =	vmul.f32 s11, v13;
	v41 =	vpop (erf);
	[tilespmem:s13+$0xFFFFFF50] =	vst v27;
	v13 =	vmov v34  }
0x17d: {  	v27 =	vmul.f32 s10, v41;
	v34 =	vld.idx.msk [tilespmem:v36+s9+$0x0], $0xffff;
	[tilespmem:s13+$0xFFFFFFC0] =	vst v28  }
0x17e: {  	v36 =	vor.u32 $0x4, v5;
	[tilespmem:s29+$0x60] =	vst v0;
	v28 =	vmul.f32 v37, v33;
	v33 =	vld.idx.msk [tilespmem:v38+s9+$0x0], $0xffff  }
0x17f: {  	[tilespmem:s29+$0xFFFFFF80] =	vst v27;
	v27 =	vld.idx.msk [tilespmem:v31+s9+$0x0], $0xffff;
	v14 =	vmov v39  }
0x180: {  	v38 =	vor.u32 $0x1, v26;
	v37 =	vld.idx.msk [tilespmem:v29+s9+$0x0], $0xffff;
	[tilespmem:s29+$0x70] =	vst v28  }
0x181: {  	v28 =	vld.idx.msk [tilespmem:v35+s9+$0x0], $0xffff;
	[tilespmem:s13+$0x30] =	vst v32  }
0x182: {  	v25 =	vmul.f32 v25, v30;
	v32 =	vor.u32 $0x5, v6;
	v6 =	vmov v29;
	v30 =	vld [tilespmem:s29+$0x80]  }
0x183: {  	v29 =	vor.u32 $0x1, v31;
	v34 =	vmul.f32 v7, v34;
	v7 =	vmov v40;
	v35 =	vld.idx.msk [tilespmem:v36+s9+$0x0], $0xffff  }
0x184: {  	v36 =	vor.u32 $0x1, v6;
	[tilespmem:s29+$0xFFFFFF90] =	vst v25;
	v25 =	vmul.f32 v12, v33;
	v12 =	vld [tilespmem:s29+$0xFFFFFFD0]  }
0x185: {  	v24 =	vmul.f32 v24, v27;
	v27 =	vor.u32 $0x2, v16;
	v33 =	vld.idx.msk [tilespmem:v38+s9+$0x0], $0xffff;
	[tilespmem:s13+$0xFFFFFF60] =	vst v34  }
0x186: {  	v23 =	vmul.f32 v23, v37;
	v34 =	vld [tilespmem:s29+$0x40];
	[tilespmem:s13+$0xFFFFFFD0] =	vst v25  }
0x187: {  	[tilespmem:s29+$0x0] =	vst v24;
	v24 =	vmul.f32 v30, v28;
	v25 =	vld.idx.msk [tilespmem:v32+s9+$0x0], $0xffff;
	v28 =	vor.u32 $0x5, v4;
	v4 =	vmov v26  }
0x188: {  	v26 =	vor.u32 $0x5, v5;
	v5 =	vmov v31;
	[tilespmem:s29+$0xFFFFFF20] =	vst v23;
	v23 =	vld.idx.msk [tilespmem:v29+s9+$0x0], $0xffff  }
0x189: {  	v30 =	vor.u32 $0x2, v4;
	v0 =	vmul.f32 v10, v35;
	v29 =	vld.idx.msk [tilespmem:v36+s9+$0x0], $0xffff;
	[tilespmem:s29+$0x80] =	vst v24  }
0x18a: {  	v24 =	vld.idx.msk [tilespmem:v27+s9+$0x0], $0xffff  }
0x18b: {  	v21 =	vmul.f32 v21, v33;
	v27 =	vld [tilespmem:s29+$0x90];
	[tilespmem:s13+$0x40] =	vst v0;
	v10 =	vmov v34  }
0x18c: {  	v31 =	vor.u32 $0x2, v5;
	v28 =	vld.idx.msk [tilespmem:v28+s9+$0x0], $0xffff  }
0x18d: {  	v32 =	vor.u32 $0x2, v6;
	[tilespmem:s29+$0xFFFFFFA0] =	vst v21;
	v21 =	vmul.f32 v9, v25;
	v25 =	vld.idx.msk [tilespmem:v26+s9+$0x0], $0xffff  }
0x18e: {  	v22 =	vmul.f32 v22, v23;
	v23 =	vor.u32 $0x3, v16;
	v26 =	vld.idx.msk [tilespmem:v30+s9+$0x0], $0xffff  }
0x18f: {  	v18 =	vmul.f32 v18, v29;
	v9 =	vld [tilespmem:s29+$0xFFFFFF70];
	[tilespmem:s13+$0xFFFFFF70] =	vst v21  }
0x190: {  	v29 =	vld [tilespmem:s29+$0xFFFFFFE0];
	[tilespmem:s29+$0x10] =	vst v22;
	v22 =	vmul.f32 v27, v24  }
0x191: {  	[tilespmem:s29+$0xFFFFFF30] =	vst v18;
	v27 =	vld.idx.msk [tilespmem:v31+s9+$0x0], $0xffff  }
0x192: {  	v0 =	vmul.f32 v8, v28;
	v21 =	vld.idx.msk [tilespmem:v32+s9+$0x0], $0xffff;
	[tilespmem:s29+$0x90] =	vst v22  }
.Ltmp11:
0x193: {  	v22 =	vmul.f32 v11, v25;
	v18 =	vld.idx.msk [tilespmem:v23+s9+$0x0], $0xffff;
	(pc) =	sbr.rel @p0 .LBB2_13-.Ltmp11, $4  }
0x194: {  	v24 =	vmul.f32 v20, v26;
	v20 =	vld [tilespmem:s29+$0xA0];
	[tilespmem:s13+$0xFFFFFFE0] =	vst v0  }
0x195: {  	v11 =	vld [tilespmem:s29+$0x50];
	[tilespmem:s13+$0x50] =	vst v22;
	v8 =	vmov v29;
	s13 =	smov.u32 s29;
	s29 =	sadd.s32 $0x1C0, s29  }
0x196: {  	s31 =	sadd.s32 $0x40, s31;
	v23 =	vld [tilespmem:s29+$0xD0];
	[tilespmem:s13+$0xFFFFFFB0] =	vst v24  }
0x197: {  	s4 =	sadd.s32 $0x4, s4;
	v22 =	vor.u32 $0x4, v16;
	v19 =	vmul.f32 v19, v27;
	v24 =	vld [tilespmem:s31+$0x10]  }
0x198: {  	v25 =	vld [tilespmem:s31+$0xFFFFFFE0]  }
0x199: {  	v26 =	vld [tilespmem:s29+$0xFFFFFFF0]  }
0x19a: {  	v27 =	vld [tilespmem:s31+$0xFFFFFFF0]  }
0x19b: {  	v28 =	vld [tilespmem:s29+$0x60]  }
0x19c: {  	v58 =	vld [tilespmem:s31+$0x0]  }
0x19d: {  	v30 =	vld [tilespmem:s29+$0xFFFFFF80];
	_ =	sdelay $0x2  }
0x19e: {  	v23 =	vadd.f32 v24, v23  }
0x19f: {  	v18 =	vmul.f32 v20, v18;
	v26 =	vadd.f32 v27, v26  }
0x1a0: {  	v24 =	vadd.f32 v58, v28;
	v60 =	vadd.f32 v25, v30;
	v29 =	vmul.f32 $2.000000030e-01, v23  }
0x1a1: {  	vm0 =	vge.f32 v23, $0.0e+00;
	v59 =	vmul.f32 $2.000000030e-01, v26;
	vm14 =	vge.f32 v26, $0.0e+00  }
0x1a2: {  	v62 =	vmul.f32 $2.000000030e-01, v24;
	vm15 =	vge.f32 v24, $0.0e+00;
	v23 =	vsel vm0, v23, v29  }
0x1a3: {  	v45 =	vld [tilespmem:s13+$0xB0];
	v44 =	vmul.f32 $2.000000030e-01, v60;
	v23 =	vmul.f32 $1.442695020e+00, v23;
	v61 =	vsel vm14, v26, v59  }
0x1a4: {  	v47 =	vld [tilespmem:s29+$0xFFFFFF20];
	[tilespmem:s13+$0xA0] =	vst v18;
	vm1 =	vge.f32 v60, $0.0e+00;
	v20 =	vsel vm15, v24, v62;
	v18 =	vmul.f32 $1.442695020e+00, v61  }
0x1a5: {  	v63 =	vld.idx.msk [tilespmem:v22+s9+$0x0], $0xffff;
	v22 =	vsel vm1, v60, v44;
	v20 =	vmul.f32 $1.442695020e+00, v20;
	(erf) = vpow2.f32 v23  }
0x1a6: {  	v48 =	vld [tilespmem:s29+$0xFFFFFF90];
	v22 =	vmul.f32 $1.442695020e+00, v22;
	(erf) = vpow2.f32 v18  }
0x1a7: {  	v49 =	vld [tilespmem:s29+$0x0];
	(erf) = vpow2.f32 v20  }
0x1a8: {  	v31 =	vld [tilespmem:s29+$0x10];
	(erf) = vpow2.f32 v22  }
0x1a9: {  	s4 =	sadd.s32 $0x3, s19;
	v32 =	vld [tilespmem:s29+$0xFFFFFF40]  }
0x1aa: {  	v33 =	vld [tilespmem:s29+$0xFFFFFFB0];
	v46 =	vmov s4  }
0x1ab: {  	s10 =	sadd.s32 s19, s25;
	s8 =	sadd.s32 $0x1, s19;
	v53 =	vmov s19;
	v35 =	vld [tilespmem:s29+$0x20];
	v27 =	vmul.u32 $0x70, v46  }
0x1ac: {  	s11 =	sadd.s32 $0x2, s19;
	v38 =	vld [tilespmem:s29+$0x70];
	v16 =	vor.u32 $0x5, v16;
	s5 =	sadd.s32 $0x3, s10;
	v51 =	vmov s8;
	v23 =	vmul.u32 $0x70, v53  }
0x1ad: {  	v39 =	vld [tilespmem:s29+$0xFFFFFF50];
	v34 =	vmov s11;
	p0 =	slt.s32 s5, s21;
	s5 =	simm.f32 $1.000000000e+00;
	v50 =	vadd.s32 $0x60, v27;
	v20 =	vmul.u32 $0x70, v51  }
0x1ae: {  	v40 =	vld [tilespmem:s29+$0xFFFFFFC0];
	v34 =	vmul.u32 $0x70, v34;
	s5 =	simm.s32 @!p0 $0x0;
	v18 =	vbroadcast v50, $0x0;
	v54 =	vadd.s32 $0x60, v23;
	v52 =	vpop (erf)  }
0x1af: {  	v42 =	vld [tilespmem:s29+$0x30];
	s20 =	sadd.s32 $0x1, s10;
	v23 =	vbroadcast v54, $0x0;
	v20 =	vadd.s32 $0x60, v20;
	v22 =	vmul.f32 s5, v52;
	v37 =	vpop (erf)  }
0x1b0: {  	s31 =	sadd.s32 $0x2, s10;
	p1 =	slt.s32 s10, s21;
	s4 =	simm.f32 $1.000000000e+00;
	v34 =	vadd.s32 $0x60, v34;
	v30 =	vld [tilespmem:s29+$0xFFFFFFA0];
	v25 =	vmul.f32 v45, v63;
	v20 =	vbroadcast v20, $0x0;
	v55 =	vpop (erf)  }
0x1b1: {  	s4 =	simm.s32 @!p1 $0x0;
	p0 =	slt.s32 s20, s21;
	v27 =	vld [tilespmem:s29+$0xFFFFFF30];
	s5 =	simm.f32 $1.000000000e+00;
	[tilespmem:s29+$0xD0] =	vst v22;
	v22 =	vbroadcast v34, $0x0;
	v41 =	vpop (erf)  }
0x1b2: {  	s8 =	simm.f32 $1.000000000e+00;
	v62 =	vld [tilespmem:s29+$0x80];
	[tilespmem:s13+$0xB0] =	vst v25;
	s5 =	simm.s32 @!p0 $0x0;
	p0 =	slt.s32 s31, s21;
	v41 =	vmul.f32 s4, v41  }
0x1b3: {  	v16 =	vld.idx.msk [tilespmem:v16+s9+$0x0], $0xffff;
	v37 =	vmul.f32 s5, v37;
	s8 =	simm.s32 @!p0 $0x0  }
0x1b4: {  	v59 =	vor.u32 $0x3, v4;
	v36 =	vld.idx.msk [tilespmem:v18+s9+$0x0], $0xffff;
	v34 =	vmul.f32 s8, v55;
	[tilespmem:s29+$0xFFFFFF80] =	vst v41  }
0x1b5: {  	[tilespmem:s29+$0xFFFFFFF0] =	vst v37;
	v58 =	vld.idx.msk [tilespmem:v23+s9+$0x0], $0xffff  }
0x1b6: {  	v56 =	vld.idx.msk [tilespmem:v20+s9+$0x0], $0xffff;
	[tilespmem:s29+$0x60] =	vst v34  }
0x1b7: {  	v43 =	vor.u32 $0x1, v18;
	v60 =	vld.idx.msk [tilespmem:v22+s9+$0x0], $0xffff  }
0x1b8: {  	v17 =	vmul.f32 v17, v21;
	v51 =	vld [tilespmem:s29+$0x90];
	v63 =	vor.u32 $0x1, v23  }
0x1b9: {  	v26 =	vld.idx.msk [tilespmem:v59+s9+$0x0], $0xffff;
	v44 =	vor.u32 $0x1, v20;
	v36 =	vmul.f32 v38, v36  }
0x1ba: {  	[tilespmem:s13+$0xFFFFFF40] =	vst v17;
	v59 =	vld [tilespmem:s29+$0xA0];
	v45 =	vor.u32 $0x1, v22;
	v24 =	vmul.f32 v47, v58  }
0x1bb: {  	v57 =	vor.u32 $0x3, v6;
	v37 =	vld [tilespmem:s29+$0xFFFFFF60];
	[tilespmem:s29+$0x70] =	vst v36;
	v28 =	vmul.f32 v48, v56  }
0x1bc: {  	v61 =	vld.idx.msk [tilespmem:v43+s9+$0x0], $0xffff;
	v29 =	vmul.f32 v49, v60;
	[tilespmem:s29+$0xFFFFFF20] =	vst v24  }
0x1bd: {  	v47 =	vor.u32 $0x3, v5;
	[tilespmem:s29+$0xFFFFFF90] =	vst v28;
	v48 =	vld.idx.msk [tilespmem:v63+s9+$0x0], $0xffff  }
0x1be: {  	v17 =	vld.idx.msk [tilespmem:v44+s9+$0x0], $0xffff;
	[tilespmem:s29+$0x0] =	vst v29  }
0x1bf: {  	v46 =	vor.u32 $0x2, v18;
	v29 =	vld.idx.msk [tilespmem:v45+s9+$0x0], $0xffff  }
0x1c0: {  	v41 =	vld.idx.msk [tilespmem:v57+s9+$0x0], $0xffff;
	v49 =	vor.u32 $0x2, v23  }
0x1c1: {  	[tilespmem:s13+$0x20] =	vst v19;
	v50 =	vor.u32 $0x2, v20;
	v24 =	vld [tilespmem:s29+$0x40];
	v21 =	vmul.f32 v62, v61  }
0x1c2: {  	v52 =	vor.u32 $0x2, v22;
	v28 =	vld.idx.msk [tilespmem:v47+s9+$0x0], $0xffff;
	v25 =	vmul.f32 v27, v48  }
0x1c3: {  	v53 =	vor.u32 $0x4, v6;
	[tilespmem:s29+$0x80] =	vst v21;
	v17 =	vmul.f32 v30, v17;
	v30 =	vld [tilespmem:s29+$0xFFFFFF70]  }
0x1c4: {  	v21 =	vld.idx.msk [tilespmem:v46+s9+$0x0], $0xffff;
	v29 =	vmul.f32 v31, v29;
	[tilespmem:s29+$0xFFFFFF30] =	vst v25  }
0x1c5: {  	v15 =	vmul.f32 v15, v41;
	v61 =	vor.u32 $0x4, v4;
	[tilespmem:s29+$0xFFFFFFA0] =	vst v17;
	v55 =	vld.idx.msk [tilespmem:v49+s9+$0x0], $0xffff  }
0x1c6: {  	v19 =	vld.idx.msk [tilespmem:v50+s9+$0x0], $0xffff;
	[tilespmem:s29+$0x10] =	vst v29  }
0x1c7: {  	v54 =	vor.u32 $0x3, v18;
	v13 =	vmul.f32 v13, v26;
	[tilespmem:s13+$0xFFFFFF50] =	vst v15;
	v56 =	vld.idx.msk [tilespmem:v52+s9+$0x0], $0xffff  }
0x1c8: {  	v57 =	vor.u32 $0x3, v23;
	v27 =	vld.idx.msk [tilespmem:v53+s9+$0x0], $0xffff  }
0x1c9: {  	[tilespmem:s13+$0xFFFFFFC0] =	vst v13;
	v58 =	vor.u32 $0x3, v20;
	v31 =	vld [tilespmem:s29+$0xFFFFFFD0];
	v21 =	vmul.f32 v51, v21  }
0x1ca: {  	v60 =	vor.u32 $0x3, v22;
	v44 =	vld.idx.msk [tilespmem:v61+s9+$0x0], $0xffff;
	v17 =	vmul.f32 v32, v55  }
0x1cb: {  	v62 =	vor.u32 $0x4, v5;
	v50 =	vld [tilespmem:s29+$0xB0];
	[tilespmem:s29+$0x90] =	vst v21;
	v19 =	vmul.f32 v33, v19  }
0x1cc: {  	v25 =	vld.idx.msk [tilespmem:v54+s9+$0x0], $0xffff;
	v15 =	vmul.f32 v35, v56;
	[tilespmem:s29+$0xFFFFFF40] =	vst v17  }
0x1cd: {  	v14 =	vmul.f32 v14, v28;
	[tilespmem:s29+$0xFFFFFFB0] =	vst v19;
	v21 =	vld.idx.msk [tilespmem:v57+s9+$0x0], $0xffff  }
0x1ce: {  	v49 =	vor.u32 $0x5, v6;
	v38 =	vld.idx.msk [tilespmem:v58+s9+$0x0], $0xffff;
	[tilespmem:s29+$0x20] =	vst v15  }
0x1cf: {  	v63 =	vor.u32 $0x4, v18;
	[tilespmem:s13+$0x30] =	vst v14;
	v43 =	vld.idx.msk [tilespmem:v60+s9+$0x0], $0xffff  }
0x1d0: {  	v45 =	vor.u32 $0x4, v23;
	v46 =	vld.idx.msk [tilespmem:v62+s9+$0x0], $0xffff;
	v7 =	vmul.f32 v7, v27  }
0x1d1: {  	v47 =	vor.u32 $0x4, v20;
	v51 =	vld [tilespmem:s13+$0xC0];
	v41 =	vmul.f32 v59, v25  }
0x1d2: {  	v48 =	vor.u32 $0x4, v22;
	v33 =	vld [tilespmem:s29+$0xFFFFFFE0];
	[tilespmem:s13+$0xFFFFFF60] =	vst v7;
	v21 =	vmul.f32 v39, v21  }
0x1d3: {  	v6 =	vld.idx.msk [tilespmem:v49+s9+$0x0], $0xffff;
	[tilespmem:s29+$0xA0] =	vst v41;
	v15 =	vmul.f32 v40, v38  }
0x1d4: {  	v4 =	vor.u32 $0x5, v4;
	v19 =	vld.idx.msk [tilespmem:v63+s9+$0x0], $0xffff;
	v25 =	vmul.f32 v42, v43;
	[tilespmem:s29+$0xFFFFFF50] =	vst v21  }
0x1d5: {  	v5 =	vor.u32 $0x5, v5;
	[tilespmem:s29+$0xFFFFFFC0] =	vst v15;
	v14 =	vld.idx.msk [tilespmem:v45+s9+$0x0], $0xffff  }
0x1d6: {  	v12 =	vmul.f32 v12, v44;
	v13 =	vld.idx.msk [tilespmem:v47+s9+$0x0], $0xffff;
	[tilespmem:s29+$0x30] =	vst v25  }
0x1d7: {  	v52 =	vor.u32 $0x5, v18;
	v53 =	vmul.f32 v10, v46;
	v54 =	vld.idx.msk [tilespmem:v48+s9+$0x0], $0xffff  }
0x1d8: {  	[tilespmem:s13+$0xFFFFFFD0] =	vst v12;
	v17 =	vld [tilespmem:s29+$0x50];
	v56 =	vor.u32 $0x5, v23  }
0x1d9: {  	v4 =	vld.idx.msk [tilespmem:v4+s9+$0x0], $0xffff;
	v57 =	vor.u32 $0x5, v20;
	[tilespmem:s13+$0x40] =	vst v53;
	v55 =	vmul.f32 v50, v19  }
0x1da: {  	v5 =	vld.idx.msk [tilespmem:v5+s9+$0x0], $0xffff;
	v59 =	vor.u32 $0x5, v22;
	v58 =	vmul.f32 v37, v14  }
0x1db: {  	v60 =	vld [tilespmem:s29+$0xC0];
	[tilespmem:s29+$0xB0] =	vst v55;
	v13 =	vmul.f32 v31, v13  }
0x1dc: {  	v15 =	vld.idx.msk [tilespmem:v52+s9+$0x0], $0xffff;
	[tilespmem:s29+$0xFFFFFF60] =	vst v58;
	v10 =	vmul.f32 v24, v54  }
0x1dd: {  	v61 =	vmul.f32 v51, v16;
	[tilespmem:s29+$0xFFFFFFD0] =	vst v13;
	v62 =	vld.idx.msk [tilespmem:v56+s9+$0x0], $0xffff  }
0x1de: {  	v6 =	vmul.f32 v9, v6;
	v7 =	vld.idx.msk [tilespmem:v57+s9+$0x0], $0xffff;
	[tilespmem:s29+$0x40] =	vst v10  }
0x1df: {  	[tilespmem:s13+$0xC0] =	vst v61;
	v4 =	vmul.f32 v8, v4;
	v63 =	vld.idx.msk [tilespmem:v59+s9+$0x0], $0xffff  }
0x1e0: {  	[tilespmem:s13+$0xFFFFFF70] =	vst v6;
	v5 =	vmul.f32 v11, v5  }
0x1e1: {  	[tilespmem:s13+$0xFFFFFFE0] =	vst v4;
	v4 =	vmul.f32 v60, v15  }
0x1e2: {  	[tilespmem:s13+$0x50] =	vst v5;
	v5 =	vmul.f32 v30, v62  }
0x1e3: {  	[tilespmem:s29+$0xC0] =	vst v4;
	v4 =	vmul.f32 v33, v7  }
0x1e4: {  	[tilespmem:s29+$0xFFFFFF70] =	vst v5;
	v5 =	vmul.f32 v17, v63  }
0x1e5: {  	[tilespmem:s29+$0xFFFFFFE0] =	vst v4  }
0x1e6: {  	s4 =	sadd.s32 $0x2, s28;
	[tilespmem:s29+$0x50] =	vst v5  }
0x1e7: {  	[spmem:s1] =	stream.indirect.scatter.add.f32 [tilespmem:s9], [sflag:$0x5], $0x70, s15, s14, $0xb8;
	[tilespmem:$0x1F780] =	vst v63  }
0x1e8: {  	p0 =	sge.s32 s4, s23;
	_ =	swait.ge [sflag:s30], $0x3800  }
0x1e9: {  	s4 =	sshll.u32 @!p0 s4, $0x7;
	s8 =	simm.s32 @!p0 $0x80;
	[sflag:s30] =	ssyncset.done $0x0  }
0x1ea: {  	s10 =	simm.s32 @!p0 $0x3040;
	s5 =	sadd.s32 @!p0 $0x1FB0, s4;
	[sflag:s30] =	ssyncadd.s32 $0xFFFFC800  }
0x1eb: {  	[tilespmem:s10], [sflag:$0x1] =	stream.indirect.gather @!p0 [hbm4b:s6+s8], $0x70, s5, s8, $0xb8;
	[tilespmem:$0x1F780] =	vst v63  }
0x1ec: {  	s4 =	sadd.s32 @!p0 $0xFA0, s4;
	s5 =	simm.s32 @!p0 $0xA040  }
0x1ed: {  	[tilespmem:s5], [sflag:$0x3] =	stream.indirect.gather @!p0 [hbm4b:s7+s8], $0x10, s4, s8, $0xb8;
	[tilespmem:$0x1F780] =	vst v63  }
.LBB2_15:
0x1ee: {  	s4 =	sor.u32 $0x1, s28  }
0x1ef: {  	p0 =	sge.s32 s4, s23  }
.Ltmp12:
0x1f0: {  	_ = 	snop;
	(pc) =	sbr.rel @p0 .LBB2_19-.Ltmp12, $1  }
0x1f1: {  	_ =	sdelay $0x3  }
0x1f2: {  	_ =	swait.ge [sflag:s16], $0x3800  }
0x1f3: {  	[sflag:s16] =	ssyncset.done $0x0  }
0x1f4: {  	[sflag:s16] =	ssyncadd.s32 $0xFFFFC800  }
0x1f5: {  	_ =	swait.ge [sflag:s3], $0x800  }
0x1f6: {  	[sflag:s3] =	ssyncset.done $0x0  }
0x1f7: {  	s4 =	sshll.u32 s4, $0x7;
	[sflag:s3] =	ssyncadd.s32 $0xFFFFF800  }
0x1f8: {  	v4 =	vld [tilespmem:s4+$0xFA0];
	_ =	sdelay $0x4  }
0x1f9: {  	v4 =	vsub.s32 v4, v2  }
0x1fa: {  	[tilespmem:$0x2FC0] =	vst v4  }
0x1fb: {  	v4 =	vld [tilespmem:s4+$0xFB0];
	_ =	sdelay $0x4  }
0x1fc: {  	v4 =	vsub.s32 v4, v2  }
0x1fd: {  	[tilespmem:$0x2FD0] =	vst v4  }
0x1fe: {  	v4 =	vld [tilespmem:s4+$0xFC0];
	_ =	sdelay $0x4  }
0x1ff: {  	v4 =	vsub.s32 v4, v2  }
0x200: {  	[tilespmem:$0x2FE0] =	vst v4  }
0x201: {  	v4 =	vld [tilespmem:s4+$0xFD0];
	_ =	sdelay $0x4  }
0x202: {  	v4 =	vsub.s32 v4, v2  }
0x203: {  	[tilespmem:$0x2FF0] =	vst v4  }
0x204: {  	v4 =	vld [tilespmem:s4+$0xFE0];
	_ =	sdelay $0x4  }
0x205: {  	v4 =	vsub.s32 v4, v2  }
0x206: {  	[tilespmem:$0x3000] =	vst v4  }
0x207: {  	v4 =	vld [tilespmem:s4+$0xFF0];
	_ =	sdelay $0x4  }
0x208: {  	v4 =	vsub.s32 v4, v2  }
0x209: {  	[tilespmem:$0x3010] =	vst v4  }
0x20a: {  	v4 =	vld [tilespmem:s4+$0x1000];
	_ =	sdelay $0x4  }
0x20b: {  	v4 =	vsub.s32 v4, v2  }
0x20c: {  	[tilespmem:$0x3020] =	vst v4  }
0x20d: {  	v4 =	vld [tilespmem:s4+$0x1010];
	_ =	sdelay $0x4  }
0x20e: {  	v4 =	vsub.s32 v4, v2  }
0x20f: {  	s13 =	simm.s32 $0x6920;
	[tilespmem:$0x3030] =	vst v4  }
0x210: {  	s8 =	simm.s32 $0xA860;
	v4 =	vld [tilespmem:s13+$0xD0]  }
0x211: {  	v5 =	vld [tilespmem:s8+$0x10];
	_ =	sdelay $0x1  }
0x212: {  	v6 =	vld [tilespmem:s13+$0xFFFFFFF0]  }
0x213: {  	v7 =	vld [tilespmem:s8+$0xFFFFFFF0];
	_ =	sdelay $0x1  }
0x214: {  	v9 =	vld [tilespmem:s8+$0x0];
	v4 =	vadd.f32 v5, v4  }
0x215: {  	v5 =	vld [tilespmem:s13+$0x60]  }
0x216: {  	v8 =	vld [tilespmem:s8+$0xFFFFFFE0];
	v10 =	vmul.f32 $2.000000030e-01, v4  }
0x217: {  	v11 =	vld [tilespmem:s13+$0xFFFFFF80];
	v6 =	vadd.f32 v7, v6;
	vm0 =	vge.f32 v4, $0.0e+00  }
0x218: {  	v4 =	vsel vm0, v4, v10  }
0x219: {  	v7 =	vmul.f32 $2.000000030e-01, v6;
	v4 =	vmul.f32 $1.442695020e+00, v4  }
0x21a: {  	vm14 =	vge.f32 v6, $0.0e+00;
	v5 =	vadd.f32 v9, v5  }
0x21b: {  	(erf) = vpow2.f32 v4;
	v4 =	vsel vm14, v6, v7  }
0x21c: {  	v6 =	vadd.f32 v8, v11;
	v7 =	vmul.f32 $2.000000030e-01, v5;
	v4 =	vmul.f32 $1.442695020e+00, v4  }
0x21d: {  	vm15 =	vge.f32 v5, $0.0e+00  }
0x21e: {  	s10 =	simm.s32 $0x3;
	v8 =	vmul.f32 $2.000000030e-01, v6;
	v5 =	vsel vm15, v5, v7;
	(erf) = vpow2.f32 v4  }
0x21f: {  	v9 =	vmov s10;
	vm1 =	vge.f32 v6, $0.0e+00;
	v5 =	vmul.f32 $1.442695020e+00, v5  }
0x220: {  	s5 =	simm.s32 $0x1;
	v7 =	vmul.u32 $0x70, v9;
	v4 =	vsel vm1, v6, v8  }
0x221: {  	s4 =	sadd.s32 $0x0, s25;
	s10 =	simm.s32 $0x0;
	v4 =	vmul.f32 $1.442695020e+00, v4;
	(erf) = vpow2.f32 v5;
	v5 =	vmov s5  }
0x222: {  	s8 =	sadd.s32 $0x83, s4;
	v12 =	vld [tilespmem:s13+$0xFFFFFFA0];
	v6 =	vadd.s32 $0x60, v7;
	v7 =	vmov s10  }
0x223: {  	s11 =	simm.s32 $0x2;
	v18 =	vld [tilespmem:s13+$0x10];
	p0 =	slt.s32 s8, s21;
	v16 =	vbroadcast v6, $0x0;
	s5 =	simm.f32 $1.000000000e+00;
	v7 =	vmul.u32 $0x70, v7;
	(erf) = vpow2.f32 v4  }
0x224: {  	v17 =	vld [tilespmem:s13+$0xFFFFFF40];
	v6 =	vmov s11;
	s5 =	simm.s32 @!p0 $0x0;
	v4 =	vmul.u32 $0x70, v5;
	v5 =	vpop (erf)  }
0x225: {  	s19 =	sadd.s32 $0x81, s4;
	v19 =	vld [tilespmem:s13+$0xFFFFFFB0];
	v6 =	vmul.u32 $0x70, v6;
	v5 =	vmul.f32 s5, v5  }
0x226: {  	v22 =	vld [tilespmem:s13+$0x20];
	p0 =	slt.s32 s19, s21;
	v4 =	vadd.s32 $0x60, v4;
	s5 =	simm.f32 $1.000000000e+00  }
0x227: {  	v21 =	vld [tilespmem:s13+$0x70];
	v4 =	vbroadcast v4, $0x0;
	s5 =	simm.s32 @!p0 $0x0;
	[tilespmem:s13+$0xD0] =	vst v5;
	v5 =	vadd.s32 $0x60, v6;
	v6 =	vadd.s32 $0x60, v7;
	v7 =	vpop (erf)  }
0x228: {  	v15 =	vld [tilespmem:s13+$0xFFFFFF50];
	v7 =	vmul.f32 s5, v7  }
0x229: {  	s20 =	sadd.s32 $0x82, s4;
	v20 =	vld.idx.msk [tilespmem:v16+s17+$0x0], $0xffff;
	v5 =	vbroadcast v5, $0x0  }
0x22a: {  	s4 =	sadd.s32 $0x80, s4;
	v13 =	vld [tilespmem:s13+$0xFFFFFFC0];
	s8 =	simm.f32 $1.000000000e+00;
	p0 =	slt.s32 s20, s21;
	v6 =	vbroadcast v6, $0x0  }
0x22b: {  	p1 =	slt.s32 s4, s21;
	s4 =	simm.f32 $1.000000000e+00;
	v10 =	vld [tilespmem:s13+$0xFFFFFF20];
	s8 =	simm.s32 @!p0 $0x0;
	v23 =	vpop (erf)  }
0x22c: {  	s4 =	simm.s32 @!p1 $0x0;
	v9 =	vld [tilespmem:s13+$0xFFFFFF90];
	v24 =	vor.u32 $0x1, v16;
	[tilespmem:s13+$0xFFFFFFF0] =	vst v7;
	v23 =	vmul.f32 s8, v23;
	v7 =	vpop (erf)  }
0x22d: {  	v25 =	vld.idx.msk [tilespmem:v4+s17+$0x0], $0xffff;
	v26 =	vmul.f32 s4, v7  }
0x22e: {  	v8 =	vld [tilespmem:s13+$0x0];
	[tilespmem:s13+$0x60] =	vst v23;
	v20 =	vmul.f32 v21, v20  }
0x22f: {  	v21 =	vld.idx.msk [tilespmem:v5+s17+$0x0], $0xffff;
	[tilespmem:s13+$0xFFFFFF80] =	vst v26  }
0x230: {  	[tilespmem:s13+$0x70] =	vst v20;
	v23 =	vld.idx.msk [tilespmem:v6+s17+$0x0], $0xffff  }
0x231: {  	v26 =	vor.u32 $0x1, v4;
	v20 =	vld.idx.msk [tilespmem:v24+s17+$0x0], $0xffff  }
0x232: {  	v9 =	vmul.f32 v9, v25;
	v24 =	vld [tilespmem:s13+$0x80];
	v25 =	vor.u32 $0x1, v5  }
0x233: {  	v14 =	vld [tilespmem:s13+$0x30]  }
0x234: {  	v11 =	vld [tilespmem:s13+$0xFFFFFF30];
	v27 =	vor.u32 $0x1, v6;
	v8 =	vmul.f32 v8, v21  }
0x235: {  	v7 =	vld [tilespmem:s13+$0xFFFFFF60];
	[tilespmem:s13+$0xFFFFFF90] =	vst v9;
	v21 =	vor.u32 $0x2, v16  }
0x236: {  	v9 =	vld.idx.msk [tilespmem:v26+s17+$0x0], $0xffff;
	v23 =	vmul.f32 v10, v23;
	[tilespmem:s13+$0x0] =	vst v8  }
0x237: {  	v8 =	vmul.f32 v24, v20;
	v20 =	vld.idx.msk [tilespmem:v25+s17+$0x0], $0xffff  }
0x238: {  	v25 =	vld [tilespmem:s13+$0x90];
	[tilespmem:s13+$0xFFFFFF20] =	vst v23  }
0x239: {  	[tilespmem:s13+$0x80] =	vst v8;
	v23 =	vld.idx.msk [tilespmem:v27+s17+$0x0], $0xffff  }
0x23a: {  	v24 =	vor.u32 $0x2, v4;
	v21 =	vld.idx.msk [tilespmem:v21+s17+$0x0], $0xffff  }
0x23b: {  	v26 =	vor.u32 $0x2, v5;
	v10 =	vld [tilespmem:s13+$0x40]  }
0x23c: {  	v27 =	vor.u32 $0x2, v6;
	v8 =	vmul.f32 v12, v9;
	v12 =	vld [tilespmem:s13+$0xFFFFFFD0]  }
0x23d: {  	v9 =	vld [tilespmem:s13+$0xFFFFFF70];
	v18 =	vmul.f32 v18, v20;
	v20 =	vor.u32 $0x3, v16  }
0x23e: {  	[tilespmem:s13+$0xFFFFFFA0] =	vst v8;
	v8 =	vld [tilespmem:s13+$0xFFFFFFE0];
	v11 =	vmul.f32 v11, v23  }
0x23f: {  	v24 =	vld.idx.msk [tilespmem:v24+s17+$0x0], $0xffff;
	[tilespmem:s13+$0x10] =	vst v18;
	v18 =	vmul.f32 v25, v21  }
0x240: {  	v25 =	vld.idx.msk [tilespmem:v26+s17+$0x0], $0xffff;
	[tilespmem:s13+$0xFFFFFF30] =	vst v11  }
0x241: {  	[tilespmem:s13+$0x90] =	vst v18;
	v21 =	vld.idx.msk [tilespmem:v27+s17+$0x0], $0xffff  }
0x242: {  	v18 =	vld.idx.msk [tilespmem:v20+s17+$0x0], $0xffff  }
0x243: {  	s29 =	simm.s32 $0x6AE0;
	v20 =	vld [tilespmem:s13+$0xA0]  }
0x244: {  	v23 =	vld [tilespmem:s29+$0xD0];
	v19 =	vmul.f32 v19, v24  }
0x245: {  	s31 =	simm.s32 $0xA8A0;
	v11 =	vld [tilespmem:s13+$0x50]  }
0x246: {  	s19 =	simm.s32 $0x4;
	s4 =	simm.s32 $0x8;
	v24 =	vld [tilespmem:s31+$0x10];
	[tilespmem:s13+$0xFFFFFFB0] =	vst v19;
	v19 =	vmul.f32 v22, v25;
	v22 =	vor.u32 $0x4, v16  }
.LBB2_17:
0x247: {  	p0 =	slt.u32 s4, $0x7C;
	v26 =	vld [tilespmem:s31+$0xFFFFFFE0];
	v17 =	vmul.f32 v17, v21  }
0x248: {  	v21 =	vld [tilespmem:s29+$0xFFFFFFF0];
	[tilespmem:s13+$0x20] =	vst v19;
	v18 =	vmul.f32 v20, v18  }
0x249: {  	v19 =	vld [tilespmem:s31+$0xFFFFFFF0];
	[tilespmem:s13+$0xFFFFFF40] =	vst v17  }
0x24a: {  	v17 =	vld [tilespmem:s29+$0x60];
	[tilespmem:s13+$0xA0] =	vst v18  }
0x24b: {  	v18 =	vadd.f32 v24, v23;
	v20 =	vld.idx.msk [tilespmem:v22+s17+$0x0], $0xffff  }
0x24c: {  	v22 =	vld [tilespmem:s13+$0xB0]  }
0x24d: {  	v27 =	vld [tilespmem:s31+$0x0];
	v24 =	vmul.f32 $2.000000030e-01, v18  }
0x24e: {  	vm0 =	vge.f32 v18, $0.0e+00;
	v28 =	vld [tilespmem:s29+$0xFFFFFF80];
	v19 =	vadd.f32 v19, v21  }
0x24f: {  	v16 =	vor.u32 $0x5, v16;
	v23 =	vld [tilespmem:s29+$0xFFFFFF20];
	v18 =	vsel vm0, v18, v24  }
0x250: {  	vm0 =	vge.f32 v19, $0.0e+00;
	v21 =	vmul.f32 $2.000000030e-01, v19;
	v25 =	vld [tilespmem:s29+$0xFFFFFF90];
	v29 =	vmul.f32 $1.442695020e+00, v18  }
0x251: {  	v24 =	vld [tilespmem:s29+$0x0];
	v20 =	vmul.f32 v22, v20  }
0x252: {  	v18 =	vld [tilespmem:s29+$0xFFFFFF30];
	v19 =	vsel vm0, v19, v21;
	v17 =	vadd.f32 v27, v17;
	(erf) = vpow2.f32 v29  }
0x253: {  	v27 =	vor.u32 $0x3, v6;
	v26 =	vadd.f32 v26, v28;
	v19 =	vmul.f32 $1.442695020e+00, v19;
	v21 =	vld [tilespmem:s29+$0xFFFFFFA0];
	[tilespmem:s13+$0xB0] =	vst v20  }
0x254: {  	s5 =	sadd.s32 $0x3, s19;
	v28 =	vor.u32 $0x3, v4;
	vm0 =	vge.f32 v17, $0.0e+00;
	v20 =	vmul.f32 $2.000000030e-01, v17;
	v29 =	vld.idx.msk [tilespmem:v16+s17+$0x0], $0xffff  }
0x255: {  	v30 =	vmov s5;
	vm1 =	vge.f32 v26, $0.0e+00;
	v16 =	vmul.f32 $2.000000030e-01, v26;
	v31 =	vld [tilespmem:s13+$0xC0]  }
0x256: {  	s5 =	sadd.s32 s19, s25;
	v30 =	vmul.u32 $0x70, v30;
	v20 =	vsel vm0, v17, v20;
	v22 =	vld [tilespmem:s29+$0x10];
	(erf) = vpow2.f32 v19  }
0x257: {  	v32 =	vor.u32 $0x3, v5;
	s8 =	sadd.s32 $0x1, s19;
	s10 =	sadd.s32 $0x2, s19;
	s11 =	sadd.s32 $0x80, s5;
	v16 =	vsel vm1, v26, v16;
	v17 =	vld [tilespmem:s29+$0xFFFFFF40];
	v26 =	vmul.f32 $1.442695020e+00, v20  }
0x258: {  	s20 =	sadd.s32 $0x81, s5;
	p2 =	slt.s32 s11, s21;
	v0 =	vmul.f32 $1.442695020e+00, v16;
	v20 =	vld [tilespmem:s29+$0xFFFFFFB0];
	v16 =	vadd.s32 $0x60, v30;
	v30 =	vmov s8;
	s8 =	sadd.s32 $0x83, s5  }
0x259: {  	p4 =	slt.s32 s20, s21;
	s5 =	sadd.s32 $0x82, s5;
	v19 =	vld [tilespmem:s29+$0x20];
	v16 =	vbroadcast v16, $0x0;
	(erf) = vpow2.f32 v26;
	p3 =	slt.s32 s8, s21  }
0x25a: {  	v26 =	vmul.u32 $0x70, v30;
	p1 =	slt.s32 s5, s21;
	s5 =	simm.f32 $1.000000000e+00;
	s8 =	simm.f32 $1.000000000e+00;
	(erf) = vpow2.f32 v0;
	v27 =	vld.idx.msk [tilespmem:v27+s17+$0x0], $0xffff;
	v29 =	vmul.f32 v31, v29  }
0x25b: {  	v30 =	vmov s19;
	s19 =	smov.u32 s4;
	v31 =	vmov s10;
	s5 =	simm.s32 @!p3 $0x0;
	s10 =	simm.f32 $1.000000000e+00;
	v33 =	vpop (erf);
	v28 =	vld.idx.msk [tilespmem:v28+s17+$0x0], $0xffff  }
0x25c: {  	s8 =	simm.s32 @!p2 $0x0;
	s10 =	simm.s32 @!p4 $0x0;
	v26 =	vadd.s32 $0x60, v26;
	v31 =	vmul.u32 $0x70, v31;
	v33 =	vmul.f32 s5, v33;
	v32 =	vld.idx.msk [tilespmem:v32+s17+$0x0], $0xffff;
	[tilespmem:s13+$0xC0] =	vst v29;
	s5 =	simm.f32 $1.000000000e+00  }
0x25d: {  	v29 =	vmul.u32 $0x70, v30;
	v26 =	vbroadcast v26, $0x0;
	v30 =	vld [tilespmem:s29+$0xFFFFFF50];
	s5 =	simm.s32 @!p1 $0x0  }
0x25e: {  	v31 =	vadd.s32 $0x60, v31;
	v34 =	vld [tilespmem:s29+$0xFFFFFFC0];
	[tilespmem:s29+$0xD0] =	vst v33  }
0x25f: {  	v36 =	vor.u32 $0x4, v6;
	v29 =	vadd.s32 $0x60, v29;
	v31 =	vbroadcast v31, $0x0;
	v33 =	vld.idx.msk [tilespmem:v16+s17+$0x0], $0xffff;
	v35 =	vpop (erf)  }
0x260: {  	v38 =	vor.u32 $0x4, v4;
	v27 =	vmul.f32 v15, v27;
	v35 =	vmul.f32 s10, v35;
	v37 =	vld [tilespmem:s29+$0x70]  }
0x261: {  	v29 =	vbroadcast v29, $0x0;
	v28 =	vmul.f32 v13, v28;
	v39 =	vld [tilespmem:s29+$0x30]  }
0x262: {  	v32 =	vmul.f32 v14, v32;
	v40 =	vld [tilespmem:s29+$0xFFFFFF60];
	[tilespmem:s29+$0xFFFFFFF0] =	vst v35;
	v13 =	vpop (erf);
	v15 =	vmov v30  }
0x263: {  	v35 =	vor.u32 $0x1, v16;
	v30 =	vld.idx.msk [tilespmem:v26+s17+$0x0], $0xffff;
	v0 =	vmul.f32 s5, v13;
	v41 =	vpop (erf);
	[tilespmem:s13+$0xFFFFFF50] =	vst v27;
	v13 =	vmov v34  }
0x264: {  	v27 =	vmul.f32 s8, v41;
	v34 =	vld.idx.msk [tilespmem:v36+s17+$0x0], $0xffff;
	[tilespmem:s13+$0xFFFFFFC0] =	vst v28  }
0x265: {  	v36 =	vor.u32 $0x4, v5;
	[tilespmem:s29+$0x60] =	vst v0;
	v28 =	vmul.f32 v37, v33;
	v33 =	vld.idx.msk [tilespmem:v38+s17+$0x0], $0xffff  }
0x266: {  	[tilespmem:s29+$0xFFFFFF80] =	vst v27;
	v27 =	vld.idx.msk [tilespmem:v31+s17+$0x0], $0xffff;
	v14 =	vmov v39  }
0x267: {  	v38 =	vor.u32 $0x1, v26;
	v37 =	vld.idx.msk [tilespmem:v29+s17+$0x0], $0xffff;
	[tilespmem:s29+$0x70] =	vst v28  }
0x268: {  	v28 =	vld.idx.msk [tilespmem:v35+s17+$0x0], $0xffff;
	[tilespmem:s13+$0x30] =	vst v32  }
0x269: {  	v25 =	vmul.f32 v25, v30;
	v32 =	vor.u32 $0x5, v6;
	v6 =	vmov v29;
	v30 =	vld [tilespmem:s29+$0x80]  }
0x26a: {  	v29 =	vor.u32 $0x1, v31;
	v34 =	vmul.f32 v7, v34;
	v7 =	vmov v40;
	v35 =	vld.idx.msk [tilespmem:v36+s17+$0x0], $0xffff  }
0x26b: {  	v36 =	vor.u32 $0x1, v6;
	[tilespmem:s29+$0xFFFFFF90] =	vst v25;
	v25 =	vmul.f32 v12, v33;
	v12 =	vld [tilespmem:s29+$0xFFFFFFD0]  }
0x26c: {  	v24 =	vmul.f32 v24, v27;
	v27 =	vor.u32 $0x2, v16;
	v33 =	vld.idx.msk [tilespmem:v38+s17+$0x0], $0xffff;
	[tilespmem:s13+$0xFFFFFF60] =	vst v34  }
0x26d: {  	v23 =	vmul.f32 v23, v37;
	v34 =	vld [tilespmem:s29+$0x40];
	[tilespmem:s13+$0xFFFFFFD0] =	vst v25  }
0x26e: {  	[tilespmem:s29+$0x0] =	vst v24;
	v24 =	vmul.f32 v30, v28;
	v25 =	vld.idx.msk [tilespmem:v32+s17+$0x0], $0xffff;
	v28 =	vor.u32 $0x5, v4;
	v4 =	vmov v26  }
0x26f: {  	v26 =	vor.u32 $0x5, v5;
	v5 =	vmov v31;
	[tilespmem:s29+$0xFFFFFF20] =	vst v23;
	v23 =	vld.idx.msk [tilespmem:v29+s17+$0x0], $0xffff  }
0x270: {  	v30 =	vor.u32 $0x2, v4;
	v0 =	vmul.f32 v10, v35;
	v29 =	vld.idx.msk [tilespmem:v36+s17+$0x0], $0xffff;
	[tilespmem:s29+$0x80] =	vst v24  }
0x271: {  	v24 =	vld.idx.msk [tilespmem:v27+s17+$0x0], $0xffff  }
0x272: {  	v21 =	vmul.f32 v21, v33;
	v27 =	vld [tilespmem:s29+$0x90];
	[tilespmem:s13+$0x40] =	vst v0;
	v10 =	vmov v34  }
0x273: {  	v31 =	vor.u32 $0x2, v5;
	v28 =	vld.idx.msk [tilespmem:v28+s17+$0x0], $0xffff  }
0x274: {  	v32 =	vor.u32 $0x2, v6;
	[tilespmem:s29+$0xFFFFFFA0] =	vst v21;
	v21 =	vmul.f32 v9, v25;
	v25 =	vld.idx.msk [tilespmem:v26+s17+$0x0], $0xffff  }
0x275: {  	v22 =	vmul.f32 v22, v23;
	v23 =	vor.u32 $0x3, v16;
	v26 =	vld.idx.msk [tilespmem:v30+s17+$0x0], $0xffff  }
0x276: {  	v18 =	vmul.f32 v18, v29;
	v9 =	vld [tilespmem:s29+$0xFFFFFF70];
	[tilespmem:s13+$0xFFFFFF70] =	vst v21  }
0x277: {  	v29 =	vld [tilespmem:s29+$0xFFFFFFE0];
	[tilespmem:s29+$0x10] =	vst v22;
	v22 =	vmul.f32 v27, v24  }
0x278: {  	[tilespmem:s29+$0xFFFFFF30] =	vst v18;
	v27 =	vld.idx.msk [tilespmem:v31+s17+$0x0], $0xffff  }
0x279: {  	v0 =	vmul.f32 v8, v28;
	v21 =	vld.idx.msk [tilespmem:v32+s17+$0x0], $0xffff;
	[tilespmem:s29+$0x90] =	vst v22  }
.Ltmp13:
0x27a: {  	v22 =	vmul.f32 v11, v25;
	v18 =	vld.idx.msk [tilespmem:v23+s17+$0x0], $0xffff;
	(pc) =	sbr.rel @p0 .LBB2_17-.Ltmp13, $4  }
0x27b: {  	v24 =	vmul.f32 v20, v26;
	v20 =	vld [tilespmem:s29+$0xA0];
	[tilespmem:s13+$0xFFFFFFE0] =	vst v0  }
0x27c: {  	v11 =	vld [tilespmem:s29+$0x50];
	[tilespmem:s13+$0x50] =	vst v22;
	v8 =	vmov v29;
	s13 =	smov.u32 s29;
	s29 =	sadd.s32 $0x1C0, s29  }
0x27d: {  	s31 =	sadd.s32 $0x40, s31;
	v23 =	vld [tilespmem:s29+$0xD0];
	[tilespmem:s13+$0xFFFFFFB0] =	vst v24  }
0x27e: {  	s4 =	sadd.s32 $0x4, s4;
	v22 =	vor.u32 $0x4, v16;
	v19 =	vmul.f32 v19, v27;
	v24 =	vld [tilespmem:s31+$0x10]  }
0x27f: {  	v25 =	vld [tilespmem:s31+$0xFFFFFFE0]  }
0x280: {  	v26 =	vld [tilespmem:s29+$0xFFFFFFF0]  }
0x281: {  	v27 =	vld [tilespmem:s31+$0xFFFFFFF0]  }
0x282: {  	v28 =	vld [tilespmem:s29+$0x60]  }
0x283: {  	v58 =	vld [tilespmem:s31+$0x0]  }
0x284: {  	v30 =	vld [tilespmem:s29+$0xFFFFFF80];
	_ =	sdelay $0x2  }
0x285: {  	v23 =	vadd.f32 v24, v23  }
0x286: {  	v18 =	vmul.f32 v20, v18;
	v26 =	vadd.f32 v27, v26  }
0x287: {  	v24 =	vadd.f32 v58, v28;
	v60 =	vadd.f32 v25, v30;
	v29 =	vmul.f32 $2.000000030e-01, v23  }
0x288: {  	vm0 =	vge.f32 v23, $0.0e+00;
	v59 =	vmul.f32 $2.000000030e-01, v26;
	vm14 =	vge.f32 v26, $0.0e+00  }
0x289: {  	v62 =	vmul.f32 $2.000000030e-01, v24;
	vm15 =	vge.f32 v24, $0.0e+00;
	v23 =	vsel vm0, v23, v29  }
0x28a: {  	v45 =	vld [tilespmem:s13+$0xB0];
	v44 =	vmul.f32 $2.000000030e-01, v60;
	v23 =	vmul.f32 $1.442695020e+00, v23;
	v61 =	vsel vm14, v26, v59  }
0x28b: {  	v47 =	vld [tilespmem:s29+$0xFFFFFF20];
	[tilespmem:s13+$0xA0] =	vst v18;
	vm1 =	vge.f32 v60, $0.0e+00;
	v20 =	vsel vm15, v24, v62;
	v18 =	vmul.f32 $1.442695020e+00, v61  }
0x28c: {  	v63 =	vld.idx.msk [tilespmem:v22+s17+$0x0], $0xffff;
	v22 =	vsel vm1, v60, v44;
	v20 =	vmul.f32 $1.442695020e+00, v20;
	(erf) = vpow2.f32 v23  }
0x28d: {  	v48 =	vld [tilespmem:s29+$0xFFFFFF90];
	v22 =	vmul.f32 $1.442695020e+00, v22;
	(erf) = vpow2.f32 v18  }
0x28e: {  	v49 =	vld [tilespmem:s29+$0x0];
	(erf) = vpow2.f32 v20  }
0x28f: {  	v31 =	vld [tilespmem:s29+$0x10];
	(erf) = vpow2.f32 v22  }
0x290: {  	s4 =	sadd.s32 $0x3, s19;
	v32 =	vld [tilespmem:s29+$0xFFFFFF40]  }
0x291: {  	v33 =	vld [tilespmem:s29+$0xFFFFFFB0];
	v46 =	vmov s4  }
0x292: {  	s10 =	sadd.s32 s19, s25;
	s8 =	sadd.s32 $0x1, s19;
	v53 =	vmov s19;
	v35 =	vld [tilespmem:s29+$0x20];
	v27 =	vmul.u32 $0x70, v46  }
0x293: {  	s11 =	sadd.s32 $0x2, s19;
	v38 =	vld [tilespmem:s29+$0x70];
	v16 =	vor.u32 $0x5, v16;
	s5 =	sadd.s32 $0x83, s10;
	v51 =	vmov s8;
	v23 =	vmul.u32 $0x70, v53  }
0x294: {  	v39 =	vld [tilespmem:s29+$0xFFFFFF50];
	v34 =	vmov s11;
	p0 =	slt.s32 s5, s21;
	s5 =	simm.f32 $1.000000000e+00;
	v50 =	vadd.s32 $0x60, v27;
	v20 =	vmul.u32 $0x70, v51  }
0x295: {  	v40 =	vld [tilespmem:s29+$0xFFFFFFC0];
	v34 =	vmul.u32 $0x70, v34;
	s5 =	simm.s32 @!p0 $0x0;
	v18 =	vbroadcast v50, $0x0;
	v54 =	vadd.s32 $0x60, v23;
	v52 =	vpop (erf)  }
0x296: {  	v42 =	vld [tilespmem:s29+$0x30];
	s20 =	sadd.s32 $0x80, s10;
	s31 =	sadd.s32 $0x81, s10;
	v23 =	vbroadcast v54, $0x0;
	v20 =	vadd.s32 $0x60, v20;
	v22 =	vmul.f32 s5, v52;
	v37 =	vpop (erf)  }
0x297: {  	s4 =	sadd.s32 $0x82, s10;
	s8 =	simm.f32 $1.000000000e+00;
	p0 =	slt.s32 s20, s21;
	v34 =	vadd.s32 $0x60, v34;
	v30 =	vld [tilespmem:s29+$0xFFFFFFA0];
	v25 =	vmul.f32 v45, v63;
	v20 =	vbroadcast v20, $0x0;
	v55 =	vpop (erf)  }
0x298: {  	p1 =	slt.s32 s31, s21;
	s8 =	simm.s32 @!p0 $0x0;
	v27 =	vld [tilespmem:s29+$0xFFFFFF30];
	s5 =	simm.f32 $1.000000000e+00;
	[tilespmem:s29+$0xD0] =	vst v22;
	v22 =	vbroadcast v34, $0x0;
	v41 =	vpop (erf)  }
0x299: {  	v62 =	vld [tilespmem:s29+$0x80];
	[tilespmem:s13+$0xB0] =	vst v25;
	s5 =	simm.s32 @!p1 $0x0;
	p1 =	slt.s32 s4, s21;
	s4 =	simm.f32 $1.000000000e+00;
	v41 =	vmul.f32 s8, v41  }
0x29a: {  	v16 =	vld.idx.msk [tilespmem:v16+s17+$0x0], $0xffff;
	v37 =	vmul.f32 s5, v37;
	s4 =	simm.s32 @!p1 $0x0  }
0x29b: {  	v59 =	vor.u32 $0x3, v4;
	v36 =	vld.idx.msk [tilespmem:v18+s17+$0x0], $0xffff;
	v34 =	vmul.f32 s4, v55;
	[tilespmem:s29+$0xFFFFFF80] =	vst v41  }
0x29c: {  	[tilespmem:s29+$0xFFFFFFF0] =	vst v37;
	v58 =	vld.idx.msk [tilespmem:v23+s17+$0x0], $0xffff  }
0x29d: {  	v56 =	vld.idx.msk [tilespmem:v20+s17+$0x0], $0xffff;
	[tilespmem:s29+$0x60] =	vst v34  }
0x29e: {  	v43 =	vor.u32 $0x1, v18;
	v60 =	vld.idx.msk [tilespmem:v22+s17+$0x0], $0xffff  }
0x29f: {  	v17 =	vmul.f32 v17, v21;
	v51 =	vld [tilespmem:s29+$0x90];
	v63 =	vor.u32 $0x1, v23  }
0x2a0: {  	v26 =	vld.idx.msk [tilespmem:v59+s17+$0x0], $0xffff;
	v44 =	vor.u32 $0x1, v20;
	v36 =	vmul.f32 v38, v36  }
0x2a1: {  	[tilespmem:s13+$0xFFFFFF40] =	vst v17;
	v59 =	vld [tilespmem:s29+$0xA0];
	v45 =	vor.u32 $0x1, v22;
	v24 =	vmul.f32 v47, v58  }
0x2a2: {  	v57 =	vor.u32 $0x3, v6;
	v37 =	vld [tilespmem:s29+$0xFFFFFF60];
	[tilespmem:s29+$0x70] =	vst v36;
	v28 =	vmul.f32 v48, v56  }
0x2a3: {  	v61 =	vld.idx.msk [tilespmem:v43+s17+$0x0], $0xffff;
	v29 =	vmul.f32 v49, v60;
	[tilespmem:s29+$0xFFFFFF20] =	vst v24  }
0x2a4: {  	v47 =	vor.u32 $0x3, v5;
	[tilespmem:s29+$0xFFFFFF90] =	vst v28;
	v48 =	vld.idx.msk [tilespmem:v63+s17+$0x0], $0xffff  }
0x2a5: {  	v17 =	vld.idx.msk [tilespmem:v44+s17+$0x0], $0xffff;
	[tilespmem:s29+$0x0] =	vst v29  }
0x2a6: {  	v46 =	vor.u32 $0x2, v18;
	v29 =	vld.idx.msk [tilespmem:v45+s17+$0x0], $0xffff  }
0x2a7: {  	v41 =	vld.idx.msk [tilespmem:v57+s17+$0x0], $0xffff;
	v49 =	vor.u32 $0x2, v23  }
0x2a8: {  	[tilespmem:s13+$0x20] =	vst v19;
	v50 =	vor.u32 $0x2, v20;
	v24 =	vld [tilespmem:s29+$0x40];
	v21 =	vmul.f32 v62, v61  }
0x2a9: {  	v52 =	vor.u32 $0x2, v22;
	v28 =	vld.idx.msk [tilespmem:v47+s17+$0x0], $0xffff;
	v25 =	vmul.f32 v27, v48  }
0x2aa: {  	v53 =	vor.u32 $0x4, v6;
	[tilespmem:s29+$0x80] =	vst v21;
	v17 =	vmul.f32 v30, v17;
	v30 =	vld [tilespmem:s29+$0xFFFFFF70]  }
0x2ab: {  	v21 =	vld.idx.msk [tilespmem:v46+s17+$0x0], $0xffff;
	v29 =	vmul.f32 v31, v29;
	[tilespmem:s29+$0xFFFFFF30] =	vst v25  }
0x2ac: {  	v15 =	vmul.f32 v15, v41;
	v61 =	vor.u32 $0x4, v4;
	[tilespmem:s29+$0xFFFFFFA0] =	vst v17;
	v55 =	vld.idx.msk [tilespmem:v49+s17+$0x0], $0xffff  }
0x2ad: {  	v19 =	vld.idx.msk [tilespmem:v50+s17+$0x0], $0xffff;
	[tilespmem:s29+$0x10] =	vst v29  }
0x2ae: {  	v54 =	vor.u32 $0x3, v18;
	v13 =	vmul.f32 v13, v26;
	[tilespmem:s13+$0xFFFFFF50] =	vst v15;
	v56 =	vld.idx.msk [tilespmem:v52+s17+$0x0], $0xffff  }
0x2af: {  	v57 =	vor.u32 $0x3, v23;
	v27 =	vld.idx.msk [tilespmem:v53+s17+$0x0], $0xffff  }
0x2b0: {  	[tilespmem:s13+$0xFFFFFFC0] =	vst v13;
	v58 =	vor.u32 $0x3, v20;
	v31 =	vld [tilespmem:s29+$0xFFFFFFD0];
	v21 =	vmul.f32 v51, v21  }
0x2b1: {  	v60 =	vor.u32 $0x3, v22;
	v44 =	vld.idx.msk [tilespmem:v61+s17+$0x0], $0xffff;
	v17 =	vmul.f32 v32, v55  }
0x2b2: {  	v62 =	vor.u32 $0x4, v5;
	v50 =	vld [tilespmem:s29+$0xB0];
	[tilespmem:s29+$0x90] =	vst v21;
	v19 =	vmul.f32 v33, v19  }
0x2b3: {  	v25 =	vld.idx.msk [tilespmem:v54+s17+$0x0], $0xffff;
	v15 =	vmul.f32 v35, v56;
	[tilespmem:s29+$0xFFFFFF40] =	vst v17  }
0x2b4: {  	v14 =	vmul.f32 v14, v28;
	[tilespmem:s29+$0xFFFFFFB0] =	vst v19;
	v21 =	vld.idx.msk [tilespmem:v57+s17+$0x0], $0xffff  }
0x2b5: {  	v49 =	vor.u32 $0x5, v6;
	v38 =	vld.idx.msk [tilespmem:v58+s17+$0x0], $0xffff;
	[tilespmem:s29+$0x20] =	vst v15  }
0x2b6: {  	v63 =	vor.u32 $0x4, v18;
	[tilespmem:s13+$0x30] =	vst v14;
	v43 =	vld.idx.msk [tilespmem:v60+s17+$0x0], $0xffff  }
0x2b7: {  	v45 =	vor.u32 $0x4, v23;
	v46 =	vld.idx.msk [tilespmem:v62+s17+$0x0], $0xffff;
	v7 =	vmul.f32 v7, v27  }
0x2b8: {  	v47 =	vor.u32 $0x4, v20;
	v51 =	vld [tilespmem:s13+$0xC0];
	v41 =	vmul.f32 v59, v25  }
0x2b9: {  	v48 =	vor.u32 $0x4, v22;
	v33 =	vld [tilespmem:s29+$0xFFFFFFE0];
	[tilespmem:s13+$0xFFFFFF60] =	vst v7;
	v21 =	vmul.f32 v39, v21  }
0x2ba: {  	v6 =	vld.idx.msk [tilespmem:v49+s17+$0x0], $0xffff;
	[tilespmem:s29+$0xA0] =	vst v41;
	v15 =	vmul.f32 v40, v38  }
0x2bb: {  	v4 =	vor.u32 $0x5, v4;
	v19 =	vld.idx.msk [tilespmem:v63+s17+$0x0], $0xffff;
	v25 =	vmul.f32 v42, v43;
	[tilespmem:s29+$0xFFFFFF50] =	vst v21  }
0x2bc: {  	v5 =	vor.u32 $0x5, v5;
	[tilespmem:s29+$0xFFFFFFC0] =	vst v15;
	v14 =	vld.idx.msk [tilespmem:v45+s17+$0x0], $0xffff  }
0x2bd: {  	v12 =	vmul.f32 v12, v44;
	v13 =	vld.idx.msk [tilespmem:v47+s17+$0x0], $0xffff;
	[tilespmem:s29+$0x30] =	vst v25  }
0x2be: {  	v52 =	vor.u32 $0x5, v18;
	v53 =	vmul.f32 v10, v46;
	v54 =	vld.idx.msk [tilespmem:v48+s17+$0x0], $0xffff  }
0x2bf: {  	[tilespmem:s13+$0xFFFFFFD0] =	vst v12;
	v17 =	vld [tilespmem:s29+$0x50];
	v56 =	vor.u32 $0x5, v23  }
0x2c0: {  	v4 =	vld.idx.msk [tilespmem:v4+s17+$0x0], $0xffff;
	v57 =	vor.u32 $0x5, v20;
	[tilespmem:s13+$0x40] =	vst v53;
	v55 =	vmul.f32 v50, v19  }
0x2c1: {  	v5 =	vld.idx.msk [tilespmem:v5+s17+$0x0], $0xffff;
	v59 =	vor.u32 $0x5, v22;
	v58 =	vmul.f32 v37, v14  }
0x2c2: {  	v60 =	vld [tilespmem:s29+$0xC0];
	[tilespmem:s29+$0xB0] =	vst v55;
	v13 =	vmul.f32 v31, v13  }
0x2c3: {  	v15 =	vld.idx.msk [tilespmem:v52+s17+$0x0], $0xffff;
	[tilespmem:s29+$0xFFFFFF60] =	vst v58;
	v10 =	vmul.f32 v24, v54  }
0x2c4: {  	v61 =	vmul.f32 v51, v16;
	[tilespmem:s29+$0xFFFFFFD0] =	vst v13;
	v62 =	vld.idx.msk [tilespmem:v56+s17+$0x0], $0xffff  }
0x2c5: {  	v6 =	vmul.f32 v9, v6;
	v7 =	vld.idx.msk [tilespmem:v57+s17+$0x0], $0xffff;
	[tilespmem:s29+$0x40] =	vst v10  }
0x2c6: {  	[tilespmem:s13+$0xC0] =	vst v61;
	v4 =	vmul.f32 v8, v4;
	v63 =	vld.idx.msk [tilespmem:v59+s17+$0x0], $0xffff  }
0x2c7: {  	[tilespmem:s13+$0xFFFFFF70] =	vst v6;
	v5 =	vmul.f32 v11, v5  }
0x2c8: {  	[tilespmem:s13+$0xFFFFFFE0] =	vst v4;
	v4 =	vmul.f32 v60, v15  }
0x2c9: {  	[tilespmem:s13+$0x50] =	vst v5;
	v5 =	vmul.f32 v30, v62  }
0x2ca: {  	[tilespmem:s29+$0xC0] =	vst v4;
	v4 =	vmul.f32 v33, v7  }
0x2cb: {  	[tilespmem:s29+$0xFFFFFF70] =	vst v5;
	v5 =	vmul.f32 v17, v63  }
0x2cc: {  	s4 =	sadd.s32 $0x3, s28;
	[tilespmem:s29+$0xFFFFFFE0] =	vst v4  }
0x2cd: {  	p0 =	sge.s32 s4, s23;
	[tilespmem:s29+$0x50] =	vst v5  }
0x2ce: {  	[spmem:s1] =	stream.indirect.scatter.add.f32 [tilespmem:s17], [sflag:$0x5], $0x70, s15, s14, $0xb8;
	[tilespmem:$0x1F780] =	vst v63  }
0x2cf: {  	s4 =	sshll.u32 @!p0 s4, $0x7;
	_ =	swait.ge [sflag:s30], $0x3800  }
.Ltmp14:
0x2d0: {  	s8 =	simm.s32 @!p0 $0x80;
	[sflag:s30] =	ssyncset.done $0x0;
	(pc) =	sbr.rel .LBB2_19-.Ltmp14, $4  }
0x2d1: {  	s10 =	simm.s32 @!p0 $0x6840;
	s5 =	sadd.s32 @!p0 $0x1FB0, s4;
	[sflag:s30] =	ssyncadd.s32 $0xFFFFC800  }
0x2d2: {  	[tilespmem:s10], [sflag:$0x2] =	stream.indirect.gather @!p0 [hbm4b:s6+s8], $0x70, s5, s8, $0xb8;
	[tilespmem:$0x1F780] =	vst v63  }
0x2d3: {  	s4 =	sadd.s32 @!p0 $0xFA0, s4;
	s5 =	simm.s32 @!p0 $0xA840  }
0x2d4: {  	[tilespmem:s5], [sflag:$0x4] =	stream.indirect.gather @!p0 [hbm4b:s7+s8], $0x10, s4, s8, $0xb8;
	[tilespmem:$0x1F780] =	vst v63  }
.LBB2_22:
0x2d5: {  	s4 =	sadd.s32 $0x7F, s21  }
0x2d6: {  	s5 =	sand.u32 $0x7F, s4  }
0x2d7: {  	p0 =	slt.s32 s21, $0xFFFFFF82;
	s8 =	sshra.s32 s4, $0x1F;
	p1 =	sne.s32 s5, $0x0  }
0x2d8: {  	s26 =	sshrl.u32 s8, $0x19;
	p0 =	por !p0, !p1  }
0x2d9: {  	s5 =	simm.s32 $0x1;
	s4 =	sadd.s32 s26, s4;
	p0 =	por !p0, !p0  }
0x2da: {  	s4 =	sshra.s32 s4, $0x7;
	s5 =	simm.s32 @!p0 $0x0  }
0x2db: {  	s22 =	ssub.s32 s4, s5  }
0x2dc: {  	p0 =	slt.s32 s22, $0x1;
	s28 =	sadd.s32 $0x1, s22  }
0x2dd: {  	s4 =	simm.s32 @!p0 $0x80;
	s5 =	simm.s32 @!p0 $0x1FB0;
	s8 =	simm.s32 @!p0 $0x3040  }
0x2de: {  	[tilespmem:s8], [sflag:$0x1] =	stream.indirect.gather @!p0 [hbm4b:s6+s4], $0x70, s5, s4, $0xb8;
	[tilespmem:$0x1F780] =	vst v63  }
0x2df: {  	p1 =	seq.s32 @!p0 s22, $0x1;
	s5 =	simm.s32 @!p0 $0xFA0;
	s8 =	simm.s32 @!p0 $0xA040  }
0x2e0: {  	[tilespmem:s8], [sflag:$0x3] =	stream.indirect.gather @!p0 [hbm4b:s7+s4], $0x10, s5, s4, $0xb8;
	[tilespmem:$0x1F780] =	vst v63  }
0x2e1: {  	p5 =	slt.s32 s22, $0x0;
	s29 =	sand.u32 $0x1, s28;
	p0 =	por p1, p0  }
0x2e2: {  	s4 =	simm.s32 @!p0 $0x80;
	s5 =	simm.s32 @!p0 $0x2030;
	s8 =	simm.s32 @!p0 $0x6840  }
0x2e3: {  	[tilespmem:s8], [sflag:$0x2] =	stream.indirect.gather @!p0 [hbm4b:s6+s4], $0x70, s5, s4, $0xb8;
	[tilespmem:$0x1F780] =	vst v63  }
0x2e4: {  	p6 =	seq.s32 s29, $0x1;
	s5 =	simm.s32 @!p0 $0x1020;
	s8 =	simm.s32 @!p0 $0xA840  }
0x2e5: {  	[tilespmem:s8], [sflag:$0x4] =	stream.indirect.gather @!p0 [hbm4b:s7+s4], $0x10, s5, s4, $0xb8;
	[tilespmem:$0x1F780] =	vst v63  }
0x2e6: {  	s31 =	sshrl.u32 s28, $0x1F;
	p0 =	por !p5, !p6  }
0x2e7: {  	s4 =	sadd.s32 s31, s28;
	s5 =	simm.s32 $0x1;
	p0 =	por !p0, !p0  }
0x2e8: {  	s4 =	sshra.s32 s4, $0x1;
	s5 =	simm.s32 @!p0 $0x0  }
0x2e9: {  	s23 =	ssub.s32 s4, s5  }
0x2ea: {  	p0 =	slt.s32 s23, $0x1  }
.Ltmp15:
0x2eb: {  	_ = 	snop;
	(pc) =	sbr.rel @!p0 .LBB2_23-.Ltmp15, $2  }
0x2ec: {  	_ =	sdelay $0x2  }
0x2ed: {  	s24 =	simm.s32 $0x0;
	s25 =	simm.s32 $0x0  }
.LBB2_32:
0x2ee: {  	[bflag:$0x0] =	sbarrier.arrive $0xFFFF;
	s21 =	simm.s32 $0x0;
	s22 =	simm.s32 $0x0  }
.LBB2_33:
0x2ef: {  	s4 =	smul.u32 $0x2C, s22  }
0x2f0: {  	v2 =	vmov s21;
	s5 =	simm.s32 $0x1;
	s8 =	rddreg [dreg:$0x7]  }
0x2f1: {  	s24 =	simm.s32 $0x2;
	v2 =	vmul.u32 $0x70, v2;
	v3 =	vmov s5;
	s23 =	sadd.s32 s8, s4  }
0x2f2: {  	s26 =	simm.s32 $0x3;
	v4 =	vmov s24;
	v3 =	vmul.u32 $0x70, v3;
	s25 =	smul.u32 $0x1C0, s23  }
0x2f3: {  	v5 =	vmov s26;
	v4 =	vmul.u32 $0x70, v4;
	v2 =	vadd.s32 $0x60, v2  }
0x2f4: {  	v3 =	vadd.s32 $0x60, v3;
	v16 =	vbroadcast v2, $0x0;
	v2 =	vmul.u32 $0x70, v5;
	s29 =	sshra.s32 s25, $0x2  }
0x2f5: {  	v17 =	vbroadcast v3, $0x0;
	v3 =	vadd.s32 $0x60, v4;
	s4 =	sadd.s32 s29, s1  }
0x2f6: {  	v15 =	vbroadcast v3, $0x0;
	v2 =	vadd.s32 $0x60, v2;
	[tilespmem:s18], [sflag:$0x5] =	stream.linear.gather [spmem:s4], $0x1340, $0x38;
	[tilespmem:$0x1F780] =	vst v63  }
0x2f7: {  	v22 =	vbroadcast v2, $0x0;
	_ =	swait.ge [sflag:s30], $0x1340  }
0x2f8: {  	[sflag:s30] =	ssyncset.done $0x0  }
0x2f9: {  	[sflag:s30] =	ssyncadd.s32 $0xFFFFECC0  }
0x2fa: {  	v2 =	vld.idx.msk [tilespmem:v16+s18+$0x0], $0xffff  }
0x2fb: {  	v3 =	vld.idx.msk [tilespmem:v17+s18+$0x0], $0xffff  }
0x2fc: {  	v4 =	vld.idx.msk [tilespmem:v15+s18+$0x0], $0xffff  }
0x2fd: {  	v5 =	vld.idx.msk [tilespmem:v22+s18+$0x0], $0xffff;
	_ =	sdelay $0x1  }
0x2fe: {  	v2 =	vadd.f32 $1.000000020e-16, v2  }
0x2ff: {  	v3 =	vadd.f32 $1.000000020e-16, v3  }
0x300: {  	(erf) = vrcp.f32 v2;
	v2 =	vadd.f32 $1.000000020e-16, v4  }
0x301: {  	(erf) = vrcp.f32 v3;
	v3 =	vadd.f32 $1.000000020e-16, v5  }
0x302: {  	(erf) = vrcp.f32 v2  }
0x303: {  	(erf) = vrcp.f32 v3;
	_ =	sdelay $0x3  }
0x304: {  	s24 =	simm.s32 $0xB120  }
0x305: {  	v2 =	vld [tilespmem:s24+$0x70]  }
0x306: {  	v4 =	vld [tilespmem:s24+$0xFFFFFF20];
	v3 =	vpop (erf)  }
0x307: {  	v6 =	vld [tilespmem:s24+$0xFFFFFF90];
	v5 =	vpop (erf)  }
0x308: {  	v8 =	vld [tilespmem:s24+$0x0];
	v7 =	vpop (erf)  }
0x309: {  	v9 =	vpop (erf)  }
0x30a: {  	v9 =	vmul.f32 v9, v2  }
0x30b: {  	v10 =	vmul.f32 v3, v4  }
0x30c: {  	v5 =	vmul.f32 v5, v6;
	v2 =	vmul.f32 $1.442695020e+00, v9  }
0x30d: {  	v3 =	vmul.f32 $1.442695020e+00, v10;
	v7 =	vmul.f32 v7, v8  }
0x30e: {  	v14 =	vld [tilespmem:s24+$0x10];
	v4 =	vmul.f32 $1.442695020e+00, v5;
	(erf) = vpow2.f32 v2  }
0x30f: {  	v27 =	vld [tilespmem:s24+$0xFFFFFFC0];
	(erf) = vpow2.f32 v3  }
0x310: {  	v26 =	vld [tilespmem:s24+$0x30];
	v11 =	vmul.f32 $1.442695020e+00, v7;
	(erf) = vpow2.f32 v4  }
0x311: {  	v23 =	vld [tilespmem:s24+$0xFFFFFF60]  }
0x312: {  	v25 =	vld [tilespmem:s24+$0xFFFFFFD0];
	(erf) = vpow2.f32 v11  }
0x313: {  	v24 =	vld [tilespmem:s24+$0x40]  }
0x314: {  	v0 =	vld [tilespmem:s24+$0xFFFFFF70]  }
0x315: {  	v6 =	vld [tilespmem:s24+$0xFFFFFF30]  }
0x316: {  	v8 =	vld [tilespmem:s24+$0xFFFFFFA0]  }
0x317: {  	v19 =	vor.u32 $0x1, v22;
	v2 =	vld [tilespmem:s24+$0xFFFFFF40];
	v12 =	vpop (erf)  }
0x318: {  	v20 =	vor.u32 $0x1, v16;
	v3 =	vld [tilespmem:s24+$0x20];
	v13 =	vadd.f32 $-1.000000000e+00, v12;
	v18 =	vpop (erf)  }
0x319: {  	v21 =	vor.u32 $0x1, v17;
	vm0 =	vgt.f32 v9, $0.0e+00;
	v4 =	vld [tilespmem:s24+$0xFFFFFFB0];
	v29 =	vadd.f32 $-1.000000000e+00, v18;
	v30 =	vpop (erf)  }
0x31a: {  	vm1 =	vgt.f32 v10, $0.0e+00;
	v11 =	vld [tilespmem:s24+$0xFFFFFF50];
	[tilespmem:$0x1FFC0] =	vst v0;
	v30 =	vadd.f32 $-1.000000000e+00, v30;
	v9 =	vsel vm0, v9, v13  }
0x31b: {  	v31 =	vpop (erf);
	vm0 =	vgt.f32 v5, $0.0e+00;
	v10 =	vsel vm1, v10, v29;
	[tilespmem:s24+$0x70] =	vst v9  }
0x31c: {  	v28 =	vor.u32 $0x1, v15;
	v29 =	vadd.f32 $-1.000000000e+00, v31;
	[tilespmem:s24+$0xFFFFFF20] =	vst v10;
	v5 =	vsel vm0, v5, v30;
	v9 =	vld.idx.msk [tilespmem:v19+s18+$0x0], $0xffff  }
0x31d: {  	vm1 =	vgt.f32 v7, $0.0e+00;
	v10 =	vld.idx.msk [tilespmem:v20+s18+$0x0], $0xffff;
	[tilespmem:s24+$0xFFFFFF90] =	vst v5  }
0x31e: {  	v5 =	vsel vm1, v7, v29;
	v7 =	vld.idx.msk [tilespmem:v21+s18+$0x0], $0xffff;
	_ =	sdelay $0x1  }
0x31f: {  	[tilespmem:s24+$0x0] =	vst v5  }
0x320: {  	v5 =	vld.idx.msk [tilespmem:v28+s18+$0x0], $0xffff;
	v9 =	vadd.f32 $1.000000020e-16, v9  }
0x321: {  	v10 =	vadd.f32 $1.000000020e-16, v10  }
0x322: {  	v7 =	vadd.f32 $1.000000020e-16, v7;
	(erf) = vrcp.f32 v9  }
0x323: {  	(erf) = vrcp.f32 v10  }
0x324: {  	(erf) = vrcp.f32 v7  }
0x325: {  	v5 =	vadd.f32 $1.000000020e-16, v5;
	_ =	sdelay $0x1  }
0x326: {  	(erf) = vrcp.f32 v5;
	v5 =	vld [tilespmem:s24+$0x80];
	_ =	sdelay $0x3  }
0x327: {  	v7 =	vpop (erf)  }
0x328: {  	v5 =	vmul.f32 v7, v5;
	v7 =	vpop (erf)  }
0x329: {  	v7 =	vmul.f32 v7, v6;
	v6 =	vpop (erf)  }
0x32a: {  	v10 =	vmul.f32 v6, v8;
	v6 =	vmul.f32 $1.442695020e+00, v5;
	_ =	sdelay $0x1  }
0x32b: {  	v8 =	vpop (erf);
	(erf) = vpow2.f32 v6  }
0x32c: {  	v9 =	vmul.f32 $1.442695020e+00, v7;
	v19 =	vmul.f32 v8, v14  }
0x32d: {  	s31 =	simm.s32 $0x4;
	v8 =	vmul.f32 $1.442695020e+00, v10  }
0x32e: {  	s5 =	simm.s32 $0x5;
	v6 =	vmov s31;
	v14 =	vmul.f32 $1.442695020e+00, v19;
	(erf) = vpow2.f32 v9  }
0x32f: {  	s8 =	simm.s32 $0x6;
	v6 =	vmul.u32 $0x70, v6;
	v9 =	vmov s5;
	(erf) = vpow2.f32 v8  }
0x330: {  	v8 =	vmov s8;
	v9 =	vmul.u32 $0x70, v9;
	(erf) = vpow2.f32 v14  }
0x331: {  	v8 =	vmul.u32 $0x70, v8;
	v6 =	vadd.s32 $0x60, v6  }
0x332: {  	v9 =	vadd.s32 $0x60, v9;
	v6 =	vbroadcast v6, $0x0  }
0x333: {  	v9 =	vbroadcast v9, $0x0;
	v8 =	vadd.s32 $0x60, v8  }
0x334: {  	s10 =	simm.s32 $0x7;
	v8 =	vbroadcast v8, $0x0;
	v29 =	vpop (erf)  }
0x335: {  	v14 =	vmov s10;
	v29 =	vadd.f32 $-1.000000000e+00, v29  }
0x336: {  	v30 =	vor.u32 $0x2, v15;
	v28 =	vor.u32 $0x2, v22;
	v14 =	vmul.u32 $0x70, v14  }
0x337: {  	v20 =	vor.u32 $0x2, v16;
	v21 =	vor.u32 $0x2, v17;
	vm1 =	vgt.f32 v5, $0.0e+00;
	v31 =	vpop (erf)  }
0x338: {  	vm0 =	vgt.f32 v7, $0.0e+00;
	v14 =	vadd.s32 $0x60, v14;
	v32 =	vld.idx.msk [tilespmem:v6+s18+$0x0], $0xffff;
	v31 =	vadd.f32 $-1.000000000e+00, v31;
	v33 =	vpop (erf)  }
0x339: {  	v14 =	vbroadcast v14, $0x0;
	v34 =	vld.idx.msk [tilespmem:v9+s18+$0x0], $0xffff;
	v33 =	vadd.f32 $-1.000000000e+00, v33;
	v5 =	vsel vm1, v5, v29;
	v29 =	vpop (erf)  }
0x33a: {  	vm1 =	vgt.f32 v10, $0.0e+00;
	v35 =	vld.idx.msk [tilespmem:v8+s18+$0x0], $0xffff;
	v7 =	vsel vm0, v7, v31;
	[tilespmem:s24+$0x80] =	vst v5;
	v29 =	vadd.f32 $-1.000000000e+00, v29  }
0x33b: {  	vm0 =	vgt.f32 v19, $0.0e+00;
	[tilespmem:s24+$0xFFFFFF30] =	vst v7;
	v5 =	vsel vm1, v10, v33;
	v7 =	vld.idx.msk [tilespmem:v28+s18+$0x0], $0xffff  }
0x33c: {  	v10 =	vld.idx.msk [tilespmem:v20+s18+$0x0], $0xffff;
	[tilespmem:s24+$0xFFFFFFA0] =	vst v5;
	v5 =	vsel vm0, v19, v29  }
0x33d: {  	v20 =	vld.idx.msk [tilespmem:v21+s18+$0x0], $0xffff;
	v19 =	vadd.f32 $1.000000020e-16, v32;
	[tilespmem:s24+$0x10] =	vst v5  }
0x33e: {  	v5 =	vadd.f32 $1.000000020e-16, v34;
	v21 =	vld.idx.msk [tilespmem:v30+s18+$0x0], $0xffff  }
0x33f: {  	v28 =	vadd.f32 $1.000000020e-16, v35;
	(erf) = vrcp.f32 v19;
	v19 =	vld.idx.msk [tilespmem:v14+s18+$0x0], $0xffff  }
0x340: {  	(erf) = vrcp.f32 v5;
	v5 =	vadd.f32 $1.000000020e-16, v7  }
0x341: {  	v7 =	vadd.f32 $1.000000020e-16, v10;
	(erf) = vrcp.f32 v28  }
0x342: {  	v10 =	vadd.f32 $1.000000020e-16, v20;
	(erf) = vrcp.f32 v5  }
0x343: {  	(erf) = vrcp.f32 v7;
	v5 =	vadd.f32 $1.000000020e-16, v21  }
0x344: {  	v7 =	vadd.f32 $1.000000020e-16, v19;
	(erf) = vrcp.f32 v10  }
0x345: {  	(erf) = vrcp.f32 v5  }
0x346: {  	s25 =	simm.s32 $0xB2E0;
	(erf) = vrcp.f32 v7  }
0x347: {  	v36 =	vld [tilespmem:s25+$0xFFFFFFC0]  }
0x348: {  	v7 =	vld [tilespmem:s24+$0x90];
	v5 =	vpop (erf)  }
0x349: {  	v28 =	vld [tilespmem:s25+$0xFFFFFF20];
	v10 =	vpop (erf)  }
0x34a: {  	v29 =	vld [tilespmem:s25+$0x0];
	v19 =	vpop (erf)  }
0x34b: {  	v20 =	vld [tilespmem:s25+$0x70];
	v21 =	vpop (erf)  }
0x34c: {  	v0 =	vld [tilespmem:s25+$0xFFFFFF70];
	v58 =	vpop (erf)  }
0x34d: {  	v7 =	vmul.f32 v21, v7;
	v21 =	vld [tilespmem:s25+$0xFFFFFF90];
	v30 =	vpop (erf)  }
0x34e: {  	v18 =	vld [tilespmem:s24+$0xFFFFFFE0];
	v5 =	vmul.f32 v5, v28;
	v59 =	vpop (erf)  }
0x34f: {  	v13 =	vld [tilespmem:s24+$0x50];
	v39 =	vmul.f32 v19, v29;
	v31 =	vmul.f32 $1.442695020e+00, v7;
	v60 =	vpop (erf)  }
0x350: {  	v33 =	vld [tilespmem:s25+$0xFFFFFFA0];
	v2 =	vmul.f32 v58, v2;
	v37 =	vmul.f32 v60, v20  }
0x351: {  	v32 =	vld [tilespmem:s25+$0x10];
	v40 =	vmul.f32 v30, v4;
	(erf) = vpow2.f32 v31  }
0x352: {  	v35 =	vld [tilespmem:s25+$0x30];
	v38 =	vmul.f32 v10, v21;
	v10 =	vmul.f32 $1.442695020e+00, v37  }
0x353: {  	v34 =	vld [tilespmem:s25+$0xFFFFFF50];
	v3 =	vmul.f32 v59, v3;
	v20 =	vmul.f32 $1.442695020e+00, v5  }
0x354: {  	v28 =	vld [tilespmem:s25+$0x20];
	v19 =	vmul.f32 $1.442695020e+00, v38;
	(erf) = vpow2.f32 v10  }
0x355: {  	v29 =	vld [tilespmem:s25+$0xFFFFFF40];
	v10 =	vmul.f32 $1.442695020e+00, v39;
	(erf) = vpow2.f32 v20  }
0x356: {  	v30 =	vld [tilespmem:s25+$0xFFFFFFB0];
	v4 =	vmul.f32 $1.442695020e+00, v40;
	(erf) = vpow2.f32 v19  }
0x357: {  	v31 =	vld [tilespmem:s25+$0xFFFFFF30];
	(erf) = vpow2.f32 v10;
	v10 =	vmul.f32 $1.442695020e+00, v3  }
0x358: {  	v21 =	vmul.f32 $1.442695020e+00, v2;
	v20 =	vld [tilespmem:s25+$0xFFFFFFD0];
	(erf) = vpow2.f32 v4  }
0x359: {  	v19 =	vld [tilespmem:s25+$0xFFFFFF60];
	(erf) = vpow2.f32 v10  }
0x35a: {  	(erf) = vpow2.f32 v21;
	v21 =	vld [tilespmem:s25+$0x40];
	[tilespmem:$0x1FFD0] =	vst v0  }
0x35b: {  	v41 =	vor.u32 $0x3, v22;
	v4 =	vpop (erf);
	v0 =	vld [tilespmem:s25+$0xFFFFFFE0]  }
0x35c: {  	v4 =	vadd.f32 $-1.000000000e+00, v4  }
0x35d: {  	vm0 =	vgt.f32 v7, $0.0e+00  }
0x35e: {  	v7 =	vsel vm0, v7, v4  }
0x35f: {  	[tilespmem:s24+$0x90] =	vst v7  }
0x360: {  	v41 =	vld.idx.msk [tilespmem:v41+s18+$0x0], $0xffff;
	[tilespmem:$0x1FFE0] =	vst v0  }
0x361: {  	v0 =	vld [tilespmem:s25+$0x50];
	_ =	sdelay $0x1  }
0x362: {  	v43 =	vor.u32 $0x1, v6;
	v10 =	vpop (erf)  }
0x363: {  	v44 =	vor.u32 $0x1, v9;
	v42 =	vor.u32 $0x1, v14;
	v7 =	vadd.f32 $-1.000000000e+00, v10;
	v10 =	vpop (erf)  }
0x364: {  	v45 =	vor.u32 $0x1, v8;
	vm0 =	vgt.f32 v37, $0.0e+00;
	v46 =	vadd.f32 $-1.000000000e+00, v10;
	v47 =	vpop (erf)  }
0x365: {  	vm1 =	vgt.f32 v5, $0.0e+00;
	v47 =	vadd.f32 $-1.000000000e+00, v47;
	v37 =	vsel vm0, v37, v7;
	v48 =	vpop (erf);
	[tilespmem:$0x1FFF0] =	vst v0  }
0x366: {  	vm0 =	vgt.f32 v38, $0.0e+00;
	v5 =	vsel vm1, v5, v46;
	v61 =	vadd.f32 $-1.000000000e+00, v48;
	[tilespmem:s25+$0x70] =	vst v37  }
0x367: {  	vm1 =	vgt.f32 v39, $0.0e+00;
	v48 =	vpop (erf);
	[tilespmem:s25+$0xFFFFFF20] =	vst v5;
	v5 =	vsel vm0, v38, v47  }
0x368: {  	v62 =	vor.u32 $0x3, v16;
	v63 =	vor.u32 $0x3, v17;
	v51 =	vpop (erf);
	v37 =	vld.idx.msk [tilespmem:v42+s18+$0x0], $0xffff;
	[tilespmem:s25+$0xFFFFFF90] =	vst v5;
	v5 =	vsel vm1, v39, v61  }
0x369: {  	v49 =	vor.u32 $0x3, v15;
	v50 =	vadd.f32 $-1.000000000e+00, v48;
	v53 =	vpop (erf);
	v43 =	vld.idx.msk [tilespmem:v43+s18+$0x0], $0xffff;
	[tilespmem:s25+$0x0] =	vst v5;
	v5 =	vadd.f32 $1.000000020e-16, v41  }
0x36a: {  	v52 =	vadd.f32 $-1.000000000e+00, v51;
	vm0 =	vgt.f32 v40, $0.0e+00;
	v47 =	vadd.f32 $-1.000000000e+00, v53;
	v44 =	vld.idx.msk [tilespmem:v44+s18+$0x0], $0xffff  }
0x36b: {  	vm1 =	vgt.f32 v3, $0.0e+00;
	v40 =	vsel vm0, v40, v50;
	v45 =	vld.idx.msk [tilespmem:v45+s18+$0x0], $0xffff;
	(erf) = vrcp.f32 v5  }
0x36c: {  	vm0 =	vgt.f32 v2, $0.0e+00;
	[tilespmem:s24+$0xFFFFFFB0] =	vst v40;
	v3 =	vsel vm1, v3, v52  }
0x36d: {  	v2 =	vsel vm0, v2, v47;
	v54 =	vld.idx.msk [tilespmem:v63+s18+$0x0], $0xffff;
	[tilespmem:s24+$0x20] =	vst v3;
	v5 =	vadd.f32 $1.000000020e-16, v37  }
0x36e: {  	[tilespmem:s24+$0xFFFFFF40] =	vst v2;
	v2 =	vld.idx.msk [tilespmem:v49+s18+$0x0], $0xffff;
	v3 =	vadd.f32 $1.000000020e-16, v43  }
0x36f: {  	v55 =	vadd.f32 $1.000000020e-16, v44;
	(erf) = vrcp.f32 v5;
	v5 =	vld.idx.msk [tilespmem:v62+s18+$0x0], $0xffff  }
0x370: {  	v56 =	vadd.f32 $1.000000020e-16, v45;
	(erf) = vrcp.f32 v3;
	v3 =	vld [tilespmem:s24+$0xA0]  }
0x371: {  	(erf) = vrcp.f32 v55  }
0x372: {  	s11 =	simm.s32 $0x8;
	(erf) = vrcp.f32 v56  }
0x373: {  	v57 =	vmov s11;
	v37 =	vadd.f32 $1.000000020e-16, v54  }
0x374: {  	v58 =	vmul.u32 $0x70, v57;
	v61 =	vld [tilespmem:s25+$0x80];
	v2 =	vadd.f32 $1.000000020e-16, v2;
	v62 =	vpop (erf)  }
0x375: {  	s13 =	simm.s32 $0x9;
	(erf) = vrcp.f32 v37;
	v5 =	vadd.f32 $1.000000020e-16, v5;
	v37 =	vmul.f32 v62, v3  }
0x376: {  	v59 =	vmov s13;
	v38 =	vadd.s32 $0x60, v58;
	(erf) = vrcp.f32 v2  }
0x377: {  	v39 =	vmul.u32 $0x70, v59;
	(erf) = vrcp.f32 v5;
	v63 =	vmul.f32 $1.442695020e+00, v37  }
0x378: {  	v2 =	vbroadcast v38, $0x0;
	v43 =	vpop (erf)  }
0x379: {  	v3 =	vadd.s32 $0x60, v39;
	v39 =	vmul.f32 v43, v61;
	v44 =	vpop (erf);
	(erf) = vpow2.f32 v63  }
0x37a: {  	v5 =	vbroadcast v3, $0x0;
	v31 =	vmul.f32 v44, v31;
	v45 =	vpop (erf)  }
0x37b: {  	v33 =	vmul.f32 v45, v33;
	v46 =	vmul.f32 $1.442695020e+00, v39;
	v47 =	vpop (erf)  }
0x37c: {  	v48 =	vmul.f32 $1.442695020e+00, v31;
	v32 =	vmul.f32 v47, v32  }
0x37d: {  	s19 =	simm.s32 $0xA;
	v49 =	vmul.f32 $1.442695020e+00, v33;
	(erf) = vpow2.f32 v46  }
0x37e: {  	v60 =	vmov s19;
	v50 =	vpop (erf);
	v51 =	vmul.f32 $1.442695020e+00, v32;
	(erf) = vpow2.f32 v48  }
0x37f: {  	v40 =	vmul.u32 $0x70, v60;
	v27 =	vmul.f32 v50, v27;
	v52 =	vpop (erf);
	(erf) = vpow2.f32 v49  }
0x380: {  	v26 =	vmul.f32 v52, v26;
	v53 =	vpop (erf);
	(erf) = vpow2.f32 v51  }
0x381: {  	v3 =	vadd.s32 $0x60, v40;
	v38 =	vmul.f32 v53, v11;
	v11 =	vmul.f32 $1.442695020e+00, v27  }
0x382: {  	v3 =	vbroadcast v3, $0x0;
	v56 =	vpop (erf)  }
0x383: {  	s20 =	simm.s32 $0xB;
	v54 =	vmul.f32 $1.442695020e+00, v26;
	(erf) = vpow2.f32 v11;
	v11 =	vadd.f32 $-1.000000000e+00, v56  }
0x384: {  	v58 =	vmov s20;
	v55 =	vor.u32 $0x4, v22;
	vm0 =	vgt.f32 v37, $0.0e+00  }
0x385: {  	v57 =	vmul.f32 $1.442695020e+00, v38;
	(erf) = vpow2.f32 v54;
	v11 =	vsel vm0, v37, v11  }
0x386: {  	v59 =	vmul.u32 $0x70, v58;
	v41 =	vor.u32 $0x2, v6  }
0x387: {  	v60 =	vor.u32 $0x2, v14;
	v62 =	vld.idx.msk [tilespmem:v2+s18+$0x0], $0xffff;
	vm1 =	vgt.f32 v39, $0.0e+00;
	(erf) = vpow2.f32 v57;
	v61 =	vpop (erf)  }
0x388: {  	v47 =	vor.u32 $0x2, v9;
	v46 =	vor.u32 $0x2, v8;
	v51 =	vld.idx.msk [tilespmem:v5+s18+$0x0], $0xffff;
	[tilespmem:s24+$0xA0] =	vst v11;
	v45 =	vadd.f32 $-1.000000000e+00, v61;
	v11 =	vpop (erf)  }
0x389: {  	v53 =	vld.idx.msk [tilespmem:v3+s18+$0x0], $0xffff;
	vm0 =	vgt.f32 v31, $0.0e+00;
	v37 =	vadd.s32 $0x60, v59;
	v49 =	vadd.f32 $-1.000000000e+00, v11;
	v50 =	vpop (erf)  }
0x38a: {  	v44 =	vld.idx.msk [tilespmem:v55+s18+$0x0], $0xffff;
	v11 =	vbroadcast v37, $0x0;
	v39 =	vsel vm1, v39, v45;
	v63 =	vadd.f32 $-1.000000000e+00, v50;
	v52 =	vpop (erf)  }
0x38b: {  	vm1 =	vgt.f32 v33, $0.0e+00;
	[tilespmem:s25+$0x80] =	vst v39;
	v31 =	vsel vm0, v31, v49;
	v45 =	vadd.f32 $-1.000000000e+00, v52  }
0x38c: {  	v42 =	vor.u32 $0x4, v17;
	vm0 =	vgt.f32 v32, $0.0e+00;
	v54 =	vld.idx.msk [tilespmem:v60+s18+$0x0], $0xffff;
	[tilespmem:s25+$0xFFFFFF30] =	vst v31;
	v31 =	vsel vm1, v33, v63  }
0x38d: {  	v58 =	vor.u32 $0x4, v15;
	v55 =	vadd.f32 $1.000000020e-16, v62;
	v57 =	vpop (erf);
	v56 =	vld.idx.msk [tilespmem:v41+s18+$0x0], $0xffff;
	[tilespmem:s25+$0xFFFFFFA0] =	vst v31;
	v31 =	vsel vm0, v32, v45  }
0x38e: {  	v40 =	vor.u32 $0x4, v16;
	v62 =	vadd.f32 $1.000000020e-16, v51;
	v51 =	vadd.f32 $1.000000020e-16, v53;
	v61 =	vpop (erf);
	v59 =	vld.idx.msk [tilespmem:v47+s18+$0x0], $0xffff;
	[tilespmem:s25+$0x10] =	vst v31  }
0x38f: {  	vm2 =	vgt.f32 v27, $0.0e+00;
	v60 =	vadd.f32 $1.000000020e-16, v44;
	v44 =	vadd.f32 $-1.000000000e+00, v61;
	v63 =	vld.idx.msk [tilespmem:v46+s18+$0x0], $0xffff  }
0x390: {  	(erf) = vrcp.f32 v55;
	vm1 =	vgt.f32 v26, $0.0e+00;
	v48 =	vpop (erf);
	v31 =	vadd.f32 $-1.000000000e+00, v57;
	v49 =	vld.idx.msk [tilespmem:v11+s18+$0x0], $0xffff  }
0x391: {  	(erf) = vrcp.f32 v60;
	v46 =	vadd.f32 $-1.000000000e+00, v48;
	v26 =	vsel vm1, v26, v44  }
0x392: {  	(erf) = vrcp.f32 v62;
	v27 =	vsel vm2, v27, v31;
	v31 =	vadd.f32 $1.000000020e-16, v54;
	[tilespmem:s24+$0x30] =	vst v26  }
0x393: {  	vm0 =	vgt.f32 v38, $0.0e+00;
	(erf) = vrcp.f32 v51;
	[tilespmem:s24+$0xFFFFFFC0] =	vst v27;
	v27 =	vadd.f32 $1.000000020e-16, v56  }
0x394: {  	v53 =	vld.idx.msk [tilespmem:v58+s18+$0x0], $0xffff;
	(erf) = vrcp.f32 v31;
	v31 =	vsel vm0, v38, v46;
	v26 =	vadd.f32 $1.000000020e-16, v59  }
0x395: {  	v52 =	vld.idx.msk [tilespmem:v42+s18+$0x0], $0xffff;
	[tilespmem:s24+$0xFFFFFF50] =	vst v31;
	v37 =	vadd.f32 $1.000000020e-16, v63;
	(erf) = vrcp.f32 v27;
	v31 =	vadd.f32 $1.000000020e-16, v49  }
0x396: {  	v27 =	vld [tilespmem:s24+$0xB0];
	(erf) = vrcp.f32 v26  }
0x397: {  	v26 =	vld.idx.msk [tilespmem:v40+s18+$0x0], $0xffff;
	(erf) = vrcp.f32 v37  }
0x398: {  	(erf) = vrcp.f32 v31  }
0x399: {  	v31 =	vpop (erf)  }
0x39a: {  	v54 =	vld [tilespmem:s25+$0x90];
	v32 =	vadd.f32 $1.000000020e-16, v52;
	v55 =	vpop (erf)  }
0x39b: {  	v33 =	vadd.f32 $1.000000020e-16, v53;
	v40 =	vpop (erf)  }
0x39c: {  	s28 =	simm.s32 $0xB4A0;
	v42 =	vmul.f32 v55, v27;
	v26 =	vadd.f32 $1.000000020e-16, v26;
	(erf) = vrcp.f32 v32;
	v27 =	vpop (erf)  }
0x39d: {  	v58 =	vld [tilespmem:s28+$0x70];
	(erf) = vrcp.f32 v33;
	v60 =	vpop (erf)  }
0x39e: {  	v57 =	vmul.f32 $1.442695020e+00, v42;
	(erf) = vrcp.f32 v26;
	v26 =	vld [tilespmem:s28+$0xFFFFFF20];
	v61 =	vpop (erf)  }
0x39f: {  	v62 =	vld [tilespmem:s28+$0xFFFFFF90];
	v45 =	vmul.f32 v60, v54;
	v47 =	vmul.f32 v61, v29;
	v29 =	vpop (erf)  }
0x3a0: {  	v63 =	vld [tilespmem:s28+$0x0];
	(erf) = vpow2.f32 v57;
	v49 =	vmul.f32 v29, v30;
	v30 =	vpop (erf)  }
0x3a1: {  	s26 =	simm.s32 $0xC;
	v29 =	vmul.f32 $1.442695020e+00, v45;
	v59 =	vpop (erf)  }
0x3a2: {  	v56 =	vmov s26;
	v52 =	vmul.f32 v30, v28;
	v54 =	vmul.f32 v59, v58  }
0x3a3: {  	v37 =	vmul.u32 $0x70, v56;
	(erf) = vpow2.f32 v29;
	v56 =	vmul.f32 v31, v26  }
0x3a4: {  	v58 =	vmul.f32 v40, v62;
	v28 =	vmul.f32 $1.442695020e+00, v54  }
0x3a5: {  	v48 =	vmul.f32 v27, v63;
	v29 =	vmul.f32 $1.442695020e+00, v56  }
0x3a6: {  	v30 =	vpop (erf);
	v27 =	vmul.f32 $1.442695020e+00, v58;
	(erf) = vpow2.f32 v28  }
0x3a7: {  	v17 =	vor.u32 $0x5, v17;
	v60 =	vmul.f32 $1.442695020e+00, v48;
	v59 =	vpop (erf);
	(erf) = vpow2.f32 v29  }
0x3a8: {  	v15 =	vor.u32 $0x5, v15;
	v26 =	vmul.f32 $1.442695020e+00, v49;
	v28 =	vpop (erf);
	(erf) = vpow2.f32 v27  }
0x3a9: {  	s29 =	simm.s32 $0xD;
	v22 =	vor.u32 $0x5, v22;
	v29 =	vpop (erf);
	(erf) = vpow2.f32 v60;
	v60 =	vmul.f32 $1.442695020e+00, v52  }
0x3aa: {  	s31 =	simm.s32 $0xE;
	v16 =	vor.u32 $0x5, v16;
	v43 =	vmov s29;
	v50 =	vor.u32 $0x3, v9  }
0x3ab: {  	v44 =	vmov s31;
	v51 =	vmul.f32 $1.442695020e+00, v47;
	(erf) = vpow2.f32 v26  }
0x3ac: {  	v62 =	vmul.f32 v30, v25;
	v61 =	vadd.f32 $-1.000000000e+00, v29;
	(erf) = vpow2.f32 v60  }
0x3ad: {  	vm4 =	vgt.f32 v42, $0.0e+00;
	v59 =	vmul.f32 v59, v24;
	v60 =	vpop (erf);
	(erf) = vpow2.f32 v51  }
0x3ae: {  	v26 =	vsel vm4, v42, v61;
	v51 =	vmul.f32 v28, v23;
	v28 =	vmul.f32 $1.442695020e+00, v62  }
0x3af: {  	v42 =	vor.u32 $0x3, v14;
	v24 =	vadd.f32 $-1.000000000e+00, v60;
	v60 =	vmul.f32 $1.442695020e+00, v59  }
0x3b0: {  	v44 =	vmul.u32 $0x70, v44;
	v46 =	vor.u32 $0x1, v2;
	v53 =	vor.u32 $0x1, v5;
	[tilespmem:s24+$0xB0] =	vst v26  }
0x3b1: {  	v63 =	vor.u32 $0x1, v11;
	v57 =	vor.u32 $0x1, v3;
	vm4 =	vgt.f32 v45, $0.0e+00;
	v26 =	vld.idx.msk [tilespmem:v22+s18+$0x0], $0xffff;
	v0 =	vpop (erf)  }
0x3b2: {  	(erf) = vpow2.f32 v28;
	v45 =	vsel vm4, v45, v24;
	v0 =	vadd.f32 $-1.000000000e+00, v0;
	v28 =	vpop (erf)  }
0x3b3: {  	v61 =	vmul.f32 $1.442695020e+00, v51;
	(erf) = vpow2.f32 v60;
	vm4 =	vgt.f32 v54, $0.0e+00;
	[tilespmem:s25+$0x90] =	vst v45;
	v60 =	vpop (erf)  }
0x3b4: {  	v42 =	vld.idx.msk [tilespmem:v42+s18+$0x0], $0xffff;
	v45 =	vadd.f32 $-1.000000000e+00, v28;
	v0 =	vsel vm4, v54, v0;
	v60 =	vadd.f32 $-1.000000000e+00, v60  }
0x3b5: {  	vm3 =	vgt.f32 v56, $0.0e+00;
	vm5 =	vgt.f32 v58, $0.0e+00;
	(erf) = vpow2.f32 v61;
	v54 =	vpop (erf)  }
0x3b6: {  	v61 =	vadd.f32 $1.000000020e-16, v26;
	[tilespmem:s28+$0x70] =	vst v0;
	v45 =	vsel vm3, v56, v45;
	v54 =	vadd.f32 $-1.000000000e+00, v54  }
0x3b7: {  	v55 =	vor.u32 $0x3, v8;
	vm6 =	vgt.f32 v48, $0.0e+00;
	v56 =	vld.idx.msk [tilespmem:v63+s18+$0x0], $0xffff;
	v0 =	vpop (erf);
	[tilespmem:s28+$0xFFFFFF20] =	vst v45;
	v45 =	vsel vm5, v58, v60  }
0x3b8: {  	v0 =	vadd.f32 $-1.000000000e+00, v0;
	v46 =	vld.idx.msk [tilespmem:v46+s18+$0x0], $0xffff;
	[tilespmem:s28+$0xFFFFFF90] =	vst v45;
	v63 =	vsel vm6, v48, v54;
	v60 =	vpop (erf);
	(erf) = vrcp.f32 v61  }
0x3b9: {  	vm2 =	vgt.f32 v49, $0.0e+00;
	v53 =	vld.idx.msk [tilespmem:v53+s18+$0x0], $0xffff;
	[tilespmem:s28+$0x0] =	vst v63;
	v42 =	vadd.f32 $1.000000020e-16, v42;
	v58 =	vadd.f32 $-1.000000000e+00, v60  }
0x3ba: {  	v38 =	vor.u32 $0x3, v6;
	vm1 =	vgt.f32 v52, $0.0e+00;
	v60 =	vpop (erf);
	v0 =	vsel vm2, v49, v0;
	v63 =	vld.idx.msk [tilespmem:v57+s18+$0x0], $0xffff  }
0x3bb: {  	v39 =	vld [tilespmem:s28+$0xFFFFFF30];
	v61 =	vadd.f32 $-1.000000000e+00, v60;
	[tilespmem:s25+$0xFFFFFFB0] =	vst v0;
	(erf) = vrcp.f32 v42;
	v57 =	vpop (erf);
	v0 =	vsel vm1, v52, v58  }
0x3bc: {  	vm0 =	vgt.f32 v47, $0.0e+00;
	v48 =	vld [tilespmem:s24+$0xC0];
	v42 =	vadd.f32 $-1.000000000e+00, v57;
	[tilespmem:s25+$0x20] =	vst v0;
	v0 =	vadd.f32 $1.000000020e-16, v56  }
0x3bd: {  	vm4 =	vgt.f32 v62, $0.0e+00;
	v45 =	vsel vm0, v47, v61;
	v47 =	vld.idx.msk [tilespmem:v50+s18+$0x0], $0xffff;
	v46 =	vadd.f32 $1.000000020e-16, v46  }
0x3be: {  	v58 =	vpop (erf);
	v61 =	vld.idx.msk [tilespmem:v55+s18+$0x0], $0xffff;
	v42 =	vsel vm4, v62, v42;
	v53 =	vadd.f32 $1.000000020e-16, v53;
	(erf) = vrcp.f32 v0  }
0x3bf: {  	v41 =	vld [tilespmem:s28+$0xFFFFFFA0];
	v50 =	vadd.f32 $-1.000000000e+00, v58;
	v60 =	vpop (erf);
	v62 =	vadd.f32 $1.000000020e-16, v63;
	(erf) = vrcp.f32 v46  }
0x3c0: {  	vm3 =	vgt.f32 v59, $0.0e+00;
	[tilespmem:s25+$0xFFFFFF40] =	vst v45;
	v52 =	vadd.f32 $-1.000000000e+00, v60;
	v46 =	vld [tilespmem:s25+$0xA0];
	(erf) = vrcp.f32 v53  }
0x3c1: {  	vm2 =	vgt.f32 v51, $0.0e+00;
	v38 =	vld.idx.msk [tilespmem:v38+s18+$0x0], $0xffff;
	[tilespmem:s24+$0xFFFFFFD0] =	vst v42;
	v0 =	vsel vm3, v59, v50;
	v56 =	vpop (erf);
	(erf) = vrcp.f32 v62  }
0x3c2: {  	v57 =	vld.idx.msk [tilespmem:v17+s18+$0x0], $0xffff;
	v63 =	vsel vm2, v51, v52;
	[tilespmem:s24+$0x40] =	vst v0;
	v0 =	vadd.f32 $1.000000020e-16, v47;
	v53 =	vmul.f32 v56, v48  }
0x3c3: {  	v43 =	vmul.u32 $0x70, v43;
	v44 =	vadd.s32 $0x60, v44;
	[tilespmem:s24+$0xFFFFFF60] =	vst v63;
	v60 =	vadd.f32 $1.000000020e-16, v61;
	v61 =	vld [tilespmem:s28+$0x80]  }
0x3c4: {  	v17 =	vadd.s32 $0x60, v37;
	(erf) = vrcp.f32 v0;
	v0 =	vld.idx.msk [tilespmem:v16+s18+$0x0], $0xffff;
	v62 =	vpop (erf);
	v16 =	vmul.f32 $1.442695020e+00, v53  }
0x3c5: {  	v40 =	vld [tilespmem:s28+$0x10];
	v58 =	vadd.s32 $0x60, v43;
	v17 =	vbroadcast v17, $0x0;
	v51 =	vmul.f32 v62, v46  }
0x3c6: {  	v59 =	vld.idx.msk [tilespmem:v15+s18+$0x0], $0xffff;
	v15 =	vbroadcast v58, $0x0;
	v38 =	vadd.f32 $1.000000020e-16, v38;
	(erf) = vpow2.f32 v16  }
0x3c7: {  	v43 =	vor.u32 $0x2, v2;
	v63 =	vmul.f32 $1.442695020e+00, v51;
	(erf) = vrcp.f32 v60;
	v50 =	vpop (erf)  }
0x3c8: {  	v47 =	vadd.f32 $1.000000020e-16, v57;
	(erf) = vrcp.f32 v38;
	v49 =	vmul.f32 v50, v61;
	v55 =	vpop (erf)  }
0x3c9: {  	v46 =	vadd.f32 $1.000000020e-16, v0;
	(erf) = vpow2.f32 v63;
	v50 =	vmul.f32 v55, v39;
	v0 =	vpop (erf)  }
0x3ca: {  	v32 =	vld [tilespmem:s28+$0xFFFFFF40];
	v37 =	vor.u32 $0x4, v6;
	(erf) = vrcp.f32 v47;
	v47 =	vmul.f32 v0, v41;
	v56 =	vpop (erf)  }
0x3cb: {  	v33 =	vld [tilespmem:s28+$0xFFFFFFB0];
	vm1 =	vgt.f32 v53, $0.0e+00;
	v0 =	vmul.f32 $1.442695020e+00, v49;
	v48 =	vmul.f32 v56, v40  }
0x3cc: {  	v31 =	vld [tilespmem:s28+$0x20];
	v16 =	vbroadcast v44, $0x0;
	v44 =	vor.u32 $0x2, v5;
	v42 =	vmul.f32 $1.442695020e+00, v50  }
0x3cd: {  	v30 =	vld [tilespmem:s28+$0x30];
	vm5 =	vgt.f32 v51, $0.0e+00;
	v57 =	vpop (erf);
	(erf) = vpow2.f32 v0;
	v0 =	vmul.f32 $1.442695020e+00, v48  }
0x3ce: {  	v25 =	vld [tilespmem:s28+$0xFFFFFF60];
	v52 =	vadd.f32 $1.000000020e-16, v59;
	v38 =	vor.u32 $0x4, v9;
	v58 =	vmul.f32 $1.442695020e+00, v47  }
0x3cf: {  	v27 =	vld [tilespmem:s28+$0xFFFFFF50];
	v39 =	vor.u32 $0x2, v3;
	vm3 =	vgt.f32 v50, $0.0e+00;
	(erf) = vpow2.f32 v42;
	v59 =	vpop (erf)  }
0x3d0: {  	v29 =	vld [tilespmem:s28+$0xFFFFFFC0];
	vm2 =	vgt.f32 v47, $0.0e+00;
	v45 =	vmul.f32 v57, v36;
	(erf) = vpow2.f32 v58;
	v60 =	vpop (erf)  }
0x3d1: {  	v23 =	vld [tilespmem:s28+$0xFFFFFFD0];
	(erf) = vpow2.f32 v0;
	v42 =	vadd.f32 $-1.000000000e+00, v59;
	v41 =	vmul.f32 v60, v35;
	v0 =	vpop (erf)  }
0x3d2: {  	v22 =	vld [tilespmem:s28+$0x40];
	vm0 =	vgt.f32 v48, $0.0e+00;
	v40 =	vmul.f32 v0, v34;
	v0 =	vmul.f32 $1.442695020e+00, v45  }
0x3d3: {  	v24 =	vld [tilespmem:s28+$0xFFFFFF70];
	v61 =	vsel vm1, v53, v42;
	vm1 =	vgt.f32 v45, $0.0e+00;
	v63 =	vpop (erf);
	v62 =	vmul.f32 $1.442695020e+00, v41  }
0x3d4: {  	v28 =	vld [tilespmem:s28+$0xFFFFFFE0];
	v34 =	vor.u32 $0x4, v14;
	v53 =	vadd.f32 $-1.000000000e+00, v63;
	(erf) = vpow2.f32 v0  }
0x3d5: {  	s4 =	simm.s32 $0xF;
	s13 =	simm.s32 $0x10;
	s26 =	simm.s32 $0xB4A0;
	v26 =	vld [tilespmem:s28+$0x50];
	[tilespmem:s24+$0xC0] =	vst v61;
	v36 =	vpop (erf);
	vm4 =	vgt.f32 v41, $0.0e+00;
	v42 =	vmul.f32 $1.442695020e+00, v40;
	(erf) = vpow2.f32 v62  }
.LBB2_34:
0x3d6: {  	_ =	sdelay $0x1  }
0x3d7: {  	v0 =	vmov s4;
	v1 =	vsel vm5, v51, v53;
	v58 =	vpop (erf)  }
0x3d8: {  	v0 =	vmul.u32 $0x70, v0;
	[tilespmem:s25+$0xA0] =	vst v1;
	v1 =	vadd.f32 $-1.000000000e+00, v58  }
0x3d9: {  	vm6 =	vgt.f32 v49, $0.0e+00;
	v35 =	vpop (erf)  }
0x3da: {  	v57 =	vor.u32 $0x2, v11;
	v0 =	vadd.s32 $0x60, v0;
	v54 =	vpop (erf);
	v49 =	vsel vm6, v49, v1;
	v1 =	vld [tilespmem:$0x1FFE0]  }
0x3db: {  	v4 =	vadd.f32 $-1.000000000e+00, v35;
	v35 =	vbroadcast v0, $0x0;
	v0 =	vadd.f32 $-1.000000000e+00, v54;
	v60 =	vpop (erf)  }
0x3dc: {  	v59 =	vld.idx.msk [tilespmem:v15+s18+$0x0], $0xffff;
	(erf) = vpow2.f32 v42;
	v53 =	vadd.f32 $-1.000000000e+00, v60  }
0x3dd: {  	v34 =	vld.idx.msk [tilespmem:v34+s18+$0x0], $0xffff;
	(erf) = vrcp.f32 v52;
	[tilespmem:s28+$0x80] =	vst v49;
	v0 =	vsel vm2, v47, v0  }
0x3de: {  	v36 =	vmul.f32 v36, v18;
	v61 =	vld.idx.msk [tilespmem:v16+s18+$0x0], $0xffff;
	v56 =	vpop (erf);
	[tilespmem:s28+$0xFFFFFFA0] =	vst v0;
	v0 =	vsel vm0, v48, v53  }
0x3df: {  	v62 =	vld.idx.msk [tilespmem:v57+s18+$0x0], $0xffff;
	v57 =	vpop (erf);
	[tilespmem:s28+$0x10] =	vst v0;
	v0 =	vadd.f32 $-1.000000000e+00, v56;
	v18 =	vmov v1;
	v1 =	vmov v28  }
0x3e0: {  	[tilespmem:$0x1FFE0] =	vst v1;
	v1 =	vadd.f32 $-1.000000000e+00, v57  }
0x3e1: {  	v44 =	vld.idx.msk [tilespmem:v44+s18+$0x0], $0xffff;
	v0 =	vsel vm1, v45, v0  }
0x3e2: {  	[tilespmem:s25+$0xFFFFFFC0] =	vst v0;
	v0 =	vsel vm4, v41, v1;
	v1 =	vld [tilespmem:$0x1FFF0]  }
0x3e3: {  	(erf) = vrcp.f32 v46  }
0x3e4: {  	v42 =	vld.idx.msk [tilespmem:v17+s18+$0x0], $0xffff  }
0x3e5: {  	v63 =	vmul.f32 $1.442695020e+00, v36;
	v58 =	vadd.f32 $1.000000020e-16, v59;
	v59 =	vpop (erf)  }
0x3e6: {  	v50 =	vsel vm3, v50, v4;
	v60 =	vadd.f32 $1.000000020e-16, v61;
	v61 =	vpop (erf)  }
0x3e7: {  	[tilespmem:s28+$0xFFFFFF30] =	vst v50;
	(erf) = vpow2.f32 v63;
	v63 =	vld.idx.msk [tilespmem:v38+s18+$0x0], $0xffff;
	v38 =	vmul.f32 v61, v13;
	v13 =	vmovc v1;
	v1 =	vmov v26  }
0x3e8: {  	v48 =	vadd.f32 $-1.000000000e+00, v59;
	[tilespmem:$0x1FFF0] =	vst v1;
	v1 =	vld [tilespmem:$0x1FFC0]  }
0x3e9: {  	vm5 =	vgt.f32 v40, $0.0e+00;
	v28 =	vadd.f32 $1.000000020e-16, v42;
	v42 =	vld.idx.msk [tilespmem:v43+s18+$0x0], $0xffff  }
0x3ea: {  	v49 =	vld.idx.msk [tilespmem:v35+s18+$0x0], $0xffff;
	v40 =	vsel vm5, v40, v48  }
0x3eb: {  	v34 =	vadd.f32 $1.000000020e-16, v34;
	(erf) = vrcp.f32 v28;
	v28 =	vld.idx.msk [tilespmem:v39+s18+$0x0], $0xffff;
	[tilespmem:s25+$0xFFFFFF50] =	vst v40  }
0x3ec: {  	v55 =	vor.u32 $0x4, v8;
	v40 =	vld.idx.msk [tilespmem:v37+s18+$0x0], $0xffff;
	v56 =	vpop (erf)  }
0x3ed: {  	(erf) = vrcp.f32 v34;
	v37 =	vmul.f32 v56, v1;
	v1 =	vld [tilespmem:$0x1FFD0]  }
0x3ee: {  	v62 =	vadd.f32 $1.000000020e-16, v62;
	(erf) = vrcp.f32 v58  }
0x3ef: {  	(erf) = vrcp.f32 v60;
	v48 =	vadd.f32 $1.000000020e-16, v42  }
0x3f0: {  	[tilespmem:s25+$0x30] =	vst v0;
	(erf) = vrcp.f32 v62;
	v26 =	vadd.f32 $1.000000020e-16, v44  }
0x3f1: {  	v50 =	vld.idx.msk [tilespmem:v55+s18+$0x0], $0xffff;
	v7 =	vadd.f32 $1.000000020e-16, v28;
	(erf) = vrcp.f32 v48  }
0x3f2: {  	(erf) = vrcp.f32 v26;
	v4 =	vmovc v1;
	v1 =	vmov v24;
	v24 =	vadd.f32 $1.000000020e-16, v49  }
0x3f3: {  	v8 =	vor.u32 $0x5, v8;
	v46 =	vor.u32 $0x3, v3;
	v57 =	vld [tilespmem:s25+$0xB0];
	v28 =	vpop (erf);
	(erf) = vrcp.f32 v7  }
0x3f4: {  	v51 =	vmul.f32 $1.442695020e+00, v38;
	v28 =	vadd.f32 $-1.000000000e+00, v28;
	v54 =	vpop (erf);
	(erf) = vrcp.f32 v24  }
0x3f5: {  	vm2 =	vgt.f32 v36, $0.0e+00;
	v0 =	vmov s13;
	v24 =	vadd.f32 $1.000000020e-16, v63  }
0x3f6: {  	v34 =	vmul.u32 $0x70, v0;
	v0 =	vld [tilespmem:s28+$0x90];
	v39 =	vadd.f32 $1.000000020e-16, v50;
	v58 =	vpop (erf);
	(erf) = vpow2.f32 v51  }
0x3f7: {  	v47 =	vor.u32 $0x3, v5;
	s28 =	sadd.s32 $0x1C0, s28;
	v40 =	vadd.f32 $1.000000020e-16, v40;
	v55 =	vpop (erf);
	(erf) = vrcp.f32 v24  }
0x3f8: {  	v42 =	vld [tilespmem:s28+$0x0];
	v56 =	vmul.f32 v58, v57;
	v24 =	vsel vm2, v36, v28;
	v28 =	vpop (erf);
	(erf) = vrcp.f32 v39  }
0x3f9: {  	s29 =	sadd.s32 $0x1, s13;
	v43 =	vor.u32 $0x3, v2;
	v26 =	vmul.f32 $1.442695020e+00, v37;
	[tilespmem:s24+$0xFFFFFFE0] =	vst v24;
	v24 =	vld [tilespmem:s28+$0x70];
	v60 =	vpop (erf);
	(erf) = vrcp.f32 v40  }
0x3fa: {  	s31 =	sadd.s32 $0x2, s13;
	v45 =	vmov s29;
	vm1 =	vgt.f32 v38, $0.0e+00;
	v59 =	vmul.f32 $1.442695020e+00, v56;
	v36 =	vld [tilespmem:s28+$0xFFFFFF90];
	v61 =	vpop (erf)  }
0x3fb: {  	v44 =	vmov s31;
	v0 =	vmul.f32 v60, v0;
	(erf) = vpow2.f32 v26;
	v26 =	vld [tilespmem:s28+$0xFFFFFF20];
	v62 =	vpop (erf)  }
0x3fc: {  	v50 =	vor.u32 $0x1, v16;
	v48 =	vmul.f32 v61, v32;
	(erf) = vpow2.f32 v59;
	v60 =	vpop (erf)  }
0x3fd: {  	vm0 =	vgt.f32 v37, $0.0e+00;
	v52 =	vmul.f32 v62, v33;
	v63 =	vmul.f32 $1.442695020e+00, v0;
	v61 =	vpop (erf)  }
0x3fe: {  	vm5 =	vgt.f32 v56, $0.0e+00;
	v62 =	vmul.f32 v28, v42;
	v58 =	vmul.f32 v61, v24  }
0x3ff: {  	v49 =	vor.u32 $0x1, v17;
	v55 =	vmul.f32 v55, v36;
	(erf) = vpow2.f32 v63;
	v24 =	vpop (erf)  }
0x400: {  	v51 =	vor.u32 $0x1, v15;
	v54 =	vmul.f32 v54, v26;
	v59 =	vpop (erf);
	v36 =	vmul.f32 $1.442695020e+00, v58  }
0x401: {  	v41 =	vld [tilespmem:s28+$0x10];
	vm2 =	vgt.f32 v48, $0.0e+00;
	v57 =	vmul.f32 $1.442695020e+00, v48;
	v53 =	vmul.f32 v60, v31;
	v60 =	vpop (erf)  }
0x402: {  	v7 =	vld [tilespmem:s28+$0xFFFFFF60];
	v61 =	vadd.f32 $-1.000000000e+00, v24;
	v24 =	vmul.f32 $1.442695020e+00, v54;
	v28 =	vpop (erf);
	(erf) = vpow2.f32 v36  }
0x403: {  	[tilespmem:$0x1FFC0] =	vst v4;
	v39 =	vld [tilespmem:s28+$0xFFFFFF30];
	vm3 =	vgt.f32 v52, $0.0e+00;
	v4 =	vmul.f32 $1.442695020e+00, v62;
	vm10 =	vgt.f32 v62, $0.0e+00  }
0x404: {  	[tilespmem:$0x1FFD0] =	vst v1;
	v40 =	vld [tilespmem:s28+$0xFFFFFFA0];
	vm4 =	vgt.f32 v53, $0.0e+00;
	v63 =	vmul.f32 $1.442695020e+00, v55;
	v1 =	vpop (erf);
	(erf) = vpow2.f32 v24  }
0x405: {  	v32 =	vld [tilespmem:s28+$0xFFFFFF40];
	v10 =	vmul.f32 $1.442695020e+00, v53;
	v26 =	vmul.f32 $1.442695020e+00, v52;
	v24 =	vor.u32 $0x5, v14;
	v14 =	vpop (erf)  }
0x406: {  	v33 =	vld [tilespmem:s28+$0xFFFFFFB0];
	v59 =	vmul.f32 v59, v20;
	(erf) = vpow2.f32 v63;
	v63 =	vadd.f32 $-1.000000000e+00, v14  }
0x407: {  	v42 =	vld [tilespmem:s28+$0xFFFFFFC0];
	vm7 =	vgt.f32 v55, $0.0e+00;
	v60 =	vmul.f32 v60, v21;
	(erf) = vpow2.f32 v4  }
0x408: {  	v31 =	vld [tilespmem:s28+$0x20];
	v14 =	vmov v11;
	(erf) = vpow2.f32 v26;
	v26 =	vsel vm5, v56, v63;
	v4 =	vpop (erf)  }
0x409: {  	v20 =	vmovc v23;
	v23 =	vld [tilespmem:s28+$0xFFFFFFD0];
	v56 =	vor.u32 $0x3, v14;
	(erf) = vpow2.f32 v10;
	v4 =	vadd.f32 $-1.000000000e+00, v4  }
0x40a: {  	v21 =	vmovc v22;
	v22 =	vld [tilespmem:s28+$0x40];
	vm5 =	vgt.f32 v0, $0.0e+00;
	[tilespmem:s25+$0xB0] =	vst v26;
	(erf) = vpow2.f32 v57;
	v57 =	vmul.f32 v28, v19  }
0x40b: {  	v63 =	vld.idx.msk [tilespmem:v24+s18+$0x0], $0xffff;
	v19 =	vmov v25;
	v25 =	vmul.f32 $1.442695020e+00, v59;
	v0 =	vsel vm5, v0, v4;
	v12 =	vpop (erf)  }
0x40c: {  	vm11 =	vgt.f32 v58, $0.0e+00;
	v36 =	vld [tilespmem:s28+$0xFFFFFF50];
	v11 =	vmovc v35;
	v26 =	vmul.f32 $1.442695020e+00, v60;
	[tilespmem:s26+$0x90] =	vst v0;
	v0 =	vadd.f32 $-1.000000000e+00, v12  }
0x40d: {  	v35 =	vld [tilespmem:s28+$0x30];
	v10 =	vor.u32 $0x1, v11;
	v4 =	vmul.f32 $1.442695020e+00, v57;
	(erf) = vpow2.f32 v25;
	v12 =	vpop (erf)  }
0x40e: {  	v24 =	vld [tilespmem:s28+$0xFFFFFF70];
	(erf) = vpow2.f32 v26;
	v12 =	vadd.f32 $-1.000000000e+00, v12;
	v0 =	vsel vm11, v58, v0  }
0x40f: {  	vm8 =	vgt.f32 v54, $0.0e+00;
	v38 =	vsel vm1, v38, v61;
	v25 =	vld.idx.msk [tilespmem:v56+s18+$0x0], $0xffff;
	v56 =	vpop (erf);
	(erf) = vpow2.f32 v4  }
0x410: {  	vm9 =	vgt.f32 v59, $0.0e+00;
	v28 =	vld [tilespmem:s28+$0xFFFFFFE0];
	v4 =	vadd.f32 $-1.000000000e+00, v56;
	v56 =	vpop (erf);
	v58 =	vadd.f32 $1.000000020e-16, v63  }
0x411: {  	v1 =	vadd.f32 $-1.000000000e+00, v1;
	v26 =	vld [tilespmem:s28+$0x50];
	v63 =	vsel vm8, v54, v12;
	v56 =	vadd.f32 $-1.000000000e+00, v56;
	[tilespmem:s28+$0x70] =	vst v0;
	v0 =	vpop (erf)  }
0x412: {  	[tilespmem:s28+$0xFFFFFF20] =	vst v63;
	v4 =	vsel vm7, v55, v4;
	v10 =	vld.idx.msk [tilespmem:v10+s18+$0x0], $0xffff;
	v0 =	vadd.f32 $-1.000000000e+00, v0;
	v12 =	vpop (erf);
	(erf) = vrcp.f32 v58  }
0x413: {  	v1 =	vsel vm0, v37, v1;
	v49 =	vld.idx.msk [tilespmem:v49+s18+$0x0], $0xffff;
	[tilespmem:s28+$0xFFFFFF90] =	vst v4;
	v4 =	vsel vm10, v62, v56;
	v12 =	vadd.f32 $-1.000000000e+00, v12;
	v62 =	vpop (erf)  }
0x414: {  	v51 =	vld.idx.msk [tilespmem:v51+s18+$0x0], $0xffff;
	[tilespmem:s28+$0x0] =	vst v4;
	v58 =	vadd.f32 $1.000000020e-16, v25;
	v4 =	vadd.f32 $-1.000000000e+00, v62;
	v63 =	vsel vm3, v52, v0  }
0x415: {  	vm6 =	vgt.f32 v60, $0.0e+00;
	vm5 =	vgt.f32 v57, $0.0e+00;
	v25 =	vmovc v7;
	v61 =	vld.idx.msk [tilespmem:v50+s18+$0x0], $0xffff;
	[tilespmem:s26+$0xFFFFFFB0] =	vst v63;
	v62 =	vsel vm4, v53, v12  }
0x416: {  	(erf) = vrcp.f32 v58;
	v52 =	vor.u32 $0x5, v9;
	v53 =	vld [tilespmem:s25+$0xC0];
	v4 =	vsel vm2, v48, v4;
	[tilespmem:s26+$0x20] =	vst v62;
	v0 =	vpop (erf)  }
0x417: {  	v54 =	vadd.f32 $1.000000020e-16, v10;
	v63 =	vld.idx.msk [tilespmem:v47+s18+$0x0], $0xffff;
	[tilespmem:s26+$0xFFFFFF40] =	vst v4;
	v4 =	vor.u32 $0x5, v6;
	v0 =	vadd.f32 $-1.000000000e+00, v0;
	v6 =	vpop (erf)  }
0x418: {  	v7 =	vmul.u32 $0x70, v45;
	v56 =	vadd.f32 $1.000000020e-16, v49;
	v10 =	vld.idx.msk [tilespmem:v46+s18+$0x0], $0xffff;
	v55 =	vadd.f32 $-1.000000000e+00, v6;
	v6 =	vpop (erf)  }
0x419: {  	v12 =	vmul.u32 $0x70, v44;
	v43 =	vld.idx.msk [tilespmem:v43+s18+$0x0], $0xffff;
	[tilespmem:s24+$0xFFFFFF70] =	vst v1;
	v1 =	vadd.f32 $1.000000020e-16, v51;
	v58 =	vadd.f32 $-1.000000000e+00, v6  }
0x41a: {  	[tilespmem:s24+$0x50] =	vst v38;
	s24 =	smov.u32 s25;
	s25 =	smov.u32 s26;
	(erf) = vrcp.f32 v54;
	v59 =	vsel vm9, v59, v0;
	v6 =	vmovc v2;
	v2 =	vmovc v17;
	v17 =	vadd.f32 $1.000000020e-16, v61  }
0x41b: {  	(erf) = vrcp.f32 v56;
	[tilespmem:s24+$0xFFFFFFD0] =	vst v59;
	v46 =	vsel vm6, v60, v55;
	v60 =	vld [tilespmem:s25+$0xA0];
	v61 =	vsel vm5, v57, v58;
	v0 =	vpop (erf)  }
0x41c: {  	[tilespmem:s24+$0x40] =	vst v46;
	(erf) = vrcp.f32 v1;
	v1 =	vadd.f32 $1.000000020e-16, v63;
	v44 =	vld.idx.msk [tilespmem:v52+s18+$0x0], $0xffff;
	v0 =	vmul.f32 v0, v53  }
0x41d: {  	v9 =	vmovc v5;
	v5 =	vmovc v15;
	v15 =	vadd.s32 $0x60, v34;
	v7 =	vadd.s32 $0x60, v7;
	[tilespmem:s24+$0xFFFFFF60] =	vst v61;
	(erf) = vrcp.f32 v17;
	v62 =	vld.idx.msk [tilespmem:v8+s18+$0x0], $0xffff  }
0x41e: {  	v12 =	vadd.s32 $0x60, v12;
	v8 =	vmovc v3;
	v3 =	vmovc v16;
	(erf) = vrcp.f32 v1;
	v1 =	vld.idx.msk [tilespmem:v4+s18+$0x0], $0xffff;
	v4 =	vmul.f32 $1.442695020e+00, v0  }
0x41f: {  	v10 =	vadd.f32 $1.000000020e-16, v10;
	v17 =	vbroadcast v15, $0x0;
	v15 =	vbroadcast v7, $0x0;
	v7 =	vld [tilespmem:s28+$0x80];
	v16 =	vpop (erf)  }
0x420: {  	v43 =	vadd.f32 $1.000000020e-16, v43;
	v51 =	vmul.f32 v16, v60;
	(erf) = vpow2.f32 v4  }
0x421: {  	v34 =	vor.u32 $0x4, v14;
	v38 =	vor.u32 $0x4, v9;
	(erf) = vrcp.f32 v10  }
0x422: {  	v37 =	vor.u32 $0x4, v6;
	v4 =	vmul.f32 $1.442695020e+00, v51;
	(erf) = vrcp.f32 v43  }
0x423: {  	vm1 =	vgt.f32 v0, $0.0e+00;
	v16 =	vbroadcast v12, $0x0;
	v10 =	vadd.f32 $1.000000020e-16, v44;
	v12 =	vpop (erf)  }
0x424: {  	v52 =	vadd.f32 $1.000000020e-16, v62;
	v49 =	vmul.f32 v12, v7;
	v7 =	vpop (erf);
	(erf) = vpow2.f32 v4  }
0x425: {  	v44 =	vor.u32 $0x2, v5;
	v46 =	vadd.f32 $1.000000020e-16, v1;
	v50 =	vmul.f32 v7, v39;
	v1 =	vpop (erf)  }
0x426: {  	vm5 =	vgt.f32 v51, $0.0e+00;
	(erf) = vrcp.f32 v10;
	v47 =	vmul.f32 v1, v40  }
0x427: {  	v43 =	vor.u32 $0x2, v2;
	v1 =	vmul.f32 $1.442695020e+00, v49;
	v4 =	vpop (erf);
	v12 =	vmul.f32 $1.442695020e+00, v50  }
0x428: {  	v39 =	vor.u32 $0x2, v3;
	v48 =	vmul.f32 v4, v41;
	v4 =	vpop (erf);
	v10 =	vmul.f32 $1.442695020e+00, v47  }
0x429: {  	vm3 =	vgt.f32 v50, $0.0e+00;
	(erf) = vpow2.f32 v1;
	v45 =	vmul.f32 v4, v29;
	v7 =	vpop (erf)  }
0x42a: {  	p0 =	slt.u32 s13, $0x28;
	vm2 =	vgt.f32 v47, $0.0e+00;
	v63 =	vmul.f32 $1.442695020e+00, v48;
	(erf) = vpow2.f32 v12;
	v4 =	vpop (erf)  }
.Ltmp16:
0x42b: {  	(erf) = vpow2.f32 v10;
	v10 =	vadd.f32 $-1.000000000e+00, v7;
	v41 =	vmul.f32 v4, v30;
	v1 =	vpop (erf);
	(pc) =	sbr.rel @p0 .LBB2_34-.Ltmp16, $4  }
0x42c: {  	v29 =	vmovc v42;
	vm0 =	vgt.f32 v48, $0.0e+00;
	v40 =	vmul.f32 v1, v27;
	v1 =	vmul.f32 $1.442695020e+00, v45  }
0x42d: {  	(erf) = vpow2.f32 v63;
	v0 =	vsel vm1, v0, v10;
	v7 =	vpop (erf);
	v4 =	vmul.f32 $1.442695020e+00, v41  }
0x42e: {  	v30 =	vmovc v35;
	v27 =	vmovc v36;
	vm1 =	vgt.f32 v45, $0.0e+00;
	v53 =	vadd.f32 $-1.000000000e+00, v7;
	(erf) = vpow2.f32 v1  }
0x42f: {  	s4 =	sadd.s32 $0x3, s13;
	s13 =	sadd.s32 $0x4, s13;
	s26 =	smov.u32 s28;
	[tilespmem:s24+$0xC0] =	vst v0;
	v36 =	vpop (erf);
	vm4 =	vgt.f32 v41, $0.0e+00;
	v42 =	vmul.f32 $1.442695020e+00, v40;
	(erf) = vpow2.f32 v4  }
0x430: {  	_ =	sdelay $0x2  }
0x431: {  	v0 =	vmov s4;
	v1 =	vsel vm5, v51, v53;
	(erf) = vpow2.f32 v42  }
0x432: {  	v4 =	vld.idx.msk [tilespmem:v17+s18+$0x0], $0xffff;
	v7 =	vor.u32 $0x2, v11;
	v18 =	vmul.f32 v36, v18;
	vm11 =	vgt.f32 v49, $0.0e+00;
	v10 =	vpop (erf)  }
0x433: {  	v51 =	vld.idx.msk [tilespmem:v15+s18+$0x0], $0xffff;
	vm12 =	vgt.f32 v40, $0.0e+00;
	v0 =	vmul.u32 $0x70, v0;
	[tilespmem:s25+$0xA0] =	vst v1;
	v63 =	vadd.f32 $-1.000000000e+00, v10;
	v42 =	vpop (erf)  }
0x434: {  	v62 =	vor.u32 $0x4, v8;
	v12 =	vld.idx.msk [tilespmem:v34+s18+$0x0], $0xffff;
	(erf) = vrcp.f32 v52;
	v10 =	vadd.f32 $-1.000000000e+00, v42;
	v35 =	vpop (erf)  }
0x435: {  	v54 =	vld.idx.msk [tilespmem:v16+s18+$0x0], $0xffff;
	v0 =	vadd.s32 $0x60, v0;
	v52 =	vadd.f32 $-1.000000000e+00, v35;
	v1 =	vsel vm11, v49, v63  }
0x436: {  	v55 =	vmul.f32 $1.442695020e+00, v18;
	v34 =	vbroadcast v0, $0x0;
	v53 =	vpop (erf);
	v10 =	vsel vm3, v50, v10;
	[tilespmem:s28+$0x80] =	vst v1  }
0x437: {  	(erf) = vrcp.f32 v46;
	v35 =	vadd.f32 $-1.000000000e+00, v53;
	[tilespmem:s28+$0xFFFFFF30] =	vst v10;
	v0 =	vsel vm2, v47, v52;
	v7 =	vld.idx.msk [tilespmem:v7+s18+$0x0], $0xffff  }
0x438: {  	v4 =	vadd.f32 $1.000000020e-16, v4;
	v36 =	vadd.f32 $1.000000020e-16, v51;
	(erf) = vpow2.f32 v55;
	v57 =	vpop (erf);
	[tilespmem:s28+$0xFFFFFFA0] =	vst v0;
	v10 =	vld.idx.msk [tilespmem:v43+s18+$0x0], $0xffff  }
0x439: {  	v60 =	vadd.f32 $1.000000020e-16, v12;
	v59 =	vadd.f32 $-1.000000000e+00, v57;
	v61 =	vpop (erf);
	v56 =	vsel vm0, v48, v35;
	v58 =	vld.idx.msk [tilespmem:v44+s18+$0x0], $0xffff  }
0x43a: {  	v42 =	vadd.f32 $1.000000020e-16, v54;
	v53 =	vld [tilespmem:s25+$0xB0];
	(erf) = vrcp.f32 v4;
	v12 =	vadd.f32 $-1.000000000e+00, v61;
	[tilespmem:s28+$0x10] =	vst v56;
	v63 =	vpop (erf)  }
0x43b: {  	(erf) = vrcp.f32 v60;
	v0 =	vsel vm1, v45, v59;
	v39 =	vld.idx.msk [tilespmem:v39+s18+$0x0], $0xffff;
	v43 =	vadd.f32 $-1.000000000e+00, v63  }
0x43c: {  	v45 =	vld.idx.msk [tilespmem:v34+s18+$0x0], $0xffff;
	(erf) = vrcp.f32 v36;
	[tilespmem:s25+$0xFFFFFFC0] =	vst v0;
	v46 =	vsel vm4, v41, v12;
	v7 =	vadd.f32 $1.000000020e-16, v7  }
0x43d: {  	(erf) = vrcp.f32 v42;
	v48 =	vld.idx.msk [tilespmem:v38+s18+$0x0], $0xffff;
	[tilespmem:s25+$0x30] =	vst v46;
	v10 =	vadd.f32 $1.000000020e-16, v10;
	v47 =	vsel vm12, v40, v43  }
0x43e: {  	v4 =	vld.idx.msk [tilespmem:v62+s18+$0x0], $0xffff;
	v49 =	vadd.f32 $1.000000020e-16, v58;
	(erf) = vrcp.f32 v7;
	[tilespmem:s25+$0xFFFFFF50] =	vst v47  }
0x43f: {  	v51 =	vpop (erf);
	(erf) = vrcp.f32 v10;
	v12 =	vld [tilespmem:$0x1FFC0]  }
0x440: {  	v13 =	vmul.f32 v51, v13;
	v37 =	vld.idx.msk [tilespmem:v37+s18+$0x0], $0xffff;
	v50 =	vadd.f32 $1.000000020e-16, v39;
	(erf) = vrcp.f32 v49  }
0x441: {  	v1 =	vadd.f32 $1.000000020e-16, v45;
	v52 =	vpop (erf)  }
0x442: {  	v54 =	vmul.f32 $1.442695020e+00, v13;
	v35 =	vpop (erf);
	(erf) = vrcp.f32 v50  }
0x443: {  	v56 =	vld [tilespmem:s28+$0x90];
	v55 =	vpop (erf);
	v36 =	vadd.f32 $1.000000020e-16, v48;
	(erf) = vrcp.f32 v1  }
0x444: {  	v57 =	vpop (erf);
	v58 =	vadd.f32 $1.000000020e-16, v4;
	v12 =	vmul.f32 v52, v12;
	(erf) = vpow2.f32 v54  }
0x445: {  	s13 =	sadd.s32 $0x1C0, s28;
	v59 =	vpop (erf);
	v10 =	vmul.f32 v57, v53;
	v60 =	vadd.f32 $1.000000020e-16, v37;
	(erf) = vrcp.f32 v36  }
0x446: {  	v63 =	vld [tilespmem:s13+$0x70];
	v61 =	vpop (erf);
	v62 =	vmul.f32 $1.442695020e+00, v12;
	(erf) = vrcp.f32 v58  }
0x447: {  	v46 =	vld [tilespmem:s13+$0xFFFFFF20];
	v45 =	vmul.f32 $1.442695020e+00, v10;
	v44 =	vpop (erf);
	(erf) = vrcp.f32 v60  }
0x448: {  	v48 =	vld [tilespmem:s13+$0xFFFFFF90];
	v47 =	vpop (erf);
	(erf) = vpow2.f32 v62;
	v37 =	vmul.f32 v44, v56  }
0x449: {  	v50 =	vld [tilespmem:s13+$0x0];
	v49 =	vpop (erf);
	(erf) = vpow2.f32 v45  }
0x44a: {  	v52 =	vmul.f32 $1.442695020e+00, v37  }
0x44b: {  	v51 =	vpop (erf)  }
0x44c: {  	v4 =	vmul.f32 v55, v46;
	v53 =	vpop (erf);
	(erf) = vpow2.f32 v52  }
0x44d: {  	v41 =	vmul.f32 v47, v32;
	v0 =	vmul.f32 v53, v63;
	v32 =	vpop (erf)  }
0x44e: {  	v14 =	vor.u32 $0x5, v14;
	v1 =	vmul.f32 v59, v48;
	v36 =	vmul.f32 v61, v50;
	v55 =	vpop (erf)  }
0x44f: {  	vm4 =	vgt.f32 v4, $0.0e+00;
	v56 =	vmul.f32 $1.442695020e+00, v4;
	v54 =	vmul.f32 $1.442695020e+00, v0;
	v57 =	vpop (erf)  }
0x450: {  	vm13 =	vgt.f32 v10, $0.0e+00;
	v58 =	vmul.f32 $1.442695020e+00, v1;
	v60 =	vmul.f32 $1.442695020e+00, v36;
	v59 =	vpop (erf)  }
0x451: {  	vm5 =	vgt.f32 v1, $0.0e+00;
	v39 =	vmul.f32 v49, v33;
	(erf) = vpow2.f32 v54;
	v33 =	vpop (erf)  }
0x452: {  	v45 =	vor.u32 $0x1, v17;
	v47 =	vor.u32 $0x3, v11;
	(erf) = vpow2.f32 v56;
	v62 =	vpop (erf)  }
0x453: {  	v31 =	vmul.f32 v51, v31;
	(erf) = vpow2.f32 v58;
	v42 =	vadd.f32 $-1.000000000e+00, v62  }
0x454: {  	vm6 =	vgt.f32 v36, $0.0e+00;
	v61 =	vmul.f32 $1.442695020e+00, v39;
	(erf) = vpow2.f32 v60  }
0x455: {  	vm14 =	vgt.f32 v37, $0.0e+00;
	v63 =	vmul.f32 $1.442695020e+00, v31;
	v10 =	vsel vm13, v10, v42;
	v48 =	vpop (erf)  }
0x456: {  	v46 =	vmul.f32 $1.442695020e+00, v41;
	(erf) = vpow2.f32 v61;
	[tilespmem:s25+$0xB0] =	vst v10;
	v49 =	vadd.f32 $-1.000000000e+00, v48  }
0x457: {  	v20 =	vmul.f32 v55, v20;
	vm15 =	vgt.f32 v0, $0.0e+00;
	(erf) = vpow2.f32 v63;
	v14 =	vld.idx.msk [tilespmem:v14+s18+$0x0], $0xffff  }
0x458: {  	v21 =	vmul.f32 v57, v21;
	(erf) = vpow2.f32 v46;
	v10 =	vsel vm14, v37, v49  }
0x459: {  	v57 =	vor.u32 $0x1, v15;
	v7 =	vmul.f32 v59, v19;
	v50 =	vmul.f32 $1.442695020e+00, v20;
	[tilespmem:s26+$0x90] =	vst v10  }
0x45a: {  	v54 =	vor.u32 $0x1, v34;
	v59 =	vor.u32 $0x1, v16;
	v51 =	vmul.f32 $1.442695020e+00, v21;
	v53 =	vpop (erf);
	v43 =	vld.idx.msk [tilespmem:v47+s18+$0x0], $0xffff  }
0x45b: {  	v52 =	vmul.f32 $1.442695020e+00, v7;
	(erf) = vpow2.f32 v50;
	v42 =	vadd.f32 $-1.000000000e+00, v53;
	v56 =	vpop (erf)  }
0x45c: {  	(erf) = vpow2.f32 v51;
	v10 =	vadd.f32 $-1.000000000e+00, v56;
	v58 =	vpop (erf);
	v14 =	vadd.f32 $1.000000020e-16, v14  }
0x45d: {  	(erf) = vpow2.f32 v52;
	v0 =	vsel vm15, v0, v42;
	v42 =	vadd.f32 $-1.000000000e+00, v58;
	v60 =	vpop (erf)  }
0x45e: {  	v4 =	vsel vm4, v4, v10;
	[tilespmem:s13+$0x70] =	vst v0;
	v0 =	vadd.f32 $-1.000000000e+00, v60;
	(erf) = vrcp.f32 v14  }
0x45f: {  	v55 =	vor.u32 $0x3, v5;
	v61 =	vpop (erf);
	[tilespmem:s13+$0xFFFFFF20] =	vst v4;
	v1 =	vsel vm5, v1, v42;
	v19 =	vld.idx.msk [tilespmem:v54+s18+$0x0], $0xffff;
	v42 =	vadd.f32 $1.000000020e-16, v43  }
0x460: {  	v4 =	vadd.f32 $-1.000000000e+00, v61;
	v63 =	vpop (erf);
	v38 =	vld.idx.msk [tilespmem:v45+s18+$0x0], $0xffff;
	[tilespmem:s13+$0xFFFFFF90] =	vst v1;
	v0 =	vsel vm6, v36, v0  }
0x461: {  	vm7 =	vgt.f32 v39, $0.0e+00;
	v62 =	vor.u32 $0x3, v3;
	v44 =	vpop (erf);
	[tilespmem:s13+$0x0] =	vst v0;
	v37 =	vld.idx.msk [tilespmem:v57+s18+$0x0], $0xffff;
	(erf) = vrcp.f32 v42  }
0x462: {  	v43 =	vor.u32 $0x3, v2;
	v1 =	vadd.f32 $-1.000000000e+00, v63;
	v4 =	vsel vm7, v39, v4;
	v10 =	vld.idx.msk [tilespmem:v59+s18+$0x0], $0xffff  }
0x463: {  	vm8 =	vgt.f32 v31, $0.0e+00;
	v46 =	vld [tilespmem:s25+$0xC0];
	v45 =	vadd.f32 $-1.000000000e+00, v44;
	[tilespmem:s26+$0xFFFFFFB0] =	vst v4  }
0x464: {  	vm9 =	vgt.f32 v41, $0.0e+00;
	v49 =	vpop (erf);
	v1 =	vsel vm8, v31, v1;
	v48 =	vld.idx.msk [tilespmem:v55+s18+$0x0], $0xffff;
	v19 =	vadd.f32 $1.000000020e-16, v19  }
0x465: {  	v50 =	vor.u32 $0x5, v9;
	v54 =	vld [tilespmem:s26+$0xA0];
	v52 =	vpop (erf);
	v47 =	vsel vm9, v41, v45;
	[tilespmem:s26+$0x20] =	vst v1;
	v51 =	vadd.f32 $1.000000020e-16, v38  }
0x466: {  	v1 =	vadd.f32 $-1.000000000e+00, v49;
	[tilespmem:s26+$0xFFFFFF40] =	vst v47;
	v14 =	vld.idx.msk [tilespmem:v62+s18+$0x0], $0xffff;
	v53 =	vpop (erf);
	(erf) = vrcp.f32 v19;
	v37 =	vadd.f32 $1.000000020e-16, v37  }
0x467: {  	vm10 =	vgt.f32 v20, $0.0e+00;
	v0 =	vld.idx.msk [tilespmem:v43+s18+$0x0], $0xffff;
	(erf) = vrcp.f32 v51;
	v10 =	vadd.f32 $1.000000020e-16, v10;
	v55 =	vpop (erf)  }
0x468: {  	v1 =	vsel vm10, v20, v1;
	(erf) = vrcp.f32 v37;
	v9 =	vmul.f32 v55, v46  }
0x469: {  	[tilespmem:s25+$0xFFFFFFD0] =	vst v1;
	v56 =	vadd.f32 $1.000000020e-16, v48;
	(erf) = vrcp.f32 v10  }
0x46a: {  	v57 =	vld.idx.msk [tilespmem:v50+s18+$0x0], $0xffff;
	v58 =	vmul.f32 $1.442695020e+00, v9;
	v61 =	vpop (erf)  }
0x46b: {  	v59 =	vld [tilespmem:s13+$0x80];
	v14 =	vadd.f32 $1.000000020e-16, v14;
	(erf) = vrcp.f32 v56;
	v1 =	vmul.f32 v61, v54  }
0x46c: {  	v60 =	vld [tilespmem:s13+$0xFFFFFF30];
	v0 =	vadd.f32 $1.000000020e-16, v0;
	(erf) = vpow2.f32 v58  }
0x46d: {  	v62 =	vld [tilespmem:s13+$0xFFFFFFA0];
	(erf) = vrcp.f32 v14;
	v20 =	vmul.f32 $1.442695020e+00, v1  }
0x46e: {  	v63 =	vld [tilespmem:s13+$0x10];
	(erf) = vrcp.f32 v0  }
0x46f: {  	v4 =	vadd.f32 $1.000000020e-16, v57;
	v40 =	vpop (erf);
	(erf) = vpow2.f32 v20  }
0x470: {  	vm11 =	vgt.f32 v21, $0.0e+00;
	vm12 =	vgt.f32 v7, $0.0e+00;
	v0 =	vmul.f32 v40, v59;
	v41 =	vpop (erf)  }
0x471: {  	v42 =	vor.u32 $0x5, v6;
	v20 =	vmul.f32 v41, v60;
	v44 =	vpop (erf);
	(erf) = vrcp.f32 v4  }
0x472: {  	v43 =	vor.u32 $0x5, v8;
	v45 =	vmul.f32 $1.442695020e+00, v0;
	v10 =	vmul.f32 v44, v62;
	v46 =	vpop (erf)  }
0x473: {  	v19 =	vadd.f32 $-1.000000000e+00, v53;
	v36 =	vmul.f32 $1.442695020e+00, v20;
	v14 =	vmul.f32 v46, v63  }
0x474: {  	v31 =	vadd.f32 $-1.000000000e+00, v52;
	v48 =	vpop (erf);
	(erf) = vpow2.f32 v45;
	v49 =	vmul.f32 $1.442695020e+00, v10  }
0x475: {  	v7 =	vsel vm12, v7, v19;
	v19 =	vmul.f32 v48, v29;
	(erf) = vpow2.f32 v36;
	v6 =	vpop (erf)  }
0x476: {  	v47 =	vsel vm11, v21, v31;
	v50 =	vmul.f32 $1.442695020e+00, v14;
	(erf) = vpow2.f32 v49;
	v52 =	vpop (erf)  }
0x477: {  	[tilespmem:s25+$0x40] =	vst v47;
	v55 =	vmul.f32 $1.442695020e+00, v19;
	v4 =	vmul.f32 v52, v30;
	v54 =	vpop (erf)  }
0x478: {  	[tilespmem:s25+$0xFFFFFF60] =	vst v7;
	v51 =	vld.idx.msk [tilespmem:v43+s18+$0x0], $0xffff;
	(erf) = vpow2.f32 v50;
	v27 =	vmul.f32 v54, v27;
	v58 =	vpop (erf)  }
0x479: {  	v53 =	vld.idx.msk [tilespmem:v42+s18+$0x0], $0xffff;
	v56 =	vmul.f32 $1.442695020e+00, v4;
	v38 =	vadd.f32 $-1.000000000e+00, v58  }
0x47a: {  	vm13 =	vgt.f32 v1, $0.0e+00;
	(erf) = vpow2.f32 v55;
	v59 =	vmul.f32 $1.442695020e+00, v27  }
0x47b: {  	(erf) = vpow2.f32 v56;
	v1 =	vsel vm13, v1, v38  }
0x47c: {  	v60 =	vpop (erf);
	(erf) = vpow2.f32 v59;
	[tilespmem:s26+$0xA0] =	vst v1  }
0x47d: {  	v31 =	vor.u32 $0x4, v5;
	v47 =	vor.u32 $0x2, v16;
	v43 =	vor.u32 $0x2, v34;
	v1 =	vld [tilespmem:$0x1FFE0]  }
0x47e: {  	v57 =	vor.u32 $0x4, v11;
	v7 =	vadd.f32 $1.000000020e-16, v51;
	v21 =	vadd.f32 $1.000000020e-16, v53;
	v61 =	vpop (erf)  }
0x47f: {  	v53 =	vor.u32 $0x4, v3;
	vm15 =	vgt.f32 v0, $0.0e+00;
	v62 =	vadd.f32 $-1.000000000e+00, v61;
	v63 =	vpop (erf)  }
0x480: {  	vm14 =	vgt.f32 v20, $0.0e+00;
	v30 =	vor.u32 $0x2, v17;
	v42 =	vadd.f32 $-1.000000000e+00, v63;
	v44 =	vpop (erf)  }
0x481: {  	(erf) = vrcp.f32 v7;
	v0 =	vsel vm15, v0, v62;
	v46 =	vpop (erf);
	v7 =	vadd.f32 $-1.000000000e+00, v44  }
0x482: {  	v8 =	vmul.f32 v60, v1;
	v1 =	vsel vm14, v20, v42;
	v20 =	vadd.f32 $-1.000000000e+00, v46  }
0x483: {  	v45 =	vor.u32 $0x2, v15;
	vm4 =	vgt.f32 v10, $0.0e+00;
	vm5 =	vgt.f32 v14, $0.0e+00;
	v37 =	vld.idx.msk [tilespmem:v57+s18+$0x0], $0xffff;
	[tilespmem:s13+$0x80] =	vst v0;
	v51 =	vpop (erf)  }
0x484: {  	v48 =	vsel vm4, v10, v7;
	[tilespmem:s13+$0xFFFFFF30] =	vst v1;
	v50 =	vsel vm5, v14, v20;
	v14 =	vadd.f32 $-1.000000000e+00, v51;
	v55 =	vpop (erf)  }
0x485: {  	v29 =	vor.u32 $0x4, v2;
	vm6 =	vgt.f32 v19, $0.0e+00;
	[tilespmem:s13+$0xFFFFFFA0] =	vst v48;
	v57 =	vadd.f32 $-1.000000000e+00, v55;
	v58 =	vpop (erf)  }
0x486: {  	vm7 =	vgt.f32 v4, $0.0e+00;
	v56 =	vld.idx.msk [tilespmem:v30+s18+$0x0], $0xffff;
	[tilespmem:s13+$0x10] =	vst v50;
	v30 =	vadd.f32 $-1.000000000e+00, v58;
	v14 =	vsel vm6, v19, v14  }
0x487: {  	vm8 =	vgt.f32 v27, $0.0e+00;
	v52 =	vld.idx.msk [tilespmem:v43+s18+$0x0], $0xffff;
	v49 =	vmul.f32 $1.442695020e+00, v8;
	[tilespmem:s26+$0xFFFFFFC0] =	vst v14;
	v4 =	vsel vm7, v4, v57  }
0x488: {  	(erf) = vrcp.f32 v21;
	v54 =	vadd.f32 $1.000000020e-16, v37;
	v59 =	vld.idx.msk [tilespmem:v45+s18+$0x0], $0xffff;
	v61 =	vsel vm8, v27, v30;
	[tilespmem:s26+$0x30] =	vst v4  }
0x489: {  	(erf) = vpow2.f32 v49;
	v60 =	vld.idx.msk [tilespmem:v47+s18+$0x0], $0xffff;
	[tilespmem:s26+$0xFFFFFF50] =	vst v61  }
0x48a: {  	(erf) = vrcp.f32 v54;
	v7 =	vld [tilespmem:$0x1FFF0]  }
0x48b: {  	v14 =	vld.idx.msk [tilespmem:v31+s18+$0x0], $0xffff  }
0x48c: {  	v1 =	vadd.f32 $1.000000020e-16, v52;
	v20 =	vld.idx.msk [tilespmem:v53+s18+$0x0], $0xffff  }
0x48d: {  	v63 =	vld.idx.msk [tilespmem:v29+s18+$0x0], $0xffff  }
0x48e: {  	v62 =	vpop (erf);
	v0 =	vadd.f32 $1.000000020e-16, v56;
	(erf) = vrcp.f32 v1;
	v37 =	vld [tilespmem:$0x1FFD0]  }
0x48f: {  	v27 =	vadd.f32 $1.000000020e-16, v59;
	v29 =	vld [tilespmem:s26+$0xB0];
	v7 =	vmul.f32 v62, v7  }
0x490: {  	v30 =	vadd.f32 $1.000000020e-16, v60;
	(erf) = vrcp.f32 v0  }
0x491: {  	v36 =	vpop (erf);
	(erf) = vrcp.f32 v27;
	v31 =	vmul.f32 $1.442695020e+00, v7  }
0x492: {  	(erf) = vrcp.f32 v30;
	v14 =	vadd.f32 $1.000000020e-16, v14;
	v10 =	vpop (erf)  }
0x493: {  	v40 =	vld [tilespmem:s13+$0x90];
	v38 =	vadd.f32 $1.000000020e-16, v20;
	v4 =	vmul.f32 v36, v37;
	v39 =	vpop (erf);
	(erf) = vpow2.f32 v31  }
0x494: {  	v21 =	vadd.f32 $1.000000020e-16, v63;
	v1 =	vmul.f32 v39, v29;
	(erf) = vrcp.f32 v14  }
0x495: {  	v41 =	vmul.f32 $1.442695020e+00, v4;
	(erf) = vrcp.f32 v38  }
0x496: {  	v42 =	vmul.f32 $1.442695020e+00, v1;
	(erf) = vrcp.f32 v21  }
0x497: {  	v43 =	vpop (erf);
	(erf) = vpow2.f32 v41  }
0x498: {  	v0 =	vmul.f32 v43, v40;
	(erf) = vpow2.f32 v42  }
0x499: {  	v44 =	vpop (erf)  }
0x49a: {  	v45 =	vpop (erf);
	v46 =	vmul.f32 $1.442695020e+00, v0  }
0x49b: {  	v47 =	vpop (erf)  }
0x49c: {  	v48 =	vld [tilespmem:s13+$0xFFFFFFB0];
	(erf) = vpow2.f32 v46;
	v14 =	vpop (erf)  }
0x49d: {  	v49 =	vld [tilespmem:s13+$0x20];
	v50 =	vpop (erf)  }
0x49e: {  	v52 =	vpop (erf)  }
0x49f: {  	v51 =	vld [tilespmem:s13+$0xFFFFFF40];
	v53 =	vpop (erf)  }
0x4a0: {  	v19 =	vpop (erf)  }
0x4a1: {  	v54 =	vor.u32 $0x5, v11;
	v21 =	vmul.f32 v45, v48;
	v55 =	vpop (erf)  }
0x4a2: {  	v27 =	vmul.f32 v47, v49;
	v29 =	vadd.f32 $-1.000000000e+00, v55  }
0x4a3: {  	vm9 =	vgt.f32 v1, $0.0e+00;
	v56 =	vmul.f32 $1.442695020e+00, v21  }
0x4a4: {  	v20 =	vmul.f32 v44, v51;
	v57 =	vmul.f32 $1.442695020e+00, v27;
	v1 =	vsel vm9, v1, v29  }
0x4a5: {  	v59 =	vor.u32 $0x3, v34;
	(erf) = vpow2.f32 v56;
	v23 =	vmul.f32 v50, v23;
	v60 =	vpop (erf);
	[tilespmem:s26+$0xB0] =	vst v1  }
0x4a6: {  	v58 =	vmul.f32 $1.442695020e+00, v20;
	v22 =	vmul.f32 v52, v22;
	v29 =	vadd.f32 $-1.000000000e+00, v60;
	v11 =	vld.idx.msk [tilespmem:v54+s18+$0x0], $0xffff  }
0x4a7: {  	vm10 =	vgt.f32 v0, $0.0e+00;
	v61 =	vmul.f32 $1.442695020e+00, v23;
	(erf) = vpow2.f32 v57  }
0x4a8: {  	(erf) = vpow2.f32 v58;
	v1 =	vmul.f32 v53, v25;
	v0 =	vsel vm10, v0, v29  }
0x4a9: {  	v62 =	vmul.f32 $1.442695020e+00, v22;
	[tilespmem:s13+$0x90] =	vst v0  }
0x4aa: {  	(erf) = vpow2.f32 v61;
	v63 =	vmul.f32 $1.442695020e+00, v1;
	v0 =	vld.idx.msk [tilespmem:v59+s18+$0x0], $0xffff  }
0x4ab: {  	(erf) = vpow2.f32 v62;
	v11 =	vadd.f32 $1.000000020e-16, v11  }
0x4ac: {  	(erf) = vpow2.f32 v63  }
0x4ad: {  	(erf) = vrcp.f32 v11  }
0x4ae: {  	v36 =	vor.u32 $0x3, v15;
	v37 =	vpop (erf)  }
0x4af: {  	v25 =	vadd.f32 $-1.000000000e+00, v37;
	v0 =	vadd.f32 $1.000000020e-16, v0  }
0x4b0: {  	v40 =	vor.u32 $0x3, v17;
	v38 =	vor.u32 $0x3, v16;
	vm11 =	vgt.f32 v21, $0.0e+00;
	v39 =	vpop (erf)  }
0x4b1: {  	v21 =	vsel vm11, v21, v25;
	v30 =	vadd.f32 $-1.000000000e+00, v39;
	v41 =	vpop (erf);
	(erf) = vrcp.f32 v0  }
0x4b2: {  	v42 =	vld [tilespmem:s26+$0xC0];
	vm12 =	vgt.f32 v27, $0.0e+00;
	[tilespmem:s13+$0xFFFFFFB0] =	vst v21;
	v25 =	vadd.f32 $-1.000000000e+00, v41  }
0x4b3: {  	vm13 =	vgt.f32 v20, $0.0e+00;
	v44 =	vld.idx.msk [tilespmem:v36+s18+$0x0], $0xffff;
	v45 =	vpop (erf);
	v43 =	vsel vm12, v27, v30  }
0x4b4: {  	v51 =	vld [tilespmem:s13+$0xA0];
	v47 =	vpop (erf);
	v46 =	vsel vm13, v20, v25;
	[tilespmem:s13+$0x20] =	vst v43  }
0x4b5: {  	[tilespmem:s13+$0xFFFFFF40] =	vst v46;
	v21 =	vld.idx.msk [tilespmem:v38+s18+$0x0], $0xffff;
	v48 =	vpop (erf)  }
0x4b6: {  	v49 =	vld.idx.msk [tilespmem:v40+s18+$0x0], $0xffff;
	v50 =	vpop (erf)  }
0x4b7: {  	v11 =	vmul.f32 v50, v42  }
0x4b8: {  	v53 =	vadd.f32 $1.000000020e-16, v44  }
0x4b9: {  	v52 =	vor.u32 $0x5, v5;
	vm14 =	vgt.f32 v23, $0.0e+00;
	v55 =	vmul.f32 $1.442695020e+00, v11  }
0x4ba: {  	v54 =	vadd.f32 $-1.000000000e+00, v45;
	(erf) = vrcp.f32 v53;
	v56 =	vadd.f32 $1.000000020e-16, v21;
	v59 =	vpop (erf)  }
0x4bb: {  	v58 =	vadd.f32 $1.000000020e-16, v49;
	v60 =	vmul.f32 v59, v51;
	(erf) = vpow2.f32 v55  }
0x4bc: {  	v57 =	vsel vm14, v23, v54;
	(erf) = vrcp.f32 v56  }
0x4bd: {  	[tilespmem:s26+$0xFFFFFFD0] =	vst v57;
	v61 =	vmul.f32 $1.442695020e+00, v60;
	(erf) = vrcp.f32 v58  }
0x4be: {  	v0 =	vld.idx.msk [tilespmem:v52+s18+$0x0], $0xffff  }
0x4bf: {  	(erf) = vpow2.f32 v61  }
0x4c0: {  	v62 =	vld [tilespmem:s13+$0xFFFFFFC0]  }
0x4c1: {  	v63 =	vld [tilespmem:s13+$0x30]  }
0x4c2: {  	v36 =	vld [tilespmem:s13+$0xFFFFFF50]  }
0x4c3: {  	v38 =	vor.u32 $0x5, v3;
	v0 =	vadd.f32 $1.000000020e-16, v0;
	v37 =	vpop (erf)  }
0x4c4: {  	vm15 =	vgt.f32 v22, $0.0e+00;
	v39 =	vadd.f32 $-1.000000000e+00, v47;
	v3 =	vpop (erf)  }
0x4c5: {  	v25 =	vadd.f32 $-1.000000000e+00, v48;
	v40 =	vmul.f32 v37, v62;
	(erf) = vrcp.f32 v0;
	v41 =	vpop (erf)  }
0x4c6: {  	v42 =	vor.u32 $0x5, v2;
	v0 =	vsel vm15, v22, v39;
	v5 =	vmul.f32 v41, v63;
	v43 =	vpop (erf)  }
0x4c7: {  	vm4 =	vgt.f32 v1, $0.0e+00;
	v45 =	vmul.f32 $1.442695020e+00, v40;
	[tilespmem:s26+$0x40] =	vst v0;
	v44 =	vmul.f32 v43, v36  }
0x4c8: {  	v48 =	vor.u32 $0x4, v34;
	v1 =	vsel vm4, v1, v25;
	v47 =	vld.idx.msk [tilespmem:v38+s18+$0x0], $0xffff;
	v49 =	vpop (erf);
	v46 =	vmul.f32 $1.442695020e+00, v5  }
0x4c9: {  	(erf) = vpow2.f32 v45;
	v51 =	vadd.f32 $-1.000000000e+00, v49;
	v50 =	vmul.f32 $1.442695020e+00, v44  }
0x4ca: {  	[tilespmem:s26+$0xFFFFFF60] =	vst v1;
	vm5 =	vgt.f32 v60, $0.0e+00;
	(erf) = vpow2.f32 v46  }
0x4cb: {  	v52 =	vld.idx.msk [tilespmem:v42+s18+$0x0], $0xffff;
	v1 =	vsel vm5, v60, v51;
	(erf) = vpow2.f32 v50  }
0x4cc: {  	[tilespmem:s13+$0xA0] =	vst v1  }
0x4cd: {  	v53 =	vadd.f32 $1.000000020e-16, v47;
	v54 =	vld.idx.msk [tilespmem:v48+s18+$0x0], $0xffff  }
0x4ce: {  	v55 =	vpop (erf)  }
0x4cf: {  	v2 =	vmul.f32 v55, v28;
	(erf) = vrcp.f32 v53  }
0x4d0: {  	v0 =	vadd.f32 $1.000000020e-16, v52  }
0x4d1: {  	v57 =	vor.u32 $0x4, v15;
	v58 =	vmul.f32 $1.442695020e+00, v2  }
0x4d2: {  	v56 =	vor.u32 $0x4, v17;
	(erf) = vrcp.f32 v0;
	v59 =	vpop (erf);
	v21 =	vadd.f32 $1.000000020e-16, v54  }
0x4d3: {  	v60 =	vor.u32 $0x4, v16;
	v25 =	vadd.f32 $-1.000000000e+00, v59;
	(erf) = vpow2.f32 v58;
	v61 =	vpop (erf)  }
0x4d4: {  	vm6 =	vgt.f32 v40, $0.0e+00;
	v62 =	vadd.f32 $-1.000000000e+00, v61;
	v63 =	vpop (erf);
	(erf) = vrcp.f32 v21  }
0x4d5: {  	vm7 =	vgt.f32 v5, $0.0e+00;
	v20 =	vsel vm6, v40, v25;
	v28 =	vadd.f32 $-1.000000000e+00, v63  }
0x4d6: {  	v37 =	vld [tilespmem:s13+$0xB0];
	vm8 =	vgt.f32 v44, $0.0e+00;
	[tilespmem:s13+$0xFFFFFFC0] =	vst v20;
	v0 =	vsel vm7, v5, v62  }
0x4d7: {  	v20 =	vld.idx.msk [tilespmem:v57+s18+$0x0], $0xffff;
	v31 =	vsel vm8, v44, v28;
	[tilespmem:s13+$0x30] =	vst v0  }
0x4d8: {  	v36 =	vpop (erf);
	[tilespmem:s13+$0xFFFFFF50] =	vst v31;
	v0 =	vld.idx.msk [tilespmem:v60+s18+$0x0], $0xffff  }
0x4d9: {  	v5 =	vmul.f32 v36, v26;
	v1 =	vld.idx.msk [tilespmem:v56+s18+$0x0], $0xffff;
	_ =	sdelay $0x1  }
0x4da: {  	v39 =	vpop (erf);
	v38 =	vmul.f32 $1.442695020e+00, v5  }
0x4db: {  	v25 =	vpop (erf);
	v40 =	vadd.f32 $1.000000020e-16, v20  }
0x4dc: {  	v20 =	vmul.f32 v39, v24;
	(erf) = vpow2.f32 v38;
	v0 =	vadd.f32 $1.000000020e-16, v0;
	v41 =	vpop (erf)  }
0x4dd: {  	(erf) = vrcp.f32 v40;
	v1 =	vadd.f32 $1.000000020e-16, v1;
	v21 =	vmul.f32 v41, v37  }
0x4de: {  	v42 =	vmul.f32 $1.442695020e+00, v20;
	(erf) = vrcp.f32 v0  }
0x4df: {  	v43 =	vmul.f32 $1.442695020e+00, v21;
	(erf) = vrcp.f32 v1  }
0x4e0: {  	(erf) = vpow2.f32 v42  }
0x4e1: {  	(erf) = vpow2.f32 v43;
	_ =	sdelay $0x3  }
0x4e2: {  	v0 =	vpop (erf)  }
0x4e3: {  	v44 =	vpop (erf)  }
0x4e4: {  	v45 =	vld [tilespmem:s13+$0xFFFFFFD0];
	v46 =	vpop (erf)  }
0x4e5: {  	v47 =	vld [tilespmem:s13+$0x40];
	v48 =	vpop (erf)  }
0x4e6: {  	v49 =	vld [tilespmem:s13+$0xFFFFFF60];
	v28 =	vpop (erf)  }
0x4e7: {  	v50 =	vor.u32 $0x5, v34;
	v51 =	vpop (erf)  }
0x4e8: {  	v30 =	vadd.f32 $-1.000000000e+00, v51  }
0x4e9: {  	vm9 =	vgt.f32 v21, $0.0e+00;
	v1 =	vmul.f32 v44, v45  }
0x4ea: {  	v52 =	vmul.f32 v46, v47;
	v21 =	vsel vm9, v21, v30  }
0x4eb: {  	v54 =	vmul.f32 $1.442695020e+00, v1;
	v53 =	vmul.f32 v48, v49;
	[tilespmem:s13+$0xB0] =	vst v21  }
0x4ec: {  	v56 =	vmul.f32 $1.442695020e+00, v52;
	v55 =	vld.idx.msk [tilespmem:v50+s18+$0x0], $0xffff  }
0x4ed: {  	(erf) = vpow2.f32 v54;
	v27 =	vmul.f32 $1.442695020e+00, v53  }
0x4ee: {  	(erf) = vpow2.f32 v56  }
0x4ef: {  	(erf) = vpow2.f32 v27;
	_ =	sdelay $0x1  }
0x4f0: {  	v57 =	vadd.f32 $1.000000020e-16, v55;
	_ =	sdelay $0x1  }
0x4f1: {  	(erf) = vrcp.f32 v57;
	_ =	sdelay $0x2  }
0x4f2: {  	v59 =	vor.u32 $0x5, v15;
	v58 =	vpop (erf)  }
0x4f3: {  	v61 =	vor.u32 $0x5, v16;
	v23 =	vadd.f32 $-1.000000000e+00, v58;
	v60 =	vpop (erf)  }
0x4f4: {  	v63 =	vld [tilespmem:s13+$0xC0];
	v62 =	vor.u32 $0x5, v17;
	vm10 =	vgt.f32 v1, $0.0e+00;
	v24 =	vadd.f32 $-1.000000000e+00, v60;
	v27 =	vpop (erf)  }
0x4f5: {  	vm11 =	vgt.f32 v52, $0.0e+00;
	v1 =	vsel vm10, v1, v23;
	v30 =	vadd.f32 $-1.000000000e+00, v27  }
0x4f6: {  	vm12 =	vgt.f32 v53, $0.0e+00;
	[tilespmem:s13+$0xFFFFFFD0] =	vst v1;
	v31 =	vsel vm11, v52, v24  }
0x4f7: {  	v34 =	vld.idx.msk [tilespmem:v59+s18+$0x0], $0xffff;
	v21 =	vsel vm12, v53, v30;
	[tilespmem:s13+$0x40] =	vst v31  }
0x4f8: {  	[tilespmem:s13+$0xFFFFFF60] =	vst v21;
	v16 =	vld.idx.msk [tilespmem:v61+s18+$0x0], $0xffff;
	v36 =	vpop (erf)  }
0x4f9: {  	v17 =	vld.idx.msk [tilespmem:v62+s18+$0x0], $0xffff;
	v15 =	vmul.f32 v36, v63;
	_ =	sdelay $0x1  }
0x4fa: {  	v37 =	vmul.f32 $1.442695020e+00, v15  }
0x4fb: {  	v1 =	vadd.f32 $1.000000020e-16, v34  }
0x4fc: {  	v16 =	vadd.f32 $1.000000020e-16, v16;
	(erf) = vpow2.f32 v37  }
0x4fd: {  	v17 =	vadd.f32 $1.000000020e-16, v17;
	(erf) = vrcp.f32 v1  }
0x4fe: {  	(erf) = vrcp.f32 v16  }
0x4ff: {  	(erf) = vrcp.f32 v17;
	_ =	sdelay $0x2  }
0x500: {  	v38 =	vld [tilespmem:s13+$0xFFFFFFE0]  }
0x501: {  	v39 =	vld [tilespmem:s13+$0x50]  }
0x502: {  	v40 =	vld [tilespmem:s13+$0xFFFFFF70]  }
0x503: {  	v21 =	vpop (erf)  }
0x504: {  	v42 =	vpop (erf)  }
0x505: {  	v6 =	vadd.f32 $-1.000000000e+00, v6;
	vm13 =	vgt.f32 v18, $0.0e+00;
	v1 =	vmul.f32 v42, v38;
	v43 =	vpop (erf)  }
0x506: {  	vm14 =	vgt.f32 v13, $0.0e+00;
	vm4 =	vgt.f32 v9, $0.0e+00;
	v16 =	vmul.f32 v43, v39;
	v45 =	vpop (erf)  }
0x507: {  	v6 =	vsel vm4, v9, v6;
	v17 =	vmul.f32 v45, v40;
	v46 =	vmul.f32 $1.442695020e+00, v1  }
0x508: {  	v3 =	vadd.f32 $-1.000000000e+00, v3;
	vm8 =	vgt.f32 v11, $0.0e+00;
	v48 =	vmul.f32 $1.442695020e+00, v16  }
0x509: {  	v41 =	vadd.f32 $-1.000000000e+00, v35;
	(erf) = vpow2.f32 v46;
	v49 =	vmul.f32 $1.442695020e+00, v17  }
0x50a: {  	[tilespmem:s25+$0xC0] =	vst v6;
	v3 =	vsel vm8, v11, v3;
	v44 =	vadd.f32 $-1.000000000e+00, v32;
	(erf) = vpow2.f32 v48  }
0x50b: {  	[tilespmem:s26+$0xC0] =	vst v3;
	v18 =	vsel vm13, v18, v41;
	v47 =	vadd.f32 $-1.000000000e+00, v33;
	(erf) = vpow2.f32 v49  }
0x50c: {  	v10 =	vadd.f32 $-1.000000000e+00, v10;
	vm15 =	vgt.f32 v12, $0.0e+00;
	[tilespmem:s24+$0xFFFFFFE0] =	vst v18;
	v13 =	vsel vm14, v13, v44  }
0x50d: {  	vm5 =	vgt.f32 v8, $0.0e+00;
	[tilespmem:s24+$0x50] =	vst v13;
	v54 =	vadd.f32 $-1.000000000e+00, v25;
	v12 =	vsel vm15, v12, v47  }
0x50e: {  	v0 =	vadd.f32 $-1.000000000e+00, v0;
	[tilespmem:s24+$0xFFFFFF70] =	vst v12;
	v51 =	vsel vm5, v8, v10;
	vm9 =	vgt.f32 v2, $0.0e+00  }
0x50f: {  	[tilespmem:s25+$0xFFFFFFE0] =	vst v51;
	v2 =	vsel vm9, v2, v54;
	v50 =	vadd.f32 $-1.000000000e+00, v14;
	vm10 =	vgt.f32 v5, $0.0e+00  }
0x510: {  	vm6 =	vgt.f32 v7, $0.0e+00;
	[tilespmem:s26+$0xFFFFFFE0] =	vst v2;
	v55 =	vadd.f32 $-1.000000000e+00, v28;
	v0 =	vsel vm10, v5, v0  }
0x511: {  	[tilespmem:s26+$0x50] =	vst v0;
	v52 =	vadd.f32 $-1.000000000e+00, v19;
	vm11 =	vgt.f32 v20, $0.0e+00;
	v53 =	vsel vm6, v7, v50  }
0x512: {  	vm7 =	vgt.f32 v4, $0.0e+00;
	v3 =	vsel vm11, v20, v55;
	[tilespmem:s25+$0x50] =	vst v53;
	v56 =	vadd.f32 $-1.000000000e+00, v21;
	v57 =	vpop (erf)  }
0x513: {  	v4 =	vsel vm7, v4, v52;
	[tilespmem:s26+$0xFFFFFF70] =	vst v3;
	vm12 =	vgt.f32 v15, $0.0e+00;
	v58 =	vadd.f32 $-1.000000000e+00, v57;
	v59 =	vpop (erf)  }
0x514: {  	[tilespmem:s25+$0xFFFFFF70] =	vst v4;
	v2 =	vsel vm12, v15, v56;
	vm13 =	vgt.f32 v1, $0.0e+00;
	v60 =	vadd.f32 $-1.000000000e+00, v59;
	v61 =	vpop (erf)  }
0x515: {  	[tilespmem:s13+$0xC0] =	vst v2;
	vm14 =	vgt.f32 v16, $0.0e+00;
	v0 =	vsel vm13, v1, v58;
	v62 =	vadd.f32 $-1.000000000e+00, v61  }
0x516: {  	s31 =	rddreg [dreg:$0x1b];
	vm15 =	vgt.f32 v17, $0.0e+00;
	[tilespmem:s13+$0xFFFFFFE0] =	vst v0;
	v63 =	vsel vm14, v16, v60  }
0x517: {  	s4 =	sadd.s32 s31, s23;
	v1 =	vsel vm15, v17, v62;
	[tilespmem:s13+$0x50] =	vst v63  }
0x518: {  	s22 =	sadd.s32 $0x1, s22;
	s4 =	smul.u32 $0xE, s4;
	[tilespmem:s13+$0xFFFFFF70] =	vst v1  }
0x519: {  	p0 =	sne.s32 s22, $0xF;
	s5 =	rddreg [dreg:$0x5]  }
.Ltmp17:
0x51a: {  	s4 =	sadd.s32 s5, s4;
	(pc) =	sbr.rel @p0 .LBB2_33-.Ltmp17, $4  }
0x51b: {  	[hbm4b:s4+s2] =	stream.linear.scatter [tilespmem:s18], [sflag:$0x5], $0x1340, $0x38;
	[tilespmem:$0x1F780] =	vst v63  }
0x51c: {  	_ =	swait.ge [sflag:s30], $0x1340  }
0x51d: {  	[sflag:s30] =	ssyncset.done $0x0  }
0x51e: {  	[sflag:s30] =	ssyncadd.s32 $0xFFFFECC0  }
0x51f: {  	s5 =	rddreg [dreg:$0x1a]  }
0x520: {  	s5 =	sadd.s32 $0x1, s5  }
0x521: {  	p0 =	sne.s32 s5, $0x5  }
.Ltmp18:
0x522: {  	_ = 	snop;
	(pc) =	sbr.rel @p0 .LBB2_4-.Ltmp18, $4  }
.Ltmp19:
0x523: {  	_ = 	snop;
	(pc) =	sbr.rel @!p0 .LBB2_37-.Ltmp19, $4  }
0x524: {  	_ = 	snop  }
0x525: {  	[bflag:$0x0] =	sbarrier.arrive $0xFFFF  }
0x526: {  	v1 =	vimm.s32 $0x0  }
0x527: {  	_ = 	snop  }
.LBB2_31:
0x528: {  	s25 =	sadd.s32 $0x1, s25  }
0x529: {  	p0 =	sne.s32 s25, s23  }
.Ltmp20:
0x52a: {  	_ = 	snop;
	(pc) =	sbr.rel @!p0 .LBB2_32-.Ltmp20, $2  }
0x52b: {  	_ =	sdelay $0x2  }
0x52c: {  	s24 =	sadd.s32 $0x100, s24  }
.LBB2_23:
0x52d: {  	s26 =	sshll.u32 s25, $0x1  }
0x52e: {  	p0 =	sge.s32 s26, s22  }
.Ltmp21:
0x52f: {  	_ = 	snop;
	(pc) =	sbr.rel @p0 .LBB2_27-.Ltmp21, $1  }
0x530: {  	_ =	sdelay $0x3  }
0x531: {  	_ =	swait.ge [sflag:s12], $0x3800  }
0x532: {  	[sflag:s12] =	ssyncset.done $0x0  }
0x533: {  	[sflag:s12] =	ssyncadd.s32 $0xFFFFC800  }
0x534: {  	_ =	swait.ge [sflag:s0], $0x800  }
0x535: {  	[sflag:s0] =	ssyncset.done $0x0  }
0x536: {  	s4 =	sshll.u32 s25, $0x8;
	[sflag:s0] =	ssyncadd.s32 $0xFFFFF800  }
0x537: {  	v3 =	vld [tilespmem:s4+$0xFA0];
	_ =	sdelay $0x4  }
0x538: {  	v3 =	vsub.s32 v3, v2  }
0x539: {  	[tilespmem:$0x2FC0] =	vst v3  }
0x53a: {  	v3 =	vld [tilespmem:s4+$0xFB0];
	_ =	sdelay $0x4  }
0x53b: {  	v3 =	vsub.s32 v3, v2  }
0x53c: {  	[tilespmem:$0x2FD0] =	vst v3  }
0x53d: {  	v3 =	vld [tilespmem:s4+$0xFC0];
	_ =	sdelay $0x4  }
0x53e: {  	v3 =	vsub.s32 v3, v2  }
0x53f: {  	[tilespmem:$0x2FE0] =	vst v3  }
0x540: {  	v3 =	vld [tilespmem:s4+$0xFD0];
	_ =	sdelay $0x4  }
0x541: {  	v3 =	vsub.s32 v3, v2  }
0x542: {  	[tilespmem:$0x2FF0] =	vst v3  }
0x543: {  	v3 =	vld [tilespmem:s4+$0xFE0];
	_ =	sdelay $0x4  }
0x544: {  	v3 =	vsub.s32 v3, v2  }
0x545: {  	[tilespmem:$0x3000] =	vst v3  }
0x546: {  	v3 =	vld [tilespmem:s4+$0xFF0];
	_ =	sdelay $0x4  }
0x547: {  	v3 =	vsub.s32 v3, v2  }
0x548: {  	[tilespmem:$0x3010] =	vst v3  }
0x549: {  	v3 =	vld [tilespmem:s4+$0x1000];
	_ =	sdelay $0x4  }
0x54a: {  	v3 =	vsub.s32 v3, v2  }
0x54b: {  	[tilespmem:$0x3020] =	vst v3  }
0x54c: {  	v3 =	vld [tilespmem:s4+$0x1010];
	_ =	sdelay $0x4  }
0x54d: {  	v3 =	vsub.s32 v3, v2  }
0x54e: {  	s13 =	simm.s32 $0x3120;
	[tilespmem:$0x3030] =	vst v3  }
0x54f: {  	s8 =	simm.s32 $0xA060;
	v3 =	vld [tilespmem:s13+$0xD0]  }
0x550: {  	v4 =	vld [tilespmem:s8+$0x10];
	_ =	sdelay $0x1  }
0x551: {  	v5 =	vld [tilespmem:s13+$0xFFFFFFF0]  }
0x552: {  	v6 =	vld [tilespmem:s8+$0xFFFFFFF0];
	_ =	sdelay $0x1  }
0x553: {  	v8 =	vld [tilespmem:s8+$0x0];
	v3 =	vadd.f32 v4, v3  }
0x554: {  	v4 =	vld [tilespmem:s13+$0x60]  }
0x555: {  	v7 =	vld [tilespmem:s8+$0xFFFFFFE0];
	v9 =	vmul.f32 $2.000000030e-01, v3  }
0x556: {  	v10 =	vld [tilespmem:s13+$0xFFFFFF80];
	v5 =	vadd.f32 v6, v5;
	vm0 =	vge.f32 v3, $0.0e+00  }
0x557: {  	v3 =	vsel vm0, v3, v9  }
0x558: {  	v6 =	vmul.f32 $2.000000030e-01, v5;
	v3 =	vmul.f32 $1.442695020e+00, v3  }
0x559: {  	vm14 =	vge.f32 v5, $0.0e+00;
	v4 =	vadd.f32 v8, v4  }
0x55a: {  	(erf) = vpow2.f32 v3;
	v3 =	vsel vm14, v5, v6  }
0x55b: {  	v5 =	vadd.f32 v7, v10;
	v6 =	vmul.f32 $2.000000030e-01, v4;
	v3 =	vmul.f32 $1.442695020e+00, v3  }
0x55c: {  	vm15 =	vge.f32 v4, $0.0e+00  }
0x55d: {  	s10 =	simm.s32 $0x3;
	v7 =	vmul.f32 $2.000000030e-01, v5;
	v4 =	vsel vm15, v4, v6;
	(erf) = vpow2.f32 v3  }
0x55e: {  	v8 =	vmov s10;
	vm1 =	vge.f32 v5, $0.0e+00;
	v4 =	vmul.f32 $1.442695020e+00, v4  }
0x55f: {  	s5 =	simm.s32 $0x1;
	v6 =	vmul.u32 $0x70, v8;
	v3 =	vsel vm1, v5, v7  }
0x560: {  	s11 =	sadd.s32 $0x0, s24;
	s10 =	simm.s32 $0x0;
	v3 =	vmul.f32 $1.442695020e+00, v3;
	(erf) = vpow2.f32 v4;
	v4 =	vmov s5  }
0x561: {  	s8 =	sadd.s32 $0x3, s11;
	v11 =	vld [tilespmem:s13+$0xFFFFFFA0];
	v5 =	vadd.s32 $0x60, v6;
	v6 =	vmov s10  }
0x562: {  	s19 =	simm.s32 $0x2;
	v17 =	vld [tilespmem:s13+$0x10];
	p0 =	slt.s32 s8, s21;
	v15 =	vbroadcast v5, $0x0;
	s5 =	simm.f32 $1.000000000e+00;
	v6 =	vmul.u32 $0x70, v6;
	(erf) = vpow2.f32 v3  }
0x563: {  	v16 =	vld [tilespmem:s13+$0xFFFFFF40];
	v5 =	vmov s19;
	s5 =	simm.s32 @!p0 $0x0;
	v3 =	vmul.u32 $0x70, v4;
	v4 =	vpop (erf)  }
0x564: {  	s20 =	sadd.s32 $0x1, s11;
	v18 =	vld [tilespmem:s13+$0xFFFFFFB0];
	v5 =	vmul.u32 $0x70, v5;
	v4 =	vmul.f32 s5, v4  }
0x565: {  	v21 =	vld [tilespmem:s13+$0x20];
	p0 =	slt.s32 s20, s21;
	s5 =	simm.f32 $1.000000000e+00  }
0x566: {  	v20 =	vld [tilespmem:s13+$0x70];
	v3 =	vadd.s32 $0x60, v3;
	s5 =	simm.s32 @!p0 $0x0;
	[tilespmem:s13+$0xD0] =	vst v4;
	v4 =	vadd.s32 $0x60, v5;
	v5 =	vadd.s32 $0x60, v6;
	v6 =	vpop (erf)  }
0x567: {  	v14 =	vld [tilespmem:s13+$0xFFFFFF50];
	v3 =	vbroadcast v3, $0x0;
	v6 =	vmul.f32 s5, v6  }
0x568: {  	s31 =	sadd.s32 $0x2, s11;
	v19 =	vld.idx.msk [tilespmem:v15+s9+$0x0], $0xffff;
	v4 =	vbroadcast v4, $0x0  }
0x569: {  	v12 =	vld [tilespmem:s13+$0xFFFFFFC0];
	s8 =	simm.f32 $1.000000000e+00;
	p0 =	slt.s32 s31, s21;
	v5 =	vbroadcast v5, $0x0  }
0x56a: {  	p1 =	slt.s32 s11, s21;
	s4 =	simm.f32 $1.000000000e+00;
	v9 =	vld [tilespmem:s13+$0xFFFFFF20];
	s8 =	simm.s32 @!p0 $0x0;
	v22 =	vpop (erf)  }
0x56b: {  	s4 =	simm.s32 @!p1 $0x0;
	v8 =	vld [tilespmem:s13+$0xFFFFFF90];
	v23 =	vor.u32 $0x1, v15;
	[tilespmem:s13+$0xFFFFFFF0] =	vst v6;
	v22 =	vmul.f32 s8, v22;
	v6 =	vpop (erf)  }
0x56c: {  	v7 =	vld [tilespmem:s13+$0x0];
	v25 =	vmul.f32 s4, v6  }
0x56d: {  	v24 =	vld.idx.msk [tilespmem:v3+s9+$0x0], $0xffff;
	[tilespmem:s13+$0x60] =	vst v22;
	v19 =	vmul.f32 v20, v19  }
0x56e: {  	v20 =	vld.idx.msk [tilespmem:v4+s9+$0x0], $0xffff;
	[tilespmem:s13+$0xFFFFFF80] =	vst v25  }
0x56f: {  	[tilespmem:s13+$0x70] =	vst v19;
	v22 =	vld.idx.msk [tilespmem:v5+s9+$0x0], $0xffff  }
0x570: {  	v19 =	vld.idx.msk [tilespmem:v23+s9+$0x0], $0xffff  }
0x571: {  	v58 =	vor.u32 $0x1, v3;
	v23 =	vld [tilespmem:s13+$0x80]  }
0x572: {  	v13 =	vld [tilespmem:s13+$0x30];
	v59 =	vor.u32 $0x1, v4  }
0x573: {  	v60 =	vld [tilespmem:s13+$0x90];
	v26 =	vor.u32 $0x1, v5;
	v8 =	vmul.f32 v8, v24  }
0x574: {  	v10 =	vld [tilespmem:s13+$0xFFFFFF30];
	v7 =	vmul.f32 v7, v20;
	v20 =	vor.u32 $0x2, v15  }
0x575: {  	v6 =	vld [tilespmem:s13+$0xFFFFFF60];
	[tilespmem:s13+$0xFFFFFF90] =	vst v8;
	v22 =	vmul.f32 v9, v22  }
0x576: {  	v8 =	vld.idx.msk [tilespmem:v58+s9+$0x0], $0xffff;
	[tilespmem:s13+$0x0] =	vst v7;
	v7 =	vmul.f32 v23, v19  }
0x577: {  	v19 =	vld.idx.msk [tilespmem:v59+s9+$0x0], $0xffff;
	[tilespmem:s13+$0xFFFFFF20] =	vst v22  }
0x578: {  	[tilespmem:s13+$0x80] =	vst v7;
	v22 =	vld.idx.msk [tilespmem:v26+s9+$0x0], $0xffff  }
0x579: {  	v23 =	vor.u32 $0x2, v3;
	v20 =	vld.idx.msk [tilespmem:v20+s9+$0x0], $0xffff  }
0x57a: {  	v61 =	vor.u32 $0x2, v4;
	v9 =	vld [tilespmem:s13+$0x40]  }
0x57b: {  	v62 =	vor.u32 $0x2, v5;
	v7 =	vmul.f32 v11, v8;
	v11 =	vld [tilespmem:s13+$0xFFFFFFD0]  }
0x57c: {  	v8 =	vld [tilespmem:s13+$0xFFFFFF70];
	v17 =	vmul.f32 v17, v19;
	v19 =	vor.u32 $0x3, v15  }
0x57d: {  	[tilespmem:s13+$0xFFFFFFA0] =	vst v7;
	v7 =	vld [tilespmem:s13+$0xFFFFFFE0];
	v10 =	vmul.f32 v10, v22  }
0x57e: {  	v23 =	vld.idx.msk [tilespmem:v23+s9+$0x0], $0xffff;
	[tilespmem:s13+$0x10] =	vst v17;
	v17 =	vmul.f32 v60, v20  }
0x57f: {  	v63 =	vld.idx.msk [tilespmem:v61+s9+$0x0], $0xffff;
	[tilespmem:s13+$0xFFFFFF30] =	vst v10  }
0x580: {  	[tilespmem:s13+$0x90] =	vst v17;
	v20 =	vld.idx.msk [tilespmem:v62+s9+$0x0], $0xffff  }
0x581: {  	v17 =	vld.idx.msk [tilespmem:v19+s9+$0x0], $0xffff  }
0x582: {  	s28 =	simm.s32 $0x32E0;
	v19 =	vld [tilespmem:s13+$0xA0]  }
0x583: {  	v22 =	vld [tilespmem:s28+$0xD0];
	v18 =	vmul.f32 v18, v23  }
0x584: {  	s29 =	simm.s32 $0xA0A0;
	v10 =	vld [tilespmem:s13+$0x50]  }
0x585: {  	s19 =	simm.s32 $0x4;
	s4 =	simm.s32 $0x8;
	v23 =	vld [tilespmem:s29+$0x10];
	[tilespmem:s13+$0xFFFFFFB0] =	vst v18;
	v18 =	vmul.f32 v21, v63;
	v21 =	vor.u32 $0x4, v15  }
.LBB2_25:
0x586: {  	p0 =	slt.u32 s4, $0x7C;
	v25 =	vld [tilespmem:s29+$0xFFFFFFE0];
	v16 =	vmul.f32 v16, v20  }
0x587: {  	v20 =	vld [tilespmem:s28+$0xFFFFFFF0];
	[tilespmem:s13+$0x20] =	vst v18;
	v17 =	vmul.f32 v19, v17  }
0x588: {  	v18 =	vld [tilespmem:s29+$0xFFFFFFF0];
	[tilespmem:s13+$0xFFFFFF40] =	vst v16  }
0x589: {  	v16 =	vld [tilespmem:s28+$0x60];
	[tilespmem:s13+$0xA0] =	vst v17  }
0x58a: {  	v17 =	vadd.f32 v23, v22;
	v19 =	vld.idx.msk [tilespmem:v21+s9+$0x0], $0xffff  }
0x58b: {  	v21 =	vld [tilespmem:s13+$0xB0]  }
0x58c: {  	v26 =	vld [tilespmem:s29+$0x0];
	v23 =	vmul.f32 $2.000000030e-01, v17  }
0x58d: {  	vm0 =	vge.f32 v17, $0.0e+00;
	v27 =	vld [tilespmem:s28+$0xFFFFFF80];
	v18 =	vadd.f32 v18, v20  }
0x58e: {  	v15 =	vor.u32 $0x5, v15;
	v22 =	vld [tilespmem:s28+$0xFFFFFF20];
	v17 =	vsel vm0, v17, v23  }
0x58f: {  	vm0 =	vge.f32 v18, $0.0e+00;
	v20 =	vmul.f32 $2.000000030e-01, v18;
	v24 =	vld [tilespmem:s28+$0xFFFFFF90];
	v28 =	vmul.f32 $1.442695020e+00, v17  }
0x590: {  	v23 =	vld [tilespmem:s28+$0x0];
	v19 =	vmul.f32 v21, v19  }
0x591: {  	v17 =	vld [tilespmem:s28+$0xFFFFFF30];
	v18 =	vsel vm0, v18, v20;
	v16 =	vadd.f32 v26, v16;
	(erf) = vpow2.f32 v28  }
0x592: {  	v26 =	vor.u32 $0x3, v5;
	v25 =	vadd.f32 v25, v27;
	v18 =	vmul.f32 $1.442695020e+00, v18;
	v20 =	vld [tilespmem:s28+$0xFFFFFFA0];
	[tilespmem:s13+$0xB0] =	vst v19  }
0x593: {  	s5 =	sadd.s32 $0x3, s19;
	v27 =	vor.u32 $0x3, v3;
	vm0 =	vge.f32 v16, $0.0e+00;
	v19 =	vmul.f32 $2.000000030e-01, v16;
	v28 =	vld.idx.msk [tilespmem:v15+s9+$0x0], $0xffff  }
0x594: {  	v29 =	vmov s5;
	vm1 =	vge.f32 v25, $0.0e+00;
	v15 =	vmul.f32 $2.000000030e-01, v25;
	v30 =	vld [tilespmem:s13+$0xC0]  }
0x595: {  	s5 =	sadd.s32 s19, s24;
	v29 =	vmul.u32 $0x70, v29;
	v19 =	vsel vm0, v16, v19;
	v21 =	vld [tilespmem:s28+$0x10];
	(erf) = vpow2.f32 v18  }
0x596: {  	v31 =	vor.u32 $0x3, v4;
	s8 =	sadd.s32 $0x1, s19;
	s10 =	sadd.s32 $0x2, s19;
	s11 =	sadd.s32 $0x1, s5;
	v15 =	vsel vm1, v25, v15;
	v16 =	vld [tilespmem:s28+$0xFFFFFF40];
	v25 =	vmul.f32 $1.442695020e+00, v19  }
0x597: {  	s20 =	sadd.s32 $0x3, s5;
	p4 =	slt.s32 s5, s21;
	p2 =	slt.s32 s11, s21;
	v0 =	vmul.f32 $1.442695020e+00, v15;
	v19 =	vld [tilespmem:s28+$0xFFFFFFB0];
	v15 =	vadd.s32 $0x60, v29  }
0x598: {  	p3 =	slt.s32 s20, s21;
	s11 =	simm.f32 $1.000000000e+00;
	v29 =	vmov s8;
	s8 =	sadd.s32 $0x2, s5;
	v18 =	vld [tilespmem:s28+$0x20];
	v15 =	vbroadcast v15, $0x0;
	(erf) = vpow2.f32 v25  }
0x599: {  	s5 =	simm.f32 $1.000000000e+00;
	v25 =	vmul.u32 $0x70, v29;
	p1 =	slt.s32 s8, s21;
	s8 =	simm.f32 $1.000000000e+00;
	(erf) = vpow2.f32 v0;
	v26 =	vld.idx.msk [tilespmem:v26+s9+$0x0], $0xffff;
	v28 =	vmul.f32 v30, v28  }
0x59a: {  	v29 =	vmov s19;
	s5 =	simm.s32 @!p2 $0x0;
	v30 =	vmov s10;
	s8 =	simm.s32 @!p3 $0x0;
	s10 =	simm.f32 $1.000000000e+00;
	v32 =	vpop (erf);
	v27 =	vld.idx.msk [tilespmem:v27+s9+$0x0], $0xffff  }
0x59b: {  	s19 =	smov.u32 s4;
	s11 =	simm.s32 @!p1 $0x0;
	s10 =	simm.s32 @!p4 $0x0;
	v25 =	vadd.s32 $0x60, v25;
	v30 =	vmul.u32 $0x70, v30;
	v32 =	vmul.f32 s8, v32;
	v31 =	vld.idx.msk [tilespmem:v31+s9+$0x0], $0xffff;
	[tilespmem:s13+$0xC0] =	vst v28  }
0x59c: {  	v28 =	vmul.u32 $0x70, v29;
	v25 =	vbroadcast v25, $0x0;
	v29 =	vld [tilespmem:s28+$0xFFFFFF50]  }
0x59d: {  	v30 =	vadd.s32 $0x60, v30;
	v33 =	vld [tilespmem:s28+$0xFFFFFFC0];
	[tilespmem:s28+$0xD0] =	vst v32  }
0x59e: {  	v35 =	vor.u32 $0x4, v5;
	v28 =	vadd.s32 $0x60, v28;
	v30 =	vbroadcast v30, $0x0;
	v32 =	vld.idx.msk [tilespmem:v15+s9+$0x0], $0xffff;
	v34 =	vpop (erf)  }
0x59f: {  	v37 =	vor.u32 $0x4, v3;
	v26 =	vmul.f32 v14, v26;
	v34 =	vmul.f32 s5, v34;
	v36 =	vld [tilespmem:s28+$0x70]  }
0x5a0: {  	v28 =	vbroadcast v28, $0x0;
	v27 =	vmul.f32 v12, v27;
	v38 =	vld [tilespmem:s28+$0x30]  }
0x5a1: {  	v31 =	vmul.f32 v13, v31;
	v39 =	vld [tilespmem:s28+$0xFFFFFF60];
	[tilespmem:s28+$0xFFFFFFF0] =	vst v34;
	v12 =	vpop (erf);
	v14 =	vmov v29  }
0x5a2: {  	v34 =	vor.u32 $0x1, v15;
	v29 =	vld.idx.msk [tilespmem:v25+s9+$0x0], $0xffff;
	v0 =	vmul.f32 s11, v12;
	v40 =	vpop (erf);
	[tilespmem:s13+$0xFFFFFF50] =	vst v26;
	v12 =	vmov v33  }
0x5a3: {  	v26 =	vmul.f32 s10, v40;
	v33 =	vld.idx.msk [tilespmem:v35+s9+$0x0], $0xffff;
	[tilespmem:s13+$0xFFFFFFC0] =	vst v27  }
0x5a4: {  	v35 =	vor.u32 $0x4, v4;
	[tilespmem:s28+$0x60] =	vst v0;
	v27 =	vmul.f32 v36, v32;
	v32 =	vld.idx.msk [tilespmem:v37+s9+$0x0], $0xffff  }
0x5a5: {  	[tilespmem:s28+$0xFFFFFF80] =	vst v26;
	v26 =	vld.idx.msk [tilespmem:v30+s9+$0x0], $0xffff;
	v13 =	vmov v38  }
0x5a6: {  	v37 =	vor.u32 $0x1, v25;
	v36 =	vld.idx.msk [tilespmem:v28+s9+$0x0], $0xffff;
	[tilespmem:s28+$0x70] =	vst v27  }
0x5a7: {  	v27 =	vld.idx.msk [tilespmem:v34+s9+$0x0], $0xffff;
	[tilespmem:s13+$0x30] =	vst v31  }
0x5a8: {  	v24 =	vmul.f32 v24, v29;
	v31 =	vor.u32 $0x5, v5;
	v5 =	vmov v28;
	v29 =	vld [tilespmem:s28+$0x80]  }
0x5a9: {  	v28 =	vor.u32 $0x1, v30;
	v33 =	vmul.f32 v6, v33;
	v6 =	vmov v39;
	v34 =	vld.idx.msk [tilespmem:v35+s9+$0x0], $0xffff  }
0x5aa: {  	v35 =	vor.u32 $0x1, v5;
	[tilespmem:s28+$0xFFFFFF90] =	vst v24;
	v24 =	vmul.f32 v11, v32;
	v11 =	vld [tilespmem:s28+$0xFFFFFFD0]  }
0x5ab: {  	v23 =	vmul.f32 v23, v26;
	v26 =	vor.u32 $0x2, v15;
	v32 =	vld.idx.msk [tilespmem:v37+s9+$0x0], $0xffff;
	[tilespmem:s13+$0xFFFFFF60] =	vst v33  }
0x5ac: {  	v22 =	vmul.f32 v22, v36;
	v33 =	vld [tilespmem:s28+$0x40];
	[tilespmem:s13+$0xFFFFFFD0] =	vst v24  }
0x5ad: {  	[tilespmem:s28+$0x0] =	vst v23;
	v23 =	vmul.f32 v29, v27;
	v24 =	vld.idx.msk [tilespmem:v31+s9+$0x0], $0xffff;
	v27 =	vor.u32 $0x5, v3;
	v3 =	vmov v25  }
0x5ae: {  	v25 =	vor.u32 $0x5, v4;
	v4 =	vmov v30;
	[tilespmem:s28+$0xFFFFFF20] =	vst v22;
	v22 =	vld.idx.msk [tilespmem:v28+s9+$0x0], $0xffff  }
0x5af: {  	v29 =	vor.u32 $0x2, v3;
	v0 =	vmul.f32 v9, v34;
	v28 =	vld.idx.msk [tilespmem:v35+s9+$0x0], $0xffff;
	[tilespmem:s28+$0x80] =	vst v23  }
0x5b0: {  	v23 =	vld.idx.msk [tilespmem:v26+s9+$0x0], $0xffff  }
0x5b1: {  	v20 =	vmul.f32 v20, v32;
	v26 =	vld [tilespmem:s28+$0x90];
	[tilespmem:s13+$0x40] =	vst v0;
	v9 =	vmov v33  }
0x5b2: {  	v30 =	vor.u32 $0x2, v4;
	v27 =	vld.idx.msk [tilespmem:v27+s9+$0x0], $0xffff  }
0x5b3: {  	v31 =	vor.u32 $0x2, v5;
	[tilespmem:s28+$0xFFFFFFA0] =	vst v20;
	v20 =	vmul.f32 v8, v24;
	v24 =	vld.idx.msk [tilespmem:v25+s9+$0x0], $0xffff  }
0x5b4: {  	v21 =	vmul.f32 v21, v22;
	v22 =	vor.u32 $0x3, v15;
	v25 =	vld.idx.msk [tilespmem:v29+s9+$0x0], $0xffff  }
0x5b5: {  	v17 =	vmul.f32 v17, v28;
	v8 =	vld [tilespmem:s28+$0xFFFFFF70];
	[tilespmem:s13+$0xFFFFFF70] =	vst v20  }
0x5b6: {  	v28 =	vld [tilespmem:s28+$0xFFFFFFE0];
	[tilespmem:s28+$0x10] =	vst v21;
	v21 =	vmul.f32 v26, v23  }
0x5b7: {  	[tilespmem:s28+$0xFFFFFF30] =	vst v17;
	v26 =	vld.idx.msk [tilespmem:v30+s9+$0x0], $0xffff  }
0x5b8: {  	v0 =	vmul.f32 v7, v27;
	v20 =	vld.idx.msk [tilespmem:v31+s9+$0x0], $0xffff;
	[tilespmem:s28+$0x90] =	vst v21  }
.Ltmp22:
0x5b9: {  	v21 =	vmul.f32 v10, v24;
	v17 =	vld.idx.msk [tilespmem:v22+s9+$0x0], $0xffff;
	(pc) =	sbr.rel @p0 .LBB2_25-.Ltmp22, $4  }
0x5ba: {  	v23 =	vmul.f32 v19, v25;
	v19 =	vld [tilespmem:s28+$0xA0];
	[tilespmem:s13+$0xFFFFFFE0] =	vst v0  }
0x5bb: {  	v10 =	vld [tilespmem:s28+$0x50];
	[tilespmem:s13+$0x50] =	vst v21;
	v7 =	vmov v28;
	s13 =	smov.u32 s28;
	s28 =	sadd.s32 $0x1C0, s28  }
0x5bc: {  	s29 =	sadd.s32 $0x40, s29;
	v22 =	vld [tilespmem:s28+$0xD0];
	[tilespmem:s13+$0xFFFFFFB0] =	vst v23  }
0x5bd: {  	s4 =	sadd.s32 $0x4, s4;
	v21 =	vor.u32 $0x4, v15;
	v18 =	vmul.f32 v18, v26;
	v23 =	vld [tilespmem:s29+$0x10]  }
0x5be: {  	v24 =	vld [tilespmem:s29+$0xFFFFFFE0]  }
0x5bf: {  	v25 =	vld [tilespmem:s28+$0xFFFFFFF0]  }
0x5c0: {  	v26 =	vld [tilespmem:s29+$0xFFFFFFF0]  }
0x5c1: {  	v27 =	vld [tilespmem:s28+$0x60]  }
0x5c2: {  	v56 =	vld [tilespmem:s29+$0x0]  }
0x5c3: {  	v29 =	vld [tilespmem:s28+$0xFFFFFF80];
	_ =	sdelay $0x1  }
0x5c4: {  	v22 =	vadd.f32 v23, v22;
	_ =	sdelay $0x1  }
0x5c5: {  	v17 =	vmul.f32 v19, v17;
	v25 =	vadd.f32 v26, v25;
	v28 =	vmul.f32 $2.000000030e-01, v22  }
0x5c6: {  	v23 =	vadd.f32 v56, v27;
	v58 =	vadd.f32 v24, v29;
	vm0 =	vge.f32 v22, $0.0e+00  }
0x5c7: {  	v57 =	vmul.f32 $2.000000030e-01, v25;
	vm14 =	vge.f32 v25, $0.0e+00;
	v22 =	vsel vm0, v22, v28  }
0x5c8: {  	v63 =	vld [tilespmem:s13+$0xB0];
	v60 =	vmul.f32 $2.000000030e-01, v23;
	vm15 =	vge.f32 v23, $0.0e+00;
	v22 =	vmul.f32 $1.442695020e+00, v22  }
0x5c9: {  	v46 =	vld [tilespmem:s28+$0xFFFFFF20];
	v62 =	vmul.f32 $2.000000030e-01, v58;
	vm1 =	vge.f32 v58, $0.0e+00;
	v59 =	vsel vm14, v25, v57  }
0x5ca: {  	v47 =	vld [tilespmem:s28+$0xFFFFFF90];
	[tilespmem:s13+$0xA0] =	vst v17;
	v19 =	vsel vm15, v23, v60;
	v17 =	vmul.f32 $1.442695020e+00, v59;
	(erf) = vpow2.f32 v22  }
0x5cb: {  	v61 =	vld.idx.msk [tilespmem:v21+s9+$0x0], $0xffff;
	v21 =	vsel vm1, v58, v62;
	v19 =	vmul.f32 $1.442695020e+00, v19  }
0x5cc: {  	v48 =	vld [tilespmem:s28+$0x0];
	v21 =	vmul.f32 $1.442695020e+00, v21;
	(erf) = vpow2.f32 v17  }
0x5cd: {  	s4 =	sadd.s32 $0x3, s19;
	v30 =	vld [tilespmem:s28+$0x10];
	(erf) = vpow2.f32 v19  }
0x5ce: {  	v31 =	vld [tilespmem:s28+$0xFFFFFF40];
	v45 =	vmov s4;
	(erf) = vpow2.f32 v21  }
0x5cf: {  	s8 =	sadd.s32 $0x1, s19;
	v32 =	vld [tilespmem:s28+$0xFFFFFFB0];
	v26 =	vmul.u32 $0x70, v45  }
0x5d0: {  	s11 =	sadd.s32 s19, s24;
	v34 =	vld [tilespmem:s28+$0x20];
	v50 =	vmov s8  }
0x5d1: {  	s20 =	sadd.s32 $0x2, s19;
	v52 =	vmov s19;
	v37 =	vld [tilespmem:s28+$0x70];
	s5 =	sadd.s32 $0x3, s11;
	v49 =	vadd.s32 $0x60, v26;
	v19 =	vmul.u32 $0x70, v50  }
0x5d2: {  	v38 =	vld [tilespmem:s28+$0xFFFFFF50];
	v33 =	vmov s20;
	p0 =	slt.s32 s5, s21;
	s5 =	simm.f32 $1.000000000e+00;
	v22 =	vmul.u32 $0x70, v52;
	v17 =	vbroadcast v49, $0x0  }
0x5d3: {  	v39 =	vld [tilespmem:s28+$0xFFFFFFC0];
	v15 =	vor.u32 $0x5, v15;
	v33 =	vmul.u32 $0x70, v33;
	s5 =	simm.s32 @!p0 $0x0;
	v19 =	vadd.s32 $0x60, v19;
	v51 =	vpop (erf)  }
0x5d4: {  	v41 =	vld [tilespmem:s28+$0x30];
	s29 =	sadd.s32 $0x1, s11;
	v53 =	vadd.s32 $0x60, v22;
	v19 =	vbroadcast v19, $0x0;
	v21 =	vmul.f32 s5, v51  }
0x5d5: {  	s31 =	sadd.s32 $0x2, s11;
	p0 =	slt.s32 s29, s21;
	v33 =	vadd.s32 $0x60, v33;
	v29 =	vld [tilespmem:s28+$0xFFFFFFA0];
	v22 =	vbroadcast v53, $0x0;
	s5 =	simm.f32 $1.000000000e+00;
	v36 =	vpop (erf)  }
0x5d6: {  	p1 =	slt.s32 s11, s21;
	s4 =	simm.f32 $1.000000000e+00;
	v26 =	vld [tilespmem:s28+$0xFFFFFF30];
	v24 =	vmul.f32 v63, v61;
	s5 =	simm.s32 @!p0 $0x0;
	v54 =	vpop (erf);
	[tilespmem:s28+$0xD0] =	vst v21;
	v21 =	vbroadcast v33, $0x0  }
0x5d7: {  	s8 =	simm.f32 $1.000000000e+00;
	s4 =	simm.s32 @!p1 $0x0;
	v61 =	vld [tilespmem:s28+$0x80];
	p0 =	slt.s32 s31, s21;
	v36 =	vmul.f32 s5, v36;
	v40 =	vpop (erf)  }
0x5d8: {  	[tilespmem:s13+$0xB0] =	vst v24;
	s8 =	simm.s32 @!p0 $0x0;
	v35 =	vld.idx.msk [tilespmem:v17+s9+$0x0], $0xffff;
	v40 =	vmul.f32 s4, v40  }
0x5d9: {  	v58 =	vor.u32 $0x3, v3;
	v15 =	vld.idx.msk [tilespmem:v15+s9+$0x0], $0xffff;
	v33 =	vmul.f32 s8, v54;
	[tilespmem:s28+$0xFFFFFFF0] =	vst v36  }
0x5da: {  	v55 =	vld.idx.msk [tilespmem:v19+s9+$0x0], $0xffff;
	[tilespmem:s28+$0xFFFFFF80] =	vst v40  }
0x5db: {  	v42 =	vor.u32 $0x1, v17;
	[tilespmem:s28+$0x60] =	vst v33;
	v57 =	vld.idx.msk [tilespmem:v22+s9+$0x0], $0xffff  }
0x5dc: {  	v59 =	vld.idx.msk [tilespmem:v21+s9+$0x0], $0xffff  }
0x5dd: {  	v50 =	vld [tilespmem:s28+$0x90];
	v63 =	vor.u32 $0x1, v19;
	v35 =	vmul.f32 v37, v35  }
0x5de: {  	v16 =	vmul.f32 v16, v20;
	v25 =	vld.idx.msk [tilespmem:v58+s9+$0x0], $0xffff;
	v62 =	vor.u32 $0x1, v22  }
0x5df: {  	v58 =	vld [tilespmem:s28+$0xA0];
	v44 =	vor.u32 $0x1, v21;
	[tilespmem:s28+$0x70] =	vst v35;
	v27 =	vmul.f32 v47, v55  }
0x5e0: {  	[tilespmem:s13+$0xFFFFFF40] =	vst v16;
	v56 =	vor.u32 $0x3, v5;
	v60 =	vld.idx.msk [tilespmem:v42+s9+$0x0], $0xffff;
	v23 =	vmul.f32 v46, v57  }
0x5e1: {  	v36 =	vld [tilespmem:s28+$0xFFFFFF60];
	[tilespmem:s28+$0xFFFFFF90] =	vst v27;
	v28 =	vmul.f32 v48, v59  }
0x5e2: {  	v46 =	vor.u32 $0x3, v4;
	[tilespmem:s28+$0xFFFFFF20] =	vst v23;
	v16 =	vld.idx.msk [tilespmem:v63+s9+$0x0], $0xffff  }
0x5e3: {  	v45 =	vor.u32 $0x2, v17;
	v47 =	vld.idx.msk [tilespmem:v62+s9+$0x0], $0xffff;
	[tilespmem:s28+$0x0] =	vst v28  }
0x5e4: {  	v28 =	vld.idx.msk [tilespmem:v44+s9+$0x0], $0xffff  }
0x5e5: {  	v49 =	vor.u32 $0x2, v19;
	v40 =	vld.idx.msk [tilespmem:v56+s9+$0x0], $0xffff;
	v20 =	vmul.f32 v61, v60  }
0x5e6: {  	[tilespmem:s13+$0x20] =	vst v18;
	v23 =	vld [tilespmem:s28+$0x40];
	v48 =	vor.u32 $0x2, v22  }
0x5e7: {  	v51 =	vor.u32 $0x2, v21;
	v27 =	vld.idx.msk [tilespmem:v46+s9+$0x0], $0xffff;
	[tilespmem:s28+$0x80] =	vst v20;
	v16 =	vmul.f32 v29, v16  }
0x5e8: {  	v52 =	vor.u32 $0x4, v5;
	v20 =	vld.idx.msk [tilespmem:v45+s9+$0x0], $0xffff;
	v24 =	vmul.f32 v26, v47  }
0x5e9: {  	v29 =	vld [tilespmem:s28+$0xFFFFFF70];
	[tilespmem:s28+$0xFFFFFFA0] =	vst v16;
	v28 =	vmul.f32 v30, v28  }
0x5ea: {  	v14 =	vmul.f32 v14, v40;
	[tilespmem:s28+$0xFFFFFF30] =	vst v24;
	v18 =	vld.idx.msk [tilespmem:v49+s9+$0x0], $0xffff  }
0x5eb: {  	v53 =	vor.u32 $0x3, v17;
	v54 =	vld.idx.msk [tilespmem:v48+s9+$0x0], $0xffff;
	[tilespmem:s28+$0x10] =	vst v28  }
0x5ec: {  	[tilespmem:s13+$0xFFFFFF50] =	vst v14;
	v60 =	vor.u32 $0x4, v3;
	v55 =	vld.idx.msk [tilespmem:v51+s9+$0x0], $0xffff  }
0x5ed: {  	v57 =	vor.u32 $0x3, v19;
	v26 =	vld.idx.msk [tilespmem:v52+s9+$0x0], $0xffff;
	v20 =	vmul.f32 v50, v20  }
0x5ee: {  	v12 =	vmul.f32 v12, v25;
	v56 =	vor.u32 $0x3, v22;
	v47 =	vld [tilespmem:s28+$0xB0]  }
0x5ef: {  	v59 =	vor.u32 $0x3, v21;
	v30 =	vld [tilespmem:s28+$0xFFFFFFD0];
	[tilespmem:s28+$0x90] =	vst v20;
	v18 =	vmul.f32 v32, v18  }
0x5f0: {  	[tilespmem:s13+$0xFFFFFFC0] =	vst v12;
	v24 =	vld.idx.msk [tilespmem:v53+s9+$0x0], $0xffff;
	v16 =	vmul.f32 v31, v54  }
0x5f1: {  	v61 =	vor.u32 $0x4, v4;
	v40 =	vld.idx.msk [tilespmem:v60+s9+$0x0], $0xffff;
	[tilespmem:s28+$0xFFFFFFB0] =	vst v18;
	v14 =	vmul.f32 v34, v55  }
0x5f2: {  	[tilespmem:s28+$0xFFFFFF40] =	vst v16;
	v63 =	vld.idx.msk [tilespmem:v57+s9+$0x0], $0xffff  }
0x5f3: {  	v62 =	vor.u32 $0x4, v17;
	v13 =	vmul.f32 v13, v27;
	v20 =	vld.idx.msk [tilespmem:v56+s9+$0x0], $0xffff;
	[tilespmem:s28+$0x20] =	vst v14  }
0x5f4: {  	v46 =	vor.u32 $0x5, v5;
	v37 =	vld.idx.msk [tilespmem:v59+s9+$0x0], $0xffff  }
0x5f5: {  	v44 =	vor.u32 $0x4, v19;
	v48 =	vld [tilespmem:s13+$0xC0];
	[tilespmem:s13+$0x30] =	vst v13;
	v33 =	vmul.f32 v58, v24  }
0x5f6: {  	v42 =	vor.u32 $0x4, v22;
	v43 =	vld.idx.msk [tilespmem:v61+s9+$0x0], $0xffff;
	v6 =	vmul.f32 v6, v26  }
0x5f7: {  	v45 =	vor.u32 $0x4, v21;
	v32 =	vld [tilespmem:s28+$0xFFFFFFE0];
	[tilespmem:s28+$0xA0] =	vst v33;
	v14 =	vmul.f32 v39, v63  }
0x5f8: {  	[tilespmem:s13+$0xFFFFFF60] =	vst v6;
	v18 =	vld.idx.msk [tilespmem:v62+s9+$0x0], $0xffff;
	v20 =	vmul.f32 v38, v20  }
0x5f9: {  	v3 =	vor.u32 $0x5, v3;
	v5 =	vld.idx.msk [tilespmem:v46+s9+$0x0], $0xffff;
	[tilespmem:s28+$0xFFFFFFC0] =	vst v14;
	v24 =	vmul.f32 v41, v37  }
0x5fa: {  	[tilespmem:s28+$0xFFFFFF50] =	vst v20;
	v12 =	vld.idx.msk [tilespmem:v44+s9+$0x0], $0xffff  }
0x5fb: {  	v50 =	vor.u32 $0x5, v17;
	v11 =	vmul.f32 v11, v40;
	v13 =	vld.idx.msk [tilespmem:v42+s9+$0x0], $0xffff;
	[tilespmem:s28+$0x30] =	vst v24  }
0x5fc: {  	v49 =	vor.u32 $0x5, v4;
	v52 =	vld.idx.msk [tilespmem:v45+s9+$0x0], $0xffff  }
0x5fd: {  	[tilespmem:s13+$0xFFFFFFD0] =	vst v11;
	v16 =	vld [tilespmem:s28+$0x50];
	v55 =	vor.u32 $0x5, v19;
	v53 =	vmul.f32 v47, v18  }
0x5fe: {  	v54 =	vor.u32 $0x5, v22;
	v51 =	vmul.f32 v9, v43;
	v3 =	vld.idx.msk [tilespmem:v3+s9+$0x0], $0xffff  }
0x5ff: {  	v57 =	vor.u32 $0x5, v21;
	v58 =	vld [tilespmem:s28+$0xC0];
	[tilespmem:s28+$0xB0] =	vst v53;
	v12 =	vmul.f32 v30, v12  }
0x600: {  	[tilespmem:s13+$0x40] =	vst v51;
	v56 =	vmul.f32 v36, v13;
	v14 =	vld.idx.msk [tilespmem:v50+s9+$0x0], $0xffff  }
0x601: {  	v4 =	vld.idx.msk [tilespmem:v49+s9+$0x0], $0xffff;
	[tilespmem:s28+$0xFFFFFFD0] =	vst v12;
	v9 =	vmul.f32 v23, v52  }
0x602: {  	v59 =	vmul.f32 v48, v15;
	[tilespmem:s28+$0xFFFFFF60] =	vst v56;
	v6 =	vld.idx.msk [tilespmem:v55+s9+$0x0], $0xffff  }
0x603: {  	v3 =	vmul.f32 v7, v3;
	v60 =	vld.idx.msk [tilespmem:v54+s9+$0x0], $0xffff;
	[tilespmem:s28+$0x40] =	vst v9  }
0x604: {  	v5 =	vmul.f32 v8, v5;
	[tilespmem:s13+$0xC0] =	vst v59;
	v61 =	vld.idx.msk [tilespmem:v57+s9+$0x0], $0xffff  }
0x605: {  	[tilespmem:s13+$0xFFFFFFE0] =	vst v3;
	v3 =	vmul.f32 v58, v14  }
0x606: {  	[tilespmem:s13+$0xFFFFFF70] =	vst v5;
	v4 =	vmul.f32 v10, v4  }
0x607: {  	[tilespmem:s28+$0xC0] =	vst v3;
	v3 =	vmul.f32 v32, v6  }
0x608: {  	[tilespmem:s13+$0x50] =	vst v4;
	v62 =	vmul.f32 v29, v60  }
0x609: {  	[tilespmem:s28+$0xFFFFFFE0] =	vst v3;
	v63 =	vmul.f32 v16, v61  }
0x60a: {  	[tilespmem:s28+$0xFFFFFF70] =	vst v62  }
0x60b: {  	s4 =	sadd.s32 $0x2, s26;
	[tilespmem:s28+$0x50] =	vst v63  }
0x60c: {  	[spmem:s1] =	stream.indirect.scatter.add.f32 [tilespmem:s9], [sflag:$0x5], $0x70, s15, s14, $0xb8;
	[tilespmem:$0x1F780] =	vst v63  }
0x60d: {  	p0 =	sge.s32 s4, s22;
	_ =	swait.ge [sflag:s30], $0x3800  }
0x60e: {  	s4 =	sshll.u32 @!p0 s4, $0x7;
	s8 =	simm.s32 @!p0 $0x80;
	[sflag:s30] =	ssyncset.done $0x0  }
0x60f: {  	s10 =	simm.s32 @!p0 $0x3040;
	s5 =	sadd.s32 @!p0 $0x1FB0, s4;
	[sflag:s30] =	ssyncadd.s32 $0xFFFFC800  }
0x610: {  	[tilespmem:s10], [sflag:$0x1] =	stream.indirect.gather @!p0 [hbm4b:s6+s8], $0x70, s5, s8, $0xb8;
	[tilespmem:$0x1F780] =	vst v63  }
0x611: {  	s4 =	sadd.s32 @!p0 $0xFA0, s4;
	s5 =	simm.s32 @!p0 $0xA040  }
0x612: {  	[tilespmem:s5], [sflag:$0x3] =	stream.indirect.gather @!p0 [hbm4b:s7+s8], $0x10, s4, s8, $0xb8;
	[tilespmem:$0x1F780] =	vst v63  }
.LBB2_27:
0x613: {  	s4 =	sor.u32 $0x1, s26  }
0x614: {  	p0 =	sge.s32 s4, s22  }
.Ltmp23:
0x615: {  	_ = 	snop;
	(pc) =	sbr.rel @p0 .LBB2_31-.Ltmp23, $1  }
0x616: {  	_ =	sdelay $0x3  }
0x617: {  	_ =	swait.ge [sflag:s16], $0x3800  }
0x618: {  	[sflag:s16] =	ssyncset.done $0x0  }
0x619: {  	[sflag:s16] =	ssyncadd.s32 $0xFFFFC800  }
0x61a: {  	_ =	swait.ge [sflag:s3], $0x800  }
0x61b: {  	[sflag:s3] =	ssyncset.done $0x0  }
0x61c: {  	s4 =	sshll.u32 s4, $0x7;
	[sflag:s3] =	ssyncadd.s32 $0xFFFFF800  }
0x61d: {  	v3 =	vld [tilespmem:s4+$0xFA0];
	_ =	sdelay $0x4  }
0x61e: {  	v3 =	vsub.s32 v3, v2  }
0x61f: {  	[tilespmem:$0x2FC0] =	vst v3  }
0x620: {  	v3 =	vld [tilespmem:s4+$0xFB0];
	_ =	sdelay $0x4  }
0x621: {  	v3 =	vsub.s32 v3, v2  }
0x622: {  	[tilespmem:$0x2FD0] =	vst v3  }
0x623: {  	v3 =	vld [tilespmem:s4+$0xFC0];
	_ =	sdelay $0x4  }
0x624: {  	v3 =	vsub.s32 v3, v2  }
0x625: {  	[tilespmem:$0x2FE0] =	vst v3  }
0x626: {  	v3 =	vld [tilespmem:s4+$0xFD0];
	_ =	sdelay $0x4  }
0x627: {  	v3 =	vsub.s32 v3, v2  }
0x628: {  	[tilespmem:$0x2FF0] =	vst v3  }
0x629: {  	v3 =	vld [tilespmem:s4+$0xFE0];
	_ =	sdelay $0x4  }
0x62a: {  	v3 =	vsub.s32 v3, v2  }
0x62b: {  	[tilespmem:$0x3000] =	vst v3  }
0x62c: {  	v3 =	vld [tilespmem:s4+$0xFF0];
	_ =	sdelay $0x4  }
0x62d: {  	v3 =	vsub.s32 v3, v2  }
0x62e: {  	[tilespmem:$0x3010] =	vst v3  }
0x62f: {  	v3 =	vld [tilespmem:s4+$0x1000];
	_ =	sdelay $0x4  }
0x630: {  	v3 =	vsub.s32 v3, v2  }
0x631: {  	[tilespmem:$0x3020] =	vst v3  }
0x632: {  	v3 =	vld [tilespmem:s4+$0x1010];
	_ =	sdelay $0x4  }
0x633: {  	v3 =	vsub.s32 v3, v2  }
0x634: {  	s13 =	simm.s32 $0x6920;
	[tilespmem:$0x3030] =	vst v3  }
0x635: {  	s8 =	simm.s32 $0xA860;
	v3 =	vld [tilespmem:s13+$0xD0]  }
0x636: {  	v4 =	vld [tilespmem:s8+$0x10];
	_ =	sdelay $0x1  }
0x637: {  	v5 =	vld [tilespmem:s13+$0xFFFFFFF0]  }
0x638: {  	v6 =	vld [tilespmem:s8+$0xFFFFFFF0];
	_ =	sdelay $0x1  }
0x639: {  	v8 =	vld [tilespmem:s8+$0x0];
	v3 =	vadd.f32 v4, v3  }
0x63a: {  	v4 =	vld [tilespmem:s13+$0x60]  }
0x63b: {  	v7 =	vld [tilespmem:s8+$0xFFFFFFE0];
	v9 =	vmul.f32 $2.000000030e-01, v3  }
0x63c: {  	v10 =	vld [tilespmem:s13+$0xFFFFFF80];
	v5 =	vadd.f32 v6, v5;
	vm0 =	vge.f32 v3, $0.0e+00  }
0x63d: {  	v3 =	vsel vm0, v3, v9  }
0x63e: {  	v6 =	vmul.f32 $2.000000030e-01, v5;
	v3 =	vmul.f32 $1.442695020e+00, v3  }
0x63f: {  	vm14 =	vge.f32 v5, $0.0e+00;
	v4 =	vadd.f32 v8, v4  }
0x640: {  	(erf) = vpow2.f32 v3;
	v3 =	vsel vm14, v5, v6  }
0x641: {  	v5 =	vadd.f32 v7, v10;
	v6 =	vmul.f32 $2.000000030e-01, v4;
	v3 =	vmul.f32 $1.442695020e+00, v3  }
0x642: {  	vm15 =	vge.f32 v4, $0.0e+00  }
0x643: {  	s10 =	simm.s32 $0x3;
	v7 =	vmul.f32 $2.000000030e-01, v5;
	v4 =	vsel vm15, v4, v6;
	(erf) = vpow2.f32 v3  }
0x644: {  	v8 =	vmov s10;
	vm1 =	vge.f32 v5, $0.0e+00;
	v4 =	vmul.f32 $1.442695020e+00, v4  }
0x645: {  	s5 =	simm.s32 $0x1;
	v6 =	vmul.u32 $0x70, v8;
	v3 =	vsel vm1, v5, v7  }
0x646: {  	s11 =	sadd.s32 $0x0, s24;
	s10 =	simm.s32 $0x0;
	v3 =	vmul.f32 $1.442695020e+00, v3;
	(erf) = vpow2.f32 v4;
	v4 =	vmov s5  }
0x647: {  	s8 =	sadd.s32 $0x83, s11;
	v11 =	vld [tilespmem:s13+$0xFFFFFFA0];
	v5 =	vadd.s32 $0x60, v6;
	v6 =	vmov s10  }
0x648: {  	s19 =	simm.s32 $0x2;
	v17 =	vld [tilespmem:s13+$0x10];
	p0 =	slt.s32 s8, s21;
	v15 =	vbroadcast v5, $0x0;
	s5 =	simm.f32 $1.000000000e+00;
	v6 =	vmul.u32 $0x70, v6;
	(erf) = vpow2.f32 v3  }
0x649: {  	v16 =	vld [tilespmem:s13+$0xFFFFFF40];
	v5 =	vmov s19;
	s5 =	simm.s32 @!p0 $0x0;
	v3 =	vmul.u32 $0x70, v4;
	v4 =	vpop (erf)  }
0x64a: {  	s20 =	sadd.s32 $0x81, s11;
	v18 =	vld [tilespmem:s13+$0xFFFFFFB0];
	v5 =	vmul.u32 $0x70, v5;
	v4 =	vmul.f32 s5, v4  }
0x64b: {  	v21 =	vld [tilespmem:s13+$0x20];
	p0 =	slt.s32 s20, s21;
	s5 =	simm.f32 $1.000000000e+00  }
0x64c: {  	v20 =	vld [tilespmem:s13+$0x70];
	v3 =	vadd.s32 $0x60, v3;
	s5 =	simm.s32 @!p0 $0x0;
	[tilespmem:s13+$0xD0] =	vst v4;
	v4 =	vadd.s32 $0x60, v5;
	v5 =	vadd.s32 $0x60, v6;
	v6 =	vpop (erf)  }
0x64d: {  	v14 =	vld [tilespmem:s13+$0xFFFFFF50];
	v3 =	vbroadcast v3, $0x0;
	v6 =	vmul.f32 s5, v6  }
0x64e: {  	s31 =	sadd.s32 $0x82, s11;
	v19 =	vld.idx.msk [tilespmem:v15+s17+$0x0], $0xffff;
	v4 =	vbroadcast v4, $0x0  }
0x64f: {  	s4 =	sadd.s32 $0x80, s11;
	v12 =	vld [tilespmem:s13+$0xFFFFFFC0];
	s8 =	simm.f32 $1.000000000e+00;
	p0 =	slt.s32 s31, s21;
	v5 =	vbroadcast v5, $0x0  }
0x650: {  	p1 =	slt.s32 s4, s21;
	s4 =	simm.f32 $1.000000000e+00;
	v9 =	vld [tilespmem:s13+$0xFFFFFF20];
	s8 =	simm.s32 @!p0 $0x0;
	v22 =	vpop (erf)  }
0x651: {  	s4 =	simm.s32 @!p1 $0x0;
	v8 =	vld [tilespmem:s13+$0xFFFFFF90];
	v23 =	vor.u32 $0x1, v15;
	[tilespmem:s13+$0xFFFFFFF0] =	vst v6;
	v22 =	vmul.f32 s8, v22;
	v6 =	vpop (erf)  }
0x652: {  	v7 =	vld [tilespmem:s13+$0x0];
	v25 =	vmul.f32 s4, v6  }
0x653: {  	v24 =	vld.idx.msk [tilespmem:v3+s17+$0x0], $0xffff;
	[tilespmem:s13+$0x60] =	vst v22;
	v19 =	vmul.f32 v20, v19  }
0x654: {  	v20 =	vld.idx.msk [tilespmem:v4+s17+$0x0], $0xffff;
	[tilespmem:s13+$0xFFFFFF80] =	vst v25  }
0x655: {  	[tilespmem:s13+$0x70] =	vst v19;
	v22 =	vld.idx.msk [tilespmem:v5+s17+$0x0], $0xffff  }
0x656: {  	v19 =	vld.idx.msk [tilespmem:v23+s17+$0x0], $0xffff  }
0x657: {  	v58 =	vor.u32 $0x1, v3;
	v23 =	vld [tilespmem:s13+$0x80]  }
0x658: {  	v13 =	vld [tilespmem:s13+$0x30];
	v59 =	vor.u32 $0x1, v4  }
0x659: {  	v60 =	vld [tilespmem:s13+$0x90];
	v26 =	vor.u32 $0x1, v5;
	v8 =	vmul.f32 v8, v24  }
0x65a: {  	v10 =	vld [tilespmem:s13+$0xFFFFFF30];
	v7 =	vmul.f32 v7, v20;
	v20 =	vor.u32 $0x2, v15  }
0x65b: {  	v6 =	vld [tilespmem:s13+$0xFFFFFF60];
	[tilespmem:s13+$0xFFFFFF90] =	vst v8;
	v22 =	vmul.f32 v9, v22  }
0x65c: {  	v8 =	vld.idx.msk [tilespmem:v58+s17+$0x0], $0xffff;
	[tilespmem:s13+$0x0] =	vst v7;
	v7 =	vmul.f32 v23, v19  }
0x65d: {  	v19 =	vld.idx.msk [tilespmem:v59+s17+$0x0], $0xffff;
	[tilespmem:s13+$0xFFFFFF20] =	vst v22  }
0x65e: {  	[tilespmem:s13+$0x80] =	vst v7;
	v22 =	vld.idx.msk [tilespmem:v26+s17+$0x0], $0xffff  }
0x65f: {  	v23 =	vor.u32 $0x2, v3;
	v20 =	vld.idx.msk [tilespmem:v20+s17+$0x0], $0xffff  }
0x660: {  	v61 =	vor.u32 $0x2, v4;
	v9 =	vld [tilespmem:s13+$0x40]  }
0x661: {  	v62 =	vor.u32 $0x2, v5;
	v7 =	vmul.f32 v11, v8;
	v11 =	vld [tilespmem:s13+$0xFFFFFFD0]  }
0x662: {  	v8 =	vld [tilespmem:s13+$0xFFFFFF70];
	v17 =	vmul.f32 v17, v19;
	v19 =	vor.u32 $0x3, v15  }
0x663: {  	[tilespmem:s13+$0xFFFFFFA0] =	vst v7;
	v7 =	vld [tilespmem:s13+$0xFFFFFFE0];
	v10 =	vmul.f32 v10, v22  }
0x664: {  	v23 =	vld.idx.msk [tilespmem:v23+s17+$0x0], $0xffff;
	[tilespmem:s13+$0x10] =	vst v17;
	v17 =	vmul.f32 v60, v20  }
0x665: {  	v63 =	vld.idx.msk [tilespmem:v61+s17+$0x0], $0xffff;
	[tilespmem:s13+$0xFFFFFF30] =	vst v10  }
0x666: {  	[tilespmem:s13+$0x90] =	vst v17;
	v20 =	vld.idx.msk [tilespmem:v62+s17+$0x0], $0xffff  }
0x667: {  	v17 =	vld.idx.msk [tilespmem:v19+s17+$0x0], $0xffff  }
0x668: {  	s28 =	simm.s32 $0x6AE0;
	v19 =	vld [tilespmem:s13+$0xA0]  }
0x669: {  	v22 =	vld [tilespmem:s28+$0xD0];
	v18 =	vmul.f32 v18, v23  }
0x66a: {  	s29 =	simm.s32 $0xA8A0;
	v10 =	vld [tilespmem:s13+$0x50]  }
0x66b: {  	s19 =	simm.s32 $0x4;
	s4 =	simm.s32 $0x8;
	v23 =	vld [tilespmem:s29+$0x10];
	[tilespmem:s13+$0xFFFFFFB0] =	vst v18;
	v18 =	vmul.f32 v21, v63;
	v21 =	vor.u32 $0x4, v15  }
.LBB2_29:
0x66c: {  	p0 =	slt.u32 s4, $0x7C;
	v25 =	vld [tilespmem:s29+$0xFFFFFFE0];
	v16 =	vmul.f32 v16, v20  }
0x66d: {  	v20 =	vld [tilespmem:s28+$0xFFFFFFF0];
	[tilespmem:s13+$0x20] =	vst v18;
	v17 =	vmul.f32 v19, v17  }
0x66e: {  	v18 =	vld [tilespmem:s29+$0xFFFFFFF0];
	[tilespmem:s13+$0xFFFFFF40] =	vst v16  }
0x66f: {  	v16 =	vld [tilespmem:s28+$0x60];
	[tilespmem:s13+$0xA0] =	vst v17  }
0x670: {  	v17 =	vadd.f32 v23, v22;
	v19 =	vld.idx.msk [tilespmem:v21+s17+$0x0], $0xffff  }
0x671: {  	v21 =	vld [tilespmem:s13+$0xB0]  }
0x672: {  	v26 =	vld [tilespmem:s29+$0x0];
	v23 =	vmul.f32 $2.000000030e-01, v17  }
0x673: {  	vm0 =	vge.f32 v17, $0.0e+00;
	v27 =	vld [tilespmem:s28+$0xFFFFFF80];
	v18 =	vadd.f32 v18, v20  }
0x674: {  	v15 =	vor.u32 $0x5, v15;
	v22 =	vld [tilespmem:s28+$0xFFFFFF20];
	v17 =	vsel vm0, v17, v23  }
0x675: {  	vm0 =	vge.f32 v18, $0.0e+00;
	v20 =	vmul.f32 $2.000000030e-01, v18;
	v24 =	vld [tilespmem:s28+$0xFFFFFF90];
	v28 =	vmul.f32 $1.442695020e+00, v17  }
0x676: {  	v23 =	vld [tilespmem:s28+$0x0];
	v19 =	vmul.f32 v21, v19  }
0x677: {  	v17 =	vld [tilespmem:s28+$0xFFFFFF30];
	v18 =	vsel vm0, v18, v20;
	v16 =	vadd.f32 v26, v16;
	(erf) = vpow2.f32 v28  }
0x678: {  	v26 =	vor.u32 $0x3, v5;
	v25 =	vadd.f32 v25, v27;
	v18 =	vmul.f32 $1.442695020e+00, v18;
	v20 =	vld [tilespmem:s28+$0xFFFFFFA0];
	[tilespmem:s13+$0xB0] =	vst v19  }
0x679: {  	s5 =	sadd.s32 $0x3, s19;
	v27 =	vor.u32 $0x3, v3;
	vm0 =	vge.f32 v16, $0.0e+00;
	v19 =	vmul.f32 $2.000000030e-01, v16;
	v28 =	vld.idx.msk [tilespmem:v15+s17+$0x0], $0xffff  }
0x67a: {  	v29 =	vmov s5;
	vm1 =	vge.f32 v25, $0.0e+00;
	v15 =	vmul.f32 $2.000000030e-01, v25;
	v30 =	vld [tilespmem:s13+$0xC0]  }
0x67b: {  	s5 =	sadd.s32 s19, s24;
	v29 =	vmul.u32 $0x70, v29;
	v19 =	vsel vm0, v16, v19;
	v21 =	vld [tilespmem:s28+$0x10];
	(erf) = vpow2.f32 v18  }
0x67c: {  	v31 =	vor.u32 $0x3, v4;
	s8 =	sadd.s32 $0x1, s19;
	s10 =	sadd.s32 $0x2, s19;
	s11 =	sadd.s32 $0x80, s5;
	v15 =	vsel vm1, v25, v15;
	v16 =	vld [tilespmem:s28+$0xFFFFFF40];
	v25 =	vmul.f32 $1.442695020e+00, v19  }
0x67d: {  	s20 =	sadd.s32 $0x81, s5;
	p2 =	slt.s32 s11, s21;
	v0 =	vmul.f32 $1.442695020e+00, v15;
	v19 =	vld [tilespmem:s28+$0xFFFFFFB0];
	v15 =	vadd.s32 $0x60, v29;
	v29 =	vmov s8;
	s8 =	sadd.s32 $0x83, s5  }
0x67e: {  	p4 =	slt.s32 s20, s21;
	s5 =	sadd.s32 $0x82, s5;
	v18 =	vld [tilespmem:s28+$0x20];
	v15 =	vbroadcast v15, $0x0;
	(erf) = vpow2.f32 v25;
	p3 =	slt.s32 s8, s21  }
0x67f: {  	v25 =	vmul.u32 $0x70, v29;
	p1 =	slt.s32 s5, s21;
	s5 =	simm.f32 $1.000000000e+00;
	s8 =	simm.f32 $1.000000000e+00;
	(erf) = vpow2.f32 v0;
	v26 =	vld.idx.msk [tilespmem:v26+s17+$0x0], $0xffff;
	v28 =	vmul.f32 v30, v28  }
0x680: {  	v29 =	vmov s19;
	s19 =	smov.u32 s4;
	v30 =	vmov s10;
	s5 =	simm.s32 @!p3 $0x0;
	s10 =	simm.f32 $1.000000000e+00;
	v32 =	vpop (erf);
	v27 =	vld.idx.msk [tilespmem:v27+s17+$0x0], $0xffff  }
0x681: {  	s8 =	simm.s32 @!p2 $0x0;
	s10 =	simm.s32 @!p4 $0x0;
	v25 =	vadd.s32 $0x60, v25;
	v30 =	vmul.u32 $0x70, v30;
	v32 =	vmul.f32 s5, v32;
	v31 =	vld.idx.msk [tilespmem:v31+s17+$0x0], $0xffff;
	[tilespmem:s13+$0xC0] =	vst v28;
	s5 =	simm.f32 $1.000000000e+00  }
0x682: {  	v28 =	vmul.u32 $0x70, v29;
	v25 =	vbroadcast v25, $0x0;
	v29 =	vld [tilespmem:s28+$0xFFFFFF50];
	s5 =	simm.s32 @!p1 $0x0  }
0x683: {  	v30 =	vadd.s32 $0x60, v30;
	v33 =	vld [tilespmem:s28+$0xFFFFFFC0];
	[tilespmem:s28+$0xD0] =	vst v32  }
0x684: {  	v35 =	vor.u32 $0x4, v5;
	v28 =	vadd.s32 $0x60, v28;
	v30 =	vbroadcast v30, $0x0;
	v32 =	vld.idx.msk [tilespmem:v15+s17+$0x0], $0xffff;
	v34 =	vpop (erf)  }
0x685: {  	v37 =	vor.u32 $0x4, v3;
	v26 =	vmul.f32 v14, v26;
	v34 =	vmul.f32 s10, v34;
	v36 =	vld [tilespmem:s28+$0x70]  }
0x686: {  	v28 =	vbroadcast v28, $0x0;
	v27 =	vmul.f32 v12, v27;
	v38 =	vld [tilespmem:s28+$0x30]  }
0x687: {  	v31 =	vmul.f32 v13, v31;
	v39 =	vld [tilespmem:s28+$0xFFFFFF60];
	[tilespmem:s28+$0xFFFFFFF0] =	vst v34;
	v12 =	vpop (erf);
	v14 =	vmov v29  }
0x688: {  	v34 =	vor.u32 $0x1, v15;
	v29 =	vld.idx.msk [tilespmem:v25+s17+$0x0], $0xffff;
	v0 =	vmul.f32 s5, v12;
	v40 =	vpop (erf);
	[tilespmem:s13+$0xFFFFFF50] =	vst v26;
	v12 =	vmov v33  }
0x689: {  	v26 =	vmul.f32 s8, v40;
	v33 =	vld.idx.msk [tilespmem:v35+s17+$0x0], $0xffff;
	[tilespmem:s13+$0xFFFFFFC0] =	vst v27  }
0x68a: {  	v35 =	vor.u32 $0x4, v4;
	[tilespmem:s28+$0x60] =	vst v0;
	v27 =	vmul.f32 v36, v32;
	v32 =	vld.idx.msk [tilespmem:v37+s17+$0x0], $0xffff  }
0x68b: {  	[tilespmem:s28+$0xFFFFFF80] =	vst v26;
	v26 =	vld.idx.msk [tilespmem:v30+s17+$0x0], $0xffff;
	v13 =	vmov v38  }
0x68c: {  	v37 =	vor.u32 $0x1, v25;
	v36 =	vld.idx.msk [tilespmem:v28+s17+$0x0], $0xffff;
	[tilespmem:s28+$0x70] =	vst v27  }
0x68d: {  	v27 =	vld.idx.msk [tilespmem:v34+s17+$0x0], $0xffff;
	[tilespmem:s13+$0x30] =	vst v31  }
0x68e: {  	v24 =	vmul.f32 v24, v29;
	v31 =	vor.u32 $0x5, v5;
	v5 =	vmov v28;
	v29 =	vld [tilespmem:s28+$0x80]  }
0x68f: {  	v28 =	vor.u32 $0x1, v30;
	v33 =	vmul.f32 v6, v33;
	v6 =	vmov v39;
	v34 =	vld.idx.msk [tilespmem:v35+s17+$0x0], $0xffff  }
0x690: {  	v35 =	vor.u32 $0x1, v5;
	[tilespmem:s28+$0xFFFFFF90] =	vst v24;
	v24 =	vmul.f32 v11, v32;
	v11 =	vld [tilespmem:s28+$0xFFFFFFD0]  }
0x691: {  	v23 =	vmul.f32 v23, v26;
	v26 =	vor.u32 $0x2, v15;
	v32 =	vld.idx.msk [tilespmem:v37+s17+$0x0], $0xffff;
	[tilespmem:s13+$0xFFFFFF60] =	vst v33  }
0x692: {  	v22 =	vmul.f32 v22, v36;
	v33 =	vld [tilespmem:s28+$0x40];
	[tilespmem:s13+$0xFFFFFFD0] =	vst v24  }
0x693: {  	[tilespmem:s28+$0x0] =	vst v23;
	v23 =	vmul.f32 v29, v27;
	v24 =	vld.idx.msk [tilespmem:v31+s17+$0x0], $0xffff;
	v27 =	vor.u32 $0x5, v3;
	v3 =	vmov v25  }
0x694: {  	v25 =	vor.u32 $0x5, v4;
	v4 =	vmov v30;
	[tilespmem:s28+$0xFFFFFF20] =	vst v22;
	v22 =	vld.idx.msk [tilespmem:v28+s17+$0x0], $0xffff  }
0x695: {  	v29 =	vor.u32 $0x2, v3;
	v0 =	vmul.f32 v9, v34;
	v28 =	vld.idx.msk [tilespmem:v35+s17+$0x0], $0xffff;
	[tilespmem:s28+$0x80] =	vst v23  }
0x696: {  	v23 =	vld.idx.msk [tilespmem:v26+s17+$0x0], $0xffff  }
0x697: {  	v20 =	vmul.f32 v20, v32;
	v26 =	vld [tilespmem:s28+$0x90];
	[tilespmem:s13+$0x40] =	vst v0;
	v9 =	vmov v33  }
0x698: {  	v30 =	vor.u32 $0x2, v4;
	v27 =	vld.idx.msk [tilespmem:v27+s17+$0x0], $0xffff  }
0x699: {  	v31 =	vor.u32 $0x2, v5;
	[tilespmem:s28+$0xFFFFFFA0] =	vst v20;
	v20 =	vmul.f32 v8, v24;
	v24 =	vld.idx.msk [tilespmem:v25+s17+$0x0], $0xffff  }
0x69a: {  	v21 =	vmul.f32 v21, v22;
	v22 =	vor.u32 $0x3, v15;
	v25 =	vld.idx.msk [tilespmem:v29+s17+$0x0], $0xffff  }
0x69b: {  	v17 =	vmul.f32 v17, v28;
	v8 =	vld [tilespmem:s28+$0xFFFFFF70];
	[tilespmem:s13+$0xFFFFFF70] =	vst v20  }
0x69c: {  	v28 =	vld [tilespmem:s28+$0xFFFFFFE0];
	[tilespmem:s28+$0x10] =	vst v21;
	v21 =	vmul.f32 v26, v23  }
0x69d: {  	[tilespmem:s28+$0xFFFFFF30] =	vst v17;
	v26 =	vld.idx.msk [tilespmem:v30+s17+$0x0], $0xffff  }
0x69e: {  	v0 =	vmul.f32 v7, v27;
	v20 =	vld.idx.msk [tilespmem:v31+s17+$0x0], $0xffff;
	[tilespmem:s28+$0x90] =	vst v21  }
.Ltmp24:
0x69f: {  	v21 =	vmul.f32 v10, v24;
	v17 =	vld.idx.msk [tilespmem:v22+s17+$0x0], $0xffff;
	(pc) =	sbr.rel @p0 .LBB2_29-.Ltmp24, $4  }
0x6a0: {  	v23 =	vmul.f32 v19, v25;
	v19 =	vld [tilespmem:s28+$0xA0];
	[tilespmem:s13+$0xFFFFFFE0] =	vst v0  }
0x6a1: {  	v10 =	vld [tilespmem:s28+$0x50];
	[tilespmem:s13+$0x50] =	vst v21;
	v7 =	vmov v28;
	s13 =	smov.u32 s28;
	s28 =	sadd.s32 $0x1C0, s28  }
0x6a2: {  	s29 =	sadd.s32 $0x40, s29;
	v22 =	vld [tilespmem:s28+$0xD0];
	[tilespmem:s13+$0xFFFFFFB0] =	vst v23  }
0x6a3: {  	s4 =	sadd.s32 $0x4, s4;
	v21 =	vor.u32 $0x4, v15;
	v18 =	vmul.f32 v18, v26;
	v23 =	vld [tilespmem:s29+$0x10]  }
0x6a4: {  	v24 =	vld [tilespmem:s29+$0xFFFFFFE0]  }
0x6a5: {  	v25 =	vld [tilespmem:s28+$0xFFFFFFF0]  }
0x6a6: {  	v26 =	vld [tilespmem:s29+$0xFFFFFFF0]  }
0x6a7: {  	v27 =	vld [tilespmem:s28+$0x60]  }
0x6a8: {  	v56 =	vld [tilespmem:s29+$0x0]  }
0x6a9: {  	v29 =	vld [tilespmem:s28+$0xFFFFFF80];
	_ =	sdelay $0x1  }
0x6aa: {  	v22 =	vadd.f32 v23, v22;
	_ =	sdelay $0x1  }
0x6ab: {  	v17 =	vmul.f32 v19, v17;
	v25 =	vadd.f32 v26, v25;
	v28 =	vmul.f32 $2.000000030e-01, v22  }
0x6ac: {  	v23 =	vadd.f32 v56, v27;
	v58 =	vadd.f32 v24, v29;
	vm0 =	vge.f32 v22, $0.0e+00  }
0x6ad: {  	v57 =	vmul.f32 $2.000000030e-01, v25;
	vm14 =	vge.f32 v25, $0.0e+00;
	v22 =	vsel vm0, v22, v28  }
0x6ae: {  	v63 =	vld [tilespmem:s13+$0xB0];
	v60 =	vmul.f32 $2.000000030e-01, v23;
	vm15 =	vge.f32 v23, $0.0e+00;
	v22 =	vmul.f32 $1.442695020e+00, v22  }
0x6af: {  	v46 =	vld [tilespmem:s28+$0xFFFFFF20];
	v62 =	vmul.f32 $2.000000030e-01, v58;
	vm1 =	vge.f32 v58, $0.0e+00;
	v59 =	vsel vm14, v25, v57  }
0x6b0: {  	v47 =	vld [tilespmem:s28+$0xFFFFFF90];
	[tilespmem:s13+$0xA0] =	vst v17;
	v19 =	vsel vm15, v23, v60;
	v17 =	vmul.f32 $1.442695020e+00, v59;
	(erf) = vpow2.f32 v22  }
0x6b1: {  	v61 =	vld.idx.msk [tilespmem:v21+s17+$0x0], $0xffff;
	v21 =	vsel vm1, v58, v62;
	v19 =	vmul.f32 $1.442695020e+00, v19  }
0x6b2: {  	v48 =	vld [tilespmem:s28+$0x0];
	v21 =	vmul.f32 $1.442695020e+00, v21;
	(erf) = vpow2.f32 v17  }
0x6b3: {  	s4 =	sadd.s32 $0x3, s19;
	v30 =	vld [tilespmem:s28+$0x10];
	(erf) = vpow2.f32 v19  }
0x6b4: {  	v31 =	vld [tilespmem:s28+$0xFFFFFF40];
	v45 =	vmov s4;
	(erf) = vpow2.f32 v21  }
0x6b5: {  	s8 =	sadd.s32 $0x1, s19;
	v32 =	vld [tilespmem:s28+$0xFFFFFFB0];
	v26 =	vmul.u32 $0x70, v45  }
0x6b6: {  	s11 =	sadd.s32 s19, s24;
	v34 =	vld [tilespmem:s28+$0x20];
	v50 =	vmov s8  }
0x6b7: {  	s20 =	sadd.s32 $0x2, s19;
	v52 =	vmov s19;
	v37 =	vld [tilespmem:s28+$0x70];
	s5 =	sadd.s32 $0x83, s11;
	v49 =	vadd.s32 $0x60, v26;
	v19 =	vmul.u32 $0x70, v50  }
0x6b8: {  	v38 =	vld [tilespmem:s28+$0xFFFFFF50];
	v33 =	vmov s20;
	p0 =	slt.s32 s5, s21;
	s5 =	simm.f32 $1.000000000e+00;
	v22 =	vmul.u32 $0x70, v52;
	v17 =	vbroadcast v49, $0x0  }
0x6b9: {  	v39 =	vld [tilespmem:s28+$0xFFFFFFC0];
	v15 =	vor.u32 $0x5, v15;
	v33 =	vmul.u32 $0x70, v33;
	s5 =	simm.s32 @!p0 $0x0;
	v19 =	vadd.s32 $0x60, v19;
	v51 =	vpop (erf)  }
0x6ba: {  	v41 =	vld [tilespmem:s28+$0x30];
	s29 =	sadd.s32 $0x80, s11;
	s31 =	sadd.s32 $0x81, s11;
	v53 =	vadd.s32 $0x60, v22;
	v19 =	vbroadcast v19, $0x0;
	v21 =	vmul.f32 s5, v51  }
0x6bb: {  	s4 =	sadd.s32 $0x82, s11;
	p1 =	slt.s32 s31, s21;
	v33 =	vadd.s32 $0x60, v33;
	v29 =	vld [tilespmem:s28+$0xFFFFFFA0];
	v22 =	vbroadcast v53, $0x0;
	s5 =	simm.f32 $1.000000000e+00;
	v36 =	vpop (erf)  }
0x6bc: {  	s8 =	simm.f32 $1.000000000e+00;
	p0 =	slt.s32 s29, s21;
	v26 =	vld [tilespmem:s28+$0xFFFFFF30];
	v24 =	vmul.f32 v63, v61;
	s5 =	simm.s32 @!p1 $0x0;
	v54 =	vpop (erf);
	[tilespmem:s28+$0xD0] =	vst v21;
	v21 =	vbroadcast v33, $0x0  }
0x6bd: {  	s8 =	simm.s32 @!p0 $0x0;
	v61 =	vld [tilespmem:s28+$0x80];
	p1 =	slt.s32 s4, s21;
	s4 =	simm.f32 $1.000000000e+00;
	v36 =	vmul.f32 s5, v36;
	v40 =	vpop (erf)  }
0x6be: {  	[tilespmem:s13+$0xB0] =	vst v24;
	s4 =	simm.s32 @!p1 $0x0;
	v35 =	vld.idx.msk [tilespmem:v17+s17+$0x0], $0xffff;
	v40 =	vmul.f32 s8, v40  }
0x6bf: {  	v58 =	vor.u32 $0x3, v3;
	v15 =	vld.idx.msk [tilespmem:v15+s17+$0x0], $0xffff;
	v33 =	vmul.f32 s4, v54;
	[tilespmem:s28+$0xFFFFFFF0] =	vst v36  }
0x6c0: {  	v55 =	vld.idx.msk [tilespmem:v19+s17+$0x0], $0xffff;
	[tilespmem:s28+$0xFFFFFF80] =	vst v40  }
0x6c1: {  	v42 =	vor.u32 $0x1, v17;
	[tilespmem:s28+$0x60] =	vst v33;
	v57 =	vld.idx.msk [tilespmem:v22+s17+$0x0], $0xffff  }
0x6c2: {  	v59 =	vld.idx.msk [tilespmem:v21+s17+$0x0], $0xffff  }
0x6c3: {  	v50 =	vld [tilespmem:s28+$0x90];
	v63 =	vor.u32 $0x1, v19;
	v35 =	vmul.f32 v37, v35  }
0x6c4: {  	v16 =	vmul.f32 v16, v20;
	v25 =	vld.idx.msk [tilespmem:v58+s17+$0x0], $0xffff;
	v62 =	vor.u32 $0x1, v22  }
0x6c5: {  	v58 =	vld [tilespmem:s28+$0xA0];
	v44 =	vor.u32 $0x1, v21;
	[tilespmem:s28+$0x70] =	vst v35;
	v27 =	vmul.f32 v47, v55  }
0x6c6: {  	[tilespmem:s13+$0xFFFFFF40] =	vst v16;
	v56 =	vor.u32 $0x3, v5;
	v60 =	vld.idx.msk [tilespmem:v42+s17+$0x0], $0xffff;
	v23 =	vmul.f32 v46, v57  }
0x6c7: {  	v36 =	vld [tilespmem:s28+$0xFFFFFF60];
	[tilespmem:s28+$0xFFFFFF90] =	vst v27;
	v28 =	vmul.f32 v48, v59  }
0x6c8: {  	v46 =	vor.u32 $0x3, v4;
	[tilespmem:s28+$0xFFFFFF20] =	vst v23;
	v16 =	vld.idx.msk [tilespmem:v63+s17+$0x0], $0xffff  }
0x6c9: {  	v45 =	vor.u32 $0x2, v17;
	v47 =	vld.idx.msk [tilespmem:v62+s17+$0x0], $0xffff;
	[tilespmem:s28+$0x0] =	vst v28  }
0x6ca: {  	v28 =	vld.idx.msk [tilespmem:v44+s17+$0x0], $0xffff  }
0x6cb: {  	v49 =	vor.u32 $0x2, v19;
	v40 =	vld.idx.msk [tilespmem:v56+s17+$0x0], $0xffff;
	v20 =	vmul.f32 v61, v60  }
0x6cc: {  	[tilespmem:s13+$0x20] =	vst v18;
	v23 =	vld [tilespmem:s28+$0x40];
	v48 =	vor.u32 $0x2, v22  }
0x6cd: {  	v51 =	vor.u32 $0x2, v21;
	v27 =	vld.idx.msk [tilespmem:v46+s17+$0x0], $0xffff;
	[tilespmem:s28+$0x80] =	vst v20;
	v16 =	vmul.f32 v29, v16  }
0x6ce: {  	v52 =	vor.u32 $0x4, v5;
	v20 =	vld.idx.msk [tilespmem:v45+s17+$0x0], $0xffff;
	v24 =	vmul.f32 v26, v47  }
0x6cf: {  	v29 =	vld [tilespmem:s28+$0xFFFFFF70];
	[tilespmem:s28+$0xFFFFFFA0] =	vst v16;
	v28 =	vmul.f32 v30, v28  }
0x6d0: {  	v14 =	vmul.f32 v14, v40;
	[tilespmem:s28+$0xFFFFFF30] =	vst v24;
	v18 =	vld.idx.msk [tilespmem:v49+s17+$0x0], $0xffff  }
0x6d1: {  	v53 =	vor.u32 $0x3, v17;
	v54 =	vld.idx.msk [tilespmem:v48+s17+$0x0], $0xffff;
	[tilespmem:s28+$0x10] =	vst v28  }
0x6d2: {  	[tilespmem:s13+$0xFFFFFF50] =	vst v14;
	v60 =	vor.u32 $0x4, v3;
	v55 =	vld.idx.msk [tilespmem:v51+s17+$0x0], $0xffff  }
0x6d3: {  	v57 =	vor.u32 $0x3, v19;
	v26 =	vld.idx.msk [tilespmem:v52+s17+$0x0], $0xffff;
	v20 =	vmul.f32 v50, v20  }
0x6d4: {  	v12 =	vmul.f32 v12, v25;
	v56 =	vor.u32 $0x3, v22;
	v47 =	vld [tilespmem:s28+$0xB0]  }
0x6d5: {  	v59 =	vor.u32 $0x3, v21;
	v30 =	vld [tilespmem:s28+$0xFFFFFFD0];
	[tilespmem:s28+$0x90] =	vst v20;
	v18 =	vmul.f32 v32, v18  }
0x6d6: {  	[tilespmem:s13+$0xFFFFFFC0] =	vst v12;
	v24 =	vld.idx.msk [tilespmem:v53+s17+$0x0], $0xffff;
	v16 =	vmul.f32 v31, v54  }
0x6d7: {  	v61 =	vor.u32 $0x4, v4;
	v40 =	vld.idx.msk [tilespmem:v60+s17+$0x0], $0xffff;
	[tilespmem:s28+$0xFFFFFFB0] =	vst v18;
	v14 =	vmul.f32 v34, v55  }
0x6d8: {  	[tilespmem:s28+$0xFFFFFF40] =	vst v16;
	v63 =	vld.idx.msk [tilespmem:v57+s17+$0x0], $0xffff  }
0x6d9: {  	v62 =	vor.u32 $0x4, v17;
	v13 =	vmul.f32 v13, v27;
	v20 =	vld.idx.msk [tilespmem:v56+s17+$0x0], $0xffff;
	[tilespmem:s28+$0x20] =	vst v14  }
0x6da: {  	v46 =	vor.u32 $0x5, v5;
	v37 =	vld.idx.msk [tilespmem:v59+s17+$0x0], $0xffff  }
0x6db: {  	v44 =	vor.u32 $0x4, v19;
	v48 =	vld [tilespmem:s13+$0xC0];
	[tilespmem:s13+$0x30] =	vst v13;
	v33 =	vmul.f32 v58, v24  }
0x6dc: {  	v42 =	vor.u32 $0x4, v22;
	v43 =	vld.idx.msk [tilespmem:v61+s17+$0x0], $0xffff;
	v6 =	vmul.f32 v6, v26  }
0x6dd: {  	v45 =	vor.u32 $0x4, v21;
	v32 =	vld [tilespmem:s28+$0xFFFFFFE0];
	[tilespmem:s28+$0xA0] =	vst v33;
	v14 =	vmul.f32 v39, v63  }
0x6de: {  	[tilespmem:s13+$0xFFFFFF60] =	vst v6;
	v18 =	vld.idx.msk [tilespmem:v62+s17+$0x0], $0xffff;
	v20 =	vmul.f32 v38, v20  }
0x6df: {  	v3 =	vor.u32 $0x5, v3;
	v5 =	vld.idx.msk [tilespmem:v46+s17+$0x0], $0xffff;
	[tilespmem:s28+$0xFFFFFFC0] =	vst v14;
	v24 =	vmul.f32 v41, v37  }
0x6e0: {  	[tilespmem:s28+$0xFFFFFF50] =	vst v20;
	v12 =	vld.idx.msk [tilespmem:v44+s17+$0x0], $0xffff  }
0x6e1: {  	v50 =	vor.u32 $0x5, v17;
	v11 =	vmul.f32 v11, v40;
	v13 =	vld.idx.msk [tilespmem:v42+s17+$0x0], $0xffff;
	[tilespmem:s28+$0x30] =	vst v24  }
0x6e2: {  	v49 =	vor.u32 $0x5, v4;
	v52 =	vld.idx.msk [tilespmem:v45+s17+$0x0], $0xffff  }
0x6e3: {  	[tilespmem:s13+$0xFFFFFFD0] =	vst v11;
	v16 =	vld [tilespmem:s28+$0x50];
	v55 =	vor.u32 $0x5, v19;
	v53 =	vmul.f32 v47, v18  }
0x6e4: {  	v54 =	vor.u32 $0x5, v22;
	v51 =	vmul.f32 v9, v43;
	v3 =	vld.idx.msk [tilespmem:v3+s17+$0x0], $0xffff  }
0x6e5: {  	v57 =	vor.u32 $0x5, v21;
	v58 =	vld [tilespmem:s28+$0xC0];
	[tilespmem:s28+$0xB0] =	vst v53;
	v12 =	vmul.f32 v30, v12  }
0x6e6: {  	[tilespmem:s13+$0x40] =	vst v51;
	v56 =	vmul.f32 v36, v13;
	v14 =	vld.idx.msk [tilespmem:v50+s17+$0x0], $0xffff  }
0x6e7: {  	v4 =	vld.idx.msk [tilespmem:v49+s17+$0x0], $0xffff;
	[tilespmem:s28+$0xFFFFFFD0] =	vst v12;
	v9 =	vmul.f32 v23, v52  }
0x6e8: {  	v59 =	vmul.f32 v48, v15;
	[tilespmem:s28+$0xFFFFFF60] =	vst v56;
	v6 =	vld.idx.msk [tilespmem:v55+s17+$0x0], $0xffff  }
0x6e9: {  	v3 =	vmul.f32 v7, v3;
	v60 =	vld.idx.msk [tilespmem:v54+s17+$0x0], $0xffff;
	[tilespmem:s28+$0x40] =	vst v9  }
0x6ea: {  	v5 =	vmul.f32 v8, v5;
	[tilespmem:s13+$0xC0] =	vst v59;
	v61 =	vld.idx.msk [tilespmem:v57+s17+$0x0], $0xffff  }
0x6eb: {  	[tilespmem:s13+$0xFFFFFFE0] =	vst v3;
	v3 =	vmul.f32 v58, v14  }
0x6ec: {  	[tilespmem:s13+$0xFFFFFF70] =	vst v5;
	v4 =	vmul.f32 v10, v4  }
0x6ed: {  	[tilespmem:s28+$0xC0] =	vst v3;
	v3 =	vmul.f32 v32, v6  }
0x6ee: {  	[tilespmem:s13+$0x50] =	vst v4;
	v62 =	vmul.f32 v29, v60  }
0x6ef: {  	[tilespmem:s28+$0xFFFFFFE0] =	vst v3;
	v63 =	vmul.f32 v16, v61  }
0x6f0: {  	s4 =	sadd.s32 $0x3, s26;
	[tilespmem:s28+$0xFFFFFF70] =	vst v62  }
0x6f1: {  	p0 =	sge.s32 s4, s22;
	[tilespmem:s28+$0x50] =	vst v63  }
0x6f2: {  	[spmem:s1] =	stream.indirect.scatter.add.f32 [tilespmem:s17], [sflag:$0x5], $0x70, s15, s14, $0xb8;
	[tilespmem:$0x1F780] =	vst v63  }
0x6f3: {  	s4 =	sshll.u32 @!p0 s4, $0x7;
	_ =	swait.ge [sflag:s30], $0x3800  }
.Ltmp25:
0x6f4: {  	s8 =	simm.s32 @!p0 $0x80;
	[sflag:s30] =	ssyncset.done $0x0;
	(pc) =	sbr.rel .LBB2_31-.Ltmp25, $4  }
0x6f5: {  	s10 =	simm.s32 @!p0 $0x6840;
	s5 =	sadd.s32 @!p0 $0x1FB0, s4;
	[sflag:s30] =	ssyncadd.s32 $0xFFFFC800  }
0x6f6: {  	[tilespmem:s10], [sflag:$0x2] =	stream.indirect.gather @!p0 [hbm4b:s6+s8], $0x70, s5, s8, $0xb8;
	[tilespmem:$0x1F780] =	vst v63  }
0x6f7: {  	s4 =	sadd.s32 @!p0 $0xFA0, s4;
	s5 =	simm.s32 @!p0 $0xA840  }
0x6f8: {  	[tilespmem:s5], [sflag:$0x4] =	stream.indirect.gather @!p0 [hbm4b:s7+s8], $0x10, s4, s8, $0xb8;
	[tilespmem:$0x1F780] =	vst v63  }
.LBB2_38:
0x6f9: {  	_ =	sfence.sel $0x180000  }
0x6fa: {  	[bflag:$0x0] =	sbarrier.arrive $0xFFFF  }
0x6fb: {  	_ =	strace $0x90000047  }
0x6fc: {  	s0 =	stileid.u32;
	[bflag:$0x2] =	sbarrier.arrive $0xFFFF  }
0x6fd: {  	p0 =	sne.s32 s0, $0x0;
	s0 =	rddreg [dreg:$0x2]  }
0x6fe: {  	s0 =	sadd.s32 @!p0 $0x100000, s0  }
0x6ff: {  	[sflag:s0] =	ssyncadd.tile.s32 @!p0 $0x1;
	_ =	shalt  }
.Lfunc_end2:
_tile_overlayer_lowered:
.L_overlay_start_2:
0x700: {  	(tag) =	ssettag $0x2  }
0x701: {  	s0 =	rddreg [dreg:$0x0];
	s2 =	stileid.u32  }
0x702: {  	s1 =	rddreg [dreg:$0x1];
	p0 =	sne.s32 s2, $0x0  }
0x703: {  	s3 =	rddreg [dreg:$0x2];
	[bflag:$0x3] =	sbarrier.arrive $0xFFFF;
	s2 =	simm.s32 @!p0 $0x1C05  }
0x704: {  	[timem:s3], [sflag:s2] =	dma.local @!p0 [hbm:s0], s1  }
0x705: {  	s0 =	simm.s32 @!p0 $0x5  }
0x706: {  	_ =	swait.ge @!p0 [sflag:s0], s1  }
0x707: {  	s1 =	ssub.s32 @!p0 $0x0, s1;
	[sflag:s0] =	ssyncset.done @!p0 $0x0  }
0x708: {  	[sflag:s0] =	ssyncadd.s32 @!p0 s1  }
0x709: {  	[bflag:$0x3] =	sbarrier.arrive $0xFFFF  }
0x70a: {  	_ =	shalt  }

</sc_bundles>
